<compile_context>
chip_gen: v7x
topology: tpu7x:2x2x1
jax: 0.10.2.dev20260603
libtpu: 0.0.44.dev20260713+nightly
codegen_flags: <defaults>
</compile_context>

<pallas_src>
import functools

import jax
import jax.numpy as jnp
from jax import lax
from jax.experimental import pallas as pl
from jax.experimental.pallas import tpu as pltpu
from jax.experimental.pallas import tpu_sc as plsc

NSUB = 16
CHUNK = 125
HCHUNK = 800


def _make_hist(n, e):
    per = e // 8
    nch = per // HCHUNK
    halfh = nch // 2
    mesh = plsc.VectorSubcoreMesh(core_axis_name="c", subcore_axis_name="s")

    @functools.partial(
        pl.kernel, mesh=mesh,
        compiler_params=pltpu.CompilerParams(needs_layout_passes=False),
        out_type=jax.ShapeDtypeStruct((4 * 8 * n,), jnp.float32),
        scratch_types=[
            pltpu.VMEM((HCHUNK,), jnp.int32),
            pltpu.VMEM((HCHUNK,), jnp.int32),
            pltpu.VMEM((n,), jnp.float32),
            pltpu.SemaphoreType.DMA,
            pltpu.SemaphoreType.DMA,
        ],
    )
    def k(idx_flat, zeros_n, out, ibuf_a, ibuf_b, hist, sem_a, sem_b):
        c = lax.axis_index("c")
        s = lax.axis_index("s")
        hid = 2 * c + s // 8
        sub = s % 8
        pltpu.sync_copy(zeros_n, hist)
        ones = jnp.ones((16,), jnp.float32)
        ibase = hid * e + sub * per
        bufs = (ibuf_a, ibuf_b)
        sems = (sem_a, sem_b)

        def desc(j, b):
            return (idx_flat.at[pl.ds(ibase + j * HCHUNK, HCHUNK)],
                    bufs[b], sems[b])

        def process(buf):
            for v in range(HCHUNK // 16):
                plsc.addupdate_scatter(hist, [buf[pl.ds(v * 16, 16)]], ones)

        pltpu.async_copy(*desc(0, 0))

        def body(j, carry):
            pltpu.async_copy(*desc(2 * j + 1, 1))
            pltpu.make_async_copy(*desc(2 * j, 0)).wait()
            process(ibuf_a)

            @pl.when(j < halfh - 1)
            def _():
                pltpu.async_copy(*desc(2 * j + 2, 0))

            pltpu.make_async_copy(*desc(2 * j + 1, 1)).wait()
            process(ibuf_b)
            return carry

        lax.fori_loop(0, halfh, body, 0)
        pltpu.sync_copy(hist, out.at[pl.ds((hid * 8 + sub) * n, n)])

    return k


def _make_agg(n, d, e, edge_split):
    e_per = e // (2 * NSUB if edge_split else NSUB)
    nch = e_per // CHUNK
    GRP = 16
    ngrp = nch // GRP
    r_per = (n // NSUB) // 8 * 8
    r_last = n - (NSUB - 1) * r_per
    mesh = plsc.VectorSubcoreMesh(core_axis_name="c", subcore_axis_name="s")

    def body(tabs, src_h, dst_h, zeros_h, out_a, out_b,
             sidx, didx, rows_a, rows_b, acc,
             sem_a, sem_b, ssem_a, ssem_b, isem_s, isem_d):
        c = lax.axis_index("c")
        s = lax.axis_index("s")
        rbase = s * r_per
        extra = n - NSUB * r_per
        pltpu.sync_copy(zeros_h.at[pl.ds(rbase, r_per)],
                        acc.at[pl.ds(rbase, r_per)])
        if extra:
            @pl.when(s == NSUB - 1)
            def _():
                pltpu.sync_copy(zeros_h.at[pl.ds(NSUB * r_per, extra)],
                                acc.at[pl.ds(NSUB * r_per, extra)])
        plsc.subcore_barrier()

        row0 = ((c * NSUB + s) if edge_split else s) * nch

        def phase(tab):
            bufs = (rows_a, rows_b)
            sems = (sem_a, sem_b)
            ssems = (ssem_a, ssem_b)

            def idx_start(g1):
                r = row0 + g1 * GRP
                pltpu.async_copy(src_h.at[pl.ds(r, GRP)], sidx.at[g1 % 2],
                                 isem_s)
                pltpu.async_copy(dst_h.at[pl.ds(r, GRP)], didx.at[g1 % 3],
                                 isem_d)

            def idx_wait(g1):
                r = row0 + g1 * GRP
                pltpu.make_async_copy(src_h.at[pl.ds(r, GRP)],
                                      sidx.at[g1 % 2], isem_s).wait()
                pltpu.make_async_copy(dst_h.at[pl.ds(r, GRP)],
                                      didx.at[g1 % 3], isem_d).wait()

            idx_start(0)

            def group(g, carry):
                slot = g % 2
                dslot = g % 3
                idx_wait(g)

                @pl.when(g < ngrp - 1)
                def _():
                    idx_start(g + 1)

                def gather(j, k):
                    return pltpu.async_copy(tab.at[sidx.at[slot, j]],
                                            bufs[k], sems[k])

                def prev_wait(k):
                    @pl.when(g > 0)
                    def _():
                        pltpu.make_async_copy(
                            bufs[k],
                            acc.at[didx.at[(g + 2) % 3, GRP - 2 + k]],
                            ssems[k]).wait()

                prev_wait(0)
                h = gather(0, 0)
                sc = [None, None]
                for j in range(GRP):
                    k = j % 2
                    nk = (j + 1) % 2
                    if j < GRP - 1:
                        if sc[nk] is not None:
                            sc[nk].wait()
                        else:
                            prev_wait(nk)
                        nh = gather(j + 1, nk)
                    else:
                        nh = None
                    h.wait()
                    sc[k] = pltpu.async_copy(bufs[k],
                                             acc.at[didx.at[dslot, j]],
                                             ssems[k], add=True)
                    h = nh
                return carry

            lax.fori_loop(0, ngrp, group, 0)
            lslot = (ngrp - 1) % 3
            pltpu.make_async_copy(bufs[0], acc.at[didx.at[lslot, GRP - 2]],
                                  ssems[0]).wait()
            pltpu.make_async_copy(bufs[1], acc.at[didx.at[lslot, GRP - 1]],
                                  ssems[1]).wait()

        if edge_split:
            phase(tabs[0])
        else:
            @pl.when(c == 0)
            def _():
                phase(tabs[0])

            @pl.when(c == 1)
            def _():
                phase(tabs[1])

        plsc.subcore_barrier()

        def copy_out(out_ref):
            pltpu.sync_copy(acc.at[pl.ds(rbase, r_per)],
                            out_ref.at[pl.ds(rbase, r_per)])
            if extra:
                @pl.when(s == NSUB - 1)
                def _():
                    pltpu.sync_copy(acc.at[pl.ds(NSUB * r_per, extra)],
                                    out_ref.at[pl.ds(NSUB * r_per, extra)])

        @pl.when(c == 0)
        def _():
            copy_out(out_a)

        @pl.when(c == 1)
        def _():
            copy_out(out_b)

    out_type = (jax.ShapeDtypeStruct((n, d), jnp.float32),
                jax.ShapeDtypeStruct((n, d), jnp.float32))
    scratch = [
        pltpu.VMEM((2, GRP, CHUNK), jnp.int32),
        pltpu.VMEM((3, GRP, CHUNK), jnp.int32),
        pltpu.VMEM((CHUNK, d), jnp.float32),
        pltpu.VMEM((CHUNK, d), jnp.float32),
        pltpu.VMEM_SHARED((n, d), jnp.float32),
        pltpu.SemaphoreType.DMA,
        pltpu.SemaphoreType.DMA,
        pltpu.SemaphoreType.DMA,
        pltpu.SemaphoreType.DMA,
        pltpu.SemaphoreType.DMA,
        pltpu.SemaphoreType.DMA,
    ]
    kw = dict(mesh=mesh, out_type=out_type, scratch_types=scratch)
    if edge_split:
        @functools.partial(pl.kernel, **kw)
        def k(tab, src_h, dst_h, zeros_h, *rest):
            body((tab,), src_h, dst_h, zeros_h, *rest)
    else:
        @functools.partial(pl.kernel, **kw)
        def k(tab_a, tab_b, src_h, dst_h, zeros_h, *rest):
            body((tab_a, tab_b), src_h, dst_h, zeros_h, *rest)
    return k


def _norm_rows(p_ref, rows, r):
    i = pl.program_id(0)
    deg = jnp.sum(p_ref[:, :, pl.ds(i * r, r)], axis=1)
    nrm = lax.rsqrt(jnp.maximum(deg, 1.0))
    return [nrm[j][:, None] for j in rows]


def _l1_body(x_ref, p_ref, w_ref, ha_ref, hb_ref):
    (ns,) = _norm_rows(p_ref, [0], x_ref.shape[0])
    xn = x_ref[...] * ns
    h = jnp.dot(xn, w_ref[...], preferred_element_type=jnp.float32)
    half = h.shape[1] // 2
    ha_ref[...] = h[:, :half]
    hb_ref[...] = h[:, half:]


def _l2_body(aa_ref, ab_ref, p_ref, w_ref, b_ref, o_ref):
    nd, ns = _norm_rows(p_ref, [1, 2], aa_ref.shape[0])
    dhalf = aa_ref.shape[1]
    ta = jnp.maximum(aa_ref[...] * nd + b_ref[0, :dhalf][None, :], 0.0) * ns
    tb = jnp.maximum(ab_ref[...] * nd + b_ref[0, dhalf:][None, :], 0.0) * ns
    w = w_ref[...]
    o_ref[...] = (jnp.dot(ta, w[:dhalf], preferred_element_type=jnp.float32)
                  + jnp.dot(tb, w[dhalf:], preferred_element_type=jnp.float32))


def _l3_body(aa_ref, ab_ref, p_ref, b_ref, o_ref):
    (nd,) = _norm_rows(p_ref, [3], aa_ref.shape[0])
    agg = aa_ref[...] + ab_ref[...]
    o_ref[...] = jnp.maximum(agg * nd + b_ref[0][None, :], 0.0)


def kernel(x, edge_index1, edge_index2, W1, b1, W2, b2):
    n_orig, d_in = x.shape
    e = edge_index1.shape[1]
    d_hid = W1.shape[1]
    d_out = W2.shape[1]
    R = 2048
    n = (n_orig + R - 1) // R * R
    grid = (n // R,)

    x = jnp.pad(x, ((0, n - n_orig), (0, 0)))
    src1 = edge_index1[0].astype(jnp.int32)
    dst1 = edge_index1[1].astype(jnp.int32)
    src2 = edge_index2[0].astype(jnp.int32)
    dst2 = edge_index2[1].astype(jnp.int32)
    idx_all = jnp.concatenate([src1, dst1, src2, dst2])
    zeros_n = jnp.zeros((n,), jnp.float32)
    zeros_nd = jnp.zeros((n, d_hid // 2), jnp.float32)
    b1_2d = b1[None, :]
    b2_2d = b2[None, :]

    parts = _make_hist(n, e)(idx_all, zeros_n).reshape(4, 8, n)

    h1a, h1b = pl.pallas_call(
        _l1_body,
        grid=grid,
        in_specs=[
            pl.BlockSpec((R, d_in), lambda i: (i, 0)),
            pl.BlockSpec((4, 8, n), lambda i: (0, 0, 0)),
            pl.BlockSpec((d_in, d_hid), lambda i: (0, 0)),
        ],
        out_specs=[
            pl.BlockSpec((R, d_hid // 2), lambda i: (i, 0)),
            pl.BlockSpec((R, d_hid // 2), lambda i: (i, 0)),
        ],
        out_shape=[
            jax.ShapeDtypeStruct((n, d_hid // 2), jnp.float32),
            jax.ShapeDtypeStruct((n, d_hid // 2), jnp.float32),
        ],
    )(x, parts, W1)

    a1a, a1b = _make_agg(n, d_hid // 2, e, False)(
        h1a, h1b, src1.reshape(-1, CHUNK), dst1.reshape(-1, CHUNK),
        zeros_nd)

    h2 = pl.pallas_call(
        _l2_body,
        grid=grid,
        in_specs=[
            pl.BlockSpec((R, d_hid // 2), lambda i: (i, 0)),
            pl.BlockSpec((R, d_hid // 2), lambda i: (i, 0)),
            pl.BlockSpec((4, 8, n), lambda i: (0, 0, 0)),
            pl.BlockSpec((d_hid, d_out), lambda i: (0, 0)),
            pl.BlockSpec((1, d_hid), lambda i: (0, 0)),
        ],
        out_specs=pl.BlockSpec((R, d_out), lambda i: (i, 0)),
        out_shape=jax.ShapeDtypeStruct((n, d_out), jnp.float32),
    )(a1a, a1b, parts, W2, b1_2d)

    a2a, a2b = _make_agg(n, d_out, e, True)(
        h2, src2.reshape(-1, CHUNK), dst2.reshape(-1, CHUNK), zeros_nd)

    out = pl.pallas_call(
        _l3_body,
        grid=grid,
        in_specs=[
            pl.BlockSpec((R, d_out), lambda i: (i, 0)),
            pl.BlockSpec((R, d_out), lambda i: (i, 0)),
            pl.BlockSpec((4, 8, n), lambda i: (0, 0, 0)),
            pl.BlockSpec((1, d_out), lambda i: (0, 0)),
        ],
        out_specs=pl.BlockSpec((R, d_out), lambda i: (i, 0)),
        out_shape=jax.ShapeDtypeStruct((n, d_out), jnp.float32),
    )(a2a, a2b, parts, b2_2d)

    return out[:n_orig]

# --- scband reference (transcript-rebuilt; emitter-appended) ---
"""Pipeline reference for scband-stochastic-two-layer-gcn-36713380446208 (READ-ONLY COPY).

The authoritative reference and input builder live on the scoring server;
editing this copy changes nothing except your own understanding.
"""

import jax, jax.numpy as jnp
import numpy as np

N = 10000
E = 320000
D_IN = 128
D_HID = 256
D_OUT = 128

def setup_inputs(seed: int = 0) -> dict:
    key = jax.random.key(seed)
    k1, k2, k3, k4, k5, k6, k7 = jax.random.split(key, 7)
    x = jax.random.normal(k1, (N, D_IN), dtype=jnp.float32)
    edge_index1 = jax.random.randint(k2, (2, E), 0, N, dtype=jnp.int64)
    edge_index2 = jax.random.randint(k3, (2, E), 0, N, dtype=jnp.int64)
    # GraphConv layer 1 params (Glorot init)
    s1 = (6.0 / (D_IN + D_HID)) ** 0.5
    W1 = jax.random.uniform(k4, (D_IN, D_HID), dtype=jnp.float32, minval=-s1, maxval=s1)
    b1 = jnp.zeros((D_HID,), dtype=jnp.float32)
    s2 = (6.0 / (D_HID + D_OUT)) ** 0.5
    W2 = jax.random.uniform(k5, (D_HID, D_OUT), dtype=jnp.float32, minval=-s2, maxval=s2)
    b2 = jnp.zeros((D_OUT,), dtype=jnp.float32)
    return {"x": x, "edge_index1": edge_index1, "edge_index2": edge_index2,
            "W1": W1, "b1": b1, "W2": W2, "b2": b2}

def _graph_conv(x, edge_index, W, b):
    # DGL GraphConv with norm='both': symmetric degree normalization
    src = edge_index[0]
    dst = edge_index[1]
    n = x.shape[0]
    ones = jnp.ones((edge_index.shape[1],), dtype=jnp.float32)
    deg_out = jnp.zeros((n,), dtype=jnp.float32).at[src].add(ones)
    deg_in = jnp.zeros((n,), dtype=jnp.float32).at[dst].add(ones)
    norm_src = 1.0 / jnp.sqrt(jnp.maximum(deg_out, 1.0))
    norm_dst = 1.0 / jnp.sqrt(jnp.maximum(deg_in, 1.0))
    h = x * norm_src[:, None]
    # apply weight first when in_feats >= out_feats is DGL's optimization; math-equivalent
    h = h @ W
    msgs = jnp.take(h, src, axis=0)
    agg = jnp.zeros((n, h.shape[1]), dtype=h.dtype).at[dst].add(msgs)
    agg = agg * norm_dst[:, None]
    return agg + b

def reference(x, edge_index1, edge_index2, W1, b1, W2, b2):
    h = jax.nn.relu(_graph_conv(x, edge_index1, W1, b1))
    # dropout omitted for determinism (eval behavior: identity)
    out = jax.nn.relu(_graph_conv(h, edge_index2, W2, b2))
    return out

if __name__ == "__main__":
    import jax
    _d = setup_inputs()
    print(jax.jit(kernel)(*tuple(_d.values())))

</pallas_src>

<mosaic_0001>
#map = affine_map<(d0, d1) -> (0)>
module attributes {stable_mosaic.version = 14 : i64} {
  func.func @k(%arg0: i32, %arg1: i32, %arg2: memref<1280000xi32, #tpu.memory_space<hbm>>, %arg3: memref<10240xf32, #tpu.memory_space<hbm>>, %arg4: memref<327680xf32, #tpu.memory_space<hbm>>, %arg5: memref<800xi32, #tpu.memory_space<vmem>>, %arg6: memref<800xi32, #tpu.memory_space<vmem>>, %arg7: memref<10240xf32, #tpu.memory_space<vmem>>, %arg8: memref<!tpu.dma_semaphore, #tpu.memory_space<semaphore_mem>>, %arg9: memref<!tpu.dma_semaphore, #tpu.memory_space<semaphore_mem>>) attributes {dimension_semantics = [#tpu.dimension_semantics<core_parallel>, #tpu.dimension_semantics<subcore_parallel>], iteration_bounds = array<i64: 2, 16>, scalar_prefetch = 0 : i64, scratch_operands = 5 : i64, tpu.core_type = #tpu.core_type<sc_vector_subcore>, window_params = [{transform_indices = #map}, {transform_indices = #map}, {transform_indices = #map}]} {
    %mul3A = arith.constant 2 : i32
    %mul3A_0 = arith.muli %mul3A, %arg0 : i32
    %jit3A = arith.constant 8 : i32
    %div3A = arith.divsi %arg1, %jit3A : i32
    %sign3A = arith.constant 0 : i32
    %sign3A_1 = arith.cmpi sgt, %arg1, %sign3A : i32
    %sign3A_2 = arith.extui %sign3A_1 : i1 to i32
    %sign3A_3 = arith.constant 0 : i32
    %sign3A_4 = arith.cmpi slt, %arg1, %sign3A_3 : i32
    %sign3A_5 = arith.extui %sign3A_4 : i1 to i32
    %sign3A_6 = arith.subi %sign3A_2, %sign3A_5 : i32
    %sign3A_7 = arith.constant 0 : i32
    %sign3A_8 = arith.cmpi sgt, %jit3A, %sign3A_7 : i32
    %sign3A_9 = arith.extui %sign3A_8 : i1 to i32
    %sign3A_10 = arith.constant 0 : i32
    %sign3A_11 = arith.cmpi slt, %jit3A, %sign3A_10 : i32
    %sign3A_12 = arith.extui %sign3A_11 : i1 to i32
    %sign3A_13 = arith.subi %sign3A_9, %sign3A_12 : i32
    %ne3A = arith.cmpi ne, %sign3A_6, %sign3A_13 : i32
    %rem3A = arith.remsi %arg1, %jit3A : i32
    %ne3A_14 = arith.constant 0 : i32
    %ne3A_15 = arith.cmpi ne, %rem3A, %ne3A_14 : i32
    %and3A = arith.andi %ne3A, %ne3A_15 : i1
    %sub3A = arith.constant 1 : i32
    %sub3A_16 = arith.subi %div3A, %sub3A : i32
    %select_n3A = arith.select %and3A, %sub3A_16, %div3A : i32
    %add3A = arith.addi %mul3A_0, %select_n3A : i32
    %jit3A_17 = arith.constant 8 : i32
    %eq3A = arith.constant 0 : i32
    %eq3A_18 = arith.cmpi eq, %jit3A_17, %eq3A : i32
    %jit3A_19 = arith.constant 1 : i32
    %select_n3A_20 = arith.select %eq3A_18, %jit3A_19, %jit3A_17 : i32
    %rem3A_21 = arith.remsi %arg1, %select_n3A_20 : i32
    %ne3A_22 = arith.constant 0 : i32
    %ne3A_23 = arith.cmpi ne, %rem3A_21, %ne3A_22 : i32
    %lt3A = arith.constant 0 : i32
    %lt3A_24 = arith.cmpi slt, %rem3A_21, %lt3A : i32
    %lt3A_25 = arith.constant 0 : i32
    %lt3A_26 = arith.cmpi slt, %select_n3A_20, %lt3A_25 : i32
    %ne3A_27 = arith.xori %lt3A_24, %lt3A_26 : i1
    %and3A_28 = arith.andi %ne3A_27, %ne3A_23 : i1
    %add3A_29 = arith.addi %rem3A_21, %select_n3A_20 : i32
    %select_n3A_30 = arith.select %and3A_28, %add3A_29, %rem3A_21 : i32
    "tpu.region"() ({
      %run_scoped3A = tpu.sem_alloc : memref<!tpu.dma_semaphore, #tpu.memory_space<semaphore_mem>>
      tpu.enqueue_dma source(%arg3 : memref<10240xf32, #tpu.memory_space<hbm>>) target(%arg7 : memref<10240xf32, #tpu.memory_space<vmem>>) target_semaphore(%run_scoped3A : memref<!tpu.dma_semaphore, #tpu.memory_space<semaphore_mem>>)
      tpu.wait_dma2 semaphore(%run_scoped3A : memref<!tpu.dma_semaphore, #tpu.memory_space<semaphore_mem>>) src(%arg3 : memref<10240xf32, #tpu.memory_space<hbm>>) dst(%arg7 : memref<10240xf32, #tpu.memory_space<vmem>>)
      tpu.yield
    }) : () -> ()
    %broadcast_in_dim3A = arith.constant 1.000000e+00 : f32
    %broadcast_in_dim3A_31 = vector.broadcast %broadcast_in_dim3A : f32 to vector<16xf32>
    %mul3A_32 = arith.constant 320000 : i32
    %mul3A_33 = arith.muli %add3A, %mul3A_32 : i32
    %mul3A_34 = arith.constant 40000 : i32
    %mul3A_35 = arith.muli %select_n3A_30, %mul3A_34 : i32
    %add3A_36 = arith.addi %mul3A_33, %mul3A_35 : i32
    %add3A_37 = arith.constant 0 : i32
    %add3A_38 = arith.addi %add3A_36, %add3A_37 : i32
    %dma_start3A = tpu.memref_slice %arg2[%add3A_38] : memref<1280000xi32, #tpu.memory_space<hbm>> -> memref<800xi32, #tpu.memory_space<hbm>>
    %dma_start3A_39 = tpu.memref_slice %arg2[%add3A_38] : memref<1280000xi32, #tpu.memory_space<hbm>> -> memref<800xi32, #tpu.memory_space<hbm>>
    tpu.enqueue_dma source(%dma_start3A_39 : memref<800xi32, #tpu.memory_space<hbm>>) target(%arg5 : memref<800xi32, #tpu.memory_space<vmem>>) target_semaphore(%arg8 : memref<!tpu.dma_semaphore, #tpu.memory_space<semaphore_mem>>)
    %scan3A = arith.constant 0 : i32
    %scan3A_40 = arith.constant 0 : i32
    %scan3A_41 = arith.constant 25 : i32
    %scan3A_42 = arith.addi %scan3A_40, %scan3A_41 : i32
    %scan3A_43 = arith.constant 1 : i32
    scf.for %scan3A_50 = %scan3A_40 to %scan3A_42 step %scan3A_43  : i32 {
      %mul3A_51 = arith.constant 2 : i32
      %mul3A_52 = arith.muli %mul3A_51, %scan3A_50 : i32
      %add3A_53 = arith.constant 1 : i32
      %add3A_54 = arith.addi %mul3A_52, %add3A_53 : i32
      %mul3A_55 = arith.constant 800 : i32
      %mul3A_56 = arith.muli %add3A_54, %mul3A_55 : i32
      %add3A_57 = arith.addi %add3A_36, %mul3A_56 : i32
      %dma_start3A_58 = tpu.memref_slice %arg2[%add3A_57] : memref<1280000xi32, #tpu.memory_space<hbm>> -> memref<800xi32, #tpu.memory_space<hbm>>
      %dma_start3A_59 = tpu.memref_slice %arg2[%add3A_57] : memref<1280000xi32, #tpu.memory_space<hbm>> -> memref<800xi32, #tpu.memory_space<hbm>>
      tpu.enqueue_dma source(%dma_start3A_59 : memref<800xi32, #tpu.memory_space<hbm>>) target(%arg6 : memref<800xi32, #tpu.memory_space<vmem>>) target_semaphore(%arg9 : memref<!tpu.dma_semaphore, #tpu.memory_space<semaphore_mem>>)
      %mul3A_60 = arith.constant 2 : i32
      %mul3A_61 = arith.muli %mul3A_60, %scan3A_50 : i32
      %mul3A_62 = arith.constant 800 : i32
      %mul3A_63 = arith.muli %mul3A_61, %mul3A_62 : i32
      %add3A_64 = arith.addi %add3A_36, %mul3A_63 : i32
      %dma_wait3A = tpu.memref_slice %arg2[%add3A_64] : memref<1280000xi32, #tpu.memory_space<hbm>> -> memref<800xi32, #tpu.memory_space<hbm>>
      %dma_wait3A_65 = tpu.memref_slice %arg2[%add3A_64] : memref<1280000xi32, #tpu.memory_space<hbm>> -> memref<800xi32, #tpu.memory_space<hbm>>
      tpu.wait_dma2 semaphore(%arg8 : memref<!tpu.dma_semaphore, #tpu.memory_space<semaphore_mem>>) src(%dma_wait3A_65 : memref<800xi32, #tpu.memory_space<hbm>>) dst(%arg5 : memref<800xi32, #tpu.memory_space<vmem>>)
      %get3A = arith.constant 0 : index
      %get3A_66 = tpu.vector_load %arg5[%get3A] {strides = array<i32>} : memref<800xi32, #tpu.memory_space<vmem>>, vector<16xi32>,
      tpu.vector_store_idx %arg7[%get3A_66], %broadcast_in_dim3A_31 {add = true} : memref<10240xf32, #tpu.memory_space<vmem>>[vector<16xi32>], vector<16xf32>,
      %get3A_67 = arith.constant 16 : index
      %get3A_68 = tpu.vector_load %arg5[%get3A_67] {strides = array<i32>} : memref<800xi32, #tpu.memory_space<vmem>>, vector<16xi32>,
      tpu.vector_store_idx %arg7[%get3A_68], %broadcast_in_dim3A_31 {add = true} : memref<10240xf32, #tpu.memory_space<vmem>>[vector<16xi32>], vector<16xf32>,
      %get3A_69 = arith.constant 32 : index
      %get3A_70 = tpu.vector_load %arg5[%get3A_69] {strides = array<i32>} : memref<800xi32, #tpu.memory_space<vmem>>, vector<16xi32>,
      tpu.vector_store_idx %arg7[%get3A_70], %broadcast_in_dim3A_31 {add = true} : memref<10240xf32, #tpu.memory_space<vmem>>[vector<16xi32>], vector<16xf32>,
      %get3A_71 = arith.constant 48 : index
      %get3A_72 = tpu.vector_load %arg5[%get3A_71] {strides = array<i32>} : memref<800xi32, #tpu.memory_space<vmem>>, vector<16xi32>,
      tpu.vector_store_idx %arg7[%get3A_72], %broadcast_in_dim3A_31 {add = true} : memref<10240xf32, #tpu.memory_space<vmem>>[vector<16xi32>], vector<16xf32>,
      %get3A_73 = arith.constant 64 : index
      %get3A_74 = tpu.vector_load %arg5[%get3A_73] {strides = array<i32>} : memref<800xi32, #tpu.memory_space<vmem>>, vector<16xi32>,
      tpu.vector_store_idx %arg7[%get3A_74], %broadcast_in_dim3A_31 {add = true} : memref<10240xf32, #tpu.memory_space<vmem>>[vector<16xi32>], vector<16xf32>,
      %get3A_75 = arith.constant 80 : index
      %get3A_76 = tpu.vector_load %arg5[%get3A_75] {strides = array<i32>} : memref<800xi32, #tpu.memory_space<vmem>>, vector<16xi32>,
      tpu.vector_store_idx %arg7[%get3A_76], %broadcast_in_dim3A_31 {add = true} : memref<10240xf32, #tpu.memory_space<vmem>>[vector<16xi32>], vector<16xf32>,
      %get3A_77 = arith.constant 96 : index
      %get3A_78 = tpu.vector_load %arg5[%get3A_77] {strides = array<i32>} : memref<800xi32, #tpu.memory_space<vmem>>, vector<16xi32>,
      tpu.vector_store_idx %arg7[%get3A_78], %broadcast_in_dim3A_31 {add = true} : memref<10240xf32, #tpu.memory_space<vmem>>[vector<16xi32>], vector<16xf32>,
      %get3A_79 = arith.constant 112 : index
      %get3A_80 = tpu.vector_load %arg5[%get3A_79] {strides = array<i32>} : memref<800xi32, #tpu.memory_space<vmem>>, vector<16xi32>,
      tpu.vector_store_idx %arg7[%get3A_80], %broadcast_in_dim3A_31 {add = true} : memref<10240xf32, #tpu.memory_space<vmem>>[vector<16xi32>], vector<16xf32>,
      %get3A_81 = arith.constant 128 : index
      %get3A_82 = tpu.vector_load %arg5[%get3A_81] {strides = array<i32>} : memref<800xi32, #tpu.memory_space<vmem>>, vector<16xi32>,
      tpu.vector_store_idx %arg7[%get3A_82], %broadcast_in_dim3A_31 {add = true} : memref<10240xf32, #tpu.memory_space<vmem>>[vector<16xi32>], vector<16xf32>,
      %get3A_83 = arith.constant 144 : index
      %get3A_84 = tpu.vector_load %arg5[%get3A_83] {strides = array<i32>} : memref<800xi32, #tpu.memory_space<vmem>>, vector<16xi32>,
      tpu.vector_store_idx %arg7[%get3A_84], %broadcast_in_dim3A_31 {add = true} : memref<10240xf32, #tpu.memory_space<vmem>>[vector<16xi32>], vector<16xf32>,
      %get3A_85 = arith.constant 160 : index
      %get3A_86 = tpu.vector_load %arg5[%get3A_85] {strides = array<i32>} : memref<800xi32, #tpu.memory_space<vmem>>, vector<16xi32>,
      tpu.vector_store_idx %arg7[%get3A_86], %broadcast_in_dim3A_31 {add = true} : memref<10240xf32, #tpu.memory_space<vmem>>[vector<16xi32>], vector<16xf32>,
      %get3A_87 = arith.constant 176 : index
      %get3A_88 = tpu.vector_load %arg5[%get3A_87] {strides = array<i32>} : memref<800xi32, #tpu.memory_space<vmem>>, vector<16xi32>,
      tpu.vector_store_idx %arg7[%get3A_88], %broadcast_in_dim3A_31 {add = true} : memref<10240xf32, #tpu.memory_space<vmem>>[vector<16xi32>], vector<16xf32>,
      %get3A_89 = arith.constant 192 : index
      %get3A_90 = tpu.vector_load %arg5[%get3A_89] {strides = array<i32>} : memref<800xi32, #tpu.memory_space<vmem>>, vector<16xi32>,
      tpu.vector_store_idx %arg7[%get3A_90], %broadcast_in_dim3A_31 {add = true} : memref<10240xf32, #tpu.memory_space<vmem>>[vector<16xi32>], vector<16xf32>,
      %get3A_91 = arith.constant 208 : index
      %get3A_92 = tpu.vector_load %arg5[%get3A_91] {strides = array<i32>} : memref<800xi32, #tpu.memory_space<vmem>>, vector<16xi32>,
      tpu.vector_store_idx %arg7[%get3A_92], %broadcast_in_dim3A_31 {add = true} : memref<10240xf32, #tpu.memory_space<vmem>>[vector<16xi32>], vector<16xf32>,
      %get3A_93 = arith.constant 224 : index
      %get3A_94 = tpu.vector_load %arg5[%get3A_93] {strides = array<i32>} : memref<800xi32, #tpu.memory_space<vmem>>, vector<16xi32>,
      tpu.vector_store_idx %arg7[%get3A_94], %broadcast_in_dim3A_31 {add = true} : memref<10240xf32, #tpu.memory_space<vmem>>[vector<16xi32>], vector<16xf32>,
      %get3A_95 = arith.constant 240 : index
      %get3A_96 = tpu.vector_load %arg5[%get3A_95] {strides = array<i32>} : memref<800xi32, #tpu.memory_space<vmem>>, vector<16xi32>,
      tpu.vector_store_idx %arg7[%get3A_96], %broadcast_in_dim3A_31 {add = true} : memref<10240xf32, #tpu.memory_space<vmem>>[vector<16xi32>], vector<16xf32>,
      %get3A_97 = arith.constant 256 : index
      %get3A_98 = tpu.vector_load %arg5[%get3A_97] {strides = array<i32>} : memref<800xi32, #tpu.memory_space<vmem>>, vector<16xi32>,
      tpu.vector_store_idx %arg7[%get3A_98], %broadcast_in_dim3A_31 {add = true} : memref<10240xf32, #tpu.memory_space<vmem>>[vector<16xi32>], vector<16xf32>,
      %get3A_99 = arith.constant 272 : index
      %get3A_100 = tpu.vector_load %arg5[%get3A_99] {strides = array<i32>} : memref<800xi32, #tpu.memory_space<vmem>>, vector<16xi32>,
      tpu.vector_store_idx %arg7[%get3A_100], %broadcast_in_dim3A_31 {add = true} : memref<10240xf32, #tpu.memory_space<vmem>>[vector<16xi32>], vector<16xf32>,
      %get3A_101 = arith.constant 288 : index
      %get3A_102 = tpu.vector_load %arg5[%get3A_101] {strides = array<i32>} : memref<800xi32, #tpu.memory_space<vmem>>, vector<16xi32>,
      tpu.vector_store_idx %arg7[%get3A_102], %broadcast_in_dim3A_31 {add = true} : memref<10240xf32, #tpu.memory_space<vmem>>[vector<16xi32>], vector<16xf32>,
      %get3A_103 = arith.constant 304 : index
      %get3A_104 = tpu.vector_load %arg5[%get3A_103] {strides = array<i32>} : memref<800xi32, #tpu.memory_space<vmem>>, vector<16xi32>,
      tpu.vector_store_idx %arg7[%get3A_104], %broadcast_in_dim3A_31 {add = true} : memref<10240xf32, #tpu.memory_space<vmem>>[vector<16xi32>], vector<16xf32>,
      %get3A_105 = arith.constant 320 : index
      %get3A_106 = tpu.vector_load %arg5[%get3A_105] {strides = array<i32>} : memref<800xi32, #tpu.memory_space<vmem>>, vector<16xi32>,
      tpu.vector_store_idx %arg7[%get3A_106], %broadcast_in_dim3A_31 {add = true} : memref<10240xf32, #tpu.memory_space<vmem>>[vector<16xi32>], vector<16xf32>,
      %get3A_107 = arith.constant 336 : index
      %get3A_108 = tpu.vector_load %arg5[%get3A_107] {strides = array<i32>} : memref<800xi32, #tpu.memory_space<vmem>>, vector<16xi32>,
      tpu.vector_store_idx %arg7[%get3A_108], %broadcast_in_dim3A_31 {add = true} : memref<10240xf32, #tpu.memory_space<vmem>>[vector<16xi32>], vector<16xf32>,
      %get3A_109 = arith.constant 352 : index
      %get3A_110 = tpu.vector_load %arg5[%get3A_109] {strides = array<i32>} : memref<800xi32, #tpu.memory_space<vmem>>, vector<16xi32>,
      tpu.vector_store_idx %arg7[%get3A_110], %broadcast_in_dim3A_31 {add = true} : memref<10240xf32, #tpu.memory_space<vmem>>[vector<16xi32>], vector<16xf32>,
      %get3A_111 = arith.constant 368 : index
      %get3A_112 = tpu.vector_load %arg5[%get3A_111] {strides = array<i32>} : memref<800xi32, #tpu.memory_space<vmem>>, vector<16xi32>,
      tpu.vector_store_idx %arg7[%get3A_112], %broadcast_in_dim3A_31 {add = true} : memref<10240xf32, #tpu.memory_space<vmem>>[vector<16xi32>], vector<16xf32>,
      %get3A_113 = arith.constant 384 : index
      %get3A_114 = tpu.vector_load %arg5[%get3A_113] {strides = array<i32>} : memref<800xi32, #tpu.memory_space<vmem>>, vector<16xi32>,
      tpu.vector_store_idx %arg7[%get3A_114], %broadcast_in_dim3A_31 {add = true} : memref<10240xf32, #tpu.memory_space<vmem>>[vector<16xi32>], vector<16xf32>,
      %get3A_115 = arith.constant 400 : index
      %get3A_116 = tpu.vector_load %arg5[%get3A_115] {strides = array<i32>} : memref<800xi32, #tpu.memory_space<vmem>>, vector<16xi32>,
      tpu.vector_store_idx %arg7[%get3A_116], %broadcast_in_dim3A_31 {add = true} : memref<10240xf32, #tpu.memory_space<vmem>>[vector<16xi32>], vector<16xf32>,
      %get3A_117 = arith.constant 416 : index
      %get3A_118 = tpu.vector_load %arg5[%get3A_117] {strides = array<i32>} : memref<800xi32, #tpu.memory_space<vmem>>, vector<16xi32>,
      tpu.vector_store_idx %arg7[%get3A_118], %broadcast_in_dim3A_31 {add = true} : memref<10240xf32, #tpu.memory_space<vmem>>[vector<16xi32>], vector<16xf32>,
      %get3A_119 = arith.constant 432 : index
      %get3A_120 = tpu.vector_load %arg5[%get3A_119] {strides = array<i32>} : memref<800xi32, #tpu.memory_space<vmem>>, vector<16xi32>,
      tpu.vector_store_idx %arg7[%get3A_120], %broadcast_in_dim3A_31 {add = true} : memref<10240xf32, #tpu.memory_space<vmem>>[vector<16xi32>], vector<16xf32>,
      %get3A_121 = arith.constant 448 : index
      %get3A_122 = tpu.vector_load %arg5[%get3A_121] {strides = array<i32>} : memref<800xi32, #tpu.memory_space<vmem>>, vector<16xi32>,
      tpu.vector_store_idx %arg7[%get3A_122], %broadcast_in_dim3A_31 {add = true} : memref<10240xf32, #tpu.memory_space<vmem>>[vector<16xi32>], vector<16xf32>,
      %get3A_123 = arith.constant 464 : index
      %get3A_124 = tpu.vector_load %arg5[%get3A_123] {strides = array<i32>} : memref<800xi32, #tpu.memory_space<vmem>>, vector<16xi32>,
      tpu.vector_store_idx %arg7[%get3A_124], %broadcast_in_dim3A_31 {add = true} : memref<10240xf32, #tpu.memory_space<vmem>>[vector<16xi32>], vector<16xf32>,
      %get3A_125 = arith.constant 480 : index
      %get3A_126 = tpu.vector_load %arg5[%get3A_125] {strides = array<i32>} : memref<800xi32, #tpu.memory_space<vmem>>, vector<16xi32>,
      tpu.vector_store_idx %arg7[%get3A_126], %broadcast_in_dim3A_31 {add = true} : memref<10240xf32, #tpu.memory_space<vmem>>[vector<16xi32>], vector<16xf32>,
      %get3A_127 = arith.constant 496 : index
      %get3A_128 = tpu.vector_load %arg5[%get3A_127] {strides = array<i32>} : memref<800xi32, #tpu.memory_space<vmem>>, vector<16xi32>,
      tpu.vector_store_idx %arg7[%get3A_128], %broadcast_in_dim3A_31 {add = true} : memref<10240xf32, #tpu.memory_space<vmem>>[vector<16xi32>], vector<16xf32>,
      %get3A_129 = arith.constant 512 : index
      %get3A_130 = tpu.vector_load %arg5[%get3A_129] {strides = array<i32>} : memref<800xi32, #tpu.memory_space<vmem>>, vector<16xi32>,
      tpu.vector_store_idx %arg7[%get3A_130], %broadcast_in_dim3A_31 {add = true} : memref<10240xf32, #tpu.memory_space<vmem>>[vector<16xi32>], vector<16xf32>,
      %get3A_131 = arith.constant 528 : index
      %get3A_132 = tpu.vector_load %arg5[%get3A_131] {strides = array<i32>} : memref<800xi32, #tpu.memory_space<vmem>>, vector<16xi32>,
      tpu.vector_store_idx %arg7[%get3A_132], %broadcast_in_dim3A_31 {add = true} : memref<10240xf32, #tpu.memory_space<vmem>>[vector<16xi32>], vector<16xf32>,
      %get3A_133 = arith.constant 544 : index
      %get3A_134 = tpu.vector_load %arg5[%get3A_133] {strides = array<i32>} : memref<800xi32, #tpu.memory_space<vmem>>, vector<16xi32>,
      tpu.vector_store_idx %arg7[%get3A_134], %broadcast_in_dim3A_31 {add = true} : memref<10240xf32, #tpu.memory_space<vmem>>[vector<16xi32>], vector<16xf32>,
      %get3A_135 = arith.constant 560 : index
      %get3A_136 = tpu.vector_load %arg5[%get3A_135] {strides = array<i32>} : memref<800xi32, #tpu.memory_space<vmem>>, vector<16xi32>,
      tpu.vector_store_idx %arg7[%get3A_136], %broadcast_in_dim3A_31 {add = true} : memref<10240xf32, #tpu.memory_space<vmem>>[vector<16xi32>], vector<16xf32>,
      %get3A_137 = arith.constant 576 : index
      %get3A_138 = tpu.vector_load %arg5[%get3A_137] {strides = array<i32>} : memref<800xi32, #tpu.memory_space<vmem>>, vector<16xi32>,
      tpu.vector_store_idx %arg7[%get3A_138], %broadcast_in_dim3A_31 {add = true} : memref<10240xf32, #tpu.memory_space<vmem>>[vector<16xi32>], vector<16xf32>,
      %get3A_139 = arith.constant 592 : index
      %get3A_140 = tpu.vector_load %arg5[%get3A_139] {strides = array<i32>} : memref<800xi32, #tpu.memory_space<vmem>>, vector<16xi32>,
      tpu.vector_store_idx %arg7[%get3A_140], %broadcast_in_dim3A_31 {add = true} : memref<10240xf32, #tpu.memory_space<vmem>>[vector<16xi32>], vector<16xf32>,
      %get3A_141 = arith.constant 608 : index
      %get3A_142 = tpu.vector_load %arg5[%get3A_141] {strides = array<i32>} : memref<800xi32, #tpu.memory_space<vmem>>, vector<16xi32>,
      tpu.vector_store_idx %arg7[%get3A_142], %broadcast_in_dim3A_31 {add = true} : memref<10240xf32, #tpu.memory_space<vmem>>[vector<16xi32>], vector<16xf32>,
      %get3A_143 = arith.constant 624 : index
      %get3A_144 = tpu.vector_load %arg5[%get3A_143] {strides = array<i32>} : memref<800xi32, #tpu.memory_space<vmem>>, vector<16xi32>,
      tpu.vector_store_idx %arg7[%get3A_144], %broadcast_in_dim3A_31 {add = true} : memref<10240xf32, #tpu.memory_space<vmem>>[vector<16xi32>], vector<16xf32>,
      %get3A_145 = arith.constant 640 : index
      %get3A_146 = tpu.vector_load %arg5[%get3A_145] {strides = array<i32>} : memref<800xi32, #tpu.memory_space<vmem>>, vector<16xi32>,
      tpu.vector_store_idx %arg7[%get3A_146], %broadcast_in_dim3A_31 {add = true} : memref<10240xf32, #tpu.memory_space<vmem>>[vector<16xi32>], vector<16xf32>,
      %get3A_147 = arith.constant 656 : index
      %get3A_148 = tpu.vector_load %arg5[%get3A_147] {strides = array<i32>} : memref<800xi32, #tpu.memory_space<vmem>>, vector<16xi32>,
      tpu.vector_store_idx %arg7[%get3A_148], %broadcast_in_dim3A_31 {add = true} : memref<10240xf32, #tpu.memory_space<vmem>>[vector<16xi32>], vector<16xf32>,
      %get3A_149 = arith.constant 672 : index
      %get3A_150 = tpu.vector_load %arg5[%get3A_149] {strides = array<i32>} : memref<800xi32, #tpu.memory_space<vmem>>, vector<16xi32>,
      tpu.vector_store_idx %arg7[%get3A_150], %broadcast_in_dim3A_31 {add = true} : memref<10240xf32, #tpu.memory_space<vmem>>[vector<16xi32>], vector<16xf32>,
      %get3A_151 = arith.constant 688 : index
      %get3A_152 = tpu.vector_load %arg5[%get3A_151] {strides = array<i32>} : memref<800xi32, #tpu.memory_space<vmem>>, vector<16xi32>,
      tpu.vector_store_idx %arg7[%get3A_152], %broadcast_in_dim3A_31 {add = true} : memref<10240xf32, #tpu.memory_space<vmem>>[vector<16xi32>], vector<16xf32>,
      %get3A_153 = arith.constant 704 : index
      %get3A_154 = tpu.vector_load %arg5[%get3A_153] {strides = array<i32>} : memref<800xi32, #tpu.memory_space<vmem>>, vector<16xi32>,
      tpu.vector_store_idx %arg7[%get3A_154], %broadcast_in_dim3A_31 {add = true} : memref<10240xf32, #tpu.memory_space<vmem>>[vector<16xi32>], vector<16xf32>,
      %get3A_155 = arith.constant 720 : index
      %get3A_156 = tpu.vector_load %arg5[%get3A_155] {strides = array<i32>} : memref<800xi32, #tpu.memory_space<vmem>>, vector<16xi32>,
      tpu.vector_store_idx %arg7[%get3A_156], %broadcast_in_dim3A_31 {add = true} : memref<10240xf32, #tpu.memory_space<vmem>>[vector<16xi32>], vector<16xf32>,
      %get3A_157 = arith.constant 736 : index
      %get3A_158 = tpu.vector_load %arg5[%get3A_157] {strides = array<i32>} : memref<800xi32, #tpu.memory_space<vmem>>, vector<16xi32>,
      tpu.vector_store_idx %arg7[%get3A_158], %broadcast_in_dim3A_31 {add = true} : memref<10240xf32, #tpu.memory_space<vmem>>[vector<16xi32>], vector<16xf32>,
      %get3A_159 = arith.constant 752 : index
      %get3A_160 = tpu.vector_load %arg5[%get3A_159] {strides = array<i32>} : memref<800xi32, #tpu.memory_space<vmem>>, vector<16xi32>,
      tpu.vector_store_idx %arg7[%get3A_160], %broadcast_in_dim3A_31 {add = true} : memref<10240xf32, #tpu.memory_space<vmem>>[vector<16xi32>], vector<16xf32>,
      %get3A_161 = arith.constant 768 : index
      %get3A_162 = tpu.vector_load %arg5[%get3A_161] {strides = array<i32>} : memref<800xi32, #tpu.memory_space<vmem>>, vector<16xi32>,
      tpu.vector_store_idx %arg7[%get3A_162], %broadcast_in_dim3A_31 {add = true} : memref<10240xf32, #tpu.memory_space<vmem>>[vector<16xi32>], vector<16xf32>,
      %get3A_163 = arith.constant 784 : index
      %get3A_164 = tpu.vector_load %arg5[%get3A_163] {strides = array<i32>} : memref<800xi32, #tpu.memory_space<vmem>>, vector<16xi32>,
      tpu.vector_store_idx %arg7[%get3A_164], %broadcast_in_dim3A_31 {add = true} : memref<10240xf32, #tpu.memory_space<vmem>>[vector<16xi32>], vector<16xf32>,
      %lt3A_165 = arith.constant 24 : i32
      %lt3A_166 = arith.cmpi slt, %scan3A_50, %lt3A_165 : i32
      %convert_element_type3A = arith.extui %lt3A_166 : i1 to i32
      %cond3A = arith.constant 0 : i32
      %cond3A_167 = arith.cmpi ne, %convert_element_type3A, %cond3A : i32
      scf.if %cond3A_167 {
        %mul3A_277 = arith.constant 2 : i32
        %mul3A_278 = arith.muli %mul3A_277, %scan3A_50 : i32
        %add3A_279 = arith.constant 2 : i32
        %add3A_280 = arith.addi %mul3A_278, %add3A_279 : i32
        %mul3A_281 = arith.constant 800 : i32
        %mul3A_282 = arith.muli %add3A_280, %mul3A_281 : i32
        %add3A_283 = arith.addi %add3A_36, %mul3A_282 : i32
        %dma_start3A_284 = tpu.memref_slice %arg2[%add3A_283] : memref<1280000xi32, #tpu.memory_space<hbm>> -> memref<800xi32, #tpu.memory_space<hbm>>
        %dma_start3A_285 = tpu.memref_slice %arg2[%add3A_283] : memref<1280000xi32, #tpu.memory_space<hbm>> -> memref<800xi32, #tpu.memory_space<hbm>>
        tpu.enqueue_dma source(%dma_start3A_285 : memref<800xi32, #tpu.memory_space<hbm>>) target(%arg5 : memref<800xi32, #tpu.memory_space<vmem>>) target_semaphore(%arg8 : memref<!tpu.dma_semaphore, #tpu.memory_space<semaphore_mem>>)
      } else {
      }
      %mul3A_168 = arith.constant 2 : i32
      %mul3A_169 = arith.muli %mul3A_168, %scan3A_50 : i32
      %add3A_170 = arith.constant 1 : i32
      %add3A_171 = arith.addi %mul3A_169, %add3A_170 : i32
      %mul3A_172 = arith.constant 800 : i32
      %mul3A_173 = arith.muli %add3A_171, %mul3A_172 : i32
      %add3A_174 = arith.addi %add3A_36, %mul3A_173 : i32
      %dma_wait3A_175 = tpu.memref_slice %arg2[%add3A_174] : memref<1280000xi32, #tpu.memory_space<hbm>> -> memref<800xi32, #tpu.memory_space<hbm>>
      %dma_wait3A_176 = tpu.memref_slice %arg2[%add3A_174] : memref<1280000xi32, #tpu.memory_space<hbm>> -> memref<800xi32, #tpu.memory_space<hbm>>
      tpu.wait_dma2 semaphore(%arg9 : memref<!tpu.dma_semaphore, #tpu.memory_space<semaphore_mem>>) src(%dma_wait3A_176 : memref<800xi32, #tpu.memory_space<hbm>>) dst(%arg6 : memref<800xi32, #tpu.memory_space<vmem>>)
      %get3A_177 = arith.constant 0 : index
      %get3A_178 = tpu.vector_load %arg6[%get3A_177] {strides = array<i32>} : memref<800xi32, #tpu.memory_space<vmem>>, vector<16xi32>,
      tpu.vector_store_idx %arg7[%get3A_178], %broadcast_in_dim3A_31 {add = true} : memref<10240xf32, #tpu.memory_space<vmem>>[vector<16xi32>], vector<16xf32>,
      %get3A_179 = arith.constant 16 : index
      %get3A_180 = tpu.vector_load %arg6[%get3A_179] {strides = array<i32>} : memref<800xi32, #tpu.memory_space<vmem>>, vector<16xi32>,
      tpu.vector_store_idx %arg7[%get3A_180], %broadcast_in_dim3A_31 {add = true} : memref<10240xf32, #tpu.memory_space<vmem>>[vector<16xi32>], vector<16xf32>,
      %get3A_181 = arith.constant 32 : index
      %get3A_182 = tpu.vector_load %arg6[%get3A_181] {strides = array<i32>} : memref<800xi32, #tpu.memory_space<vmem>>, vector<16xi32>,
      tpu.vector_store_idx %arg7[%get3A_182], %broadcast_in_dim3A_31 {add = true} : memref<10240xf32, #tpu.memory_space<vmem>>[vector<16xi32>], vector<16xf32>,
      %get3A_183 = arith.constant 48 : index
      %get3A_184 = tpu.vector_load %arg6[%get3A_183] {strides = array<i32>} : memref<800xi32, #tpu.memory_space<vmem>>, vector<16xi32>,
      tpu.vector_store_idx %arg7[%get3A_184], %broadcast_in_dim3A_31 {add = true} : memref<10240xf32, #tpu.memory_space<vmem>>[vector<16xi32>], vector<16xf32>,
      %get3A_185 = arith.constant 64 : index
      %get3A_186 = tpu.vector_load %arg6[%get3A_185] {strides = array<i32>} : memref<800xi32, #tpu.memory_space<vmem>>, vector<16xi32>,
      tpu.vector_store_idx %arg7[%get3A_186], %broadcast_in_dim3A_31 {add = true} : memref<10240xf32, #tpu.memory_space<vmem>>[vector<16xi32>], vector<16xf32>,
      %get3A_187 = arith.constant 80 : index
      %get3A_188 = tpu.vector_load %arg6[%get3A_187] {strides = array<i32>} : memref<800xi32, #tpu.memory_space<vmem>>, vector<16xi32>,
      tpu.vector_store_idx %arg7[%get3A_188], %broadcast_in_dim3A_31 {add = true} : memref<10240xf32, #tpu.memory_space<vmem>>[vector<16xi32>], vector<16xf32>,
      %get3A_189 = arith.constant 96 : index
      %get3A_190 = tpu.vector_load %arg6[%get3A_189] {strides = array<i32>} : memref<800xi32, #tpu.memory_space<vmem>>, vector<16xi32>,
      tpu.vector_store_idx %arg7[%get3A_190], %broadcast_in_dim3A_31 {add = true} : memref<10240xf32, #tpu.memory_space<vmem>>[vector<16xi32>], vector<16xf32>,
      %get3A_191 = arith.constant 112 : index
      %get3A_192 = tpu.vector_load %arg6[%get3A_191] {strides = array<i32>} : memref<800xi32, #tpu.memory_space<vmem>>, vector<16xi32>,
      tpu.vector_store_idx %arg7[%get3A_192], %broadcast_in_dim3A_31 {add = true} : memref<10240xf32, #tpu.memory_space<vmem>>[vector<16xi32>], vector<16xf32>,
      %get3A_193 = arith.constant 128 : index
      %get3A_194 = tpu.vector_load %arg6[%get3A_193] {strides = array<i32>} : memref<800xi32, #tpu.memory_space<vmem>>, vector<16xi32>,
      tpu.vector_store_idx %arg7[%get3A_194], %broadcast_in_dim3A_31 {add = true} : memref<10240xf32, #tpu.memory_space<vmem>>[vector<16xi32>], vector<16xf32>,
      %get3A_195 = arith.constant 144 : index
      %get3A_196 = tpu.vector_load %arg6[%get3A_195] {strides = array<i32>} : memref<800xi32, #tpu.memory_space<vmem>>, vector<16xi32>,
      tpu.vector_store_idx %arg7[%get3A_196], %broadcast_in_dim3A_31 {add = true} : memref<10240xf32, #tpu.memory_space<vmem>>[vector<16xi32>], vector<16xf32>,
      %get3A_197 = arith.constant 160 : index
      %get3A_198 = tpu.vector_load %arg6[%get3A_197] {strides = array<i32>} : memref<800xi32, #tpu.memory_space<vmem>>, vector<16xi32>,
      tpu.vector_store_idx %arg7[%get3A_198], %broadcast_in_dim3A_31 {add = true} : memref<10240xf32, #tpu.memory_space<vmem>>[vector<16xi32>], vector<16xf32>,
      %get3A_199 = arith.constant 176 : index
      %get3A_200 = tpu.vector_load %arg6[%get3A_199] {strides = array<i32>} : memref<800xi32, #tpu.memory_space<vmem>>, vector<16xi32>,
      tpu.vector_store_idx %arg7[%get3A_200], %broadcast_in_dim3A_31 {add = true} : memref<10240xf32, #tpu.memory_space<vmem>>[vector<16xi32>], vector<16xf32>,
      %get3A_201 = arith.constant 192 : index
      %get3A_202 = tpu.vector_load %arg6[%get3A_201] {strides = array<i32>} : memref<800xi32, #tpu.memory_space<vmem>>, vector<16xi32>,
      tpu.vector_store_idx %arg7[%get3A_202], %broadcast_in_dim3A_31 {add = true} : memref<10240xf32, #tpu.memory_space<vmem>>[vector<16xi32>], vector<16xf32>,
      %get3A_203 = arith.constant 208 : index
      %get3A_204 = tpu.vector_load %arg6[%get3A_203] {strides = array<i32>} : memref<800xi32, #tpu.memory_space<vmem>>, vector<16xi32>,
      tpu.vector_store_idx %arg7[%get3A_204], %broadcast_in_dim3A_31 {add = true} : memref<10240xf32, #tpu.memory_space<vmem>>[vector<16xi32>], vector<16xf32>,
      %get3A_205 = arith.constant 224 : index
      %get3A_206 = tpu.vector_load %arg6[%get3A_205] {strides = array<i32>} : memref<800xi32, #tpu.memory_space<vmem>>, vector<16xi32>,
      tpu.vector_store_idx %arg7[%get3A_206], %broadcast_in_dim3A_31 {add = true} : memref<10240xf32, #tpu.memory_space<vmem>>[vector<16xi32>], vector<16xf32>,
      %get3A_207 = arith.constant 240 : index
      %get3A_208 = tpu.vector_load %arg6[%get3A_207] {strides = array<i32>} : memref<800xi32, #tpu.memory_space<vmem>>, vector<16xi32>,
      tpu.vector_store_idx %arg7[%get3A_208], %broadcast_in_dim3A_31 {add = true} : memref<10240xf32, #tpu.memory_space<vmem>>[vector<16xi32>], vector<16xf32>,
      %get3A_209 = arith.constant 256 : index
      %get3A_210 = tpu.vector_load %arg6[%get3A_209] {strides = array<i32>} : memref<800xi32, #tpu.memory_space<vmem>>, vector<16xi32>,
      tpu.vector_store_idx %arg7[%get3A_210], %broadcast_in_dim3A_31 {add = true} : memref<10240xf32, #tpu.memory_space<vmem>>[vector<16xi32>], vector<16xf32>,
      %get3A_211 = arith.constant 272 : index
      %get3A_212 = tpu.vector_load %arg6[%get3A_211] {strides = array<i32>} : memref<800xi32, #tpu.memory_space<vmem>>, vector<16xi32>,
      tpu.vector_store_idx %arg7[%get3A_212], %broadcast_in_dim3A_31 {add = true} : memref<10240xf32, #tpu.memory_space<vmem>>[vector<16xi32>], vector<16xf32>,
      %get3A_213 = arith.constant 288 : index
      %get3A_214 = tpu.vector_load %arg6[%get3A_213] {strides = array<i32>} : memref<800xi32, #tpu.memory_space<vmem>>, vector<16xi32>,
      tpu.vector_store_idx %arg7[%get3A_214], %broadcast_in_dim3A_31 {add = true} : memref<10240xf32, #tpu.memory_space<vmem>>[vector<16xi32>], vector<16xf32>,
      %get3A_215 = arith.constant 304 : index
      %get3A_216 = tpu.vector_load %arg6[%get3A_215] {strides = array<i32>} : memref<800xi32, #tpu.memory_space<vmem>>, vector<16xi32>,
      tpu.vector_store_idx %arg7[%get3A_216], %broadcast_in_dim3A_31 {add = true} : memref<10240xf32, #tpu.memory_space<vmem>>[vector<16xi32>], vector<16xf32>,
      %get3A_217 = arith.constant 320 : index
      %get3A_218 = tpu.vector_load %arg6[%get3A_217] {strides = array<i32>} : memref<800xi32, #tpu.memory_space<vmem>>, vector<16xi32>,
      tpu.vector_store_idx %arg7[%get3A_218], %broadcast_in_dim3A_31 {add = true} : memref<10240xf32, #tpu.memory_space<vmem>>[vector<16xi32>], vector<16xf32>,
      %get3A_219 = arith.constant 336 : index
      %get3A_220 = tpu.vector_load %arg6[%get3A_219] {strides = array<i32>} : memref<800xi32, #tpu.memory_space<vmem>>, vector<16xi32>,
      tpu.vector_store_idx %arg7[%get3A_220], %broadcast_in_dim3A_31 {add = true} : memref<10240xf32, #tpu.memory_space<vmem>>[vector<16xi32>], vector<16xf32>,
      %get3A_221 = arith.constant 352 : index
      %get3A_222 = tpu.vector_load %arg6[%get3A_221] {strides = array<i32>} : memref<800xi32, #tpu.memory_space<vmem>>, vector<16xi32>,
      tpu.vector_store_idx %arg7[%get3A_222], %broadcast_in_dim3A_31 {add = true} : memref<10240xf32, #tpu.memory_space<vmem>>[vector<16xi32>], vector<16xf32>,
      %get3A_223 = arith.constant 368 : index
      %get3A_224 = tpu.vector_load %arg6[%get3A_223] {strides = array<i32>} : memref<800xi32, #tpu.memory_space<vmem>>, vector<16xi32>,
      tpu.vector_store_idx %arg7[%get3A_224], %broadcast_in_dim3A_31 {add = true} : memref<10240xf32, #tpu.memory_space<vmem>>[vector<16xi32>], vector<16xf32>,
      %get3A_225 = arith.constant 384 : index
      %get3A_226 = tpu.vector_load %arg6[%get3A_225] {strides = array<i32>} : memref<800xi32, #tpu.memory_space<vmem>>, vector<16xi32>,
      tpu.vector_store_idx %arg7[%get3A_226], %broadcast_in_dim3A_31 {add = true} : memref<10240xf32, #tpu.memory_space<vmem>>[vector<16xi32>], vector<16xf32>,
      %get3A_227 = arith.constant 400 : index
      %get3A_228 = tpu.vector_load %arg6[%get3A_227] {strides = array<i32>} : memref<800xi32, #tpu.memory_space<vmem>>, vector<16xi32>,
      tpu.vector_store_idx %arg7[%get3A_228], %broadcast_in_dim3A_31 {add = true} : memref<10240xf32, #tpu.memory_space<vmem>>[vector<16xi32>], vector<16xf32>,
      %get3A_229 = arith.constant 416 : index
      %get3A_230 = tpu.vector_load %arg6[%get3A_229] {strides = array<i32>} : memref<800xi32, #tpu.memory_space<vmem>>, vector<16xi32>,
      tpu.vector_store_idx %arg7[%get3A_230], %broadcast_in_dim3A_31 {add = true} : memref<10240xf32, #tpu.memory_space<vmem>>[vector<16xi32>], vector<16xf32>,
      %get3A_231 = arith.constant 432 : index
      %get3A_232 = tpu.vector_load %arg6[%get3A_231] {strides = array<i32>} : memref<800xi32, #tpu.memory_space<vmem>>, vector<16xi32>,
      tpu.vector_store_idx %arg7[%get3A_232], %broadcast_in_dim3A_31 {add = true} : memref<10240xf32, #tpu.memory_space<vmem>>[vector<16xi32>], vector<16xf32>,
      %get3A_233 = arith.constant 448 : index
      %get3A_234 = tpu.vector_load %arg6[%get3A_233] {strides = array<i32>} : memref<800xi32, #tpu.memory_space<vmem>>, vector<16xi32>,
      tpu.vector_store_idx %arg7[%get3A_234], %broadcast_in_dim3A_31 {add = true} : memref<10240xf32, #tpu.memory_space<vmem>>[vector<16xi32>], vector<16xf32>,
      %get3A_235 = arith.constant 464 : index
      %get3A_236 = tpu.vector_load %arg6[%get3A_235] {strides = array<i32>} : memref<800xi32, #tpu.memory_space<vmem>>, vector<16xi32>,
      tpu.vector_store_idx %arg7[%get3A_236], %broadcast_in_dim3A_31 {add = true} : memref<10240xf32, #tpu.memory_space<vmem>>[vector<16xi32>], vector<16xf32>,
      %get3A_237 = arith.constant 480 : index
      %get3A_238 = tpu.vector_load %arg6[%get3A_237] {strides = array<i32>} : memref<800xi32, #tpu.memory_space<vmem>>, vector<16xi32>,
      tpu.vector_store_idx %arg7[%get3A_238], %broadcast_in_dim3A_31 {add = true} : memref<10240xf32, #tpu.memory_space<vmem>>[vector<16xi32>], vector<16xf32>,
      %get3A_239 = arith.constant 496 : index
      %get3A_240 = tpu.vector_load %arg6[%get3A_239] {strides = array<i32>} : memref<800xi32, #tpu.memory_space<vmem>>, vector<16xi32>,
      tpu.vector_store_idx %arg7[%get3A_240], %broadcast_in_dim3A_31 {add = true} : memref<10240xf32, #tpu.memory_space<vmem>>[vector<16xi32>], vector<16xf32>,
      %get3A_241 = arith.constant 512 : index
      %get3A_242 = tpu.vector_load %arg6[%get3A_241] {strides = array<i32>} : memref<800xi32, #tpu.memory_space<vmem>>, vector<16xi32>,
      tpu.vector_store_idx %arg7[%get3A_242], %broadcast_in_dim3A_31 {add = true} : memref<10240xf32, #tpu.memory_space<vmem>>[vector<16xi32>], vector<16xf32>,
      %get3A_243 = arith.constant 528 : index
      %get3A_244 = tpu.vector_load %arg6[%get3A_243] {strides = array<i32>} : memref<800xi32, #tpu.memory_space<vmem>>, vector<16xi32>,
      tpu.vector_store_idx %arg7[%get3A_244], %broadcast_in_dim3A_31 {add = true} : memref<10240xf32, #tpu.memory_space<vmem>>[vector<16xi32>], vector<16xf32>,
      %get3A_245 = arith.constant 544 : index
      %get3A_246 = tpu.vector_load %arg6[%get3A_245] {strides = array<i32>} : memref<800xi32, #tpu.memory_space<vmem>>, vector<16xi32>,
      tpu.vector_store_idx %arg7[%get3A_246], %broadcast_in_dim3A_31 {add = true} : memref<10240xf32, #tpu.memory_space<vmem>>[vector<16xi32>], vector<16xf32>,
      %get3A_247 = arith.constant 560 : index
      %get3A_248 = tpu.vector_load %arg6[%get3A_247] {strides = array<i32>} : memref<800xi32, #tpu.memory_space<vmem>>, vector<16xi32>,
      tpu.vector_store_idx %arg7[%get3A_248], %broadcast_in_dim3A_31 {add = true} : memref<10240xf32, #tpu.memory_space<vmem>>[vector<16xi32>], vector<16xf32>,
      %get3A_249 = arith.constant 576 : index
      %get3A_250 = tpu.vector_load %arg6[%get3A_249] {strides = array<i32>} : memref<800xi32, #tpu.memory_space<vmem>>, vector<16xi32>,
      tpu.vector_store_idx %arg7[%get3A_250], %broadcast_in_dim3A_31 {add = true} : memref<10240xf32, #tpu.memory_space<vmem>>[vector<16xi32>], vector<16xf32>,
      %get3A_251 = arith.constant 592 : index
      %get3A_252 = tpu.vector_load %arg6[%get3A_251] {strides = array<i32>} : memref<800xi32, #tpu.memory_space<vmem>>, vector<16xi32>,
      tpu.vector_store_idx %arg7[%get3A_252], %broadcast_in_dim3A_31 {add = true} : memref<10240xf32, #tpu.memory_space<vmem>>[vector<16xi32>], vector<16xf32>,
      %get3A_253 = arith.constant 608 : index
      %get3A_254 = tpu.vector_load %arg6[%get3A_253] {strides = array<i32>} : memref<800xi32, #tpu.memory_space<vmem>>, vector<16xi32>,
      tpu.vector_store_idx %arg7[%get3A_254], %broadcast_in_dim3A_31 {add = true} : memref<10240xf32, #tpu.memory_space<vmem>>[vector<16xi32>], vector<16xf32>,
      %get3A_255 = arith.constant 624 : index
      %get3A_256 = tpu.vector_load %arg6[%get3A_255] {strides = array<i32>} : memref<800xi32, #tpu.memory_space<vmem>>, vector<16xi32>,
      tpu.vector_store_idx %arg7[%get3A_256], %broadcast_in_dim3A_31 {add = true} : memref<10240xf32, #tpu.memory_space<vmem>>[vector<16xi32>], vector<16xf32>,
      %get3A_257 = arith.constant 640 : index
      %get3A_258 = tpu.vector_load %arg6[%get3A_257] {strides = array<i32>} : memref<800xi32, #tpu.memory_space<vmem>>, vector<16xi32>,
      tpu.vector_store_idx %arg7[%get3A_258], %broadcast_in_dim3A_31 {add = true} : memref<10240xf32, #tpu.memory_space<vmem>>[vector<16xi32>], vector<16xf32>,
      %get3A_259 = arith.constant 656 : index
      %get3A_260 = tpu.vector_load %arg6[%get3A_259] {strides = array<i32>} : memref<800xi32, #tpu.memory_space<vmem>>, vector<16xi32>,
      tpu.vector_store_idx %arg7[%get3A_260], %broadcast_in_dim3A_31 {add = true} : memref<10240xf32, #tpu.memory_space<vmem>>[vector<16xi32>], vector<16xf32>,
      %get3A_261 = arith.constant 672 : index
      %get3A_262 = tpu.vector_load %arg6[%get3A_261] {strides = array<i32>} : memref<800xi32, #tpu.memory_space<vmem>>, vector<16xi32>,
      tpu.vector_store_idx %arg7[%get3A_262], %broadcast_in_dim3A_31 {add = true} : memref<10240xf32, #tpu.memory_space<vmem>>[vector<16xi32>], vector<16xf32>,
      %get3A_263 = arith.constant 688 : index
      %get3A_264 = tpu.vector_load %arg6[%get3A_263] {strides = array<i32>} : memref<800xi32, #tpu.memory_space<vmem>>, vector<16xi32>,
      tpu.vector_store_idx %arg7[%get3A_264], %broadcast_in_dim3A_31 {add = true} : memref<10240xf32, #tpu.memory_space<vmem>>[vector<16xi32>], vector<16xf32>,
      %get3A_265 = arith.constant 704 : index
      %get3A_266 = tpu.vector_load %arg6[%get3A_265] {strides = array<i32>} : memref<800xi32, #tpu.memory_space<vmem>>, vector<16xi32>,
      tpu.vector_store_idx %arg7[%get3A_266], %broadcast_in_dim3A_31 {add = true} : memref<10240xf32, #tpu.memory_space<vmem>>[vector<16xi32>], vector<16xf32>,
      %get3A_267 = arith.constant 720 : index
      %get3A_268 = tpu.vector_load %arg6[%get3A_267] {strides = array<i32>} : memref<800xi32, #tpu.memory_space<vmem>>, vector<16xi32>,
      tpu.vector_store_idx %arg7[%get3A_268], %broadcast_in_dim3A_31 {add = true} : memref<10240xf32, #tpu.memory_space<vmem>>[vector<16xi32>], vector<16xf32>,
      %get3A_269 = arith.constant 736 : index
      %get3A_270 = tpu.vector_load %arg6[%get3A_269] {strides = array<i32>} : memref<800xi32, #tpu.memory_space<vmem>>, vector<16xi32>,
      tpu.vector_store_idx %arg7[%get3A_270], %broadcast_in_dim3A_31 {add = true} : memref<10240xf32, #tpu.memory_space<vmem>>[vector<16xi32>], vector<16xf32>,
      %get3A_271 = arith.constant 752 : index
      %get3A_272 = tpu.vector_load %arg6[%get3A_271] {strides = array<i32>} : memref<800xi32, #tpu.memory_space<vmem>>, vector<16xi32>,
      tpu.vector_store_idx %arg7[%get3A_272], %broadcast_in_dim3A_31 {add = true} : memref<10240xf32, #tpu.memory_space<vmem>>[vector<16xi32>], vector<16xf32>,
      %get3A_273 = arith.constant 768 : index
      %get3A_274 = tpu.vector_load %arg6[%get3A_273] {strides = array<i32>} : memref<800xi32, #tpu.memory_space<vmem>>, vector<16xi32>,
      tpu.vector_store_idx %arg7[%get3A_274], %broadcast_in_dim3A_31 {add = true} : memref<10240xf32, #tpu.memory_space<vmem>>[vector<16xi32>], vector<16xf32>,
      %get3A_275 = arith.constant 784 : index
      %get3A_276 = tpu.vector_load %arg6[%get3A_275] {strides = array<i32>} : memref<800xi32, #tpu.memory_space<vmem>>, vector<16xi32>,
      tpu.vector_store_idx %arg7[%get3A_276], %broadcast_in_dim3A_31 {add = true} : memref<10240xf32, #tpu.memory_space<vmem>>[vector<16xi32>], vector<16xf32>,
    }
    %scan3A_44 = arith.constant 25 : i32
    %mul3A_45 = arith.constant 8 : i32
    %mul3A_46 = arith.muli %add3A, %mul3A_45 : i32
    %add3A_47 = arith.addi %mul3A_46, %select_n3A_30 : i32
    %mul3A_48 = arith.constant 10240 : i32
    %mul3A_49 = arith.muli %add3A_47, %mul3A_48 : i32
    "tpu.region"() ({
      %run_scoped3A = tpu.sem_alloc : memref<!tpu.dma_semaphore, #tpu.memory_space<semaphore_mem>>
      %dma_start3A_50 = tpu.memref_slice %arg4[%mul3A_49] : memref<327680xf32, #tpu.memory_space<hbm>> -> memref<10240xf32, #tpu.memory_space<hbm>>
      %dma_start3A_51 = tpu.memref_slice %arg4[%mul3A_49] : memref<327680xf32, #tpu.memory_space<hbm>> -> memref<10240xf32, #tpu.memory_space<hbm>>
      tpu.enqueue_dma source(%arg7 : memref<10240xf32, #tpu.memory_space<vmem>>) target(%dma_start3A_51 : memref<10240xf32, #tpu.memory_space<hbm>>) target_semaphore(%run_scoped3A : memref<!tpu.dma_semaphore, #tpu.memory_space<semaphore_mem>>)
      %dma_wait3A = tpu.memref_slice %arg4[%mul3A_49] : memref<327680xf32, #tpu.memory_space<hbm>> -> memref<10240xf32, #tpu.memory_space<hbm>>
      %dma_wait3A_52 = tpu.memref_slice %arg4[%mul3A_49] : memref<327680xf32, #tpu.memory_space<hbm>> -> memref<10240xf32, #tpu.memory_space<hbm>>
      tpu.wait_dma2 semaphore(%run_scoped3A : memref<!tpu.dma_semaphore, #tpu.memory_space<semaphore_mem>>) src(%arg7 : memref<10240xf32, #tpu.memory_space<vmem>>) dst(%dma_wait3A_52 : memref<10240xf32, #tpu.memory_space<hbm>>)
      tpu.yield
    }) : () -> ()
    return
  }
}

#map = affine_map<(d0, d1) -> (0, 0)>
module attributes {stable_mosaic.version = 14 : i64} {
  func.func @k(%arg0: i32, %arg1: i32, %arg2: memref<10240x128xf32, #tpu.memory_space<hbm>>, %arg3: memref<2560x125xi32, #tpu.memory_space<hbm>>, %arg4: memref<2560x125xi32, #tpu.memory_space<hbm>>, %arg5: memref<10240x128xf32, #tpu.memory_space<hbm>>, %arg6: memref<10240x128xf32, #tpu.memory_space<hbm>>, %arg7: memref<10240x128xf32, #tpu.memory_space<hbm>>, %arg8: memref<2x16x125xi32, #tpu.memory_space<vmem>>, %arg9: memref<3x16x125xi32, #tpu.memory_space<vmem>>, %arg10: memref<125x128xf32, #tpu.memory_space<vmem>>, %arg11: memref<125x128xf32, #tpu.memory_space<vmem>>, %arg12: memref<10240x128xf32, #tpu.memory_space<vmem_shared>>, %arg13: memref<!tpu.dma_semaphore, #tpu.memory_space<semaphore_mem>>, %arg14: memref<!tpu.dma_semaphore, #tpu.memory_space<semaphore_mem>>, %arg15: memref<!tpu.dma_semaphore, #tpu.memory_space<semaphore_mem>>, %arg16: memref<!tpu.dma_semaphore, #tpu.memory_space<semaphore_mem>>, %arg17: memref<!tpu.dma_semaphore, #tpu.memory_space<semaphore_mem>>, %arg18: memref<!tpu.dma_semaphore, #tpu.memory_space<semaphore_mem>>) attributes {dimension_semantics = [#tpu.dimension_semantics<core_parallel>, #tpu.dimension_semantics<subcore_parallel>], iteration_bounds = array<i64: 2, 16>, scalar_prefetch = 0 : i64, scratch_operands = 11 : i64, tpu.core_type = #tpu.core_type<sc_vector_subcore>, window_params = [{transform_indices = #map}, {transform_indices = #map}, {transform_indices = #map}, {transform_indices = #map}, {transform_indices = #map}, {transform_indices = #map}]} {
    %mul3A = arith.constant 640 : i32
    %mul3A_0 = arith.muli %arg1, %mul3A : i32
    "tpu.region"() ({
      %run_scoped3A = tpu.sem_alloc : memref<!tpu.dma_semaphore, #tpu.memory_space<semaphore_mem>>
      %dma_start3A_60 = arith.constant 0 : i32
      %dma_start3A_61 = tpu.memref_slice %arg12[%mul3A_0, %dma_start3A_60] : memref<10240x128xf32, #tpu.memory_space<vmem_shared>> -> memref<640x128xf32, #tpu.memory_space<vmem_shared>>
      %dma_start3A_62 = arith.constant 0 : i32
      %dma_start3A_63 = tpu.memref_slice %arg5[%mul3A_0, %dma_start3A_62] : memref<10240x128xf32, #tpu.memory_space<hbm>> -> memref<640x128xf32, #tpu.memory_space<hbm>>
      tpu.enqueue_dma source(%dma_start3A_63 : memref<640x128xf32, #tpu.memory_space<hbm>>) target(%dma_start3A_61 : memref<640x128xf32, #tpu.memory_space<vmem_shared>>) target_semaphore(%run_scoped3A : memref<!tpu.dma_semaphore, #tpu.memory_space<semaphore_mem>>)
      %dma_wait3A_64 = arith.constant 0 : i32
      %dma_wait3A_65 = tpu.memref_slice %arg12[%mul3A_0, %dma_wait3A_64] : memref<10240x128xf32, #tpu.memory_space<vmem_shared>> -> memref<640x128xf32, #tpu.memory_space<vmem_shared>>
      %dma_wait3A_66 = arith.constant 0 : i32
      %dma_wait3A_67 = tpu.memref_slice %arg5[%mul3A_0, %dma_wait3A_66] : memref<10240x128xf32, #tpu.memory_space<hbm>> -> memref<640x128xf32, #tpu.memory_space<hbm>>
      tpu.wait_dma2 semaphore(%run_scoped3A : memref<!tpu.dma_semaphore, #tpu.memory_space<semaphore_mem>>) src(%dma_wait3A_67 : memref<640x128xf32, #tpu.memory_space<hbm>>) dst(%dma_wait3A_65 : memref<640x128xf32, #tpu.memory_space<vmem_shared>>)
      tpu.yield
    }) : () -> ()
    %barrier3A = arith.constant 0 : index
    tpu.barrier barrier_id(%barrier3A)
    %mul3A_1 = arith.constant 16 : i32
    %mul3A_2 = arith.muli %arg0, %mul3A_1 : i32
    %add3A = arith.addi %mul3A_2, %arg1 : i32
    %mul3A_3 = arith.constant 80 : i32
    %mul3A_4 = arith.muli %add3A, %mul3A_3 : i32
    %add3A_5 = arith.constant 0 : i32
    %add3A_6 = arith.addi %mul3A_4, %add3A_5 : i32
    %dma_start3A = arith.constant 0 : i32
    %dma_start3A_7 = arith.constant 0 : i32
    %dma_start3A_8 = arith.constant 0 : i32
    %dma_start3A_9 = tpu.memref_slice %arg8[%dma_start3A, %dma_start3A_7, %dma_start3A_8] : memref<2x16x125xi32, #tpu.memory_space<vmem>> -> memref<1x16x125xi32, #tpu.memory_space<vmem>>
    %dma_start3A_10 = tpu.memref_squeeze %dma_start3A_9 : memref<1x16x125xi32, #tpu.memory_space<vmem>> -> memref<16x125xi32, #tpu.memory_space<vmem>>
    %dma_start3A_11 = arith.constant 0 : i32
    %dma_start3A_12 = tpu.memref_slice %arg3[%add3A_6, %dma_start3A_11] : memref<2560x125xi32, #tpu.memory_space<hbm>> -> memref<16x125xi32, #tpu.memory_space<hbm>>
    %dma_start3A_13 = arith.constant 0 : i32
    %dma_start3A_14 = arith.constant 0 : i32
    %dma_start3A_15 = tpu.memref_slice %arg8[%dma_start3A, %dma_start3A_13, %dma_start3A_14] : memref<2x16x125xi32, #tpu.memory_space<vmem>> -> memref<1x16x125xi32, #tpu.memory_space<vmem>>
    %dma_start3A_16 = tpu.memref_squeeze %dma_start3A_15 : memref<1x16x125xi32, #tpu.memory_space<vmem>> -> memref<16x125xi32, #tpu.memory_space<vmem>>
    %dma_start3A_17 = arith.constant 0 : i32
    %dma_start3A_18 = tpu.memref_slice %arg3[%add3A_6, %dma_start3A_17] : memref<2560x125xi32, #tpu.memory_space<hbm>> -> memref<16x125xi32, #tpu.memory_space<hbm>>
    tpu.enqueue_dma source(%dma_start3A_18 : memref<16x125xi32, #tpu.memory_space<hbm>>) target(%dma_start3A_16 : memref<16x125xi32, #tpu.memory_space<vmem>>) target_semaphore(%arg17 : memref<!tpu.dma_semaphore, #tpu.memory_space<semaphore_mem>>)
    %dma_start3A_19 = arith.constant 0 : i32
    %dma_start3A_20 = arith.constant 0 : i32
    %dma_start3A_21 = arith.constant 0 : i32
    %dma_start3A_22 = tpu.memref_slice %arg9[%dma_start3A_19, %dma_start3A_20, %dma_start3A_21] : memref<3x16x125xi32, #tpu.memory_space<vmem>> -> memref<1x16x125xi32, #tpu.memory_space<vmem>>
    %dma_start3A_23 = tpu.memref_squeeze %dma_start3A_22 : memref<1x16x125xi32, #tpu.memory_space<vmem>> -> memref<16x125xi32, #tpu.memory_space<vmem>>
    %dma_start3A_24 = arith.constant 0 : i32
    %dma_start3A_25 = tpu.memref_slice %arg4[%add3A_6, %dma_start3A_24] : memref<2560x125xi32, #tpu.memory_space<hbm>> -> memref<16x125xi32, #tpu.memory_space<hbm>>
    %dma_start3A_26 = arith.constant 0 : i32
    %dma_start3A_27 = arith.constant 0 : i32
    %dma_start3A_28 = tpu.memref_slice %arg9[%dma_start3A_19, %dma_start3A_26, %dma_start3A_27] : memref<3x16x125xi32, #tpu.memory_space<vmem>> -> memref<1x16x125xi32, #tpu.memory_space<vmem>>
    %dma_start3A_29 = tpu.memref_squeeze %dma_start3A_28 : memref<1x16x125xi32, #tpu.memory_space<vmem>> -> memref<16x125xi32, #tpu.memory_space<vmem>>
    %dma_start3A_30 = arith.constant 0 : i32
    %dma_start3A_31 = tpu.memref_slice %arg4[%add3A_6, %dma_start3A_30] : memref<2560x125xi32, #tpu.memory_space<hbm>> -> memref<16x125xi32, #tpu.memory_space<hbm>>
    tpu.enqueue_dma source(%dma_start3A_31 : memref<16x125xi32, #tpu.memory_space<hbm>>) target(%dma_start3A_29 : memref<16x125xi32, #tpu.memory_space<vmem>>) target_semaphore(%arg18 : memref<!tpu.dma_semaphore, #tpu.memory_space<semaphore_mem>>)
    %scan3A = arith.constant 0 : i32
    %scan3A_32 = arith.constant 0 : i32
    %scan3A_33 = arith.constant 5 : i32
    %scan3A_34 = arith.addi %scan3A_32, %scan3A_33 : i32
    %scan3A_35 = arith.constant 1 : i32
    scf.for %scan3A_60 = %scan3A_32 to %scan3A_34 step %scan3A_35  : i32 {
      %jit3A = arith.constant 2 : i32
      %eq3A_61 = arith.constant 0 : i32
      %eq3A_62 = arith.cmpi eq, %jit3A, %eq3A_61 : i32
      %jit3A_63 = arith.constant 1 : i32
      %select_n3A = arith.select %eq3A_62, %jit3A_63, %jit3A : i32
      %rem3A = arith.remsi %scan3A_60, %select_n3A : i32
      %ne3A = arith.constant 0 : i32
      %ne3A_64 = arith.cmpi ne, %rem3A, %ne3A : i32
      %lt3A = arith.constant 0 : i32
      %lt3A_65 = arith.cmpi slt, %rem3A, %lt3A : i32
      %lt3A_66 = arith.constant 0 : i32
      %lt3A_67 = arith.cmpi slt, %select_n3A, %lt3A_66 : i32
      %ne3A_68 = arith.xori %lt3A_65, %lt3A_67 : i1
      %and3A = arith.andi %ne3A_68, %ne3A_64 : i1
      %add3A_69 = arith.addi %rem3A, %select_n3A : i32
      %select_n3A_70 = arith.select %and3A, %add3A_69, %rem3A : i32
      %jit3A_71 = arith.constant 3 : i32
      %eq3A_72 = arith.constant 0 : i32
      %eq3A_73 = arith.cmpi eq, %jit3A_71, %eq3A_72 : i32
      %jit3A_74 = arith.constant 1 : i32
      %select_n3A_75 = arith.select %eq3A_73, %jit3A_74, %jit3A_71 : i32
      %rem3A_76 = arith.remsi %scan3A_60, %select_n3A_75 : i32
      %ne3A_77 = arith.constant 0 : i32
      %ne3A_78 = arith.cmpi ne, %rem3A_76, %ne3A_77 : i32
      %lt3A_79 = arith.constant 0 : i32
      %lt3A_80 = arith.cmpi slt, %rem3A_76, %lt3A_79 : i32
      %lt3A_81 = arith.constant 0 : i32
      %lt3A_82 = arith.cmpi slt, %select_n3A_75, %lt3A_81 : i32
      %ne3A_83 = arith.xori %lt3A_80, %lt3A_82 : i1
      %and3A_84 = arith.andi %ne3A_83, %ne3A_78 : i1
      %add3A_85 = arith.addi %rem3A_76, %select_n3A_75 : i32
      %select_n3A_86 = arith.select %and3A_84, %add3A_85, %rem3A_76 : i32
      %mul3A_87 = arith.constant 16 : i32
      %mul3A_88 = arith.muli %scan3A_60, %mul3A_87 : i32
      %add3A_89 = arith.addi %mul3A_4, %mul3A_88 : i32
      %jit3A_90 = arith.constant 2 : i32
      %eq3A_91 = arith.constant 0 : i32
      %eq3A_92 = arith.cmpi eq, %jit3A_90, %eq3A_91 : i32
      %jit3A_93 = arith.constant 1 : i32
      %select_n3A_94 = arith.select %eq3A_92, %jit3A_93, %jit3A_90 : i32
      %rem3A_95 = arith.remsi %scan3A_60, %select_n3A_94 : i32
      %ne3A_96 = arith.constant 0 : i32
      %ne3A_97 = arith.cmpi ne, %rem3A_95, %ne3A_96 : i32
      %lt3A_98 = arith.constant 0 : i32
      %lt3A_99 = arith.cmpi slt, %rem3A_95, %lt3A_98 : i32
      %lt3A_100 = arith.constant 0 : i32
      %lt3A_101 = arith.cmpi slt, %select_n3A_94, %lt3A_100 : i32
      %ne3A_102 = arith.xori %lt3A_99, %lt3A_101 : i1
      %and3A_103 = arith.andi %ne3A_102, %ne3A_97 : i1
      %add3A_104 = arith.addi %rem3A_95, %select_n3A_94 : i32
      %select_n3A_105 = arith.select %and3A_103, %add3A_104, %rem3A_95 : i32
      %dma_wait3A_106 = arith.constant 0 : i32
      %dma_wait3A_107 = arith.constant 0 : i32
      %dma_wait3A_108 = tpu.memref_slice %arg8[%select_n3A_105, %dma_wait3A_106, %dma_wait3A_107] : memref<2x16x125xi32, #tpu.memory_space<vmem>> -> memref<1x16x125xi32, #tpu.memory_space<vmem>>
      %dma_wait3A_109 = tpu.memref_squeeze %dma_wait3A_108 : memref<1x16x125xi32, #tpu.memory_space<vmem>> -> memref<16x125xi32, #tpu.memory_space<vmem>>
      %dma_wait3A_110 = arith.constant 0 : i32
      %dma_wait3A_111 = tpu.memref_slice %arg3[%add3A_89, %dma_wait3A_110] : memref<2560x125xi32, #tpu.memory_space<hbm>> -> memref<16x125xi32, #tpu.memory_space<hbm>>
      %dma_wait3A_112 = arith.constant 0 : i32
      %dma_wait3A_113 = arith.constant 0 : i32
      %dma_wait3A_114 = tpu.memref_slice %arg8[%select_n3A_105, %dma_wait3A_112, %dma_wait3A_113] : memref<2x16x125xi32, #tpu.memory_space<vmem>> -> memref<1x16x125xi32, #tpu.memory_space<vmem>>
      %dma_wait3A_115 = tpu.memref_squeeze %dma_wait3A_114 : memref<1x16x125xi32, #tpu.memory_space<vmem>> -> memref<16x125xi32, #tpu.memory_space<vmem>>
      %dma_wait3A_116 = arith.constant 0 : i32
      %dma_wait3A_117 = tpu.memref_slice %arg3[%add3A_89, %dma_wait3A_116] : memref<2560x125xi32, #tpu.memory_space<hbm>> -> memref<16x125xi32, #tpu.memory_space<hbm>>
      tpu.wait_dma2 semaphore(%arg17 : memref<!tpu.dma_semaphore, #tpu.memory_space<semaphore_mem>>) src(%dma_wait3A_117 : memref<16x125xi32, #tpu.memory_space<hbm>>) dst(%dma_wait3A_115 : memref<16x125xi32, #tpu.memory_space<vmem>>)
      %jit3A_118 = arith.constant 3 : i32
      %eq3A_119 = arith.constant 0 : i32
      %eq3A_120 = arith.cmpi eq, %jit3A_118, %eq3A_119 : i32
      %jit3A_121 = arith.constant 1 : i32
      %select_n3A_122 = arith.select %eq3A_120, %jit3A_121, %jit3A_118 : i32
      %rem3A_123 = arith.remsi %scan3A_60, %select_n3A_122 : i32
      %ne3A_124 = arith.constant 0 : i32
      %ne3A_125 = arith.cmpi ne, %rem3A_123, %ne3A_124 : i32
      %lt3A_126 = arith.constant 0 : i32
      %lt3A_127 = arith.cmpi slt, %rem3A_123, %lt3A_126 : i32
      %lt3A_128 = arith.constant 0 : i32
      %lt3A_129 = arith.cmpi slt, %select_n3A_122, %lt3A_128 : i32
      %ne3A_130 = arith.xori %lt3A_127, %lt3A_129 : i1
      %and3A_131 = arith.andi %ne3A_130, %ne3A_125 : i1
      %add3A_132 = arith.addi %rem3A_123, %select_n3A_122 : i32
      %select_n3A_133 = arith.select %and3A_131, %add3A_132, %rem3A_123 : i32
      %dma_wait3A_134 = arith.constant 0 : i32
      %dma_wait3A_135 = arith.constant 0 : i32
      %dma_wait3A_136 = tpu.memref_slice %arg9[%select_n3A_133, %dma_wait3A_134, %dma_wait3A_135] : memref<3x16x125xi32, #tpu.memory_space<vmem>> -> memref<1x16x125xi32, #tpu.memory_space<vmem>>
      %dma_wait3A_137 = tpu.memref_squeeze %dma_wait3A_136 : memref<1x16x125xi32, #tpu.memory_space<vmem>> -> memref<16x125xi32, #tpu.memory_space<vmem>>
      %dma_wait3A_138 = arith.constant 0 : i32
      %dma_wait3A_139 = tpu.memref_slice %arg4[%add3A_89, %dma_wait3A_138] : memref<2560x125xi32, #tpu.memory_space<hbm>> -> memref<16x125xi32, #tpu.memory_space<hbm>>
      %dma_wait3A_140 = arith.constant 0 : i32
      %dma_wait3A_141 = arith.constant 0 : i32
      %dma_wait3A_142 = tpu.memref_slice %arg9[%select_n3A_133, %dma_wait3A_140, %dma_wait3A_141] : memref<3x16x125xi32, #tpu.memory_space<vmem>> -> memref<1x16x125xi32, #tpu.memory_space<vmem>>
      %dma_wait3A_143 = tpu.memref_squeeze %dma_wait3A_142 : memref<1x16x125xi32, #tpu.memory_space<vmem>> -> memref<16x125xi32, #tpu.memory_space<vmem>>
      %dma_wait3A_144 = arith.constant 0 : i32
      %dma_wait3A_145 = tpu.memref_slice %arg4[%add3A_89, %dma_wait3A_144] : memref<2560x125xi32, #tpu.memory_space<hbm>> -> memref<16x125xi32, #tpu.memory_space<hbm>>
      tpu.wait_dma2 semaphore(%arg18 : memref<!tpu.dma_semaphore, #tpu.memory_space<semaphore_mem>>) src(%dma_wait3A_145 : memref<16x125xi32, #tpu.memory_space<hbm>>) dst(%dma_wait3A_143 : memref<16x125xi32, #tpu.memory_space<vmem>>)
      %lt3A_146 = arith.constant 4 : i32
      %lt3A_147 = arith.cmpi slt, %scan3A_60, %lt3A_146 : i32
      %convert_element_type3A_148 = arith.extui %lt3A_147 : i1 to i32
      %cond3A_149 = arith.constant 0 : i32
      %cond3A_150 = arith.cmpi ne, %convert_element_type3A_148, %cond3A_149 : i32
      scf.if %cond3A_150 {
        %add3A_594 = arith.constant 1 : i32
        %add3A_595 = arith.addi %scan3A_60, %add3A_594 : i32
        %mul3A_596 = arith.constant 16 : i32
        %mul3A_597 = arith.muli %add3A_595, %mul3A_596 : i32
        %add3A_598 = arith.addi %mul3A_4, %mul3A_597 : i32
        %jit3A_599 = arith.constant 2 : i32
        %eq3A_600 = arith.constant 0 : i32
        %eq3A_601 = arith.cmpi eq, %jit3A_599, %eq3A_600 : i32
        %jit3A_602 = arith.constant 1 : i32
        %select_n3A_603 = arith.select %eq3A_601, %jit3A_602, %jit3A_599 : i32
        %rem3A_604 = arith.remsi %add3A_595, %select_n3A_603 : i32
        %ne3A_605 = arith.constant 0 : i32
        %ne3A_606 = arith.cmpi ne, %rem3A_604, %ne3A_605 : i32
        %lt3A_607 = arith.constant 0 : i32
        %lt3A_608 = arith.cmpi slt, %rem3A_604, %lt3A_607 : i32
        %lt3A_609 = arith.constant 0 : i32
        %lt3A_610 = arith.cmpi slt, %select_n3A_603, %lt3A_609 : i32
        %ne3A_611 = arith.xori %lt3A_608, %lt3A_610 : i1
        %and3A_612 = arith.andi %ne3A_611, %ne3A_606 : i1
        %add3A_613 = arith.addi %rem3A_604, %select_n3A_603 : i32
        %select_n3A_614 = arith.select %and3A_612, %add3A_613, %rem3A_604 : i32
        %dma_start3A_615 = arith.constant 0 : i32
        %dma_start3A_616 = arith.constant 0 : i32
        %dma_start3A_617 = tpu.memref_slice %arg8[%select_n3A_614, %dma_start3A_615, %dma_start3A_616] : memref<2x16x125xi32, #tpu.memory_space<vmem>> -> memref<1x16x125xi32, #tpu.memory_space<vmem>>
        %dma_start3A_618 = tpu.memref_squeeze %dma_start3A_617 : memref<1x16x125xi32, #tpu.memory_space<vmem>> -> memref<16x125xi32, #tpu.memory_space<vmem>>
        %dma_start3A_619 = arith.constant 0 : i32
        %dma_start3A_620 = tpu.memref_slice %arg3[%add3A_598, %dma_start3A_619] : memref<2560x125xi32, #tpu.memory_space<hbm>> -> memref<16x125xi32, #tpu.memory_space<hbm>>
        %dma_start3A_621 = arith.constant 0 : i32
        %dma_start3A_622 = arith.constant 0 : i32
        %dma_start3A_623 = tpu.memref_slice %arg8[%select_n3A_614, %dma_start3A_621, %dma_start3A_622] : memref<2x16x125xi32, #tpu.memory_space<vmem>> -> memref<1x16x125xi32, #tpu.memory_space<vmem>>
        %dma_start3A_624 = tpu.memref_squeeze %dma_start3A_623 : memref<1x16x125xi32, #tpu.memory_space<vmem>> -> memref<16x125xi32, #tpu.memory_space<vmem>>
        %dma_start3A_625 = arith.constant 0 : i32
        %dma_start3A_626 = tpu.memref_slice %arg3[%add3A_598, %dma_start3A_625] : memref<2560x125xi32, #tpu.memory_space<hbm>> -> memref<16x125xi32, #tpu.memory_space<hbm>>
        tpu.enqueue_dma source(%dma_start3A_626 : memref<16x125xi32, #tpu.memory_space<hbm>>) target(%dma_start3A_624 : memref<16x125xi32, #tpu.memory_space<vmem>>) target_semaphore(%arg17 : memref<!tpu.dma_semaphore, #tpu.memory_space<semaphore_mem>>)
        %jit3A_627 = arith.constant 3 : i32
        %eq3A_628 = arith.constant 0 : i32
        %eq3A_629 = arith.cmpi eq, %jit3A_627, %eq3A_628 : i32
        %jit3A_630 = arith.constant 1 : i32
        %select_n3A_631 = arith.select %eq3A_629, %jit3A_630, %jit3A_627 : i32
        %rem3A_632 = arith.remsi %add3A_595, %select_n3A_631 : i32
        %ne3A_633 = arith.constant 0 : i32
        %ne3A_634 = arith.cmpi ne, %rem3A_632, %ne3A_633 : i32
        %lt3A_635 = arith.constant 0 : i32
        %lt3A_636 = arith.cmpi slt, %rem3A_632, %lt3A_635 : i32
        %lt3A_637 = arith.constant 0 : i32
        %lt3A_638 = arith.cmpi slt, %select_n3A_631, %lt3A_637 : i32
        %ne3A_639 = arith.xori %lt3A_636, %lt3A_638 : i1
        %and3A_640 = arith.andi %ne3A_639, %ne3A_634 : i1
        %add3A_641 = arith.addi %rem3A_632, %select_n3A_631 : i32
        %select_n3A_642 = arith.select %and3A_640, %add3A_641, %rem3A_632 : i32
        %dma_start3A_643 = arith.constant 0 : i32
        %dma_start3A_644 = arith.constant 0 : i32
        %dma_start3A_645 = tpu.memref_slice %arg9[%select_n3A_642, %dma_start3A_643, %dma_start3A_644] : memref<3x16x125xi32, #tpu.memory_space<vmem>> -> memref<1x16x125xi32, #tpu.memory_space<vmem>>
        %dma_start3A_646 = tpu.memref_squeeze %dma_start3A_645 : memref<1x16x125xi32, #tpu.memory_space<vmem>> -> memref<16x125xi32, #tpu.memory_space<vmem>>
        %dma_start3A_647 = arith.constant 0 : i32
        %dma_start3A_648 = tpu.memref_slice %arg4[%add3A_598, %dma_start3A_647] : memref<2560x125xi32, #tpu.memory_space<hbm>> -> memref<16x125xi32, #tpu.memory_space<hbm>>
        %dma_start3A_649 = arith.constant 0 : i32
        %dma_start3A_650 = arith.constant 0 : i32
        %dma_start3A_651 = tpu.memref_slice %arg9[%select_n3A_642, %dma_start3A_649, %dma_start3A_650] : memref<3x16x125xi32, #tpu.memory_space<vmem>> -> memref<1x16x125xi32, #tpu.memory_space<vmem>>
        %dma_start3A_652 = tpu.memref_squeeze %dma_start3A_651 : memref<1x16x125xi32, #tpu.memory_space<vmem>> -> memref<16x125xi32, #tpu.memory_space<vmem>>
        %dma_start3A_653 = arith.constant 0 : i32
        %dma_start3A_654 = tpu.memref_slice %arg4[%add3A_598, %dma_start3A_653] : memref<2560x125xi32, #tpu.memory_space<hbm>> -> memref<16x125xi32, #tpu.memory_space<hbm>>
        tpu.enqueue_dma source(%dma_start3A_654 : memref<16x125xi32, #tpu.memory_space<hbm>>) target(%dma_start3A_652 : memref<16x125xi32, #tpu.memory_space<vmem>>) target_semaphore(%arg18 : memref<!tpu.dma_semaphore, #tpu.memory_space<semaphore_mem>>)
      } else {
      }
      %gt3A = arith.constant 0 : i32
      %gt3A_151 = arith.cmpi sgt, %scan3A_60, %gt3A : i32
      %convert_element_type3A_152 = arith.extui %gt3A_151 : i1 to i32
      %cond3A_153 = arith.constant 0 : i32
      %cond3A_154 = arith.cmpi ne, %convert_element_type3A_152, %cond3A_153 : i32
      scf.if %cond3A_154 {
        %add3A_594 = arith.constant 2 : i32
        %add3A_595 = arith.addi %scan3A_60, %add3A_594 : i32
        %jit3A_596 = arith.constant 3 : i32
        %eq3A_597 = arith.constant 0 : i32
        %eq3A_598 = arith.cmpi eq, %jit3A_596, %eq3A_597 : i32
        %jit3A_599 = arith.constant 1 : i32
        %select_n3A_600 = arith.select %eq3A_598, %jit3A_599, %jit3A_596 : i32
        %rem3A_601 = arith.remsi %add3A_595, %select_n3A_600 : i32
        %ne3A_602 = arith.constant 0 : i32
        %ne3A_603 = arith.cmpi ne, %rem3A_601, %ne3A_602 : i32
        %lt3A_604 = arith.constant 0 : i32
        %lt3A_605 = arith.cmpi slt, %rem3A_601, %lt3A_604 : i32
        %lt3A_606 = arith.constant 0 : i32
        %lt3A_607 = arith.cmpi slt, %select_n3A_600, %lt3A_606 : i32
        %ne3A_608 = arith.xori %lt3A_605, %lt3A_607 : i1
        %and3A_609 = arith.andi %ne3A_608, %ne3A_603 : i1
        %add3A_610 = arith.addi %rem3A_601, %select_n3A_600 : i32
        %select_n3A_611 = arith.select %and3A_609, %add3A_610, %rem3A_601 : i32
        %dma_wait3A_612 = arith.constant 14 : i32
        %dma_wait3A_613 = arith.constant 0 : i32
        %dma_wait3A_614 = tpu.memref_slice %arg9[%select_n3A_611, %dma_wait3A_612, %dma_wait3A_613] : memref<3x16x125xi32, #tpu.memory_space<vmem>> -> memref<1x1x125xi32, #tpu.memory_space<vmem>>
        %dma_wait3A_615 = tpu.memref_squeeze %dma_wait3A_614 : memref<1x1x125xi32, #tpu.memory_space<vmem>> -> memref<125xi32, #tpu.memory_space<vmem>>
        %dma_wait3A_616 = arith.constant 0 : i32
        %dma_wait3A_617 = arith.constant 0 : i32
        %dma_wait3A_618 = tpu.memref_slice %arg12[%dma_wait3A_616, %dma_wait3A_617] : memref<10240x128xf32, #tpu.memory_space<vmem_shared>> -> memref<10240x128xf32, #tpu.memory_space<vmem_shared>>
        tpu.wait_indirect_dma semaphore(%arg15 : memref<!tpu.dma_semaphore, #tpu.memory_space<semaphore_mem>>) src(%arg10 : memref<125x128xf32, #tpu.memory_space<vmem>>) dst(%dma_wait3A_618 : memref<10240x128xf32, #tpu.memory_space<vmem_shared>>)
      } else {
      }
      %dma_start3A_155 = arith.constant 0 : i32
      %dma_start3A_156 = arith.constant 0 : i32
      %dma_start3A_157 = tpu.memref_slice %arg8[%select_n3A_70, %dma_start3A_155, %dma_start3A_156] : memref<2x16x125xi32, #tpu.memory_space<vmem>> -> memref<1x1x125xi32, #tpu.memory_space<vmem>>
      %dma_start3A_158 = tpu.memref_squeeze %dma_start3A_157 : memref<1x1x125xi32, #tpu.memory_space<vmem>> -> memref<125xi32, #tpu.memory_space<vmem>>
      %dma_start3A_159 = arith.constant 0 : i32
      %dma_start3A_160 = arith.constant 0 : i32
      %dma_start3A_161 = tpu.memref_slice %arg2[%dma_start3A_159, %dma_start3A_160] : memref<10240x128xf32, #tpu.memory_space<hbm>> -> memref<10240x128xf32, #tpu.memory_space<hbm>>
      tpu.enqueue_indirect_dma source(%dma_start3A_161 : memref<10240x128xf32, #tpu.memory_space<hbm>>) target(%arg10 : memref<125x128xf32, #tpu.memory_space<vmem>>) offsets(%dma_start3A_158 : memref<125xi32, #tpu.memory_space<vmem>>) semaphore(%arg13 : memref<!tpu.dma_semaphore, #tpu.memory_space<semaphore_mem>>)
      %gt3A_162 = arith.constant 0 : i32
      %gt3A_163 = arith.cmpi sgt, %scan3A_60, %gt3A_162 : i32
      %convert_element_type3A_164 = arith.extui %gt3A_163 : i1 to i32
      %cond3A_165 = arith.constant 0 : i32
      %cond3A_166 = arith.cmpi ne, %convert_element_type3A_164, %cond3A_165 : i32
      scf.if %cond3A_166 {
        %add3A_594 = arith.constant 2 : i32
        %add3A_595 = arith.addi %scan3A_60, %add3A_594 : i32
        %jit3A_596 = arith.constant 3 : i32
        %eq3A_597 = arith.constant 0 : i32
        %eq3A_598 = arith.cmpi eq, %jit3A_596, %eq3A_597 : i32
        %jit3A_599 = arith.constant 1 : i32
        %select_n3A_600 = arith.select %eq3A_598, %jit3A_599, %jit3A_596 : i32
        %rem3A_601 = arith.remsi %add3A_595, %select_n3A_600 : i32
        %ne3A_602 = arith.constant 0 : i32
        %ne3A_603 = arith.cmpi ne, %rem3A_601, %ne3A_602 : i32
        %lt3A_604 = arith.constant 0 : i32
        %lt3A_605 = arith.cmpi slt, %rem3A_601, %lt3A_604 : i32
        %lt3A_606 = arith.constant 0 : i32
        %lt3A_607 = arith.cmpi slt, %select_n3A_600, %lt3A_606 : i32
        %ne3A_608 = arith.xori %lt3A_605, %lt3A_607 : i1
        %and3A_609 = arith.andi %ne3A_608, %ne3A_603 : i1
        %add3A_610 = arith.addi %rem3A_601, %select_n3A_600 : i32
        %select_n3A_611 = arith.select %and3A_609, %add3A_610, %rem3A_601 : i32
        %dma_wait3A_612 = arith.constant 15 : i32
        %dma_wait3A_613 = arith.constant 0 : i32
        %dma_wait3A_614 = tpu.memref_slice %arg9[%select_n3A_611, %dma_wait3A_612, %dma_wait3A_613] : memref<3x16x125xi32, #tpu.memory_space<vmem>> -> memref<1x1x125xi32, #tpu.memory_space<vmem>>
        %dma_wait3A_615 = tpu.memref_squeeze %dma_wait3A_614 : memref<1x1x125xi32, #tpu.memory_space<vmem>> -> memref<125xi32, #tpu.memory_space<vmem>>
        %dma_wait3A_616 = arith.constant 0 : i32
        %dma_wait3A_617 = arith.constant 0 : i32
        %dma_wait3A_618 = tpu.memref_slice %arg12[%dma_wait3A_616, %dma_wait3A_617] : memref<10240x128xf32, #tpu.memory_space<vmem_shared>> -> memref<10240x128xf32, #tpu.memory_space<vmem_shared>>
        tpu.wait_indirect_dma semaphore(%arg16 : memref<!tpu.dma_semaphore, #tpu.memory_space<semaphore_mem>>) src(%arg11 : memref<125x128xf32, #tpu.memory_space<vmem>>) dst(%dma_wait3A_618 : memref<10240x128xf32, #tpu.memory_space<vmem_shared>>)
      } else {
      }
      %dma_start3A_167 = arith.constant 1 : i32
      %dma_start3A_168 = arith.constant 0 : i32
      %dma_start3A_169 = tpu.memref_slice %arg8[%select_n3A_70, %dma_start3A_167, %dma_start3A_168] : memref<2x16x125xi32, #tpu.memory_space<vmem>> -> memref<1x1x125xi32, #tpu.memory_space<vmem>>
      %dma_start3A_170 = tpu.memref_squeeze %dma_start3A_169 : memref<1x1x125xi32, #tpu.memory_space<vmem>> -> memref<125xi32, #tpu.memory_space<vmem>>
      %dma_start3A_171 = arith.constant 0 : i32
      %dma_start3A_172 = arith.constant 0 : i32
      %dma_start3A_173 = tpu.memref_slice %arg2[%dma_start3A_171, %dma_start3A_172] : memref<10240x128xf32, #tpu.memory_space<hbm>> -> memref<10240x128xf32, #tpu.memory_space<hbm>>
      tpu.enqueue_indirect_dma source(%dma_start3A_173 : memref<10240x128xf32, #tpu.memory_space<hbm>>) target(%arg11 : memref<125x128xf32, #tpu.memory_space<vmem>>) offsets(%dma_start3A_170 : memref<125xi32, #tpu.memory_space<vmem>>) semaphore(%arg14 : memref<!tpu.dma_semaphore, #tpu.memory_space<semaphore_mem>>)
      %dma_wait3A_174 = arith.constant 0 : i32
      %dma_wait3A_175 = arith.constant 0 : i32
      %dma_wait3A_176 = tpu.memref_slice %arg8[%select_n3A_70, %dma_wait3A_174, %dma_wait3A_175] : memref<2x16x125xi32, #tpu.memory_space<vmem>> -> memref<1x1x125xi32, #tpu.memory_space<vmem>>
      %dma_wait3A_177 = tpu.memref_squeeze %dma_wait3A_176 : memref<1x1x125xi32, #tpu.memory_space<vmem>> -> memref<125xi32, #tpu.memory_space<vmem>>
      %dma_wait3A_178 = arith.constant 0 : i32
      %dma_wait3A_179 = arith.constant 0 : i32
      %dma_wait3A_180 = tpu.memref_slice %arg2[%dma_wait3A_178, %dma_wait3A_179] : memref<10240x128xf32, #tpu.memory_space<hbm>> -> memref<10240x128xf32, #tpu.memory_space<hbm>>
      tpu.wait_indirect_dma semaphore(%arg13 : memref<!tpu.dma_semaphore, #tpu.memory_space<semaphore_mem>>) src(%dma_wait3A_180 : memref<10240x128xf32, #tpu.memory_space<hbm>>) dst(%arg10 : memref<125x128xf32, #tpu.memory_space<vmem>>)
      %dma_start3A_181 = arith.constant 0 : i32
      %dma_start3A_182 = arith.constant 0 : i32
      %dma_start3A_183 = tpu.memref_slice %arg9[%select_n3A_86, %dma_start3A_181, %dma_start3A_182] : memref<3x16x125xi32, #tpu.memory_space<vmem>> -> memref<1x1x125xi32, #tpu.memory_space<vmem>>
      %dma_start3A_184 = tpu.memref_squeeze %dma_start3A_183 : memref<1x1x125xi32, #tpu.memory_space<vmem>> -> memref<125xi32, #tpu.memory_space<vmem>>
      %dma_start3A_185 = arith.constant 0 : i32
      %dma_start3A_186 = arith.constant 0 : i32
      %dma_start3A_187 = tpu.memref_slice %arg12[%dma_start3A_185, %dma_start3A_186] : memref<10240x128xf32, #tpu.memory_space<vmem_shared>> -> memref<10240x128xf32, #tpu.memory_space<vmem_shared>>
      tpu.enqueue_indirect_dma source(%arg10 : memref<125x128xf32, #tpu.memory_space<vmem>>) target(%dma_start3A_187 : memref<10240x128xf32, #tpu.memory_space<vmem_shared>>) offsets(%dma_start3A_184 : memref<125xi32, #tpu.memory_space<vmem>>) semaphore(%arg15 : memref<!tpu.dma_semaphore, #tpu.memory_space<semaphore_mem>>) {add = true}
      %dma_wait3A_188 = arith.constant 0 : i32
      %dma_wait3A_189 = arith.constant 0 : i32
      %dma_wait3A_190 = tpu.memref_slice %arg9[%select_n3A_86, %dma_wait3A_188, %dma_wait3A_189] : memref<3x16x125xi32, #tpu.memory_space<vmem>> -> memref<1x1x125xi32, #tpu.memory_space<vmem>>
      %dma_wait3A_191 = tpu.memref_squeeze %dma_wait3A_190 : memref<1x1x125xi32, #tpu.memory_space<vmem>> -> memref<125xi32, #tpu.memory_space<vmem>>
      %dma_wait3A_192 = arith.constant 0 : i32
      %dma_wait3A_193 = arith.constant 0 : i32
      %dma_wait3A_194 = tpu.memref_slice %arg12[%dma_wait3A_192, %dma_wait3A_193] : memref<10240x128xf32, #tpu.memory_space<vmem_shared>> -> memref<10240x128xf32, #tpu.memory_space<vmem_shared>>
      tpu.wait_indirect_dma semaphore(%arg15 : memref<!tpu.dma_semaphore, #tpu.memory_space<semaphore_mem>>) src(%arg10 : memref<125x128xf32, #tpu.memory_space<vmem>>) dst(%dma_wait3A_194 : memref<10240x128xf32, #tpu.memory_space<vmem_shared>>)
      %dma_start3A_195 = arith.constant 2 : i32
      %dma_start3A_196 = arith.constant 0 : i32
      %dma_start3A_197 = tpu.memref_slice %arg8[%select_n3A_70, %dma_start3A_195, %dma_start3A_196] : memref<2x16x125xi32, #tpu.memory_space<vmem>> -> memref<1x1x125xi32, #tpu.memory_space<vmem>>
      %dma_start3A_198 = tpu.memref_squeeze %dma_start3A_197 : memref<1x1x125xi32, #tpu.memory_space<vmem>> -> memref<125xi32, #tpu.memory_space<vmem>>
      %dma_start3A_199 = arith.constant 0 : i32
      %dma_start3A_200 = arith.constant 0 : i32
      %dma_start3A_201 = tpu.memref_slice %arg2[%dma_start3A_199, %dma_start3A_200] : memref<10240x128xf32, #tpu.memory_space<hbm>> -> memref<10240x128xf32, #tpu.memory_space<hbm>>
      tpu.enqueue_indirect_dma source(%dma_start3A_201 : memref<10240x128xf32, #tpu.memory_space<hbm>>) target(%arg10 : memref<125x128xf32, #tpu.memory_space<vmem>>) offsets(%dma_start3A_198 : memref<125xi32, #tpu.memory_space<vmem>>) semaphore(%arg13 : memref<!tpu.dma_semaphore, #tpu.memory_space<semaphore_mem>>)
      %dma_wait3A_202 = arith.constant 1 : i32
      %dma_wait3A_203 = arith.constant 0 : i32
      %dma_wait3A_204 = tpu.memref_slice %arg8[%select_n3A_70, %dma_wait3A_202, %dma_wait3A_203] : memref<2x16x125xi32, #tpu.memory_space<vmem>> -> memref<1x1x125xi32, #tpu.memory_space<vmem>>
      %dma_wait3A_205 = tpu.memref_squeeze %dma_wait3A_204 : memref<1x1x125xi32, #tpu.memory_space<vmem>> -> memref<125xi32, #tpu.memory_space<vmem>>
      %dma_wait3A_206 = arith.constant 0 : i32
      %dma_wait3A_207 = arith.constant 0 : i32
      %dma_wait3A_208 = tpu.memref_slice %arg2[%dma_wait3A_206, %dma_wait3A_207] : memref<10240x128xf32, #tpu.memory_space<hbm>> -> memref<10240x128xf32, #tpu.memory_space<hbm>>
      tpu.wait_indirect_dma semaphore(%arg14 : memref<!tpu.dma_semaphore, #tpu.memory_space<semaphore_mem>>) src(%dma_wait3A_208 : memref<10240x128xf32, #tpu.memory_space<hbm>>) dst(%arg11 : memref<125x128xf32, #tpu.memory_space<vmem>>)
      %dma_start3A_209 = arith.constant 1 : i32
      %dma_start3A_210 = arith.constant 0 : i32
      %dma_start3A_211 = tpu.memref_slice %arg9[%select_n3A_86, %dma_start3A_209, %dma_start3A_210] : memref<3x16x125xi32, #tpu.memory_space<vmem>> -> memref<1x1x125xi32, #tpu.memory_space<vmem>>
      %dma_start3A_212 = tpu.memref_squeeze %dma_start3A_211 : memref<1x1x125xi32, #tpu.memory_space<vmem>> -> memref<125xi32, #tpu.memory_space<vmem>>
      %dma_start3A_213 = arith.constant 0 : i32
      %dma_start3A_214 = arith.constant 0 : i32
      %dma_start3A_215 = tpu.memref_slice %arg12[%dma_start3A_213, %dma_start3A_214] : memref<10240x128xf32, #tpu.memory_space<vmem_shared>> -> memref<10240x128xf32, #tpu.memory_space<vmem_shared>>
      tpu.enqueue_indirect_dma source(%arg11 : memref<125x128xf32, #tpu.memory_space<vmem>>) target(%dma_start3A_215 : memref<10240x128xf32, #tpu.memory_space<vmem_shared>>) offsets(%dma_start3A_212 : memref<125xi32, #tpu.memory_space<vmem>>) semaphore(%arg16 : memref<!tpu.dma_semaphore, #tpu.memory_space<semaphore_mem>>) {add = true}
      %dma_wait3A_216 = arith.constant 1 : i32
      %dma_wait3A_217 = arith.constant 0 : i32
      %dma_wait3A_218 = tpu.memref_slice %arg9[%select_n3A_86, %dma_wait3A_216, %dma_wait3A_217] : memref<3x16x125xi32, #tpu.memory_space<vmem>> -> memref<1x1x125xi32, #tpu.memory_space<vmem>>
      %dma_wait3A_219 = tpu.memref_squeeze %dma_wait3A_218 : memref<1x1x125xi32, #tpu.memory_space<vmem>> -> memref<125xi32, #tpu.memory_space<vmem>>
      %dma_wait3A_220 = arith.constant 0 : i32
      %dma_wait3A_221 = arith.constant 0 : i32
      %dma_wait3A_222 = tpu.memref_slice %arg12[%dma_wait3A_220, %dma_wait3A_221] : memref<10240x128xf32, #tpu.memory_space<vmem_shared>> -> memref<10240x128xf32, #tpu.memory_space<vmem_shared>>
      tpu.wait_indirect_dma semaphore(%arg16 : memref<!tpu.dma_semaphore, #tpu.memory_space<semaphore_mem>>) src(%arg11 : memref<125x128xf32, #tpu.memory_space<vmem>>) dst(%dma_wait3A_222 : memref<10240x128xf32, #tpu.memory_space<vmem_shared>>)
      %dma_start3A_223 = arith.constant 3 : i32
      %dma_start3A_224 = arith.constant 0 : i32
      %dma_start3A_225 = tpu.memref_slice %arg8[%select_n3A_70, %dma_start3A_223, %dma_start3A_224] : memref<2x16x125xi32, #tpu.memory_space<vmem>> -> memref<1x1x125xi32, #tpu.memory_space<vmem>>
      %dma_start3A_226 = tpu.memref_squeeze %dma_start3A_225 : memref<1x1x125xi32, #tpu.memory_space<vmem>> -> memref<125xi32, #tpu.memory_space<vmem>>
      %dma_start3A_227 = arith.constant 0 : i32
      %dma_start3A_228 = arith.constant 0 : i32
      %dma_start3A_229 = tpu.memref_slice %arg2[%dma_start3A_227, %dma_start3A_228] : memref<10240x128xf32, #tpu.memory_space<hbm>> -> memref<10240x128xf32, #tpu.memory_space<hbm>>
      tpu.enqueue_indirect_dma source(%dma_start3A_229 : memref<10240x128xf32, #tpu.memory_space<hbm>>) target(%arg11 : memref<125x128xf32, #tpu.memory_space<vmem>>) offsets(%dma_start3A_226 : memref<125xi32, #tpu.memory_space<vmem>>) semaphore(%arg14 : memref<!tpu.dma_semaphore, #tpu.memory_space<semaphore_mem>>)
      %dma_wait3A_230 = arith.constant 2 : i32
      %dma_wait3A_231 = arith.constant 0 : i32
      %dma_wait3A_232 = tpu.memref_slice %arg8[%select_n3A_70, %dma_wait3A_230, %dma_wait3A_231] : memref<2x16x125xi32, #tpu.memory_space<vmem>> -> memref<1x1x125xi32, #tpu.memory_space<vmem>>
      %dma_wait3A_233 = tpu.memref_squeeze %dma_wait3A_232 : memref<1x1x125xi32, #tpu.memory_space<vmem>> -> memref<125xi32, #tpu.memory_space<vmem>>
      %dma_wait3A_234 = arith.constant 0 : i32
      %dma_wait3A_235 = arith.constant 0 : i32
      %dma_wait3A_236 = tpu.memref_slice %arg2[%dma_wait3A_234, %dma_wait3A_235] : memref<10240x128xf32, #tpu.memory_space<hbm>> -> memref<10240x128xf32, #tpu.memory_space<hbm>>
      tpu.wait_indirect_dma semaphore(%arg13 : memref<!tpu.dma_semaphore, #tpu.memory_space<semaphore_mem>>) src(%dma_wait3A_236 : memref<10240x128xf32, #tpu.memory_space<hbm>>) dst(%arg10 : memref<125x128xf32, #tpu.memory_space<vmem>>)
      %dma_start3A_237 = arith.constant 2 : i32
      %dma_start3A_238 = arith.constant 0 : i32
      %dma_start3A_239 = tpu.memref_slice %arg9[%select_n3A_86, %dma_start3A_237, %dma_start3A_238] : memref<3x16x125xi32, #tpu.memory_space<vmem>> -> memref<1x1x125xi32, #tpu.memory_space<vmem>>
      %dma_start3A_240 = tpu.memref_squeeze %dma_start3A_239 : memref<1x1x125xi32, #tpu.memory_space<vmem>> -> memref<125xi32, #tpu.memory_space<vmem>>
      %dma_start3A_241 = arith.constant 0 : i32
      %dma_start3A_242 = arith.constant 0 : i32
      %dma_start3A_243 = tpu.memref_slice %arg12[%dma_start3A_241, %dma_start3A_242] : memref<10240x128xf32, #tpu.memory_space<vmem_shared>> -> memref<10240x128xf32, #tpu.memory_space<vmem_shared>>
      tpu.enqueue_indirect_dma source(%arg10 : memref<125x128xf32, #tpu.memory_space<vmem>>) target(%dma_start3A_243 : memref<10240x128xf32, #tpu.memory_space<vmem_shared>>) offsets(%dma_start3A_240 : memref<125xi32, #tpu.memory_space<vmem>>) semaphore(%arg15 : memref<!tpu.dma_semaphore, #tpu.memory_space<semaphore_mem>>) {add = true}
      %dma_wait3A_244 = arith.constant 2 : i32
      %dma_wait3A_245 = arith.constant 0 : i32
      %dma_wait3A_246 = tpu.memref_slice %arg9[%select_n3A_86, %dma_wait3A_244, %dma_wait3A_245] : memref<3x16x125xi32, #tpu.memory_space<vmem>> -> memref<1x1x125xi32, #tpu.memory_space<vmem>>
      %dma_wait3A_247 = tpu.memref_squeeze %dma_wait3A_246 : memref<1x1x125xi32, #tpu.memory_space<vmem>> -> memref<125xi32, #tpu.memory_space<vmem>>
      %dma_wait3A_248 = arith.constant 0 : i32
      %dma_wait3A_249 = arith.constant 0 : i32
      %dma_wait3A_250 = tpu.memref_slice %arg12[%dma_wait3A_248, %dma_wait3A_249] : memref<10240x128xf32, #tpu.memory_space<vmem_shared>> -> memref<10240x128xf32, #tpu.memory_space<vmem_shared>>
      tpu.wait_indirect_dma semaphore(%arg15 : memref<!tpu.dma_semaphore, #tpu.memory_space<semaphore_mem>>) src(%arg10 : memref<125x128xf32, #tpu.memory_space<vmem>>) dst(%dma_wait3A_250 : memref<10240x128xf32, #tpu.memory_space<vmem_shared>>)
      %dma_start3A_251 = arith.constant 4 : i32
      %dma_start3A_252 = arith.constant 0 : i32
      %dma_start3A_253 = tpu.memref_slice %arg8[%select_n3A_70, %dma_start3A_251, %dma_start3A_252] : memref<2x16x125xi32, #tpu.memory_space<vmem>> -> memref<1x1x125xi32, #tpu.memory_space<vmem>>
      %dma_start3A_254 = tpu.memref_squeeze %dma_start3A_253 : memref<1x1x125xi32, #tpu.memory_space<vmem>> -> memref<125xi32, #tpu.memory_space<vmem>>
      %dma_start3A_255 = arith.constant 0 : i32
      %dma_start3A_256 = arith.constant 0 : i32
      %dma_start3A_257 = tpu.memref_slice %arg2[%dma_start3A_255, %dma_start3A_256] : memref<10240x128xf32, #tpu.memory_space<hbm>> -> memref<10240x128xf32, #tpu.memory_space<hbm>>
      tpu.enqueue_indirect_dma source(%dma_start3A_257 : memref<10240x128xf32, #tpu.memory_space<hbm>>) target(%arg10 : memref<125x128xf32, #tpu.memory_space<vmem>>) offsets(%dma_start3A_254 : memref<125xi32, #tpu.memory_space<vmem>>) semaphore(%arg13 : memref<!tpu.dma_semaphore, #tpu.memory_space<semaphore_mem>>)
      %dma_wait3A_258 = arith.constant 3 : i32
      %dma_wait3A_259 = arith.constant 0 : i32
      %dma_wait3A_260 = tpu.memref_slice %arg8[%select_n3A_70, %dma_wait3A_258, %dma_wait3A_259] : memref<2x16x125xi32, #tpu.memory_space<vmem>> -> memref<1x1x125xi32, #tpu.memory_space<vmem>>
      %dma_wait3A_261 = tpu.memref_squeeze %dma_wait3A_260 : memref<1x1x125xi32, #tpu.memory_space<vmem>> -> memref<125xi32, #tpu.memory_space<vmem>>
      %dma_wait3A_262 = arith.constant 0 : i32
      %dma_wait3A_263 = arith.constant 0 : i32
      %dma_wait3A_264 = tpu.memref_slice %arg2[%dma_wait3A_262, %dma_wait3A_263] : memref<10240x128xf32, #tpu.memory_space<hbm>> -> memref<10240x128xf32, #tpu.memory_space<hbm>>
      tpu.wait_indirect_dma semaphore(%arg14 : memref<!tpu.dma_semaphore, #tpu.memory_space<semaphore_mem>>) src(%dma_wait3A_264 : memref<10240x128xf32, #tpu.memory_space<hbm>>) dst(%arg11 : memref<125x128xf32, #tpu.memory_space<vmem>>)
      %dma_start3A_265 = arith.constant 3 : i32
      %dma_start3A_266 = arith.constant 0 : i32
      %dma_start3A_267 = tpu.memref_slice %arg9[%select_n3A_86, %dma_start3A_265, %dma_start3A_266] : memref<3x16x125xi32, #tpu.memory_space<vmem>> -> memref<1x1x125xi32, #tpu.memory_space<vmem>>
      %dma_start3A_268 = tpu.memref_squeeze %dma_start3A_267 : memref<1x1x125xi32, #tpu.memory_space<vmem>> -> memref<125xi32, #tpu.memory_space<vmem>>
      %dma_start3A_269 = arith.constant 0 : i32
      %dma_start3A_270 = arith.constant 0 : i32
      %dma_start3A_271 = tpu.memref_slice %arg12[%dma_start3A_269, %dma_start3A_270] : memref<10240x128xf32, #tpu.memory_space<vmem_shared>> -> memref<10240x128xf32, #tpu.memory_space<vmem_shared>>
      tpu.enqueue_indirect_dma source(%arg11 : memref<125x128xf32, #tpu.memory_space<vmem>>) target(%dma_start3A_271 : memref<10240x128xf32, #tpu.memory_space<vmem_shared>>) offsets(%dma_start3A_268 : memref<125xi32, #tpu.memory_space<vmem>>) semaphore(%arg16 : memref<!tpu.dma_semaphore, #tpu.memory_space<semaphore_mem>>) {add = true}
      %dma_wait3A_272 = arith.constant 3 : i32
      %dma_wait3A_273 = arith.constant 0 : i32
      %dma_wait3A_274 = tpu.memref_slice %arg9[%select_n3A_86, %dma_wait3A_272, %dma_wait3A_273] : memref<3x16x125xi32, #tpu.memory_space<vmem>> -> memref<1x1x125xi32, #tpu.memory_space<vmem>>
      %dma_wait3A_275 = tpu.memref_squeeze %dma_wait3A_274 : memref<1x1x125xi32, #tpu.memory_space<vmem>> -> memref<125xi32, #tpu.memory_space<vmem>>
      %dma_wait3A_276 = arith.constant 0 : i32
      %dma_wait3A_277 = arith.constant 0 : i32
      %dma_wait3A_278 = tpu.memref_slice %arg12[%dma_wait3A_276, %dma_wait3A_277] : memref<10240x128xf32, #tpu.memory_space<vmem_shared>> -> memref<10240x128xf32, #tpu.memory_space<vmem_shared>>
      tpu.wait_indirect_dma semaphore(%arg16 : memref<!tpu.dma_semaphore, #tpu.memory_space<semaphore_mem>>) src(%arg11 : memref<125x128xf32, #tpu.memory_space<vmem>>) dst(%dma_wait3A_278 : memref<10240x128xf32, #tpu.memory_space<vmem_shared>>)
      %dma_start3A_279 = arith.constant 5 : i32
      %dma_start3A_280 = arith.constant 0 : i32
      %dma_start3A_281 = tpu.memref_slice %arg8[%select_n3A_70, %dma_start3A_279, %dma_start3A_280] : memref<2x16x125xi32, #tpu.memory_space<vmem>> -> memref<1x1x125xi32, #tpu.memory_space<vmem>>
      %dma_start3A_282 = tpu.memref_squeeze %dma_start3A_281 : memref<1x1x125xi32, #tpu.memory_space<vmem>> -> memref<125xi32, #tpu.memory_space<vmem>>
      %dma_start3A_283 = arith.constant 0 : i32
      %dma_start3A_284 = arith.constant 0 : i32
      %dma_start3A_285 = tpu.memref_slice %arg2[%dma_start3A_283, %dma_start3A_284] : memref<10240x128xf32, #tpu.memory_space<hbm>> -> memref<10240x128xf32, #tpu.memory_space<hbm>>
      tpu.enqueue_indirect_dma source(%dma_start3A_285 : memref<10240x128xf32, #tpu.memory_space<hbm>>) target(%arg11 : memref<125x128xf32, #tpu.memory_space<vmem>>) offsets(%dma_start3A_282 : memref<125xi32, #tpu.memory_space<vmem>>) semaphore(%arg14 : memref<!tpu.dma_semaphore, #tpu.memory_space<semaphore_mem>>)
      %dma_wait3A_286 = arith.constant 4 : i32
      %dma_wait3A_287 = arith.constant 0 : i32
      %dma_wait3A_288 = tpu.memref_slice %arg8[%select_n3A_70, %dma_wait3A_286, %dma_wait3A_287] : memref<2x16x125xi32, #tpu.memory_space<vmem>> -> memref<1x1x125xi32, #tpu.memory_space<vmem>>
      %dma_wait3A_289 = tpu.memref_squeeze %dma_wait3A_288 : memref<1x1x125xi32, #tpu.memory_space<vmem>> -> memref<125xi32, #tpu.memory_space<vmem>>
      %dma_wait3A_290 = arith.constant 0 : i32
      %dma_wait3A_291 = arith.constant 0 : i32
      %dma_wait3A_292 = tpu.memref_slice %arg2[%dma_wait3A_290, %dma_wait3A_291] : memref<10240x128xf32, #tpu.memory_space<hbm>> -> memref<10240x128xf32, #tpu.memory_space<hbm>>
      tpu.wait_indirect_dma semaphore(%arg13 : memref<!tpu.dma_semaphore, #tpu.memory_space<semaphore_mem>>) src(%dma_wait3A_292 : memref<10240x128xf32, #tpu.memory_space<hbm>>) dst(%arg10 : memref<125x128xf32, #tpu.memory_space<vmem>>)
      %dma_start3A_293 = arith.constant 4 : i32
      %dma_start3A_294 = arith.constant 0 : i32
      %dma_start3A_295 = tpu.memref_slice %arg9[%select_n3A_86, %dma_start3A_293, %dma_start3A_294] : memref<3x16x125xi32, #tpu.memory_space<vmem>> -> memref<1x1x125xi32, #tpu.memory_space<vmem>>
      %dma_start3A_296 = tpu.memref_squeeze %dma_start3A_295 : memref<1x1x125xi32, #tpu.memory_space<vmem>> -> memref<125xi32, #tpu.memory_space<vmem>>
      %dma_start3A_297 = arith.constant 0 : i32
      %dma_start3A_298 = arith.constant 0 : i32
      %dma_start3A_299 = tpu.memref_slice %arg12[%dma_start3A_297, %dma_start3A_298] : memref<10240x128xf32, #tpu.memory_space<vmem_shared>> -> memref<10240x128xf32, #tpu.memory_space<vmem_shared>>
      tpu.enqueue_indirect_dma source(%arg10 : memref<125x128xf32, #tpu.memory_space<vmem>>) target(%dma_start3A_299 : memref<10240x128xf32, #tpu.memory_space<vmem_shared>>) offsets(%dma_start3A_296 : memref<125xi32, #tpu.memory_space<vmem>>) semaphore(%arg15 : memref<!tpu.dma_semaphore, #tpu.memory_space<semaphore_mem>>) {add = true}
      %dma_wait3A_300 = arith.constant 4 : i32
      %dma_wait3A_301 = arith.constant 0 : i32
      %dma_wait3A_302 = tpu.memref_slice %arg9[%select_n3A_86, %dma_wait3A_300, %dma_wait3A_301] : memref<3x16x125xi32, #tpu.memory_space<vmem>> -> memref<1x1x125xi32, #tpu.memory_space<vmem>>
      %dma_wait3A_303 = tpu.memref_squeeze %dma_wait3A_302 : memref<1x1x125xi32, #tpu.memory_space<vmem>> -> memref<125xi32, #tpu.memory_space<vmem>>
      %dma_wait3A_304 = arith.constant 0 : i32
      %dma_wait3A_305 = arith.constant 0 : i32
      %dma_wait3A_306 = tpu.memref_slice %arg12[%dma_wait3A_304, %dma_wait3A_305] : memref<10240x128xf32, #tpu.memory_space<vmem_shared>> -> memref<10240x128xf32, #tpu.memory_space<vmem_shared>>
      tpu.wait_indirect_dma semaphore(%arg15 : memref<!tpu.dma_semaphore, #tpu.memory_space<semaphore_mem>>) src(%arg10 : memref<125x128xf32, #tpu.memory_space<vmem>>) dst(%dma_wait3A_306 : memref<10240x128xf32, #tpu.memory_space<vmem_shared>>)
      %dma_start3A_307 = arith.constant 6 : i32
      %dma_start3A_308 = arith.constant 0 : i32
      %dma_start3A_309 = tpu.memref_slice %arg8[%select_n3A_70, %dma_start3A_307, %dma_start3A_308] : memref<2x16x125xi32, #tpu.memory_space<vmem>> -> memref<1x1x125xi32, #tpu.memory_space<vmem>>
      %dma_start3A_310 = tpu.memref_squeeze %dma_start3A_309 : memref<1x1x125xi32, #tpu.memory_space<vmem>> -> memref<125xi32, #tpu.memory_space<vmem>>
      %dma_start3A_311 = arith.constant 0 : i32
      %dma_start3A_312 = arith.constant 0 : i32
      %dma_start3A_313 = tpu.memref_slice %arg2[%dma_start3A_311, %dma_start3A_312] : memref<10240x128xf32, #tpu.memory_space<hbm>> -> memref<10240x128xf32, #tpu.memory_space<hbm>>
      tpu.enqueue_indirect_dma source(%dma_start3A_313 : memref<10240x128xf32, #tpu.memory_space<hbm>>) target(%arg10 : memref<125x128xf32, #tpu.memory_space<vmem>>) offsets(%dma_start3A_310 : memref<125xi32, #tpu.memory_space<vmem>>) semaphore(%arg13 : memref<!tpu.dma_semaphore, #tpu.memory_space<semaphore_mem>>)
      %dma_wait3A_314 = arith.constant 5 : i32
      %dma_wait3A_315 = arith.constant 0 : i32
      %dma_wait3A_316 = tpu.memref_slice %arg8[%select_n3A_70, %dma_wait3A_314, %dma_wait3A_315] : memref<2x16x125xi32, #tpu.memory_space<vmem>> -> memref<1x1x125xi32, #tpu.memory_space<vmem>>
      %dma_wait3A_317 = tpu.memref_squeeze %dma_wait3A_316 : memref<1x1x125xi32, #tpu.memory_space<vmem>> -> memref<125xi32, #tpu.memory_space<vmem>>
      %dma_wait3A_318 = arith.constant 0 : i32
      %dma_wait3A_319 = arith.constant 0 : i32
      %dma_wait3A_320 = tpu.memref_slice %arg2[%dma_wait3A_318, %dma_wait3A_319] : memref<10240x128xf32, #tpu.memory_space<hbm>> -> memref<10240x128xf32, #tpu.memory_space<hbm>>
      tpu.wait_indirect_dma semaphore(%arg14 : memref<!tpu.dma_semaphore, #tpu.memory_space<semaphore_mem>>) src(%dma_wait3A_320 : memref<10240x128xf32, #tpu.memory_space<hbm>>) dst(%arg11 : memref<125x128xf32, #tpu.memory_space<vmem>>)
      %dma_start3A_321 = arith.constant 5 : i32
      %dma_start3A_322 = arith.constant 0 : i32
      %dma_start3A_323 = tpu.memref_slice %arg9[%select_n3A_86, %dma_start3A_321, %dma_start3A_322] : memref<3x16x125xi32, #tpu.memory_space<vmem>> -> memref<1x1x125xi32, #tpu.memory_space<vmem>>
      %dma_start3A_324 = tpu.memref_squeeze %dma_start3A_323 : memref<1x1x125xi32, #tpu.memory_space<vmem>> -> memref<125xi32, #tpu.memory_space<vmem>>
      %dma_start3A_325 = arith.constant 0 : i32
      %dma_start3A_326 = arith.constant 0 : i32
      %dma_start3A_327 = tpu.memref_slice %arg12[%dma_start3A_325, %dma_start3A_326] : memref<10240x128xf32, #tpu.memory_space<vmem_shared>> -> memref<10240x128xf32, #tpu.memory_space<vmem_shared>>
      tpu.enqueue_indirect_dma source(%arg11 : memref<125x128xf32, #tpu.memory_space<vmem>>) target(%dma_start3A_327 : memref<10240x128xf32, #tpu.memory_space<vmem_shared>>) offsets(%dma_start3A_324 : memref<125xi32, #tpu.memory_space<vmem>>) semaphore(%arg16 : memref<!tpu.dma_semaphore, #tpu.memory_space<semaphore_mem>>) {add = true}
      %dma_wait3A_328 = arith.constant 5 : i32
      %dma_wait3A_329 = arith.constant 0 : i32
      %dma_wait3A_330 = tpu.memref_slice %arg9[%select_n3A_86, %dma_wait3A_328, %dma_wait3A_329] : memref<3x16x125xi32, #tpu.memory_space<vmem>> -> memref<1x1x125xi32, #tpu.memory_space<vmem>>
      %dma_wait3A_331 = tpu.memref_squeeze %dma_wait3A_330 : memref<1x1x125xi32, #tpu.memory_space<vmem>> -> memref<125xi32, #tpu.memory_space<vmem>>
      %dma_wait3A_332 = arith.constant 0 : i32
      %dma_wait3A_333 = arith.constant 0 : i32
      %dma_wait3A_334 = tpu.memref_slice %arg12[%dma_wait3A_332, %dma_wait3A_333] : memref<10240x128xf32, #tpu.memory_space<vmem_shared>> -> memref<10240x128xf32, #tpu.memory_space<vmem_shared>>
      tpu.wait_indirect_dma semaphore(%arg16 : memref<!tpu.dma_semaphore, #tpu.memory_space<semaphore_mem>>) src(%arg11 : memref<125x128xf32, #tpu.memory_space<vmem>>) dst(%dma_wait3A_334 : memref<10240x128xf32, #tpu.memory_space<vmem_shared>>)
      %dma_start3A_335 = arith.constant 7 : i32
      %dma_start3A_336 = arith.constant 0 : i32
      %dma_start3A_337 = tpu.memref_slice %arg8[%select_n3A_70, %dma_start3A_335, %dma_start3A_336] : memref<2x16x125xi32, #tpu.memory_space<vmem>> -> memref<1x1x125xi32, #tpu.memory_space<vmem>>
      %dma_start3A_338 = tpu.memref_squeeze %dma_start3A_337 : memref<1x1x125xi32, #tpu.memory_space<vmem>> -> memref<125xi32, #tpu.memory_space<vmem>>
      %dma_start3A_339 = arith.constant 0 : i32
      %dma_start3A_340 = arith.constant 0 : i32
      %dma_start3A_341 = tpu.memref_slice %arg2[%dma_start3A_339, %dma_start3A_340] : memref<10240x128xf32, #tpu.memory_space<hbm>> -> memref<10240x128xf32, #tpu.memory_space<hbm>>
      tpu.enqueue_indirect_dma source(%dma_start3A_341 : memref<10240x128xf32, #tpu.memory_space<hbm>>) target(%arg11 : memref<125x128xf32, #tpu.memory_space<vmem>>) offsets(%dma_start3A_338 : memref<125xi32, #tpu.memory_space<vmem>>) semaphore(%arg14 : memref<!tpu.dma_semaphore, #tpu.memory_space<semaphore_mem>>)
      %dma_wait3A_342 = arith.constant 6 : i32
      %dma_wait3A_343 = arith.constant 0 : i32
      %dma_wait3A_344 = tpu.memref_slice %arg8[%select_n3A_70, %dma_wait3A_342, %dma_wait3A_343] : memref<2x16x125xi32, #tpu.memory_space<vmem>> -> memref<1x1x125xi32, #tpu.memory_space<vmem>>
      %dma_wait3A_345 = tpu.memref_squeeze %dma_wait3A_344 : memref<1x1x125xi32, #tpu.memory_space<vmem>> -> memref<125xi32, #tpu.memory_space<vmem>>
      %dma_wait3A_346 = arith.constant 0 : i32
      %dma_wait3A_347 = arith.constant 0 : i32
      %dma_wait3A_348 = tpu.memref_slice %arg2[%dma_wait3A_346, %dma_wait3A_347] : memref<10240x128xf32, #tpu.memory_space<hbm>> -> memref<10240x128xf32, #tpu.memory_space<hbm>>
      tpu.wait_indirect_dma semaphore(%arg13 : memref<!tpu.dma_semaphore, #tpu.memory_space<semaphore_mem>>) src(%dma_wait3A_348 : memref<10240x128xf32, #tpu.memory_space<hbm>>) dst(%arg10 : memref<125x128xf32, #tpu.memory_space<vmem>>)
      %dma_start3A_349 = arith.constant 6 : i32
      %dma_start3A_350 = arith.constant 0 : i32
      %dma_start3A_351 = tpu.memref_slice %arg9[%select_n3A_86, %dma_start3A_349, %dma_start3A_350] : memref<3x16x125xi32, #tpu.memory_space<vmem>> -> memref<1x1x125xi32, #tpu.memory_space<vmem>>
      %dma_start3A_352 = tpu.memref_squeeze %dma_start3A_351 : memref<1x1x125xi32, #tpu.memory_space<vmem>> -> memref<125xi32, #tpu.memory_space<vmem>>
      %dma_start3A_353 = arith.constant 0 : i32
      %dma_start3A_354 = arith.constant 0 : i32
      %dma_start3A_355 = tpu.memref_slice %arg12[%dma_start3A_353, %dma_start3A_354] : memref<10240x128xf32, #tpu.memory_space<vmem_shared>> -> memref<10240x128xf32, #tpu.memory_space<vmem_shared>>
      tpu.enqueue_indirect_dma source(%arg10 : memref<125x128xf32, #tpu.memory_space<vmem>>) target(%dma_start3A_355 : memref<10240x128xf32, #tpu.memory_space<vmem_shared>>) offsets(%dma_start3A_352 : memref<125xi32, #tpu.memory_space<vmem>>) semaphore(%arg15 : memref<!tpu.dma_semaphore, #tpu.memory_space<semaphore_mem>>) {add = true}
      %dma_wait3A_356 = arith.constant 6 : i32
      %dma_wait3A_357 = arith.constant 0 : i32
      %dma_wait3A_358 = tpu.memref_slice %arg9[%select_n3A_86, %dma_wait3A_356, %dma_wait3A_357] : memref<3x16x125xi32, #tpu.memory_space<vmem>> -> memref<1x1x125xi32, #tpu.memory_space<vmem>>
      %dma_wait3A_359 = tpu.memref_squeeze %dma_wait3A_358 : memref<1x1x125xi32, #tpu.memory_space<vmem>> -> memref<125xi32, #tpu.memory_space<vmem>>
      %dma_wait3A_360 = arith.constant 0 : i32
      %dma_wait3A_361 = arith.constant 0 : i32
      %dma_wait3A_362 = tpu.memref_slice %arg12[%dma_wait3A_360, %dma_wait3A_361] : memref<10240x128xf32, #tpu.memory_space<vmem_shared>> -> memref<10240x128xf32, #tpu.memory_space<vmem_shared>>
      tpu.wait_indirect_dma semaphore(%arg15 : memref<!tpu.dma_semaphore, #tpu.memory_space<semaphore_mem>>) src(%arg10 : memref<125x128xf32, #tpu.memory_space<vmem>>) dst(%dma_wait3A_362 : memref<10240x128xf32, #tpu.memory_space<vmem_shared>>)
      %dma_start3A_363 = arith.constant 8 : i32
      %dma_start3A_364 = arith.constant 0 : i32
      %dma_start3A_365 = tpu.memref_slice %arg8[%select_n3A_70, %dma_start3A_363, %dma_start3A_364] : memref<2x16x125xi32, #tpu.memory_space<vmem>> -> memref<1x1x125xi32, #tpu.memory_space<vmem>>
      %dma_start3A_366 = tpu.memref_squeeze %dma_start3A_365 : memref<1x1x125xi32, #tpu.memory_space<vmem>> -> memref<125xi32, #tpu.memory_space<vmem>>
      %dma_start3A_367 = arith.constant 0 : i32
      %dma_start3A_368 = arith.constant 0 : i32
      %dma_start3A_369 = tpu.memref_slice %arg2[%dma_start3A_367, %dma_start3A_368] : memref<10240x128xf32, #tpu.memory_space<hbm>> -> memref<10240x128xf32, #tpu.memory_space<hbm>>
      tpu.enqueue_indirect_dma source(%dma_start3A_369 : memref<10240x128xf32, #tpu.memory_space<hbm>>) target(%arg10 : memref<125x128xf32, #tpu.memory_space<vmem>>) offsets(%dma_start3A_366 : memref<125xi32, #tpu.memory_space<vmem>>) semaphore(%arg13 : memref<!tpu.dma_semaphore, #tpu.memory_space<semaphore_mem>>)
      %dma_wait3A_370 = arith.constant 7 : i32
      %dma_wait3A_371 = arith.constant 0 : i32
      %dma_wait3A_372 = tpu.memref_slice %arg8[%select_n3A_70, %dma_wait3A_370, %dma_wait3A_371] : memref<2x16x125xi32, #tpu.memory_space<vmem>> -> memref<1x1x125xi32, #tpu.memory_space<vmem>>
      %dma_wait3A_373 = tpu.memref_squeeze %dma_wait3A_372 : memref<1x1x125xi32, #tpu.memory_space<vmem>> -> memref<125xi32, #tpu.memory_space<vmem>>
      %dma_wait3A_374 = arith.constant 0 : i32
      %dma_wait3A_375 = arith.constant 0 : i32
      %dma_wait3A_376 = tpu.memref_slice %arg2[%dma_wait3A_374, %dma_wait3A_375] : memref<10240x128xf32, #tpu.memory_space<hbm>> -> memref<10240x128xf32, #tpu.memory_space<hbm>>
      tpu.wait_indirect_dma semaphore(%arg14 : memref<!tpu.dma_semaphore, #tpu.memory_space<semaphore_mem>>) src(%dma_wait3A_376 : memref<10240x128xf32, #tpu.memory_space<hbm>>) dst(%arg11 : memref<125x128xf32, #tpu.memory_space<vmem>>)
      %dma_start3A_377 = arith.constant 7 : i32
      %dma_start3A_378 = arith.constant 0 : i32
      %dma_start3A_379 = tpu.memref_slice %arg9[%select_n3A_86, %dma_start3A_377, %dma_start3A_378] : memref<3x16x125xi32, #tpu.memory_space<vmem>> -> memref<1x1x125xi32, #tpu.memory_space<vmem>>
      %dma_start3A_380 = tpu.memref_squeeze %dma_start3A_379 : memref<1x1x125xi32, #tpu.memory_space<vmem>> -> memref<125xi32, #tpu.memory_space<vmem>>
      %dma_start3A_381 = arith.constant 0 : i32
      %dma_start3A_382 = arith.constant 0 : i32
      %dma_start3A_383 = tpu.memref_slice %arg12[%dma_start3A_381, %dma_start3A_382] : memref<10240x128xf32, #tpu.memory_space<vmem_shared>> -> memref<10240x128xf32, #tpu.memory_space<vmem_shared>>
      tpu.enqueue_indirect_dma source(%arg11 : memref<125x128xf32, #tpu.memory_space<vmem>>) target(%dma_start3A_383 : memref<10240x128xf32, #tpu.memory_space<vmem_shared>>) offsets(%dma_start3A_380 : memref<125xi32, #tpu.memory_space<vmem>>) semaphore(%arg16 : memref<!tpu.dma_semaphore, #tpu.memory_space<semaphore_mem>>) {add = true}
      %dma_wait3A_384 = arith.constant 7 : i32
      %dma_wait3A_385 = arith.constant 0 : i32
      %dma_wait3A_386 = tpu.memref_slice %arg9[%select_n3A_86, %dma_wait3A_384, %dma_wait3A_385] : memref<3x16x125xi32, #tpu.memory_space<vmem>> -> memref<1x1x125xi32, #tpu.memory_space<vmem>>
      %dma_wait3A_387 = tpu.memref_squeeze %dma_wait3A_386 : memref<1x1x125xi32, #tpu.memory_space<vmem>> -> memref<125xi32, #tpu.memory_space<vmem>>
      %dma_wait3A_388 = arith.constant 0 : i32
      %dma_wait3A_389 = arith.constant 0 : i32
      %dma_wait3A_390 = tpu.memref_slice %arg12[%dma_wait3A_388, %dma_wait3A_389] : memref<10240x128xf32, #tpu.memory_space<vmem_shared>> -> memref<10240x128xf32, #tpu.memory_space<vmem_shared>>
      tpu.wait_indirect_dma semaphore(%arg16 : memref<!tpu.dma_semaphore, #tpu.memory_space<semaphore_mem>>) src(%arg11 : memref<125x128xf32, #tpu.memory_space<vmem>>) dst(%dma_wait3A_390 : memref<10240x128xf32, #tpu.memory_space<vmem_shared>>)
      %dma_start3A_391 = arith.constant 9 : i32
      %dma_start3A_392 = arith.constant 0 : i32
      %dma_start3A_393 = tpu.memref_slice %arg8[%select_n3A_70, %dma_start3A_391, %dma_start3A_392] : memref<2x16x125xi32, #tpu.memory_space<vmem>> -> memref<1x1x125xi32, #tpu.memory_space<vmem>>
      %dma_start3A_394 = tpu.memref_squeeze %dma_start3A_393 : memref<1x1x125xi32, #tpu.memory_space<vmem>> -> memref<125xi32, #tpu.memory_space<vmem>>
      %dma_start3A_395 = arith.constant 0 : i32
      %dma_start3A_396 = arith.constant 0 : i32
      %dma_start3A_397 = tpu.memref_slice %arg2[%dma_start3A_395, %dma_start3A_396] : memref<10240x128xf32, #tpu.memory_space<hbm>> -> memref<10240x128xf32, #tpu.memory_space<hbm>>
      tpu.enqueue_indirect_dma source(%dma_start3A_397 : memref<10240x128xf32, #tpu.memory_space<hbm>>) target(%arg11 : memref<125x128xf32, #tpu.memory_space<vmem>>) offsets(%dma_start3A_394 : memref<125xi32, #tpu.memory_space<vmem>>) semaphore(%arg14 : memref<!tpu.dma_semaphore, #tpu.memory_space<semaphore_mem>>)
      %dma_wait3A_398 = arith.constant 8 : i32
      %dma_wait3A_399 = arith.constant 0 : i32
      %dma_wait3A_400 = tpu.memref_slice %arg8[%select_n3A_70, %dma_wait3A_398, %dma_wait3A_399] : memref<2x16x125xi32, #tpu.memory_space<vmem>> -> memref<1x1x125xi32, #tpu.memory_space<vmem>>
      %dma_wait3A_401 = tpu.memref_squeeze %dma_wait3A_400 : memref<1x1x125xi32, #tpu.memory_space<vmem>> -> memref<125xi32, #tpu.memory_space<vmem>>
      %dma_wait3A_402 = arith.constant 0 : i32
      %dma_wait3A_403 = arith.constant 0 : i32
      %dma_wait3A_404 = tpu.memref_slice %arg2[%dma_wait3A_402, %dma_wait3A_403] : memref<10240x128xf32, #tpu.memory_space<hbm>> -> memref<10240x128xf32, #tpu.memory_space<hbm>>
      tpu.wait_indirect_dma semaphore(%arg13 : memref<!tpu.dma_semaphore, #tpu.memory_space<semaphore_mem>>) src(%dma_wait3A_404 : memref<10240x128xf32, #tpu.memory_space<hbm>>) dst(%arg10 : memref<125x128xf32, #tpu.memory_space<vmem>>)
      %dma_start3A_405 = arith.constant 8 : i32
      %dma_start3A_406 = arith.constant 0 : i32
      %dma_start3A_407 = tpu.memref_slice %arg9[%select_n3A_86, %dma_start3A_405, %dma_start3A_406] : memref<3x16x125xi32, #tpu.memory_space<vmem>> -> memref<1x1x125xi32, #tpu.memory_space<vmem>>
      %dma_start3A_408 = tpu.memref_squeeze %dma_start3A_407 : memref<1x1x125xi32, #tpu.memory_space<vmem>> -> memref<125xi32, #tpu.memory_space<vmem>>
      %dma_start3A_409 = arith.constant 0 : i32
      %dma_start3A_410 = arith.constant 0 : i32
      %dma_start3A_411 = tpu.memref_slice %arg12[%dma_start3A_409, %dma_start3A_410] : memref<10240x128xf32, #tpu.memory_space<vmem_shared>> -> memref<10240x128xf32, #tpu.memory_space<vmem_shared>>
      tpu.enqueue_indirect_dma source(%arg10 : memref<125x128xf32, #tpu.memory_space<vmem>>) target(%dma_start3A_411 : memref<10240x128xf32, #tpu.memory_space<vmem_shared>>) offsets(%dma_start3A_408 : memref<125xi32, #tpu.memory_space<vmem>>) semaphore(%arg15 : memref<!tpu.dma_semaphore, #tpu.memory_space<semaphore_mem>>) {add = true}
      %dma_wait3A_412 = arith.constant 8 : i32
      %dma_wait3A_413 = arith.constant 0 : i32
      %dma_wait3A_414 = tpu.memref_slice %arg9[%select_n3A_86, %dma_wait3A_412, %dma_wait3A_413] : memref<3x16x125xi32, #tpu.memory_space<vmem>> -> memref<1x1x125xi32, #tpu.memory_space<vmem>>
      %dma_wait3A_415 = tpu.memref_squeeze %dma_wait3A_414 : memref<1x1x125xi32, #tpu.memory_space<vmem>> -> memref<125xi32, #tpu.memory_space<vmem>>
      %dma_wait3A_416 = arith.constant 0 : i32
      %dma_wait3A_417 = arith.constant 0 : i32
      %dma_wait3A_418 = tpu.memref_slice %arg12[%dma_wait3A_416, %dma_wait3A_417] : memref<10240x128xf32, #tpu.memory_space<vmem_shared>> -> memref<10240x128xf32, #tpu.memory_space<vmem_shared>>
      tpu.wait_indirect_dma semaphore(%arg15 : memref<!tpu.dma_semaphore, #tpu.memory_space<semaphore_mem>>) src(%arg10 : memref<125x128xf32, #tpu.memory_space<vmem>>) dst(%dma_wait3A_418 : memref<10240x128xf32, #tpu.memory_space<vmem_shared>>)
      %dma_start3A_419 = arith.constant 10 : i32
      %dma_start3A_420 = arith.constant 0 : i32
      %dma_start3A_421 = tpu.memref_slice %arg8[%select_n3A_70, %dma_start3A_419, %dma_start3A_420] : memref<2x16x125xi32, #tpu.memory_space<vmem>> -> memref<1x1x125xi32, #tpu.memory_space<vmem>>
      %dma_start3A_422 = tpu.memref_squeeze %dma_start3A_421 : memref<1x1x125xi32, #tpu.memory_space<vmem>> -> memref<125xi32, #tpu.memory_space<vmem>>
      %dma_start3A_423 = arith.constant 0 : i32
      %dma_start3A_424 = arith.constant 0 : i32
      %dma_start3A_425 = tpu.memref_slice %arg2[%dma_start3A_423, %dma_start3A_424] : memref<10240x128xf32, #tpu.memory_space<hbm>> -> memref<10240x128xf32, #tpu.memory_space<hbm>>
      tpu.enqueue_indirect_dma source(%dma_start3A_425 : memref<10240x128xf32, #tpu.memory_space<hbm>>) target(%arg10 : memref<125x128xf32, #tpu.memory_space<vmem>>) offsets(%dma_start3A_422 : memref<125xi32, #tpu.memory_space<vmem>>) semaphore(%arg13 : memref<!tpu.dma_semaphore, #tpu.memory_space<semaphore_mem>>)
      %dma_wait3A_426 = arith.constant 9 : i32
      %dma_wait3A_427 = arith.constant 0 : i32
      %dma_wait3A_428 = tpu.memref_slice %arg8[%select_n3A_70, %dma_wait3A_426, %dma_wait3A_427] : memref<2x16x125xi32, #tpu.memory_space<vmem>> -> memref<1x1x125xi32, #tpu.memory_space<vmem>>
      %dma_wait3A_429 = tpu.memref_squeeze %dma_wait3A_428 : memref<1x1x125xi32, #tpu.memory_space<vmem>> -> memref<125xi32, #tpu.memory_space<vmem>>
      %dma_wait3A_430 = arith.constant 0 : i32
      %dma_wait3A_431 = arith.constant 0 : i32
      %dma_wait3A_432 = tpu.memref_slice %arg2[%dma_wait3A_430, %dma_wait3A_431] : memref<10240x128xf32, #tpu.memory_space<hbm>> -> memref<10240x128xf32, #tpu.memory_space<hbm>>
      tpu.wait_indirect_dma semaphore(%arg14 : memref<!tpu.dma_semaphore, #tpu.memory_space<semaphore_mem>>) src(%dma_wait3A_432 : memref<10240x128xf32, #tpu.memory_space<hbm>>) dst(%arg11 : memref<125x128xf32, #tpu.memory_space<vmem>>)
      %dma_start3A_433 = arith.constant 9 : i32
      %dma_start3A_434 = arith.constant 0 : i32
      %dma_start3A_435 = tpu.memref_slice %arg9[%select_n3A_86, %dma_start3A_433, %dma_start3A_434] : memref<3x16x125xi32, #tpu.memory_space<vmem>> -> memref<1x1x125xi32, #tpu.memory_space<vmem>>
      %dma_start3A_436 = tpu.memref_squeeze %dma_start3A_435 : memref<1x1x125xi32, #tpu.memory_space<vmem>> -> memref<125xi32, #tpu.memory_space<vmem>>
      %dma_start3A_437 = arith.constant 0 : i32
      %dma_start3A_438 = arith.constant 0 : i32
      %dma_start3A_439 = tpu.memref_slice %arg12[%dma_start3A_437, %dma_start3A_438] : memref<10240x128xf32, #tpu.memory_space<vmem_shared>> -> memref<10240x128xf32, #tpu.memory_space<vmem_shared>>
      tpu.enqueue_indirect_dma source(%arg11 : memref<125x128xf32, #tpu.memory_space<vmem>>) target(%dma_start3A_439 : memref<10240x128xf32, #tpu.memory_space<vmem_shared>>) offsets(%dma_start3A_436 : memref<125xi32, #tpu.memory_space<vmem>>) semaphore(%arg16 : memref<!tpu.dma_semaphore, #tpu.memory_space<semaphore_mem>>) {add = true}
      %dma_wait3A_440 = arith.constant 9 : i32
      %dma_wait3A_441 = arith.constant 0 : i32
      %dma_wait3A_442 = tpu.memref_slice %arg9[%select_n3A_86, %dma_wait3A_440, %dma_wait3A_441] : memref<3x16x125xi32, #tpu.memory_space<vmem>> -> memref<1x1x125xi32, #tpu.memory_space<vmem>>
      %dma_wait3A_443 = tpu.memref_squeeze %dma_wait3A_442 : memref<1x1x125xi32, #tpu.memory_space<vmem>> -> memref<125xi32, #tpu.memory_space<vmem>>
      %dma_wait3A_444 = arith.constant 0 : i32
      %dma_wait3A_445 = arith.constant 0 : i32
      %dma_wait3A_446 = tpu.memref_slice %arg12[%dma_wait3A_444, %dma_wait3A_445] : memref<10240x128xf32, #tpu.memory_space<vmem_shared>> -> memref<10240x128xf32, #tpu.memory_space<vmem_shared>>
      tpu.wait_indirect_dma semaphore(%arg16 : memref<!tpu.dma_semaphore, #tpu.memory_space<semaphore_mem>>) src(%arg11 : memref<125x128xf32, #tpu.memory_space<vmem>>) dst(%dma_wait3A_446 : memref<10240x128xf32, #tpu.memory_space<vmem_shared>>)
      %dma_start3A_447 = arith.constant 11 : i32
      %dma_start3A_448 = arith.constant 0 : i32
      %dma_start3A_449 = tpu.memref_slice %arg8[%select_n3A_70, %dma_start3A_447, %dma_start3A_448] : memref<2x16x125xi32, #tpu.memory_space<vmem>> -> memref<1x1x125xi32, #tpu.memory_space<vmem>>
      %dma_start3A_450 = tpu.memref_squeeze %dma_start3A_449 : memref<1x1x125xi32, #tpu.memory_space<vmem>> -> memref<125xi32, #tpu.memory_space<vmem>>
      %dma_start3A_451 = arith.constant 0 : i32
      %dma_start3A_452 = arith.constant 0 : i32
      %dma_start3A_453 = tpu.memref_slice %arg2[%dma_start3A_451, %dma_start3A_452] : memref<10240x128xf32, #tpu.memory_space<hbm>> -> memref<10240x128xf32, #tpu.memory_space<hbm>>
      tpu.enqueue_indirect_dma source(%dma_start3A_453 : memref<10240x128xf32, #tpu.memory_space<hbm>>) target(%arg11 : memref<125x128xf32, #tpu.memory_space<vmem>>) offsets(%dma_start3A_450 : memref<125xi32, #tpu.memory_space<vmem>>) semaphore(%arg14 : memref<!tpu.dma_semaphore, #tpu.memory_space<semaphore_mem>>)
      %dma_wait3A_454 = arith.constant 10 : i32
      %dma_wait3A_455 = arith.constant 0 : i32
      %dma_wait3A_456 = tpu.memref_slice %arg8[%select_n3A_70, %dma_wait3A_454, %dma_wait3A_455] : memref<2x16x125xi32, #tpu.memory_space<vmem>> -> memref<1x1x125xi32, #tpu.memory_space<vmem>>
      %dma_wait3A_457 = tpu.memref_squeeze %dma_wait3A_456 : memref<1x1x125xi32, #tpu.memory_space<vmem>> -> memref<125xi32, #tpu.memory_space<vmem>>
      %dma_wait3A_458 = arith.constant 0 : i32
      %dma_wait3A_459 = arith.constant 0 : i32
      %dma_wait3A_460 = tpu.memref_slice %arg2[%dma_wait3A_458, %dma_wait3A_459] : memref<10240x128xf32, #tpu.memory_space<hbm>> -> memref<10240x128xf32, #tpu.memory_space<hbm>>
      tpu.wait_indirect_dma semaphore(%arg13 : memref<!tpu.dma_semaphore, #tpu.memory_space<semaphore_mem>>) src(%dma_wait3A_460 : memref<10240x128xf32, #tpu.memory_space<hbm>>) dst(%arg10 : memref<125x128xf32, #tpu.memory_space<vmem>>)
      %dma_start3A_461 = arith.constant 10 : i32
      %dma_start3A_462 = arith.constant 0 : i32
      %dma_start3A_463 = tpu.memref_slice %arg9[%select_n3A_86, %dma_start3A_461, %dma_start3A_462] : memref<3x16x125xi32, #tpu.memory_space<vmem>> -> memref<1x1x125xi32, #tpu.memory_space<vmem>>
      %dma_start3A_464 = tpu.memref_squeeze %dma_start3A_463 : memref<1x1x125xi32, #tpu.memory_space<vmem>> -> memref<125xi32, #tpu.memory_space<vmem>>
      %dma_start3A_465 = arith.constant 0 : i32
      %dma_start3A_466 = arith.constant 0 : i32
      %dma_start3A_467 = tpu.memref_slice %arg12[%dma_start3A_465, %dma_start3A_466] : memref<10240x128xf32, #tpu.memory_space<vmem_shared>> -> memref<10240x128xf32, #tpu.memory_space<vmem_shared>>
      tpu.enqueue_indirect_dma source(%arg10 : memref<125x128xf32, #tpu.memory_space<vmem>>) target(%dma_start3A_467 : memref<10240x128xf32, #tpu.memory_space<vmem_shared>>) offsets(%dma_start3A_464 : memref<125xi32, #tpu.memory_space<vmem>>) semaphore(%arg15 : memref<!tpu.dma_semaphore, #tpu.memory_space<semaphore_mem>>) {add = true}
      %dma_wait3A_468 = arith.constant 10 : i32
      %dma_wait3A_469 = arith.constant 0 : i32
      %dma_wait3A_470 = tpu.memref_slice %arg9[%select_n3A_86, %dma_wait3A_468, %dma_wait3A_469] : memref<3x16x125xi32, #tpu.memory_space<vmem>> -> memref<1x1x125xi32, #tpu.memory_space<vmem>>
      %dma_wait3A_471 = tpu.memref_squeeze %dma_wait3A_470 : memref<1x1x125xi32, #tpu.memory_space<vmem>> -> memref<125xi32, #tpu.memory_space<vmem>>
      %dma_wait3A_472 = arith.constant 0 : i32
      %dma_wait3A_473 = arith.constant 0 : i32
      %dma_wait3A_474 = tpu.memref_slice %arg12[%dma_wait3A_472, %dma_wait3A_473] : memref<10240x128xf32, #tpu.memory_space<vmem_shared>> -> memref<10240x128xf32, #tpu.memory_space<vmem_shared>>
      tpu.wait_indirect_dma semaphore(%arg15 : memref<!tpu.dma_semaphore, #tpu.memory_space<semaphore_mem>>) src(%arg10 : memref<125x128xf32, #tpu.memory_space<vmem>>) dst(%dma_wait3A_474 : memref<10240x128xf32, #tpu.memory_space<vmem_shared>>)
      %dma_start3A_475 = arith.constant 12 : i32
      %dma_start3A_476 = arith.constant 0 : i32
      %dma_start3A_477 = tpu.memref_slice %arg8[%select_n3A_70, %dma_start3A_475, %dma_start3A_476] : memref<2x16x125xi32, #tpu.memory_space<vmem>> -> memref<1x1x125xi32, #tpu.memory_space<vmem>>
      %dma_start3A_478 = tpu.memref_squeeze %dma_start3A_477 : memref<1x1x125xi32, #tpu.memory_space<vmem>> -> memref<125xi32, #tpu.memory_space<vmem>>
      %dma_start3A_479 = arith.constant 0 : i32
      %dma_start3A_480 = arith.constant 0 : i32
      %dma_start3A_481 = tpu.memref_slice %arg2[%dma_start3A_479, %dma_start3A_480] : memref<10240x128xf32, #tpu.memory_space<hbm>> -> memref<10240x128xf32, #tpu.memory_space<hbm>>
      tpu.enqueue_indirect_dma source(%dma_start3A_481 : memref<10240x128xf32, #tpu.memory_space<hbm>>) target(%arg10 : memref<125x128xf32, #tpu.memory_space<vmem>>) offsets(%dma_start3A_478 : memref<125xi32, #tpu.memory_space<vmem>>) semaphore(%arg13 : memref<!tpu.dma_semaphore, #tpu.memory_space<semaphore_mem>>)
      %dma_wait3A_482 = arith.constant 11 : i32
      %dma_wait3A_483 = arith.constant 0 : i32
      %dma_wait3A_484 = tpu.memref_slice %arg8[%select_n3A_70, %dma_wait3A_482, %dma_wait3A_483] : memref<2x16x125xi32, #tpu.memory_space<vmem>> -> memref<1x1x125xi32, #tpu.memory_space<vmem>>
      %dma_wait3A_485 = tpu.memref_squeeze %dma_wait3A_484 : memref<1x1x125xi32, #tpu.memory_space<vmem>> -> memref<125xi32, #tpu.memory_space<vmem>>
      %dma_wait3A_486 = arith.constant 0 : i32
      %dma_wait3A_487 = arith.constant 0 : i32
      %dma_wait3A_488 = tpu.memref_slice %arg2[%dma_wait3A_486, %dma_wait3A_487] : memref<10240x128xf32, #tpu.memory_space<hbm>> -> memref<10240x128xf32, #tpu.memory_space<hbm>>
      tpu.wait_indirect_dma semaphore(%arg14 : memref<!tpu.dma_semaphore, #tpu.memory_space<semaphore_mem>>) src(%dma_wait3A_488 : memref<10240x128xf32, #tpu.memory_space<hbm>>) dst(%arg11 : memref<125x128xf32, #tpu.memory_space<vmem>>)
      %dma_start3A_489 = arith.constant 11 : i32
      %dma_start3A_490 = arith.constant 0 : i32
      %dma_start3A_491 = tpu.memref_slice %arg9[%select_n3A_86, %dma_start3A_489, %dma_start3A_490] : memref<3x16x125xi32, #tpu.memory_space<vmem>> -> memref<1x1x125xi32, #tpu.memory_space<vmem>>
      %dma_start3A_492 = tpu.memref_squeeze %dma_start3A_491 : memref<1x1x125xi32, #tpu.memory_space<vmem>> -> memref<125xi32, #tpu.memory_space<vmem>>
      %dma_start3A_493 = arith.constant 0 : i32
      %dma_start3A_494 = arith.constant 0 : i32
      %dma_start3A_495 = tpu.memref_slice %arg12[%dma_start3A_493, %dma_start3A_494] : memref<10240x128xf32, #tpu.memory_space<vmem_shared>> -> memref<10240x128xf32, #tpu.memory_space<vmem_shared>>
      tpu.enqueue_indirect_dma source(%arg11 : memref<125x128xf32, #tpu.memory_space<vmem>>) target(%dma_start3A_495 : memref<10240x128xf32, #tpu.memory_space<vmem_shared>>) offsets(%dma_start3A_492 : memref<125xi32, #tpu.memory_space<vmem>>) semaphore(%arg16 : memref<!tpu.dma_semaphore, #tpu.memory_space<semaphore_mem>>) {add = true}
      %dma_wait3A_496 = arith.constant 11 : i32
      %dma_wait3A_497 = arith.constant 0 : i32
      %dma_wait3A_498 = tpu.memref_slice %arg9[%select_n3A_86, %dma_wait3A_496, %dma_wait3A_497] : memref<3x16x125xi32, #tpu.memory_space<vmem>> -> memref<1x1x125xi32, #tpu.memory_space<vmem>>
      %dma_wait3A_499 = tpu.memref_squeeze %dma_wait3A_498 : memref<1x1x125xi32, #tpu.memory_space<vmem>> -> memref<125xi32, #tpu.memory_space<vmem>>
      %dma_wait3A_500 = arith.constant 0 : i32
      %dma_wait3A_501 = arith.constant 0 : i32
      %dma_wait3A_502 = tpu.memref_slice %arg12[%dma_wait3A_500, %dma_wait3A_501] : memref<10240x128xf32, #tpu.memory_space<vmem_shared>> -> memref<10240x128xf32, #tpu.memory_space<vmem_shared>>
      tpu.wait_indirect_dma semaphore(%arg16 : memref<!tpu.dma_semaphore, #tpu.memory_space<semaphore_mem>>) src(%arg11 : memref<125x128xf32, #tpu.memory_space<vmem>>) dst(%dma_wait3A_502 : memref<10240x128xf32, #tpu.memory_space<vmem_shared>>)
      %dma_start3A_503 = arith.constant 13 : i32
      %dma_start3A_504 = arith.constant 0 : i32
      %dma_start3A_505 = tpu.memref_slice %arg8[%select_n3A_70, %dma_start3A_503, %dma_start3A_504] : memref<2x16x125xi32, #tpu.memory_space<vmem>> -> memref<1x1x125xi32, #tpu.memory_space<vmem>>
      %dma_start3A_506 = tpu.memref_squeeze %dma_start3A_505 : memref<1x1x125xi32, #tpu.memory_space<vmem>> -> memref<125xi32, #tpu.memory_space<vmem>>
      %dma_start3A_507 = arith.constant 0 : i32
      %dma_start3A_508 = arith.constant 0 : i32
      %dma_start3A_509 = tpu.memref_slice %arg2[%dma_start3A_507, %dma_start3A_508] : memref<10240x128xf32, #tpu.memory_space<hbm>> -> memref<10240x128xf32, #tpu.memory_space<hbm>>
      tpu.enqueue_indirect_dma source(%dma_start3A_509 : memref<10240x128xf32, #tpu.memory_space<hbm>>) target(%arg11 : memref<125x128xf32, #tpu.memory_space<vmem>>) offsets(%dma_start3A_506 : memref<125xi32, #tpu.memory_space<vmem>>) semaphore(%arg14 : memref<!tpu.dma_semaphore, #tpu.memory_space<semaphore_mem>>)
      %dma_wait3A_510 = arith.constant 12 : i32
      %dma_wait3A_511 = arith.constant 0 : i32
      %dma_wait3A_512 = tpu.memref_slice %arg8[%select_n3A_70, %dma_wait3A_510, %dma_wait3A_511] : memref<2x16x125xi32, #tpu.memory_space<vmem>> -> memref<1x1x125xi32, #tpu.memory_space<vmem>>
      %dma_wait3A_513 = tpu.memref_squeeze %dma_wait3A_512 : memref<1x1x125xi32, #tpu.memory_space<vmem>> -> memref<125xi32, #tpu.memory_space<vmem>>
      %dma_wait3A_514 = arith.constant 0 : i32
      %dma_wait3A_515 = arith.constant 0 : i32
      %dma_wait3A_516 = tpu.memref_slice %arg2[%dma_wait3A_514, %dma_wait3A_515] : memref<10240x128xf32, #tpu.memory_space<hbm>> -> memref<10240x128xf32, #tpu.memory_space<hbm>>
      tpu.wait_indirect_dma semaphore(%arg13 : memref<!tpu.dma_semaphore, #tpu.memory_space<semaphore_mem>>) src(%dma_wait3A_516 : memref<10240x128xf32, #tpu.memory_space<hbm>>) dst(%arg10 : memref<125x128xf32, #tpu.memory_space<vmem>>)
      %dma_start3A_517 = arith.constant 12 : i32
      %dma_start3A_518 = arith.constant 0 : i32
      %dma_start3A_519 = tpu.memref_slice %arg9[%select_n3A_86, %dma_start3A_517, %dma_start3A_518] : memref<3x16x125xi32, #tpu.memory_space<vmem>> -> memref<1x1x125xi32, #tpu.memory_space<vmem>>
      %dma_start3A_520 = tpu.memref_squeeze %dma_start3A_519 : memref<1x1x125xi32, #tpu.memory_space<vmem>> -> memref<125xi32, #tpu.memory_space<vmem>>
      %dma_start3A_521 = arith.constant 0 : i32
      %dma_start3A_522 = arith.constant 0 : i32
      %dma_start3A_523 = tpu.memref_slice %arg12[%dma_start3A_521, %dma_start3A_522] : memref<10240x128xf32, #tpu.memory_space<vmem_shared>> -> memref<10240x128xf32, #tpu.memory_space<vmem_shared>>
      tpu.enqueue_indirect_dma source(%arg10 : memref<125x128xf32, #tpu.memory_space<vmem>>) target(%dma_start3A_523 : memref<10240x128xf32, #tpu.memory_space<vmem_shared>>) offsets(%dma_start3A_520 : memref<125xi32, #tpu.memory_space<vmem>>) semaphore(%arg15 : memref<!tpu.dma_semaphore, #tpu.memory_space<semaphore_mem>>) {add = true}
      %dma_wait3A_524 = arith.constant 12 : i32
      %dma_wait3A_525 = arith.constant 0 : i32
      %dma_wait3A_526 = tpu.memref_slice %arg9[%select_n3A_86, %dma_wait3A_524, %dma_wait3A_525] : memref<3x16x125xi32, #tpu.memory_space<vmem>> -> memref<1x1x125xi32, #tpu.memory_space<vmem>>
      %dma_wait3A_527 = tpu.memref_squeeze %dma_wait3A_526 : memref<1x1x125xi32, #tpu.memory_space<vmem>> -> memref<125xi32, #tpu.memory_space<vmem>>
      %dma_wait3A_528 = arith.constant 0 : i32
      %dma_wait3A_529 = arith.constant 0 : i32
      %dma_wait3A_530 = tpu.memref_slice %arg12[%dma_wait3A_528, %dma_wait3A_529] : memref<10240x128xf32, #tpu.memory_space<vmem_shared>> -> memref<10240x128xf32, #tpu.memory_space<vmem_shared>>
      tpu.wait_indirect_dma semaphore(%arg15 : memref<!tpu.dma_semaphore, #tpu.memory_space<semaphore_mem>>) src(%arg10 : memref<125x128xf32, #tpu.memory_space<vmem>>) dst(%dma_wait3A_530 : memref<10240x128xf32, #tpu.memory_space<vmem_shared>>)
      %dma_start3A_531 = arith.constant 14 : i32
      %dma_start3A_532 = arith.constant 0 : i32
      %dma_start3A_533 = tpu.memref_slice %arg8[%select_n3A_70, %dma_start3A_531, %dma_start3A_532] : memref<2x16x125xi32, #tpu.memory_space<vmem>> -> memref<1x1x125xi32, #tpu.memory_space<vmem>>
      %dma_start3A_534 = tpu.memref_squeeze %dma_start3A_533 : memref<1x1x125xi32, #tpu.memory_space<vmem>> -> memref<125xi32, #tpu.memory_space<vmem>>
      %dma_start3A_535 = arith.constant 0 : i32
      %dma_start3A_536 = arith.constant 0 : i32
      %dma_start3A_537 = tpu.memref_slice %arg2[%dma_start3A_535, %dma_start3A_536] : memref<10240x128xf32, #tpu.memory_space<hbm>> -> memref<10240x128xf32, #tpu.memory_space<hbm>>
      tpu.enqueue_indirect_dma source(%dma_start3A_537 : memref<10240x128xf32, #tpu.memory_space<hbm>>) target(%arg10 : memref<125x128xf32, #tpu.memory_space<vmem>>) offsets(%dma_start3A_534 : memref<125xi32, #tpu.memory_space<vmem>>) semaphore(%arg13 : memref<!tpu.dma_semaphore, #tpu.memory_space<semaphore_mem>>)
      %dma_wait3A_538 = arith.constant 13 : i32
      %dma_wait3A_539 = arith.constant 0 : i32
      %dma_wait3A_540 = tpu.memref_slice %arg8[%select_n3A_70, %dma_wait3A_538, %dma_wait3A_539] : memref<2x16x125xi32, #tpu.memory_space<vmem>> -> memref<1x1x125xi32, #tpu.memory_space<vmem>>
      %dma_wait3A_541 = tpu.memref_squeeze %dma_wait3A_540 : memref<1x1x125xi32, #tpu.memory_space<vmem>> -> memref<125xi32, #tpu.memory_space<vmem>>
      %dma_wait3A_542 = arith.constant 0 : i32
      %dma_wait3A_543 = arith.constant 0 : i32
      %dma_wait3A_544 = tpu.memref_slice %arg2[%dma_wait3A_542, %dma_wait3A_543] : memref<10240x128xf32, #tpu.memory_space<hbm>> -> memref<10240x128xf32, #tpu.memory_space<hbm>>
      tpu.wait_indirect_dma semaphore(%arg14 : memref<!tpu.dma_semaphore, #tpu.memory_space<semaphore_mem>>) src(%dma_wait3A_544 : memref<10240x128xf32, #tpu.memory_space<hbm>>) dst(%arg11 : memref<125x128xf32, #tpu.memory_space<vmem>>)
      %dma_start3A_545 = arith.constant 13 : i32
      %dma_start3A_546 = arith.constant 0 : i32
      %dma_start3A_547 = tpu.memref_slice %arg9[%select_n3A_86, %dma_start3A_545, %dma_start3A_546] : memref<3x16x125xi32, #tpu.memory_space<vmem>> -> memref<1x1x125xi32, #tpu.memory_space<vmem>>
      %dma_start3A_548 = tpu.memref_squeeze %dma_start3A_547 : memref<1x1x125xi32, #tpu.memory_space<vmem>> -> memref<125xi32, #tpu.memory_space<vmem>>
      %dma_start3A_549 = arith.constant 0 : i32
      %dma_start3A_550 = arith.constant 0 : i32
      %dma_start3A_551 = tpu.memref_slice %arg12[%dma_start3A_549, %dma_start3A_550] : memref<10240x128xf32, #tpu.memory_space<vmem_shared>> -> memref<10240x128xf32, #tpu.memory_space<vmem_shared>>
      tpu.enqueue_indirect_dma source(%arg11 : memref<125x128xf32, #tpu.memory_space<vmem>>) target(%dma_start3A_551 : memref<10240x128xf32, #tpu.memory_space<vmem_shared>>) offsets(%dma_start3A_548 : memref<125xi32, #tpu.memory_space<vmem>>) semaphore(%arg16 : memref<!tpu.dma_semaphore, #tpu.memory_space<semaphore_mem>>) {add = true}
      %dma_wait3A_552 = arith.constant 13 : i32
      %dma_wait3A_553 = arith.constant 0 : i32
      %dma_wait3A_554 = tpu.memref_slice %arg9[%select_n3A_86, %dma_wait3A_552, %dma_wait3A_553] : memref<3x16x125xi32, #tpu.memory_space<vmem>> -> memref<1x1x125xi32, #tpu.memory_space<vmem>>
      %dma_wait3A_555 = tpu.memref_squeeze %dma_wait3A_554 : memref<1x1x125xi32, #tpu.memory_space<vmem>> -> memref<125xi32, #tpu.memory_space<vmem>>
      %dma_wait3A_556 = arith.constant 0 : i32
      %dma_wait3A_557 = arith.constant 0 : i32
      %dma_wait3A_558 = tpu.memref_slice %arg12[%dma_wait3A_556, %dma_wait3A_557] : memref<10240x128xf32, #tpu.memory_space<vmem_shared>> -> memref<10240x128xf32, #tpu.memory_space<vmem_shared>>
      tpu.wait_indirect_dma semaphore(%arg16 : memref<!tpu.dma_semaphore, #tpu.memory_space<semaphore_mem>>) src(%arg11 : memref<125x128xf32, #tpu.memory_space<vmem>>) dst(%dma_wait3A_558 : memref<10240x128xf32, #tpu.memory_space<vmem_shared>>)
      %dma_start3A_559 = arith.constant 15 : i32
      %dma_start3A_560 = arith.constant 0 : i32
      %dma_start3A_561 = tpu.memref_slice %arg8[%select_n3A_70, %dma_start3A_559, %dma_start3A_560] : memref<2x16x125xi32, #tpu.memory_space<vmem>> -> memref<1x1x125xi32, #tpu.memory_space<vmem>>
      %dma_start3A_562 = tpu.memref_squeeze %dma_start3A_561 : memref<1x1x125xi32, #tpu.memory_space<vmem>> -> memref<125xi32, #tpu.memory_space<vmem>>
      %dma_start3A_563 = arith.constant 0 : i32
      %dma_start3A_564 = arith.constant 0 : i32
      %dma_start3A_565 = tpu.memref_slice %arg2[%dma_start3A_563, %dma_start3A_564] : memref<10240x128xf32, #tpu.memory_space<hbm>> -> memref<10240x128xf32, #tpu.memory_space<hbm>>
      tpu.enqueue_indirect_dma source(%dma_start3A_565 : memref<10240x128xf32, #tpu.memory_space<hbm>>) target(%arg11 : memref<125x128xf32, #tpu.memory_space<vmem>>) offsets(%dma_start3A_562 : memref<125xi32, #tpu.memory_space<vmem>>) semaphore(%arg14 : memref<!tpu.dma_semaphore, #tpu.memory_space<semaphore_mem>>)
      %dma_wait3A_566 = arith.constant 14 : i32
      %dma_wait3A_567 = arith.constant 0 : i32
      %dma_wait3A_568 = tpu.memref_slice %arg8[%select_n3A_70, %dma_wait3A_566, %dma_wait3A_567] : memref<2x16x125xi32, #tpu.memory_space<vmem>> -> memref<1x1x125xi32, #tpu.memory_space<vmem>>
      %dma_wait3A_569 = tpu.memref_squeeze %dma_wait3A_568 : memref<1x1x125xi32, #tpu.memory_space<vmem>> -> memref<125xi32, #tpu.memory_space<vmem>>
      %dma_wait3A_570 = arith.constant 0 : i32
      %dma_wait3A_571 = arith.constant 0 : i32
      %dma_wait3A_572 = tpu.memref_slice %arg2[%dma_wait3A_570, %dma_wait3A_571] : memref<10240x128xf32, #tpu.memory_space<hbm>> -> memref<10240x128xf32, #tpu.memory_space<hbm>>
      tpu.wait_indirect_dma semaphore(%arg13 : memref<!tpu.dma_semaphore, #tpu.memory_space<semaphore_mem>>) src(%dma_wait3A_572 : memref<10240x128xf32, #tpu.memory_space<hbm>>) dst(%arg10 : memref<125x128xf32, #tpu.memory_space<vmem>>)
      %dma_start3A_573 = arith.constant 14 : i32
      %dma_start3A_574 = arith.constant 0 : i32
      %dma_start3A_575 = tpu.memref_slice %arg9[%select_n3A_86, %dma_start3A_573, %dma_start3A_574] : memref<3x16x125xi32, #tpu.memory_space<vmem>> -> memref<1x1x125xi32, #tpu.memory_space<vmem>>
      %dma_start3A_576 = tpu.memref_squeeze %dma_start3A_575 : memref<1x1x125xi32, #tpu.memory_space<vmem>> -> memref<125xi32, #tpu.memory_space<vmem>>
      %dma_start3A_577 = arith.constant 0 : i32
      %dma_start3A_578 = arith.constant 0 : i32
      %dma_start3A_579 = tpu.memref_slice %arg12[%dma_start3A_577, %dma_start3A_578] : memref<10240x128xf32, #tpu.memory_space<vmem_shared>> -> memref<10240x128xf32, #tpu.memory_space<vmem_shared>>
      tpu.enqueue_indirect_dma source(%arg10 : memref<125x128xf32, #tpu.memory_space<vmem>>) target(%dma_start3A_579 : memref<10240x128xf32, #tpu.memory_space<vmem_shared>>) offsets(%dma_start3A_576 : memref<125xi32, #tpu.memory_space<vmem>>) semaphore(%arg15 : memref<!tpu.dma_semaphore, #tpu.memory_space<semaphore_mem>>) {add = true}
      %dma_wait3A_580 = arith.constant 15 : i32
      %dma_wait3A_581 = arith.constant 0 : i32
      %dma_wait3A_582 = tpu.memref_slice %arg8[%select_n3A_70, %dma_wait3A_580, %dma_wait3A_581] : memref<2x16x125xi32, #tpu.memory_space<vmem>> -> memref<1x1x125xi32, #tpu.memory_space<vmem>>
      %dma_wait3A_583 = tpu.memref_squeeze %dma_wait3A_582 : memref<1x1x125xi32, #tpu.memory_space<vmem>> -> memref<125xi32, #tpu.memory_space<vmem>>
      %dma_wait3A_584 = arith.constant 0 : i32
      %dma_wait3A_585 = arith.constant 0 : i32
      %dma_wait3A_586 = tpu.memref_slice %arg2[%dma_wait3A_584, %dma_wait3A_585] : memref<10240x128xf32, #tpu.memory_space<hbm>> -> memref<10240x128xf32, #tpu.memory_space<hbm>>
      tpu.wait_indirect_dma semaphore(%arg14 : memref<!tpu.dma_semaphore, #tpu.memory_space<semaphore_mem>>) src(%dma_wait3A_586 : memref<10240x128xf32, #tpu.memory_space<hbm>>) dst(%arg11 : memref<125x128xf32, #tpu.memory_space<vmem>>)
      %dma_start3A_587 = arith.constant 15 : i32
      %dma_start3A_588 = arith.constant 0 : i32
      %dma_start3A_589 = tpu.memref_slice %arg9[%select_n3A_86, %dma_start3A_587, %dma_start3A_588] : memref<3x16x125xi32, #tpu.memory_space<vmem>> -> memref<1x1x125xi32, #tpu.memory_space<vmem>>
      %dma_start3A_590 = tpu.memref_squeeze %dma_start3A_589 : memref<1x1x125xi32, #tpu.memory_space<vmem>> -> memref<125xi32, #tpu.memory_space<vmem>>
      %dma_start3A_591 = arith.constant 0 : i32
      %dma_start3A_592 = arith.constant 0 : i32
      %dma_start3A_593 = tpu.memref_slice %arg12[%dma_start3A_591, %dma_start3A_592] : memref<10240x128xf32, #tpu.memory_space<vmem_shared>> -> memref<10240x128xf32, #tpu.memory_space<vmem_shared>>
      tpu.enqueue_indirect_dma source(%arg11 : memref<125x128xf32, #tpu.memory_space<vmem>>) target(%dma_start3A_593 : memref<10240x128xf32, #tpu.memory_space<vmem_shared>>) offsets(%dma_start3A_590 : memref<125xi32, #tpu.memory_space<vmem>>) semaphore(%arg16 : memref<!tpu.dma_semaphore, #tpu.memory_space<semaphore_mem>>) {add = true}
    }
    %scan3A_36 = arith.constant 5 : i32
    %dma_wait3A = arith.constant 1 : i32
    %dma_wait3A_37 = arith.constant 14 : i32
    %dma_wait3A_38 = arith.constant 0 : i32
    %dma_wait3A_39 = tpu.memref_slice %arg9[%dma_wait3A, %dma_wait3A_37, %dma_wait3A_38] : memref<3x16x125xi32, #tpu.memory_space<vmem>> -> memref<1x1x125xi32, #tpu.memory_space<vmem>>
    %dma_wait3A_40 = tpu.memref_squeeze %dma_wait3A_39 : memref<1x1x125xi32, #tpu.memory_space<vmem>> -> memref<125xi32, #tpu.memory_space<vmem>>
    %dma_wait3A_41 = arith.constant 0 : i32
    %dma_wait3A_42 = arith.constant 0 : i32
    %dma_wait3A_43 = tpu.memref_slice %arg12[%dma_wait3A_41, %dma_wait3A_42] : memref<10240x128xf32, #tpu.memory_space<vmem_shared>> -> memref<10240x128xf32, #tpu.memory_space<vmem_shared>>
    tpu.wait_indirect_dma semaphore(%arg15 : memref<!tpu.dma_semaphore, #tpu.memory_space<semaphore_mem>>) src(%arg10 : memref<125x128xf32, #tpu.memory_space<vmem>>) dst(%dma_wait3A_43 : memref<10240x128xf32, #tpu.memory_space<vmem_shared>>)
    %dma_wait3A_44 = arith.constant 1 : i32
    %dma_wait3A_45 = arith.constant 15 : i32
    %dma_wait3A_46 = arith.constant 0 : i32
    %dma_wait3A_47 = tpu.memref_slice %arg9[%dma_wait3A_44, %dma_wait3A_45, %dma_wait3A_46] : memref<3x16x125xi32, #tpu.memory_space<vmem>> -> memref<1x1x125xi32, #tpu.memory_space<vmem>>
    %dma_wait3A_48 = tpu.memref_squeeze %dma_wait3A_47 : memref<1x1x125xi32, #tpu.memory_space<vmem>> -> memref<125xi32, #tpu.memory_space<vmem>>
    %dma_wait3A_49 = arith.constant 0 : i32
    %dma_wait3A_50 = arith.constant 0 : i32
    %dma_wait3A_51 = tpu.memref_slice %arg12[%dma_wait3A_49, %dma_wait3A_50] : memref<10240x128xf32, #tpu.memory_space<vmem_shared>> -> memref<10240x128xf32, #tpu.memory_space<vmem_shared>>
    tpu.wait_indirect_dma semaphore(%arg16 : memref<!tpu.dma_semaphore, #tpu.memory_space<semaphore_mem>>) src(%arg11 : memref<125x128xf32, #tpu.memory_space<vmem>>) dst(%dma_wait3A_51 : memref<10240x128xf32, #tpu.memory_space<vmem_shared>>)
    %barrier3A_52 = arith.constant 0 : index
    tpu.barrier barrier_id(%barrier3A_52)
    %eq3A = arith.constant 0 : i32
    %eq3A_53 = arith.cmpi eq, %arg0, %eq3A : i32
    %convert_element_type3A = arith.extui %eq3A_53 : i1 to i32
    %cond3A = arith.constant 0 : i32
    %cond3A_54 = arith.cmpi ne, %convert_element_type3A, %cond3A : i32
    scf.if %cond3A_54 {
      "tpu.region"() ({
        %run_scoped3A = tpu.sem_alloc : memref<!tpu.dma_semaphore, #tpu.memory_space<semaphore_mem>>
        %dma_start3A_60 = arith.constant 0 : i32
        %dma_start3A_61 = tpu.memref_slice %arg6[%mul3A_0, %dma_start3A_60] : memref<10240x128xf32, #tpu.memory_space<hbm>> -> memref<640x128xf32, #tpu.memory_space<hbm>>
        %dma_start3A_62 = arith.constant 0 : i32
        %dma_start3A_63 = tpu.memref_slice %arg12[%mul3A_0, %dma_start3A_62] : memref<10240x128xf32, #tpu.memory_space<vmem_shared>> -> memref<640x128xf32, #tpu.memory_space<vmem_shared>>
        tpu.enqueue_dma source(%dma_start3A_63 : memref<640x128xf32, #tpu.memory_space<vmem_shared>>) target(%dma_start3A_61 : memref<640x128xf32, #tpu.memory_space<hbm>>) target_semaphore(%run_scoped3A : memref<!tpu.dma_semaphore, #tpu.memory_space<semaphore_mem>>)
        %dma_wait3A_64 = arith.constant 0 : i32
        %dma_wait3A_65 = tpu.memref_slice %arg6[%mul3A_0, %dma_wait3A_64] : memref<10240x128xf32, #tpu.memory_space<hbm>> -> memref<640x128xf32, #tpu.memory_space<hbm>>
        %dma_wait3A_66 = arith.constant 0 : i32
        %dma_wait3A_67 = tpu.memref_slice %arg12[%mul3A_0, %dma_wait3A_66] : memref<10240x128xf32, #tpu.memory_space<vmem_shared>> -> memref<640x128xf32, #tpu.memory_space<vmem_shared>>
        tpu.wait_dma2 semaphore(%run_scoped3A : memref<!tpu.dma_semaphore, #tpu.memory_space<semaphore_mem>>) src(%dma_wait3A_67 : memref<640x128xf32, #tpu.memory_space<vmem_shared>>) dst(%dma_wait3A_65 : memref<640x128xf32, #tpu.memory_space<hbm>>)
        tpu.yield
      }) : () -> ()
    } else {
    }
    %eq3A_55 = arith.constant 1 : i32
    %eq3A_56 = arith.cmpi eq, %arg0, %eq3A_55 : i32
    %convert_element_type3A_57 = arith.extui %eq3A_56 : i1 to i32
    %cond3A_58 = arith.constant 0 : i32
    %cond3A_59 = arith.cmpi ne, %convert_element_type3A_57, %cond3A_58 : i32
    scf.if %cond3A_59 {
      "tpu.region"() ({
        %run_scoped3A = tpu.sem_alloc : memref<!tpu.dma_semaphore, #tpu.memory_space<semaphore_mem>>
        %dma_start3A_60 = arith.constant 0 : i32
        %dma_start3A_61 = tpu.memref_slice %arg7[%mul3A_0, %dma_start3A_60] : memref<10240x128xf32, #tpu.memory_space<hbm>> -> memref<640x128xf32, #tpu.memory_space<hbm>>
        %dma_start3A_62 = arith.constant 0 : i32
        %dma_start3A_63 = tpu.memref_slice %arg12[%mul3A_0, %dma_start3A_62] : memref<10240x128xf32, #tpu.memory_space<vmem_shared>> -> memref<640x128xf32, #tpu.memory_space<vmem_shared>>
        tpu.enqueue_dma source(%dma_start3A_63 : memref<640x128xf32, #tpu.memory_space<vmem_shared>>) target(%dma_start3A_61 : memref<640x128xf32, #tpu.memory_space<hbm>>) target_semaphore(%run_scoped3A : memref<!tpu.dma_semaphore, #tpu.memory_space<semaphore_mem>>)
        %dma_wait3A_64 = arith.constant 0 : i32
        %dma_wait3A_65 = tpu.memref_slice %arg7[%mul3A_0, %dma_wait3A_64] : memref<10240x128xf32, #tpu.memory_space<hbm>> -> memref<640x128xf32, #tpu.memory_space<hbm>>
        %dma_wait3A_66 = arith.constant 0 : i32
        %dma_wait3A_67 = tpu.memref_slice %arg12[%mul3A_0, %dma_wait3A_66] : memref<10240x128xf32, #tpu.memory_space<vmem_shared>> -> memref<640x128xf32, #tpu.memory_space<vmem_shared>>
        tpu.wait_dma2 semaphore(%run_scoped3A : memref<!tpu.dma_semaphore, #tpu.memory_space<semaphore_mem>>) src(%dma_wait3A_67 : memref<640x128xf32, #tpu.memory_space<vmem_shared>>) dst(%dma_wait3A_65 : memref<640x128xf32, #tpu.memory_space<hbm>>)
        tpu.yield
      }) : () -> ()
    } else {
    }
    return
  }
}

#map = affine_map<(d0, d1) -> (0, 0)>
module attributes {stable_mosaic.version = 14 : i64} {
  func.func @k(%arg0: i32, %arg1: i32, %arg2: memref<10240x128xf32, #tpu.memory_space<hbm>>, %arg3: memref<10240x128xf32, #tpu.memory_space<hbm>>, %arg4: memref<2560x125xi32, #tpu.memory_space<hbm>>, %arg5: memref<2560x125xi32, #tpu.memory_space<hbm>>, %arg6: memref<10240x128xf32, #tpu.memory_space<hbm>>, %arg7: memref<10240x128xf32, #tpu.memory_space<hbm>>, %arg8: memref<10240x128xf32, #tpu.memory_space<hbm>>, %arg9: memref<2x16x125xi32, #tpu.memory_space<vmem>>, %arg10: memref<3x16x125xi32, #tpu.memory_space<vmem>>, %arg11: memref<125x128xf32, #tpu.memory_space<vmem>>, %arg12: memref<125x128xf32, #tpu.memory_space<vmem>>, %arg13: memref<10240x128xf32, #tpu.memory_space<vmem_shared>>, %arg14: memref<!tpu.dma_semaphore, #tpu.memory_space<semaphore_mem>>, %arg15: memref<!tpu.dma_semaphore, #tpu.memory_space<semaphore_mem>>, %arg16: memref<!tpu.dma_semaphore, #tpu.memory_space<semaphore_mem>>, %arg17: memref<!tpu.dma_semaphore, #tpu.memory_space<semaphore_mem>>, %arg18: memref<!tpu.dma_semaphore, #tpu.memory_space<semaphore_mem>>, %arg19: memref<!tpu.dma_semaphore, #tpu.memory_space<semaphore_mem>>) attributes {dimension_semantics = [#tpu.dimension_semantics<core_parallel>, #tpu.dimension_semantics<subcore_parallel>], iteration_bounds = array<i64: 2, 16>, scalar_prefetch = 0 : i64, scratch_operands = 11 : i64, tpu.core_type = #tpu.core_type<sc_vector_subcore>, window_params = [{transform_indices = #map}, {transform_indices = #map}, {transform_indices = #map}, {transform_indices = #map}, {transform_indices = #map}, {transform_indices = #map}, {transform_indices = #map}]} {
    %mul3A = arith.constant 640 : i32
    %mul3A_0 = arith.muli %arg1, %mul3A : i32
    "tpu.region"() ({
      %run_scoped3A = tpu.sem_alloc : memref<!tpu.dma_semaphore, #tpu.memory_space<semaphore_mem>>
      %dma_start3A = arith.constant 0 : i32
      %dma_start3A_21 = tpu.memref_slice %arg13[%mul3A_0, %dma_start3A] : memref<10240x128xf32, #tpu.memory_space<vmem_shared>> -> memref<640x128xf32, #tpu.memory_space<vmem_shared>>
      %dma_start3A_22 = arith.constant 0 : i32
      %dma_start3A_23 = tpu.memref_slice %arg6[%mul3A_0, %dma_start3A_22] : memref<10240x128xf32, #tpu.memory_space<hbm>> -> memref<640x128xf32, #tpu.memory_space<hbm>>
      tpu.enqueue_dma source(%dma_start3A_23 : memref<640x128xf32, #tpu.memory_space<hbm>>) target(%dma_start3A_21 : memref<640x128xf32, #tpu.memory_space<vmem_shared>>) target_semaphore(%run_scoped3A : memref<!tpu.dma_semaphore, #tpu.memory_space<semaphore_mem>>)
      %dma_wait3A = arith.constant 0 : i32
      %dma_wait3A_24 = tpu.memref_slice %arg13[%mul3A_0, %dma_wait3A] : memref<10240x128xf32, #tpu.memory_space<vmem_shared>> -> memref<640x128xf32, #tpu.memory_space<vmem_shared>>
      %dma_wait3A_25 = arith.constant 0 : i32
      %dma_wait3A_26 = tpu.memref_slice %arg6[%mul3A_0, %dma_wait3A_25] : memref<10240x128xf32, #tpu.memory_space<hbm>> -> memref<640x128xf32, #tpu.memory_space<hbm>>
      tpu.wait_dma2 semaphore(%run_scoped3A : memref<!tpu.dma_semaphore, #tpu.memory_space<semaphore_mem>>) src(%dma_wait3A_26 : memref<640x128xf32, #tpu.memory_space<hbm>>) dst(%dma_wait3A_24 : memref<640x128xf32, #tpu.memory_space<vmem_shared>>)
      tpu.yield
    }) : () -> ()
    %barrier3A = arith.constant 0 : index
    tpu.barrier barrier_id(%barrier3A)
    %mul3A_1 = arith.constant 160 : i32
    %mul3A_2 = arith.muli %arg1, %mul3A_1 : i32
    %eq3A = arith.constant 0 : i32
    %eq3A_3 = arith.cmpi eq, %arg0, %eq3A : i32
    %convert_element_type3A = arith.extui %eq3A_3 : i1 to i32
    %cond3A = arith.constant 0 : i32
    %cond3A_4 = arith.cmpi ne, %convert_element_type3A, %cond3A : i32
    scf.if %cond3A_4 {
      %add3A = arith.constant 0 : i32
      %add3A_21 = arith.addi %mul3A_2, %add3A : i32
      %dma_start3A = arith.constant 0 : i32
      %dma_start3A_22 = arith.constant 0 : i32
      %dma_start3A_23 = arith.constant 0 : i32
      %dma_start3A_24 = tpu.memref_slice %arg9[%dma_start3A, %dma_start3A_22, %dma_start3A_23] : memref<2x16x125xi32, #tpu.memory_space<vmem>> -> memref<1x16x125xi32, #tpu.memory_space<vmem>>
      %dma_start3A_25 = tpu.memref_squeeze %dma_start3A_24 : memref<1x16x125xi32, #tpu.memory_space<vmem>> -> memref<16x125xi32, #tpu.memory_space<vmem>>
      %dma_start3A_26 = arith.constant 0 : i32
      %dma_start3A_27 = tpu.memref_slice %arg4[%add3A_21, %dma_start3A_26] : memref<2560x125xi32, #tpu.memory_space<hbm>> -> memref<16x125xi32, #tpu.memory_space<hbm>>
      %dma_start3A_28 = arith.constant 0 : i32
      %dma_start3A_29 = arith.constant 0 : i32
      %dma_start3A_30 = tpu.memref_slice %arg9[%dma_start3A, %dma_start3A_28, %dma_start3A_29] : memref<2x16x125xi32, #tpu.memory_space<vmem>> -> memref<1x16x125xi32, #tpu.memory_space<vmem>>
      %dma_start3A_31 = tpu.memref_squeeze %dma_start3A_30 : memref<1x16x125xi32, #tpu.memory_space<vmem>> -> memref<16x125xi32, #tpu.memory_space<vmem>>
      %dma_start3A_32 = arith.constant 0 : i32
      %dma_start3A_33 = tpu.memref_slice %arg4[%add3A_21, %dma_start3A_32] : memref<2560x125xi32, #tpu.memory_space<hbm>> -> memref<16x125xi32, #tpu.memory_space<hbm>>
      tpu.enqueue_dma source(%dma_start3A_33 : memref<16x125xi32, #tpu.memory_space<hbm>>) target(%dma_start3A_31 : memref<16x125xi32, #tpu.memory_space<vmem>>) target_semaphore(%arg18 : memref<!tpu.dma_semaphore, #tpu.memory_space<semaphore_mem>>)
      %dma_start3A_34 = arith.constant 0 : i32
      %dma_start3A_35 = arith.constant 0 : i32
      %dma_start3A_36 = arith.constant 0 : i32
      %dma_start3A_37 = tpu.memref_slice %arg10[%dma_start3A_34, %dma_start3A_35, %dma_start3A_36] : memref<3x16x125xi32, #tpu.memory_space<vmem>> -> memref<1x16x125xi32, #tpu.memory_space<vmem>>
      %dma_start3A_38 = tpu.memref_squeeze %dma_start3A_37 : memref<1x16x125xi32, #tpu.memory_space<vmem>> -> memref<16x125xi32, #tpu.memory_space<vmem>>
      %dma_start3A_39 = arith.constant 0 : i32
      %dma_start3A_40 = tpu.memref_slice %arg5[%add3A_21, %dma_start3A_39] : memref<2560x125xi32, #tpu.memory_space<hbm>> -> memref<16x125xi32, #tpu.memory_space<hbm>>
      %dma_start3A_41 = arith.constant 0 : i32
      %dma_start3A_42 = arith.constant 0 : i32
      %dma_start3A_43 = tpu.memref_slice %arg10[%dma_start3A_34, %dma_start3A_41, %dma_start3A_42] : memref<3x16x125xi32, #tpu.memory_space<vmem>> -> memref<1x16x125xi32, #tpu.memory_space<vmem>>
      %dma_start3A_44 = tpu.memref_squeeze %dma_start3A_43 : memref<1x16x125xi32, #tpu.memory_space<vmem>> -> memref<16x125xi32, #tpu.memory_space<vmem>>
      %dma_start3A_45 = arith.constant 0 : i32
      %dma_start3A_46 = tpu.memref_slice %arg5[%add3A_21, %dma_start3A_45] : memref<2560x125xi32, #tpu.memory_space<hbm>> -> memref<16x125xi32, #tpu.memory_space<hbm>>
      tpu.enqueue_dma source(%dma_start3A_46 : memref<16x125xi32, #tpu.memory_space<hbm>>) target(%dma_start3A_44 : memref<16x125xi32, #tpu.memory_space<vmem>>) target_semaphore(%arg19 : memref<!tpu.dma_semaphore, #tpu.memory_space<semaphore_mem>>)
      %scan3A = arith.constant 0 : i32
      %scan3A_47 = arith.constant 0 : i32
      %scan3A_48 = arith.constant 10 : i32
      %scan3A_49 = arith.addi %scan3A_47, %scan3A_48 : i32
      %scan3A_50 = arith.constant 1 : i32
      scf.for %scan3A_67 = %scan3A_47 to %scan3A_49 step %scan3A_50  : i32 {
        %jit3A = arith.constant 2 : i32
        %eq3A_68 = arith.constant 0 : i32
        %eq3A_69 = arith.cmpi eq, %jit3A, %eq3A_68 : i32
        %jit3A_70 = arith.constant 1 : i32
        %select_n3A = arith.select %eq3A_69, %jit3A_70, %jit3A : i32
        %rem3A = arith.remsi %scan3A_67, %select_n3A : i32
        %ne3A = arith.constant 0 : i32
        %ne3A_71 = arith.cmpi ne, %rem3A, %ne3A : i32
        %lt3A = arith.constant 0 : i32
        %lt3A_72 = arith.cmpi slt, %rem3A, %lt3A : i32
        %lt3A_73 = arith.constant 0 : i32
        %lt3A_74 = arith.cmpi slt, %select_n3A, %lt3A_73 : i32
        %ne3A_75 = arith.xori %lt3A_72, %lt3A_74 : i1
        %and3A = arith.andi %ne3A_75, %ne3A_71 : i1
        %add3A_76 = arith.addi %rem3A, %select_n3A : i32
        %select_n3A_77 = arith.select %and3A, %add3A_76, %rem3A : i32
        %jit3A_78 = arith.constant 3 : i32
        %eq3A_79 = arith.constant 0 : i32
        %eq3A_80 = arith.cmpi eq, %jit3A_78, %eq3A_79 : i32
        %jit3A_81 = arith.constant 1 : i32
        %select_n3A_82 = arith.select %eq3A_80, %jit3A_81, %jit3A_78 : i32
        %rem3A_83 = arith.remsi %scan3A_67, %select_n3A_82 : i32
        %ne3A_84 = arith.constant 0 : i32
        %ne3A_85 = arith.cmpi ne, %rem3A_83, %ne3A_84 : i32
        %lt3A_86 = arith.constant 0 : i32
        %lt3A_87 = arith.cmpi slt, %rem3A_83, %lt3A_86 : i32
        %lt3A_88 = arith.constant 0 : i32
        %lt3A_89 = arith.cmpi slt, %select_n3A_82, %lt3A_88 : i32
        %ne3A_90 = arith.xori %lt3A_87, %lt3A_89 : i1
        %and3A_91 = arith.andi %ne3A_90, %ne3A_85 : i1
        %add3A_92 = arith.addi %rem3A_83, %select_n3A_82 : i32
        %select_n3A_93 = arith.select %and3A_91, %add3A_92, %rem3A_83 : i32
        %mul3A_94 = arith.constant 16 : i32
        %mul3A_95 = arith.muli %scan3A_67, %mul3A_94 : i32
        %add3A_96 = arith.addi %mul3A_2, %mul3A_95 : i32
        %jit3A_97 = arith.constant 2 : i32
        %eq3A_98 = arith.constant 0 : i32
        %eq3A_99 = arith.cmpi eq, %jit3A_97, %eq3A_98 : i32
        %jit3A_100 = arith.constant 1 : i32
        %select_n3A_101 = arith.select %eq3A_99, %jit3A_100, %jit3A_97 : i32
        %rem3A_102 = arith.remsi %scan3A_67, %select_n3A_101 : i32
        %ne3A_103 = arith.constant 0 : i32
        %ne3A_104 = arith.cmpi ne, %rem3A_102, %ne3A_103 : i32
        %lt3A_105 = arith.constant 0 : i32
        %lt3A_106 = arith.cmpi slt, %rem3A_102, %lt3A_105 : i32
        %lt3A_107 = arith.constant 0 : i32
        %lt3A_108 = arith.cmpi slt, %select_n3A_101, %lt3A_107 : i32
        %ne3A_109 = arith.xori %lt3A_106, %lt3A_108 : i1
        %and3A_110 = arith.andi %ne3A_109, %ne3A_104 : i1
        %add3A_111 = arith.addi %rem3A_102, %select_n3A_101 : i32
        %select_n3A_112 = arith.select %and3A_110, %add3A_111, %rem3A_102 : i32
        %dma_wait3A_113 = arith.constant 0 : i32
        %dma_wait3A_114 = arith.constant 0 : i32
        %dma_wait3A_115 = tpu.memref_slice %arg9[%select_n3A_112, %dma_wait3A_113, %dma_wait3A_114] : memref<2x16x125xi32, #tpu.memory_space<vmem>> -> memref<1x16x125xi32, #tpu.memory_space<vmem>>
        %dma_wait3A_116 = tpu.memref_squeeze %dma_wait3A_115 : memref<1x16x125xi32, #tpu.memory_space<vmem>> -> memref<16x125xi32, #tpu.memory_space<vmem>>
        %dma_wait3A_117 = arith.constant 0 : i32
        %dma_wait3A_118 = tpu.memref_slice %arg4[%add3A_96, %dma_wait3A_117] : memref<2560x125xi32, #tpu.memory_space<hbm>> -> memref<16x125xi32, #tpu.memory_space<hbm>>
        %dma_wait3A_119 = arith.constant 0 : i32
        %dma_wait3A_120 = arith.constant 0 : i32
        %dma_wait3A_121 = tpu.memref_slice %arg9[%select_n3A_112, %dma_wait3A_119, %dma_wait3A_120] : memref<2x16x125xi32, #tpu.memory_space<vmem>> -> memref<1x16x125xi32, #tpu.memory_space<vmem>>
        %dma_wait3A_122 = tpu.memref_squeeze %dma_wait3A_121 : memref<1x16x125xi32, #tpu.memory_space<vmem>> -> memref<16x125xi32, #tpu.memory_space<vmem>>
        %dma_wait3A_123 = arith.constant 0 : i32
        %dma_wait3A_124 = tpu.memref_slice %arg4[%add3A_96, %dma_wait3A_123] : memref<2560x125xi32, #tpu.memory_space<hbm>> -> memref<16x125xi32, #tpu.memory_space<hbm>>
        tpu.wait_dma2 semaphore(%arg18 : memref<!tpu.dma_semaphore, #tpu.memory_space<semaphore_mem>>) src(%dma_wait3A_124 : memref<16x125xi32, #tpu.memory_space<hbm>>) dst(%dma_wait3A_122 : memref<16x125xi32, #tpu.memory_space<vmem>>)
        %jit3A_125 = arith.constant 3 : i32
        %eq3A_126 = arith.constant 0 : i32
        %eq3A_127 = arith.cmpi eq, %jit3A_125, %eq3A_126 : i32
        %jit3A_128 = arith.constant 1 : i32
        %select_n3A_129 = arith.select %eq3A_127, %jit3A_128, %jit3A_125 : i32
        %rem3A_130 = arith.remsi %scan3A_67, %select_n3A_129 : i32
        %ne3A_131 = arith.constant 0 : i32
        %ne3A_132 = arith.cmpi ne, %rem3A_130, %ne3A_131 : i32
        %lt3A_133 = arith.constant 0 : i32
        %lt3A_134 = arith.cmpi slt, %rem3A_130, %lt3A_133 : i32
        %lt3A_135 = arith.constant 0 : i32
        %lt3A_136 = arith.cmpi slt, %select_n3A_129, %lt3A_135 : i32
        %ne3A_137 = arith.xori %lt3A_134, %lt3A_136 : i1
        %and3A_138 = arith.andi %ne3A_137, %ne3A_132 : i1
        %add3A_139 = arith.addi %rem3A_130, %select_n3A_129 : i32
        %select_n3A_140 = arith.select %and3A_138, %add3A_139, %rem3A_130 : i32
        %dma_wait3A_141 = arith.constant 0 : i32
        %dma_wait3A_142 = arith.constant 0 : i32
        %dma_wait3A_143 = tpu.memref_slice %arg10[%select_n3A_140, %dma_wait3A_141, %dma_wait3A_142] : memref<3x16x125xi32, #tpu.memory_space<vmem>> -> memref<1x16x125xi32, #tpu.memory_space<vmem>>
        %dma_wait3A_144 = tpu.memref_squeeze %dma_wait3A_143 : memref<1x16x125xi32, #tpu.memory_space<vmem>> -> memref<16x125xi32, #tpu.memory_space<vmem>>
        %dma_wait3A_145 = arith.constant 0 : i32
        %dma_wait3A_146 = tpu.memref_slice %arg5[%add3A_96, %dma_wait3A_145] : memref<2560x125xi32, #tpu.memory_space<hbm>> -> memref<16x125xi32, #tpu.memory_space<hbm>>
        %dma_wait3A_147 = arith.constant 0 : i32
        %dma_wait3A_148 = arith.constant 0 : i32
        %dma_wait3A_149 = tpu.memref_slice %arg10[%select_n3A_140, %dma_wait3A_147, %dma_wait3A_148] : memref<3x16x125xi32, #tpu.memory_space<vmem>> -> memref<1x16x125xi32, #tpu.memory_space<vmem>>
        %dma_wait3A_150 = tpu.memref_squeeze %dma_wait3A_149 : memref<1x16x125xi32, #tpu.memory_space<vmem>> -> memref<16x125xi32, #tpu.memory_space<vmem>>
        %dma_wait3A_151 = arith.constant 0 : i32
        %dma_wait3A_152 = tpu.memref_slice %arg5[%add3A_96, %dma_wait3A_151] : memref<2560x125xi32, #tpu.memory_space<hbm>> -> memref<16x125xi32, #tpu.memory_space<hbm>>
        tpu.wait_dma2 semaphore(%arg19 : memref<!tpu.dma_semaphore, #tpu.memory_space<semaphore_mem>>) src(%dma_wait3A_152 : memref<16x125xi32, #tpu.memory_space<hbm>>) dst(%dma_wait3A_150 : memref<16x125xi32, #tpu.memory_space<vmem>>)
        %lt3A_153 = arith.constant 9 : i32
        %lt3A_154 = arith.cmpi slt, %scan3A_67, %lt3A_153 : i32
        %convert_element_type3A_155 = arith.extui %lt3A_154 : i1 to i32
        %cond3A_156 = arith.constant 0 : i32
        %cond3A_157 = arith.cmpi ne, %convert_element_type3A_155, %cond3A_156 : i32
        scf.if %cond3A_157 {
          %add3A_601 = arith.constant 1 : i32
          %add3A_602 = arith.addi %scan3A_67, %add3A_601 : i32
          %mul3A_603 = arith.constant 16 : i32
          %mul3A_604 = arith.muli %add3A_602, %mul3A_603 : i32
          %add3A_605 = arith.addi %mul3A_2, %mul3A_604 : i32
          %jit3A_606 = arith.constant 2 : i32
          %eq3A_607 = arith.constant 0 : i32
          %eq3A_608 = arith.cmpi eq, %jit3A_606, %eq3A_607 : i32
          %jit3A_609 = arith.constant 1 : i32
          %select_n3A_610 = arith.select %eq3A_608, %jit3A_609, %jit3A_606 : i32
          %rem3A_611 = arith.remsi %add3A_602, %select_n3A_610 : i32
          %ne3A_612 = arith.constant 0 : i32
          %ne3A_613 = arith.cmpi ne, %rem3A_611, %ne3A_612 : i32
          %lt3A_614 = arith.constant 0 : i32
          %lt3A_615 = arith.cmpi slt, %rem3A_611, %lt3A_614 : i32
          %lt3A_616 = arith.constant 0 : i32
          %lt3A_617 = arith.cmpi slt, %select_n3A_610, %lt3A_616 : i32
          %ne3A_618 = arith.xori %lt3A_615, %lt3A_617 : i1
          %and3A_619 = arith.andi %ne3A_618, %ne3A_613 : i1
          %add3A_620 = arith.addi %rem3A_611, %select_n3A_610 : i32
          %select_n3A_621 = arith.select %and3A_619, %add3A_620, %rem3A_611 : i32
          %dma_start3A_622 = arith.constant 0 : i32
          %dma_start3A_623 = arith.constant 0 : i32
          %dma_start3A_624 = tpu.memref_slice %arg9[%select_n3A_621, %dma_start3A_622, %dma_start3A_623] : memref<2x16x125xi32, #tpu.memory_space<vmem>> -> memref<1x16x125xi32, #tpu.memory_space<vmem>>
          %dma_start3A_625 = tpu.memref_squeeze %dma_start3A_624 : memref<1x16x125xi32, #tpu.memory_space<vmem>> -> memref<16x125xi32, #tpu.memory_space<vmem>>
          %dma_start3A_626 = arith.constant 0 : i32
          %dma_start3A_627 = tpu.memref_slice %arg4[%add3A_605, %dma_start3A_626] : memref<2560x125xi32, #tpu.memory_space<hbm>> -> memref<16x125xi32, #tpu.memory_space<hbm>>
          %dma_start3A_628 = arith.constant 0 : i32
          %dma_start3A_629 = arith.constant 0 : i32
          %dma_start3A_630 = tpu.memref_slice %arg9[%select_n3A_621, %dma_start3A_628, %dma_start3A_629] : memref<2x16x125xi32, #tpu.memory_space<vmem>> -> memref<1x16x125xi32, #tpu.memory_space<vmem>>
          %dma_start3A_631 = tpu.memref_squeeze %dma_start3A_630 : memref<1x16x125xi32, #tpu.memory_space<vmem>> -> memref<16x125xi32, #tpu.memory_space<vmem>>
          %dma_start3A_632 = arith.constant 0 : i32
          %dma_start3A_633 = tpu.memref_slice %arg4[%add3A_605, %dma_start3A_632] : memref<2560x125xi32, #tpu.memory_space<hbm>> -> memref<16x125xi32, #tpu.memory_space<hbm>>
          tpu.enqueue_dma source(%dma_start3A_633 : memref<16x125xi32, #tpu.memory_space<hbm>>) target(%dma_start3A_631 : memref<16x125xi32, #tpu.memory_space<vmem>>) target_semaphore(%arg18 : memref<!tpu.dma_semaphore, #tpu.memory_space<semaphore_mem>>)
          %jit3A_634 = arith.constant 3 : i32
          %eq3A_635 = arith.constant 0 : i32
          %eq3A_636 = arith.cmpi eq, %jit3A_634, %eq3A_635 : i32
          %jit3A_637 = arith.constant 1 : i32
          %select_n3A_638 = arith.select %eq3A_636, %jit3A_637, %jit3A_634 : i32
          %rem3A_639 = arith.remsi %add3A_602, %select_n3A_638 : i32
          %ne3A_640 = arith.constant 0 : i32
          %ne3A_641 = arith.cmpi ne, %rem3A_639, %ne3A_640 : i32
          %lt3A_642 = arith.constant 0 : i32
          %lt3A_643 = arith.cmpi slt, %rem3A_639, %lt3A_642 : i32
          %lt3A_644 = arith.constant 0 : i32
          %lt3A_645 = arith.cmpi slt, %select_n3A_638, %lt3A_644 : i32
          %ne3A_646 = arith.xori %lt3A_643, %lt3A_645 : i1
          %and3A_647 = arith.andi %ne3A_646, %ne3A_641 : i1
          %add3A_648 = arith.addi %rem3A_639, %select_n3A_638 : i32
          %select_n3A_649 = arith.select %and3A_647, %add3A_648, %rem3A_639 : i32
          %dma_start3A_650 = arith.constant 0 : i32
          %dma_start3A_651 = arith.constant 0 : i32
          %dma_start3A_652 = tpu.memref_slice %arg10[%select_n3A_649, %dma_start3A_650, %dma_start3A_651] : memref<3x16x125xi32, #tpu.memory_space<vmem>> -> memref<1x16x125xi32, #tpu.memory_space<vmem>>
          %dma_start3A_653 = tpu.memref_squeeze %dma_start3A_652 : memref<1x16x125xi32, #tpu.memory_space<vmem>> -> memref<16x125xi32, #tpu.memory_space<vmem>>
          %dma_start3A_654 = arith.constant 0 : i32
          %dma_start3A_655 = tpu.memref_slice %arg5[%add3A_605, %dma_start3A_654] : memref<2560x125xi32, #tpu.memory_space<hbm>> -> memref<16x125xi32, #tpu.memory_space<hbm>>
          %dma_start3A_656 = arith.constant 0 : i32
          %dma_start3A_657 = arith.constant 0 : i32
          %dma_start3A_658 = tpu.memref_slice %arg10[%select_n3A_649, %dma_start3A_656, %dma_start3A_657] : memref<3x16x125xi32, #tpu.memory_space<vmem>> -> memref<1x16x125xi32, #tpu.memory_space<vmem>>
          %dma_start3A_659 = tpu.memref_squeeze %dma_start3A_658 : memref<1x16x125xi32, #tpu.memory_space<vmem>> -> memref<16x125xi32, #tpu.memory_space<vmem>>
          %dma_start3A_660 = arith.constant 0 : i32
          %dma_start3A_661 = tpu.memref_slice %arg5[%add3A_605, %dma_start3A_660] : memref<2560x125xi32, #tpu.memory_space<hbm>> -> memref<16x125xi32, #tpu.memory_space<hbm>>
          tpu.enqueue_dma source(%dma_start3A_661 : memref<16x125xi32, #tpu.memory_space<hbm>>) target(%dma_start3A_659 : memref<16x125xi32, #tpu.memory_space<vmem>>) target_semaphore(%arg19 : memref<!tpu.dma_semaphore, #tpu.memory_space<semaphore_mem>>)
        } else {
        }
        %gt3A = arith.constant 0 : i32
        %gt3A_158 = arith.cmpi sgt, %scan3A_67, %gt3A : i32
        %convert_element_type3A_159 = arith.extui %gt3A_158 : i1 to i32
        %cond3A_160 = arith.constant 0 : i32
        %cond3A_161 = arith.cmpi ne, %convert_element_type3A_159, %cond3A_160 : i32
        scf.if %cond3A_161 {
          %add3A_601 = arith.constant 2 : i32
          %add3A_602 = arith.addi %scan3A_67, %add3A_601 : i32
          %jit3A_603 = arith.constant 3 : i32
          %eq3A_604 = arith.constant 0 : i32
          %eq3A_605 = arith.cmpi eq, %jit3A_603, %eq3A_604 : i32
          %jit3A_606 = arith.constant 1 : i32
          %select_n3A_607 = arith.select %eq3A_605, %jit3A_606, %jit3A_603 : i32
          %rem3A_608 = arith.remsi %add3A_602, %select_n3A_607 : i32
          %ne3A_609 = arith.constant 0 : i32
          %ne3A_610 = arith.cmpi ne, %rem3A_608, %ne3A_609 : i32
          %lt3A_611 = arith.constant 0 : i32
          %lt3A_612 = arith.cmpi slt, %rem3A_608, %lt3A_611 : i32
          %lt3A_613 = arith.constant 0 : i32
          %lt3A_614 = arith.cmpi slt, %select_n3A_607, %lt3A_613 : i32
          %ne3A_615 = arith.xori %lt3A_612, %lt3A_614 : i1
          %and3A_616 = arith.andi %ne3A_615, %ne3A_610 : i1
          %add3A_617 = arith.addi %rem3A_608, %select_n3A_607 : i32
          %select_n3A_618 = arith.select %and3A_616, %add3A_617, %rem3A_608 : i32
          %dma_wait3A_619 = arith.constant 14 : i32
          %dma_wait3A_620 = arith.constant 0 : i32
          %dma_wait3A_621 = tpu.memref_slice %arg10[%select_n3A_618, %dma_wait3A_619, %dma_wait3A_620] : memref<3x16x125xi32, #tpu.memory_space<vmem>> -> memref<1x1x125xi32, #tpu.memory_space<vmem>>
          %dma_wait3A_622 = tpu.memref_squeeze %dma_wait3A_621 : memref<1x1x125xi32, #tpu.memory_space<vmem>> -> memref<125xi32, #tpu.memory_space<vmem>>
          %dma_wait3A_623 = arith.constant 0 : i32
          %dma_wait3A_624 = arith.constant 0 : i32
          %dma_wait3A_625 = tpu.memref_slice %arg13[%dma_wait3A_623, %dma_wait3A_624] : memref<10240x128xf32, #tpu.memory_space<vmem_shared>> -> memref<10240x128xf32, #tpu.memory_space<vmem_shared>>
          tpu.wait_indirect_dma semaphore(%arg16 : memref<!tpu.dma_semaphore, #tpu.memory_space<semaphore_mem>>) src(%arg11 : memref<125x128xf32, #tpu.memory_space<vmem>>) dst(%dma_wait3A_625 : memref<10240x128xf32, #tpu.memory_space<vmem_shared>>)
        } else {
        }
        %dma_start3A_162 = arith.constant 0 : i32
        %dma_start3A_163 = arith.constant 0 : i32
        %dma_start3A_164 = tpu.memref_slice %arg9[%select_n3A_77, %dma_start3A_162, %dma_start3A_163] : memref<2x16x125xi32, #tpu.memory_space<vmem>> -> memref<1x1x125xi32, #tpu.memory_space<vmem>>
        %dma_start3A_165 = tpu.memref_squeeze %dma_start3A_164 : memref<1x1x125xi32, #tpu.memory_space<vmem>> -> memref<125xi32, #tpu.memory_space<vmem>>
        %dma_start3A_166 = arith.constant 0 : i32
        %dma_start3A_167 = arith.constant 0 : i32
        %dma_start3A_168 = tpu.memref_slice %arg2[%dma_start3A_166, %dma_start3A_167] : memref<10240x128xf32, #tpu.memory_space<hbm>> -> memref<10240x128xf32, #tpu.memory_space<hbm>>
        tpu.enqueue_indirect_dma source(%dma_start3A_168 : memref<10240x128xf32, #tpu.memory_space<hbm>>) target(%arg11 : memref<125x128xf32, #tpu.memory_space<vmem>>) offsets(%dma_start3A_165 : memref<125xi32, #tpu.memory_space<vmem>>) semaphore(%arg14 : memref<!tpu.dma_semaphore, #tpu.memory_space<semaphore_mem>>)
        %gt3A_169 = arith.constant 0 : i32
        %gt3A_170 = arith.cmpi sgt, %scan3A_67, %gt3A_169 : i32
        %convert_element_type3A_171 = arith.extui %gt3A_170 : i1 to i32
        %cond3A_172 = arith.constant 0 : i32
        %cond3A_173 = arith.cmpi ne, %convert_element_type3A_171, %cond3A_172 : i32
        scf.if %cond3A_173 {
          %add3A_601 = arith.constant 2 : i32
          %add3A_602 = arith.addi %scan3A_67, %add3A_601 : i32
          %jit3A_603 = arith.constant 3 : i32
          %eq3A_604 = arith.constant 0 : i32
          %eq3A_605 = arith.cmpi eq, %jit3A_603, %eq3A_604 : i32
          %jit3A_606 = arith.constant 1 : i32
          %select_n3A_607 = arith.select %eq3A_605, %jit3A_606, %jit3A_603 : i32
          %rem3A_608 = arith.remsi %add3A_602, %select_n3A_607 : i32
          %ne3A_609 = arith.constant 0 : i32
          %ne3A_610 = arith.cmpi ne, %rem3A_608, %ne3A_609 : i32
          %lt3A_611 = arith.constant 0 : i32
          %lt3A_612 = arith.cmpi slt, %rem3A_608, %lt3A_611 : i32
          %lt3A_613 = arith.constant 0 : i32
          %lt3A_614 = arith.cmpi slt, %select_n3A_607, %lt3A_613 : i32
          %ne3A_615 = arith.xori %lt3A_612, %lt3A_614 : i1
          %and3A_616 = arith.andi %ne3A_615, %ne3A_610 : i1
          %add3A_617 = arith.addi %rem3A_608, %select_n3A_607 : i32
          %select_n3A_618 = arith.select %and3A_616, %add3A_617, %rem3A_608 : i32
          %dma_wait3A_619 = arith.constant 15 : i32
          %dma_wait3A_620 = arith.constant 0 : i32
          %dma_wait3A_621 = tpu.memref_slice %arg10[%select_n3A_618, %dma_wait3A_619, %dma_wait3A_620] : memref<3x16x125xi32, #tpu.memory_space<vmem>> -> memref<1x1x125xi32, #tpu.memory_space<vmem>>
          %dma_wait3A_622 = tpu.memref_squeeze %dma_wait3A_621 : memref<1x1x125xi32, #tpu.memory_space<vmem>> -> memref<125xi32, #tpu.memory_space<vmem>>
          %dma_wait3A_623 = arith.constant 0 : i32
          %dma_wait3A_624 = arith.constant 0 : i32
          %dma_wait3A_625 = tpu.memref_slice %arg13[%dma_wait3A_623, %dma_wait3A_624] : memref<10240x128xf32, #tpu.memory_space<vmem_shared>> -> memref<10240x128xf32, #tpu.memory_space<vmem_shared>>
          tpu.wait_indirect_dma semaphore(%arg17 : memref<!tpu.dma_semaphore, #tpu.memory_space<semaphore_mem>>) src(%arg12 : memref<125x128xf32, #tpu.memory_space<vmem>>) dst(%dma_wait3A_625 : memref<10240x128xf32, #tpu.memory_space<vmem_shared>>)
        } else {
        }
        %dma_start3A_174 = arith.constant 1 : i32
        %dma_start3A_175 = arith.constant 0 : i32
        %dma_start3A_176 = tpu.memref_slice %arg9[%select_n3A_77, %dma_start3A_174, %dma_start3A_175] : memref<2x16x125xi32, #tpu.memory_space<vmem>> -> memref<1x1x125xi32, #tpu.memory_space<vmem>>
        %dma_start3A_177 = tpu.memref_squeeze %dma_start3A_176 : memref<1x1x125xi32, #tpu.memory_space<vmem>> -> memref<125xi32, #tpu.memory_space<vmem>>
        %dma_start3A_178 = arith.constant 0 : i32
        %dma_start3A_179 = arith.constant 0 : i32
        %dma_start3A_180 = tpu.memref_slice %arg2[%dma_start3A_178, %dma_start3A_179] : memref<10240x128xf32, #tpu.memory_space<hbm>> -> memref<10240x128xf32, #tpu.memory_space<hbm>>
        tpu.enqueue_indirect_dma source(%dma_start3A_180 : memref<10240x128xf32, #tpu.memory_space<hbm>>) target(%arg12 : memref<125x128xf32, #tpu.memory_space<vmem>>) offsets(%dma_start3A_177 : memref<125xi32, #tpu.memory_space<vmem>>) semaphore(%arg15 : memref<!tpu.dma_semaphore, #tpu.memory_space<semaphore_mem>>)
        %dma_wait3A_181 = arith.constant 0 : i32
        %dma_wait3A_182 = arith.constant 0 : i32
        %dma_wait3A_183 = tpu.memref_slice %arg9[%select_n3A_77, %dma_wait3A_181, %dma_wait3A_182] : memref<2x16x125xi32, #tpu.memory_space<vmem>> -> memref<1x1x125xi32, #tpu.memory_space<vmem>>
        %dma_wait3A_184 = tpu.memref_squeeze %dma_wait3A_183 : memref<1x1x125xi32, #tpu.memory_space<vmem>> -> memref<125xi32, #tpu.memory_space<vmem>>
        %dma_wait3A_185 = arith.constant 0 : i32
        %dma_wait3A_186 = arith.constant 0 : i32
        %dma_wait3A_187 = tpu.memref_slice %arg2[%dma_wait3A_185, %dma_wait3A_186] : memref<10240x128xf32, #tpu.memory_space<hbm>> -> memref<10240x128xf32, #tpu.memory_space<hbm>>
        tpu.wait_indirect_dma semaphore(%arg14 : memref<!tpu.dma_semaphore, #tpu.memory_space<semaphore_mem>>) src(%dma_wait3A_187 : memref<10240x128xf32, #tpu.memory_space<hbm>>) dst(%arg11 : memref<125x128xf32, #tpu.memory_space<vmem>>)
        %dma_start3A_188 = arith.constant 0 : i32
        %dma_start3A_189 = arith.constant 0 : i32
        %dma_start3A_190 = tpu.memref_slice %arg10[%select_n3A_93, %dma_start3A_188, %dma_start3A_189] : memref<3x16x125xi32, #tpu.memory_space<vmem>> -> memref<1x1x125xi32, #tpu.memory_space<vmem>>
        %dma_start3A_191 = tpu.memref_squeeze %dma_start3A_190 : memref<1x1x125xi32, #tpu.memory_space<vmem>> -> memref<125xi32, #tpu.memory_space<vmem>>
        %dma_start3A_192 = arith.constant 0 : i32
        %dma_start3A_193 = arith.constant 0 : i32
        %dma_start3A_194 = tpu.memref_slice %arg13[%dma_start3A_192, %dma_start3A_193] : memref<10240x128xf32, #tpu.memory_space<vmem_shared>> -> memref<10240x128xf32, #tpu.memory_space<vmem_shared>>
        tpu.enqueue_indirect_dma source(%arg11 : memref<125x128xf32, #tpu.memory_space<vmem>>) target(%dma_start3A_194 : memref<10240x128xf32, #tpu.memory_space<vmem_shared>>) offsets(%dma_start3A_191 : memref<125xi32, #tpu.memory_space<vmem>>) semaphore(%arg16 : memref<!tpu.dma_semaphore, #tpu.memory_space<semaphore_mem>>) {add = true}
        %dma_wait3A_195 = arith.constant 0 : i32
        %dma_wait3A_196 = arith.constant 0 : i32
        %dma_wait3A_197 = tpu.memref_slice %arg10[%select_n3A_93, %dma_wait3A_195, %dma_wait3A_196] : memref<3x16x125xi32, #tpu.memory_space<vmem>> -> memref<1x1x125xi32, #tpu.memory_space<vmem>>
        %dma_wait3A_198 = tpu.memref_squeeze %dma_wait3A_197 : memref<1x1x125xi32, #tpu.memory_space<vmem>> -> memref<125xi32, #tpu.memory_space<vmem>>
        %dma_wait3A_199 = arith.constant 0 : i32
        %dma_wait3A_200 = arith.constant 0 : i32
        %dma_wait3A_201 = tpu.memref_slice %arg13[%dma_wait3A_199, %dma_wait3A_200] : memref<10240x128xf32, #tpu.memory_space<vmem_shared>> -> memref<10240x128xf32, #tpu.memory_space<vmem_shared>>
        tpu.wait_indirect_dma semaphore(%arg16 : memref<!tpu.dma_semaphore, #tpu.memory_space<semaphore_mem>>) src(%arg11 : memref<125x128xf32, #tpu.memory_space<vmem>>) dst(%dma_wait3A_201 : memref<10240x128xf32, #tpu.memory_space<vmem_shared>>)
        %dma_start3A_202 = arith.constant 2 : i32
        %dma_start3A_203 = arith.constant 0 : i32
        %dma_start3A_204 = tpu.memref_slice %arg9[%select_n3A_77, %dma_start3A_202, %dma_start3A_203] : memref<2x16x125xi32, #tpu.memory_space<vmem>> -> memref<1x1x125xi32, #tpu.memory_space<vmem>>
        %dma_start3A_205 = tpu.memref_squeeze %dma_start3A_204 : memref<1x1x125xi32, #tpu.memory_space<vmem>> -> memref<125xi32, #tpu.memory_space<vmem>>
        %dma_start3A_206 = arith.constant 0 : i32
        %dma_start3A_207 = arith.constant 0 : i32
        %dma_start3A_208 = tpu.memref_slice %arg2[%dma_start3A_206, %dma_start3A_207] : memref<10240x128xf32, #tpu.memory_space<hbm>> -> memref<10240x128xf32, #tpu.memory_space<hbm>>
        tpu.enqueue_indirect_dma source(%dma_start3A_208 : memref<10240x128xf32, #tpu.memory_space<hbm>>) target(%arg11 : memref<125x128xf32, #tpu.memory_space<vmem>>) offsets(%dma_start3A_205 : memref<125xi32, #tpu.memory_space<vmem>>) semaphore(%arg14 : memref<!tpu.dma_semaphore, #tpu.memory_space<semaphore_mem>>)
        %dma_wait3A_209 = arith.constant 1 : i32
        %dma_wait3A_210 = arith.constant 0 : i32
        %dma_wait3A_211 = tpu.memref_slice %arg9[%select_n3A_77, %dma_wait3A_209, %dma_wait3A_210] : memref<2x16x125xi32, #tpu.memory_space<vmem>> -> memref<1x1x125xi32, #tpu.memory_space<vmem>>
        %dma_wait3A_212 = tpu.memref_squeeze %dma_wait3A_211 : memref<1x1x125xi32, #tpu.memory_space<vmem>> -> memref<125xi32, #tpu.memory_space<vmem>>
        %dma_wait3A_213 = arith.constant 0 : i32
        %dma_wait3A_214 = arith.constant 0 : i32
        %dma_wait3A_215 = tpu.memref_slice %arg2[%dma_wait3A_213, %dma_wait3A_214] : memref<10240x128xf32, #tpu.memory_space<hbm>> -> memref<10240x128xf32, #tpu.memory_space<hbm>>
        tpu.wait_indirect_dma semaphore(%arg15 : memref<!tpu.dma_semaphore, #tpu.memory_space<semaphore_mem>>) src(%dma_wait3A_215 : memref<10240x128xf32, #tpu.memory_space<hbm>>) dst(%arg12 : memref<125x128xf32, #tpu.memory_space<vmem>>)
        %dma_start3A_216 = arith.constant 1 : i32
        %dma_start3A_217 = arith.constant 0 : i32
        %dma_start3A_218 = tpu.memref_slice %arg10[%select_n3A_93, %dma_start3A_216, %dma_start3A_217] : memref<3x16x125xi32, #tpu.memory_space<vmem>> -> memref<1x1x125xi32, #tpu.memory_space<vmem>>
        %dma_start3A_219 = tpu.memref_squeeze %dma_start3A_218 : memref<1x1x125xi32, #tpu.memory_space<vmem>> -> memref<125xi32, #tpu.memory_space<vmem>>
        %dma_start3A_220 = arith.constant 0 : i32
        %dma_start3A_221 = arith.constant 0 : i32
        %dma_start3A_222 = tpu.memref_slice %arg13[%dma_start3A_220, %dma_start3A_221] : memref<10240x128xf32, #tpu.memory_space<vmem_shared>> -> memref<10240x128xf32, #tpu.memory_space<vmem_shared>>
        tpu.enqueue_indirect_dma source(%arg12 : memref<125x128xf32, #tpu.memory_space<vmem>>) target(%dma_start3A_222 : memref<10240x128xf32, #tpu.memory_space<vmem_shared>>) offsets(%dma_start3A_219 : memref<125xi32, #tpu.memory_space<vmem>>) semaphore(%arg17 : memref<!tpu.dma_semaphore, #tpu.memory_space<semaphore_mem>>) {add = true}
        %dma_wait3A_223 = arith.constant 1 : i32
        %dma_wait3A_224 = arith.constant 0 : i32
        %dma_wait3A_225 = tpu.memref_slice %arg10[%select_n3A_93, %dma_wait3A_223, %dma_wait3A_224] : memref<3x16x125xi32, #tpu.memory_space<vmem>> -> memref<1x1x125xi32, #tpu.memory_space<vmem>>
        %dma_wait3A_226 = tpu.memref_squeeze %dma_wait3A_225 : memref<1x1x125xi32, #tpu.memory_space<vmem>> -> memref<125xi32, #tpu.memory_space<vmem>>
        %dma_wait3A_227 = arith.constant 0 : i32
        %dma_wait3A_228 = arith.constant 0 : i32
        %dma_wait3A_229 = tpu.memref_slice %arg13[%dma_wait3A_227, %dma_wait3A_228] : memref<10240x128xf32, #tpu.memory_space<vmem_shared>> -> memref<10240x128xf32, #tpu.memory_space<vmem_shared>>
        tpu.wait_indirect_dma semaphore(%arg17 : memref<!tpu.dma_semaphore, #tpu.memory_space<semaphore_mem>>) src(%arg12 : memref<125x128xf32, #tpu.memory_space<vmem>>) dst(%dma_wait3A_229 : memref<10240x128xf32, #tpu.memory_space<vmem_shared>>)
        %dma_start3A_230 = arith.constant 3 : i32
        %dma_start3A_231 = arith.constant 0 : i32
        %dma_start3A_232 = tpu.memref_slice %arg9[%select_n3A_77, %dma_start3A_230, %dma_start3A_231] : memref<2x16x125xi32, #tpu.memory_space<vmem>> -> memref<1x1x125xi32, #tpu.memory_space<vmem>>
        %dma_start3A_233 = tpu.memref_squeeze %dma_start3A_232 : memref<1x1x125xi32, #tpu.memory_space<vmem>> -> memref<125xi32, #tpu.memory_space<vmem>>
        %dma_start3A_234 = arith.constant 0 : i32
        %dma_start3A_235 = arith.constant 0 : i32
        %dma_start3A_236 = tpu.memref_slice %arg2[%dma_start3A_234, %dma_start3A_235] : memref<10240x128xf32, #tpu.memory_space<hbm>> -> memref<10240x128xf32, #tpu.memory_space<hbm>>
        tpu.enqueue_indirect_dma source(%dma_start3A_236 : memref<10240x128xf32, #tpu.memory_space<hbm>>) target(%arg12 : memref<125x128xf32, #tpu.memory_space<vmem>>) offsets(%dma_start3A_233 : memref<125xi32, #tpu.memory_space<vmem>>) semaphore(%arg15 : memref<!tpu.dma_semaphore, #tpu.memory_space<semaphore_mem>>)
        %dma_wait3A_237 = arith.constant 2 : i32
        %dma_wait3A_238 = arith.constant 0 : i32
        %dma_wait3A_239 = tpu.memref_slice %arg9[%select_n3A_77, %dma_wait3A_237, %dma_wait3A_238] : memref<2x16x125xi32, #tpu.memory_space<vmem>> -> memref<1x1x125xi32, #tpu.memory_space<vmem>>
        %dma_wait3A_240 = tpu.memref_squeeze %dma_wait3A_239 : memref<1x1x125xi32, #tpu.memory_space<vmem>> -> memref<125xi32, #tpu.memory_space<vmem>>
        %dma_wait3A_241 = arith.constant 0 : i32
        %dma_wait3A_242 = arith.constant 0 : i32
        %dma_wait3A_243 = tpu.memref_slice %arg2[%dma_wait3A_241, %dma_wait3A_242] : memref<10240x128xf32, #tpu.memory_space<hbm>> -> memref<10240x128xf32, #tpu.memory_space<hbm>>
        tpu.wait_indirect_dma semaphore(%arg14 : memref<!tpu.dma_semaphore, #tpu.memory_space<semaphore_mem>>) src(%dma_wait3A_243 : memref<10240x128xf32, #tpu.memory_space<hbm>>) dst(%arg11 : memref<125x128xf32, #tpu.memory_space<vmem>>)
        %dma_start3A_244 = arith.constant 2 : i32
        %dma_start3A_245 = arith.constant 0 : i32
        %dma_start3A_246 = tpu.memref_slice %arg10[%select_n3A_93, %dma_start3A_244, %dma_start3A_245] : memref<3x16x125xi32, #tpu.memory_space<vmem>> -> memref<1x1x125xi32, #tpu.memory_space<vmem>>
        %dma_start3A_247 = tpu.memref_squeeze %dma_start3A_246 : memref<1x1x125xi32, #tpu.memory_space<vmem>> -> memref<125xi32, #tpu.memory_space<vmem>>
        %dma_start3A_248 = arith.constant 0 : i32
        %dma_start3A_249 = arith.constant 0 : i32
        %dma_start3A_250 = tpu.memref_slice %arg13[%dma_start3A_248, %dma_start3A_249] : memref<10240x128xf32, #tpu.memory_space<vmem_shared>> -> memref<10240x128xf32, #tpu.memory_space<vmem_shared>>
        tpu.enqueue_indirect_dma source(%arg11 : memref<125x128xf32, #tpu.memory_space<vmem>>) target(%dma_start3A_250 : memref<10240x128xf32, #tpu.memory_space<vmem_shared>>) offsets(%dma_start3A_247 : memref<125xi32, #tpu.memory_space<vmem>>) semaphore(%arg16 : memref<!tpu.dma_semaphore, #tpu.memory_space<semaphore_mem>>) {add = true}
        %dma_wait3A_251 = arith.constant 2 : i32
        %dma_wait3A_252 = arith.constant 0 : i32
        %dma_wait3A_253 = tpu.memref_slice %arg10[%select_n3A_93, %dma_wait3A_251, %dma_wait3A_252] : memref<3x16x125xi32, #tpu.memory_space<vmem>> -> memref<1x1x125xi32, #tpu.memory_space<vmem>>
        %dma_wait3A_254 = tpu.memref_squeeze %dma_wait3A_253 : memref<1x1x125xi32, #tpu.memory_space<vmem>> -> memref<125xi32, #tpu.memory_space<vmem>>
        %dma_wait3A_255 = arith.constant 0 : i32
        %dma_wait3A_256 = arith.constant 0 : i32
        %dma_wait3A_257 = tpu.memref_slice %arg13[%dma_wait3A_255, %dma_wait3A_256] : memref<10240x128xf32, #tpu.memory_space<vmem_shared>> -> memref<10240x128xf32, #tpu.memory_space<vmem_shared>>
        tpu.wait_indirect_dma semaphore(%arg16 : memref<!tpu.dma_semaphore, #tpu.memory_space<semaphore_mem>>) src(%arg11 : memref<125x128xf32, #tpu.memory_space<vmem>>) dst(%dma_wait3A_257 : memref<10240x128xf32, #tpu.memory_space<vmem_shared>>)
        %dma_start3A_258 = arith.constant 4 : i32
        %dma_start3A_259 = arith.constant 0 : i32
        %dma_start3A_260 = tpu.memref_slice %arg9[%select_n3A_77, %dma_start3A_258, %dma_start3A_259] : memref<2x16x125xi32, #tpu.memory_space<vmem>> -> memref<1x1x125xi32, #tpu.memory_space<vmem>>
        %dma_start3A_261 = tpu.memref_squeeze %dma_start3A_260 : memref<1x1x125xi32, #tpu.memory_space<vmem>> -> memref<125xi32, #tpu.memory_space<vmem>>
        %dma_start3A_262 = arith.constant 0 : i32
        %dma_start3A_263 = arith.constant 0 : i32
        %dma_start3A_264 = tpu.memref_slice %arg2[%dma_start3A_262, %dma_start3A_263] : memref<10240x128xf32, #tpu.memory_space<hbm>> -> memref<10240x128xf32, #tpu.memory_space<hbm>>
        tpu.enqueue_indirect_dma source(%dma_start3A_264 : memref<10240x128xf32, #tpu.memory_space<hbm>>) target(%arg11 : memref<125x128xf32, #tpu.memory_space<vmem>>) offsets(%dma_start3A_261 : memref<125xi32, #tpu.memory_space<vmem>>) semaphore(%arg14 : memref<!tpu.dma_semaphore, #tpu.memory_space<semaphore_mem>>)
        %dma_wait3A_265 = arith.constant 3 : i32
        %dma_wait3A_266 = arith.constant 0 : i32
        %dma_wait3A_267 = tpu.memref_slice %arg9[%select_n3A_77, %dma_wait3A_265, %dma_wait3A_266] : memref<2x16x125xi32, #tpu.memory_space<vmem>> -> memref<1x1x125xi32, #tpu.memory_space<vmem>>
        %dma_wait3A_268 = tpu.memref_squeeze %dma_wait3A_267 : memref<1x1x125xi32, #tpu.memory_space<vmem>> -> memref<125xi32, #tpu.memory_space<vmem>>
        %dma_wait3A_269 = arith.constant 0 : i32
        %dma_wait3A_270 = arith.constant 0 : i32
        %dma_wait3A_271 = tpu.memref_slice %arg2[%dma_wait3A_269, %dma_wait3A_270] : memref<10240x128xf32, #tpu.memory_space<hbm>> -> memref<10240x128xf32, #tpu.memory_space<hbm>>
        tpu.wait_indirect_dma semaphore(%arg15 : memref<!tpu.dma_semaphore, #tpu.memory_space<semaphore_mem>>) src(%dma_wait3A_271 : memref<10240x128xf32, #tpu.memory_space<hbm>>) dst(%arg12 : memref<125x128xf32, #tpu.memory_space<vmem>>)
        %dma_start3A_272 = arith.constant 3 : i32
        %dma_start3A_273 = arith.constant 0 : i32
        %dma_start3A_274 = tpu.memref_slice %arg10[%select_n3A_93, %dma_start3A_272, %dma_start3A_273] : memref<3x16x125xi32, #tpu.memory_space<vmem>> -> memref<1x1x125xi32, #tpu.memory_space<vmem>>
        %dma_start3A_275 = tpu.memref_squeeze %dma_start3A_274 : memref<1x1x125xi32, #tpu.memory_space<vmem>> -> memref<125xi32, #tpu.memory_space<vmem>>
        %dma_start3A_276 = arith.constant 0 : i32
        %dma_start3A_277 = arith.constant 0 : i32
        %dma_start3A_278 = tpu.memref_slice %arg13[%dma_start3A_276, %dma_start3A_277] : memref<10240x128xf32, #tpu.memory_space<vmem_shared>> -> memref<10240x128xf32, #tpu.memory_space<vmem_shared>>
        tpu.enqueue_indirect_dma source(%arg12 : memref<125x128xf32, #tpu.memory_space<vmem>>) target(%dma_start3A_278 : memref<10240x128xf32, #tpu.memory_space<vmem_shared>>) offsets(%dma_start3A_275 : memref<125xi32, #tpu.memory_space<vmem>>) semaphore(%arg17 : memref<!tpu.dma_semaphore, #tpu.memory_space<semaphore_mem>>) {add = true}
        %dma_wait3A_279 = arith.constant 3 : i32
        %dma_wait3A_280 = arith.constant 0 : i32
        %dma_wait3A_281 = tpu.memref_slice %arg10[%select_n3A_93, %dma_wait3A_279, %dma_wait3A_280] : memref<3x16x125xi32, #tpu.memory_space<vmem>> -> memref<1x1x125xi32, #tpu.memory_space<vmem>>
        %dma_wait3A_282 = tpu.memref_squeeze %dma_wait3A_281 : memref<1x1x125xi32, #tpu.memory_space<vmem>> -> memref<125xi32, #tpu.memory_space<vmem>>
        %dma_wait3A_283 = arith.constant 0 : i32
        %dma_wait3A_284 = arith.constant 0 : i32
        %dma_wait3A_285 = tpu.memref_slice %arg13[%dma_wait3A_283, %dma_wait3A_284] : memref<10240x128xf32, #tpu.memory_space<vmem_shared>> -> memref<10240x128xf32, #tpu.memory_space<vmem_shared>>
        tpu.wait_indirect_dma semaphore(%arg17 : memref<!tpu.dma_semaphore, #tpu.memory_space<semaphore_mem>>) src(%arg12 : memref<125x128xf32, #tpu.memory_space<vmem>>) dst(%dma_wait3A_285 : memref<10240x128xf32, #tpu.memory_space<vmem_shared>>)
        %dma_start3A_286 = arith.constant 5 : i32
        %dma_start3A_287 = arith.constant 0 : i32
        %dma_start3A_288 = tpu.memref_slice %arg9[%select_n3A_77, %dma_start3A_286, %dma_start3A_287] : memref<2x16x125xi32, #tpu.memory_space<vmem>> -> memref<1x1x125xi32, #tpu.memory_space<vmem>>
        %dma_start3A_289 = tpu.memref_squeeze %dma_start3A_288 : memref<1x1x125xi32, #tpu.memory_space<vmem>> -> memref<125xi32, #tpu.memory_space<vmem>>
        %dma_start3A_290 = arith.constant 0 : i32
        %dma_start3A_291 = arith.constant 0 : i32
        %dma_start3A_292 = tpu.memref_slice %arg2[%dma_start3A_290, %dma_start3A_291] : memref<10240x128xf32, #tpu.memory_space<hbm>> -> memref<10240x128xf32, #tpu.memory_space<hbm>>
        tpu.enqueue_indirect_dma source(%dma_start3A_292 : memref<10240x128xf32, #tpu.memory_space<hbm>>) target(%arg12 : memref<125x128xf32, #tpu.memory_space<vmem>>) offsets(%dma_start3A_289 : memref<125xi32, #tpu.memory_space<vmem>>) semaphore(%arg15 : memref<!tpu.dma_semaphore, #tpu.memory_space<semaphore_mem>>)
        %dma_wait3A_293 = arith.constant 4 : i32
        %dma_wait3A_294 = arith.constant 0 : i32
        %dma_wait3A_295 = tpu.memref_slice %arg9[%select_n3A_77, %dma_wait3A_293, %dma_wait3A_294] : memref<2x16x125xi32, #tpu.memory_space<vmem>> -> memref<1x1x125xi32, #tpu.memory_space<vmem>>
        %dma_wait3A_296 = tpu.memref_squeeze %dma_wait3A_295 : memref<1x1x125xi32, #tpu.memory_space<vmem>> -> memref<125xi32, #tpu.memory_space<vmem>>
        %dma_wait3A_297 = arith.constant 0 : i32
        %dma_wait3A_298 = arith.constant 0 : i32
        %dma_wait3A_299 = tpu.memref_slice %arg2[%dma_wait3A_297, %dma_wait3A_298] : memref<10240x128xf32, #tpu.memory_space<hbm>> -> memref<10240x128xf32, #tpu.memory_space<hbm>>
        tpu.wait_indirect_dma semaphore(%arg14 : memref<!tpu.dma_semaphore, #tpu.memory_space<semaphore_mem>>) src(%dma_wait3A_299 : memref<10240x128xf32, #tpu.memory_space<hbm>>) dst(%arg11 : memref<125x128xf32, #tpu.memory_space<vmem>>)
        %dma_start3A_300 = arith.constant 4 : i32
        %dma_start3A_301 = arith.constant 0 : i32
        %dma_start3A_302 = tpu.memref_slice %arg10[%select_n3A_93, %dma_start3A_300, %dma_start3A_301] : memref<3x16x125xi32, #tpu.memory_space<vmem>> -> memref<1x1x125xi32, #tpu.memory_space<vmem>>
        %dma_start3A_303 = tpu.memref_squeeze %dma_start3A_302 : memref<1x1x125xi32, #tpu.memory_space<vmem>> -> memref<125xi32, #tpu.memory_space<vmem>>
        %dma_start3A_304 = arith.constant 0 : i32
        %dma_start3A_305 = arith.constant 0 : i32
        %dma_start3A_306 = tpu.memref_slice %arg13[%dma_start3A_304, %dma_start3A_305] : memref<10240x128xf32, #tpu.memory_space<vmem_shared>> -> memref<10240x128xf32, #tpu.memory_space<vmem_shared>>
        tpu.enqueue_indirect_dma source(%arg11 : memref<125x128xf32, #tpu.memory_space<vmem>>) target(%dma_start3A_306 : memref<10240x128xf32, #tpu.memory_space<vmem_shared>>) offsets(%dma_start3A_303 : memref<125xi32, #tpu.memory_space<vmem>>) semaphore(%arg16 : memref<!tpu.dma_semaphore, #tpu.memory_space<semaphore_mem>>) {add = true}
        %dma_wait3A_307 = arith.constant 4 : i32
        %dma_wait3A_308 = arith.constant 0 : i32
        %dma_wait3A_309 = tpu.memref_slice %arg10[%select_n3A_93, %dma_wait3A_307, %dma_wait3A_308] : memref<3x16x125xi32, #tpu.memory_space<vmem>> -> memref<1x1x125xi32, #tpu.memory_space<vmem>>
        %dma_wait3A_310 = tpu.memref_squeeze %dma_wait3A_309 : memref<1x1x125xi32, #tpu.memory_space<vmem>> -> memref<125xi32, #tpu.memory_space<vmem>>
        %dma_wait3A_311 = arith.constant 0 : i32
        %dma_wait3A_312 = arith.constant 0 : i32
        %dma_wait3A_313 = tpu.memref_slice %arg13[%dma_wait3A_311, %dma_wait3A_312] : memref<10240x128xf32, #tpu.memory_space<vmem_shared>> -> memref<10240x128xf32, #tpu.memory_space<vmem_shared>>
        tpu.wait_indirect_dma semaphore(%arg16 : memref<!tpu.dma_semaphore, #tpu.memory_space<semaphore_mem>>) src(%arg11 : memref<125x128xf32, #tpu.memory_space<vmem>>) dst(%dma_wait3A_313 : memref<10240x128xf32, #tpu.memory_space<vmem_shared>>)
        %dma_start3A_314 = arith.constant 6 : i32
        %dma_start3A_315 = arith.constant 0 : i32
        %dma_start3A_316 = tpu.memref_slice %arg9[%select_n3A_77, %dma_start3A_314, %dma_start3A_315] : memref<2x16x125xi32, #tpu.memory_space<vmem>> -> memref<1x1x125xi32, #tpu.memory_space<vmem>>
        %dma_start3A_317 = tpu.memref_squeeze %dma_start3A_316 : memref<1x1x125xi32, #tpu.memory_space<vmem>> -> memref<125xi32, #tpu.memory_space<vmem>>
        %dma_start3A_318 = arith.constant 0 : i32
        %dma_start3A_319 = arith.constant 0 : i32
        %dma_start3A_320 = tpu.memref_slice %arg2[%dma_start3A_318, %dma_start3A_319] : memref<10240x128xf32, #tpu.memory_space<hbm>> -> memref<10240x128xf32, #tpu.memory_space<hbm>>
        tpu.enqueue_indirect_dma source(%dma_start3A_320 : memref<10240x128xf32, #tpu.memory_space<hbm>>) target(%arg11 : memref<125x128xf32, #tpu.memory_space<vmem>>) offsets(%dma_start3A_317 : memref<125xi32, #tpu.memory_space<vmem>>) semaphore(%arg14 : memref<!tpu.dma_semaphore, #tpu.memory_space<semaphore_mem>>)
        %dma_wait3A_321 = arith.constant 5 : i32
        %dma_wait3A_322 = arith.constant 0 : i32
        %dma_wait3A_323 = tpu.memref_slice %arg9[%select_n3A_77, %dma_wait3A_321, %dma_wait3A_322] : memref<2x16x125xi32, #tpu.memory_space<vmem>> -> memref<1x1x125xi32, #tpu.memory_space<vmem>>
        %dma_wait3A_324 = tpu.memref_squeeze %dma_wait3A_323 : memref<1x1x125xi32, #tpu.memory_space<vmem>> -> memref<125xi32, #tpu.memory_space<vmem>>
        %dma_wait3A_325 = arith.constant 0 : i32
        %dma_wait3A_326 = arith.constant 0 : i32
        %dma_wait3A_327 = tpu.memref_slice %arg2[%dma_wait3A_325, %dma_wait3A_326] : memref<10240x128xf32, #tpu.memory_space<hbm>> -> memref<10240x128xf32, #tpu.memory_space<hbm>>
        tpu.wait_indirect_dma semaphore(%arg15 : memref<!tpu.dma_semaphore, #tpu.memory_space<semaphore_mem>>) src(%dma_wait3A_327 : memref<10240x128xf32, #tpu.memory_space<hbm>>) dst(%arg12 : memref<125x128xf32, #tpu.memory_space<vmem>>)
        %dma_start3A_328 = arith.constant 5 : i32
        %dma_start3A_329 = arith.constant 0 : i32
        %dma_start3A_330 = tpu.memref_slice %arg10[%select_n3A_93, %dma_start3A_328, %dma_start3A_329] : memref<3x16x125xi32, #tpu.memory_space<vmem>> -> memref<1x1x125xi32, #tpu.memory_space<vmem>>
        %dma_start3A_331 = tpu.memref_squeeze %dma_start3A_330 : memref<1x1x125xi32, #tpu.memory_space<vmem>> -> memref<125xi32, #tpu.memory_space<vmem>>
        %dma_start3A_332 = arith.constant 0 : i32
        %dma_start3A_333 = arith.constant 0 : i32
        %dma_start3A_334 = tpu.memref_slice %arg13[%dma_start3A_332, %dma_start3A_333] : memref<10240x128xf32, #tpu.memory_space<vmem_shared>> -> memref<10240x128xf32, #tpu.memory_space<vmem_shared>>
        tpu.enqueue_indirect_dma source(%arg12 : memref<125x128xf32, #tpu.memory_space<vmem>>) target(%dma_start3A_334 : memref<10240x128xf32, #tpu.memory_space<vmem_shared>>) offsets(%dma_start3A_331 : memref<125xi32, #tpu.memory_space<vmem>>) semaphore(%arg17 : memref<!tpu.dma_semaphore, #tpu.memory_space<semaphore_mem>>) {add = true}
        %dma_wait3A_335 = arith.constant 5 : i32
        %dma_wait3A_336 = arith.constant 0 : i32
        %dma_wait3A_337 = tpu.memref_slice %arg10[%select_n3A_93, %dma_wait3A_335, %dma_wait3A_336] : memref<3x16x125xi32, #tpu.memory_space<vmem>> -> memref<1x1x125xi32, #tpu.memory_space<vmem>>
        %dma_wait3A_338 = tpu.memref_squeeze %dma_wait3A_337 : memref<1x1x125xi32, #tpu.memory_space<vmem>> -> memref<125xi32, #tpu.memory_space<vmem>>
        %dma_wait3A_339 = arith.constant 0 : i32
        %dma_wait3A_340 = arith.constant 0 : i32
        %dma_wait3A_341 = tpu.memref_slice %arg13[%dma_wait3A_339, %dma_wait3A_340] : memref<10240x128xf32, #tpu.memory_space<vmem_shared>> -> memref<10240x128xf32, #tpu.memory_space<vmem_shared>>
        tpu.wait_indirect_dma semaphore(%arg17 : memref<!tpu.dma_semaphore, #tpu.memory_space<semaphore_mem>>) src(%arg12 : memref<125x128xf32, #tpu.memory_space<vmem>>) dst(%dma_wait3A_341 : memref<10240x128xf32, #tpu.memory_space<vmem_shared>>)
        %dma_start3A_342 = arith.constant 7 : i32
        %dma_start3A_343 = arith.constant 0 : i32
        %dma_start3A_344 = tpu.memref_slice %arg9[%select_n3A_77, %dma_start3A_342, %dma_start3A_343] : memref<2x16x125xi32, #tpu.memory_space<vmem>> -> memref<1x1x125xi32, #tpu.memory_space<vmem>>
        %dma_start3A_345 = tpu.memref_squeeze %dma_start3A_344 : memref<1x1x125xi32, #tpu.memory_space<vmem>> -> memref<125xi32, #tpu.memory_space<vmem>>
        %dma_start3A_346 = arith.constant 0 : i32
        %dma_start3A_347 = arith.constant 0 : i32
        %dma_start3A_348 = tpu.memref_slice %arg2[%dma_start3A_346, %dma_start3A_347] : memref<10240x128xf32, #tpu.memory_space<hbm>> -> memref<10240x128xf32, #tpu.memory_space<hbm>>
        tpu.enqueue_indirect_dma source(%dma_start3A_348 : memref<10240x128xf32, #tpu.memory_space<hbm>>) target(%arg12 : memref<125x128xf32, #tpu.memory_space<vmem>>) offsets(%dma_start3A_345 : memref<125xi32, #tpu.memory_space<vmem>>) semaphore(%arg15 : memref<!tpu.dma_semaphore, #tpu.memory_space<semaphore_mem>>)
        %dma_wait3A_349 = arith.constant 6 : i32
        %dma_wait3A_350 = arith.constant 0 : i32
        %dma_wait3A_351 = tpu.memref_slice %arg9[%select_n3A_77, %dma_wait3A_349, %dma_wait3A_350] : memref<2x16x125xi32, #tpu.memory_space<vmem>> -> memref<1x1x125xi32, #tpu.memory_space<vmem>>
        %dma_wait3A_352 = tpu.memref_squeeze %dma_wait3A_351 : memref<1x1x125xi32, #tpu.memory_space<vmem>> -> memref<125xi32, #tpu.memory_space<vmem>>
        %dma_wait3A_353 = arith.constant 0 : i32
        %dma_wait3A_354 = arith.constant 0 : i32
        %dma_wait3A_355 = tpu.memref_slice %arg2[%dma_wait3A_353, %dma_wait3A_354] : memref<10240x128xf32, #tpu.memory_space<hbm>> -> memref<10240x128xf32, #tpu.memory_space<hbm>>
        tpu.wait_indirect_dma semaphore(%arg14 : memref<!tpu.dma_semaphore, #tpu.memory_space<semaphore_mem>>) src(%dma_wait3A_355 : memref<10240x128xf32, #tpu.memory_space<hbm>>) dst(%arg11 : memref<125x128xf32, #tpu.memory_space<vmem>>)
        %dma_start3A_356 = arith.constant 6 : i32
        %dma_start3A_357 = arith.constant 0 : i32
        %dma_start3A_358 = tpu.memref_slice %arg10[%select_n3A_93, %dma_start3A_356, %dma_start3A_357] : memref<3x16x125xi32, #tpu.memory_space<vmem>> -> memref<1x1x125xi32, #tpu.memory_space<vmem>>
        %dma_start3A_359 = tpu.memref_squeeze %dma_start3A_358 : memref<1x1x125xi32, #tpu.memory_space<vmem>> -> memref<125xi32, #tpu.memory_space<vmem>>
        %dma_start3A_360 = arith.constant 0 : i32
        %dma_start3A_361 = arith.constant 0 : i32
        %dma_start3A_362 = tpu.memref_slice %arg13[%dma_start3A_360, %dma_start3A_361] : memref<10240x128xf32, #tpu.memory_space<vmem_shared>> -> memref<10240x128xf32, #tpu.memory_space<vmem_shared>>
        tpu.enqueue_indirect_dma source(%arg11 : memref<125x128xf32, #tpu.memory_space<vmem>>) target(%dma_start3A_362 : memref<10240x128xf32, #tpu.memory_space<vmem_shared>>) offsets(%dma_start3A_359 : memref<125xi32, #tpu.memory_space<vmem>>) semaphore(%arg16 : memref<!tpu.dma_semaphore, #tpu.memory_space<semaphore_mem>>) {add = true}
        %dma_wait3A_363 = arith.constant 6 : i32
        %dma_wait3A_364 = arith.constant 0 : i32
        %dma_wait3A_365 = tpu.memref_slice %arg10[%select_n3A_93, %dma_wait3A_363, %dma_wait3A_364] : memref<3x16x125xi32, #tpu.memory_space<vmem>> -> memref<1x1x125xi32, #tpu.memory_space<vmem>>
        %dma_wait3A_366 = tpu.memref_squeeze %dma_wait3A_365 : memref<1x1x125xi32, #tpu.memory_space<vmem>> -> memref<125xi32, #tpu.memory_space<vmem>>
        %dma_wait3A_367 = arith.constant 0 : i32
        %dma_wait3A_368 = arith.constant 0 : i32
        %dma_wait3A_369 = tpu.memref_slice %arg13[%dma_wait3A_367, %dma_wait3A_368] : memref<10240x128xf32, #tpu.memory_space<vmem_shared>> -> memref<10240x128xf32, #tpu.memory_space<vmem_shared>>
        tpu.wait_indirect_dma semaphore(%arg16 : memref<!tpu.dma_semaphore, #tpu.memory_space<semaphore_mem>>) src(%arg11 : memref<125x128xf32, #tpu.memory_space<vmem>>) dst(%dma_wait3A_369 : memref<10240x128xf32, #tpu.memory_space<vmem_shared>>)
        %dma_start3A_370 = arith.constant 8 : i32
        %dma_start3A_371 = arith.constant 0 : i32
        %dma_start3A_372 = tpu.memref_slice %arg9[%select_n3A_77, %dma_start3A_370, %dma_start3A_371] : memref<2x16x125xi32, #tpu.memory_space<vmem>> -> memref<1x1x125xi32, #tpu.memory_space<vmem>>
        %dma_start3A_373 = tpu.memref_squeeze %dma_start3A_372 : memref<1x1x125xi32, #tpu.memory_space<vmem>> -> memref<125xi32, #tpu.memory_space<vmem>>
        %dma_start3A_374 = arith.constant 0 : i32
        %dma_start3A_375 = arith.constant 0 : i32
        %dma_start3A_376 = tpu.memref_slice %arg2[%dma_start3A_374, %dma_start3A_375] : memref<10240x128xf32, #tpu.memory_space<hbm>> -> memref<10240x128xf32, #tpu.memory_space<hbm>>
        tpu.enqueue_indirect_dma source(%dma_start3A_376 : memref<10240x128xf32, #tpu.memory_space<hbm>>) target(%arg11 : memref<125x128xf32, #tpu.memory_space<vmem>>) offsets(%dma_start3A_373 : memref<125xi32, #tpu.memory_space<vmem>>) semaphore(%arg14 : memref<!tpu.dma_semaphore, #tpu.memory_space<semaphore_mem>>)
        %dma_wait3A_377 = arith.constant 7 : i32
        %dma_wait3A_378 = arith.constant 0 : i32
        %dma_wait3A_379 = tpu.memref_slice %arg9[%select_n3A_77, %dma_wait3A_377, %dma_wait3A_378] : memref<2x16x125xi32, #tpu.memory_space<vmem>> -> memref<1x1x125xi32, #tpu.memory_space<vmem>>
        %dma_wait3A_380 = tpu.memref_squeeze %dma_wait3A_379 : memref<1x1x125xi32, #tpu.memory_space<vmem>> -> memref<125xi32, #tpu.memory_space<vmem>>
        %dma_wait3A_381 = arith.constant 0 : i32
        %dma_wait3A_382 = arith.constant 0 : i32
        %dma_wait3A_383 = tpu.memref_slice %arg2[%dma_wait3A_381, %dma_wait3A_382] : memref<10240x128xf32, #tpu.memory_space<hbm>> -> memref<10240x128xf32, #tpu.memory_space<hbm>>
        tpu.wait_indirect_dma semaphore(%arg15 : memref<!tpu.dma_semaphore, #tpu.memory_space<semaphore_mem>>) src(%dma_wait3A_383 : memref<10240x128xf32, #tpu.memory_space<hbm>>) dst(%arg12 : memref<125x128xf32, #tpu.memory_space<vmem>>)
        %dma_start3A_384 = arith.constant 7 : i32
        %dma_start3A_385 = arith.constant 0 : i32
        %dma_start3A_386 = tpu.memref_slice %arg10[%select_n3A_93, %dma_start3A_384, %dma_start3A_385] : memref<3x16x125xi32, #tpu.memory_space<vmem>> -> memref<1x1x125xi32, #tpu.memory_space<vmem>>
        %dma_start3A_387 = tpu.memref_squeeze %dma_start3A_386 : memref<1x1x125xi32, #tpu.memory_space<vmem>> -> memref<125xi32, #tpu.memory_space<vmem>>
        %dma_start3A_388 = arith.constant 0 : i32
        %dma_start3A_389 = arith.constant 0 : i32
        %dma_start3A_390 = tpu.memref_slice %arg13[%dma_start3A_388, %dma_start3A_389] : memref<10240x128xf32, #tpu.memory_space<vmem_shared>> -> memref<10240x128xf32, #tpu.memory_space<vmem_shared>>
        tpu.enqueue_indirect_dma source(%arg12 : memref<125x128xf32, #tpu.memory_space<vmem>>) target(%dma_start3A_390 : memref<10240x128xf32, #tpu.memory_space<vmem_shared>>) offsets(%dma_start3A_387 : memref<125xi32, #tpu.memory_space<vmem>>) semaphore(%arg17 : memref<!tpu.dma_semaphore, #tpu.memory_space<semaphore_mem>>) {add = true}
        %dma_wait3A_391 = arith.constant 7 : i32
        %dma_wait3A_392 = arith.constant 0 : i32
        %dma_wait3A_393 = tpu.memref_slice %arg10[%select_n3A_93, %dma_wait3A_391, %dma_wait3A_392] : memref<3x16x125xi32, #tpu.memory_space<vmem>> -> memref<1x1x125xi32, #tpu.memory_space<vmem>>
        %dma_wait3A_394 = tpu.memref_squeeze %dma_wait3A_393 : memref<1x1x125xi32, #tpu.memory_space<vmem>> -> memref<125xi32, #tpu.memory_space<vmem>>
        %dma_wait3A_395 = arith.constant 0 : i32
        %dma_wait3A_396 = arith.constant 0 : i32
        %dma_wait3A_397 = tpu.memref_slice %arg13[%dma_wait3A_395, %dma_wait3A_396] : memref<10240x128xf32, #tpu.memory_space<vmem_shared>> -> memref<10240x128xf32, #tpu.memory_space<vmem_shared>>
        tpu.wait_indirect_dma semaphore(%arg17 : memref<!tpu.dma_semaphore, #tpu.memory_space<semaphore_mem>>) src(%arg12 : memref<125x128xf32, #tpu.memory_space<vmem>>) dst(%dma_wait3A_397 : memref<10240x128xf32, #tpu.memory_space<vmem_shared>>)
        %dma_start3A_398 = arith.constant 9 : i32
        %dma_start3A_399 = arith.constant 0 : i32
        %dma_start3A_400 = tpu.memref_slice %arg9[%select_n3A_77, %dma_start3A_398, %dma_start3A_399] : memref<2x16x125xi32, #tpu.memory_space<vmem>> -> memref<1x1x125xi32, #tpu.memory_space<vmem>>
        %dma_start3A_401 = tpu.memref_squeeze %dma_start3A_400 : memref<1x1x125xi32, #tpu.memory_space<vmem>> -> memref<125xi32, #tpu.memory_space<vmem>>
        %dma_start3A_402 = arith.constant 0 : i32
        %dma_start3A_403 = arith.constant 0 : i32
        %dma_start3A_404 = tpu.memref_slice %arg2[%dma_start3A_402, %dma_start3A_403] : memref<10240x128xf32, #tpu.memory_space<hbm>> -> memref<10240x128xf32, #tpu.memory_space<hbm>>
        tpu.enqueue_indirect_dma source(%dma_start3A_404 : memref<10240x128xf32, #tpu.memory_space<hbm>>) target(%arg12 : memref<125x128xf32, #tpu.memory_space<vmem>>) offsets(%dma_start3A_401 : memref<125xi32, #tpu.memory_space<vmem>>) semaphore(%arg15 : memref<!tpu.dma_semaphore, #tpu.memory_space<semaphore_mem>>)
        %dma_wait3A_405 = arith.constant 8 : i32
        %dma_wait3A_406 = arith.constant 0 : i32
        %dma_wait3A_407 = tpu.memref_slice %arg9[%select_n3A_77, %dma_wait3A_405, %dma_wait3A_406] : memref<2x16x125xi32, #tpu.memory_space<vmem>> -> memref<1x1x125xi32, #tpu.memory_space<vmem>>
        %dma_wait3A_408 = tpu.memref_squeeze %dma_wait3A_407 : memref<1x1x125xi32, #tpu.memory_space<vmem>> -> memref<125xi32, #tpu.memory_space<vmem>>
        %dma_wait3A_409 = arith.constant 0 : i32
        %dma_wait3A_410 = arith.constant 0 : i32
        %dma_wait3A_411 = tpu.memref_slice %arg2[%dma_wait3A_409, %dma_wait3A_410] : memref<10240x128xf32, #tpu.memory_space<hbm>> -> memref<10240x128xf32, #tpu.memory_space<hbm>>
        tpu.wait_indirect_dma semaphore(%arg14 : memref<!tpu.dma_semaphore, #tpu.memory_space<semaphore_mem>>) src(%dma_wait3A_411 : memref<10240x128xf32, #tpu.memory_space<hbm>>) dst(%arg11 : memref<125x128xf32, #tpu.memory_space<vmem>>)
        %dma_start3A_412 = arith.constant 8 : i32
        %dma_start3A_413 = arith.constant 0 : i32
        %dma_start3A_414 = tpu.memref_slice %arg10[%select_n3A_93, %dma_start3A_412, %dma_start3A_413] : memref<3x16x125xi32, #tpu.memory_space<vmem>> -> memref<1x1x125xi32, #tpu.memory_space<vmem>>
        %dma_start3A_415 = tpu.memref_squeeze %dma_start3A_414 : memref<1x1x125xi32, #tpu.memory_space<vmem>> -> memref<125xi32, #tpu.memory_space<vmem>>
        %dma_start3A_416 = arith.constant 0 : i32
        %dma_start3A_417 = arith.constant 0 : i32
        %dma_start3A_418 = tpu.memref_slice %arg13[%dma_start3A_416, %dma_start3A_417] : memref<10240x128xf32, #tpu.memory_space<vmem_shared>> -> memref<10240x128xf32, #tpu.memory_space<vmem_shared>>
        tpu.enqueue_indirect_dma source(%arg11 : memref<125x128xf32, #tpu.memory_space<vmem>>) target(%dma_start3A_418 : memref<10240x128xf32, #tpu.memory_space<vmem_shared>>) offsets(%dma_start3A_415 : memref<125xi32, #tpu.memory_space<vmem>>) semaphore(%arg16 : memref<!tpu.dma_semaphore, #tpu.memory_space<semaphore_mem>>) {add = true}
        %dma_wait3A_419 = arith.constant 8 : i32
        %dma_wait3A_420 = arith.constant 0 : i32
        %dma_wait3A_421 = tpu.memref_slice %arg10[%select_n3A_93, %dma_wait3A_419, %dma_wait3A_420] : memref<3x16x125xi32, #tpu.memory_space<vmem>> -> memref<1x1x125xi32, #tpu.memory_space<vmem>>
        %dma_wait3A_422 = tpu.memref_squeeze %dma_wait3A_421 : memref<1x1x125xi32, #tpu.memory_space<vmem>> -> memref<125xi32, #tpu.memory_space<vmem>>
        %dma_wait3A_423 = arith.constant 0 : i32
        %dma_wait3A_424 = arith.constant 0 : i32
        %dma_wait3A_425 = tpu.memref_slice %arg13[%dma_wait3A_423, %dma_wait3A_424] : memref<10240x128xf32, #tpu.memory_space<vmem_shared>> -> memref<10240x128xf32, #tpu.memory_space<vmem_shared>>
        tpu.wait_indirect_dma semaphore(%arg16 : memref<!tpu.dma_semaphore, #tpu.memory_space<semaphore_mem>>) src(%arg11 : memref<125x128xf32, #tpu.memory_space<vmem>>) dst(%dma_wait3A_425 : memref<10240x128xf32, #tpu.memory_space<vmem_shared>>)
        %dma_start3A_426 = arith.constant 10 : i32
        %dma_start3A_427 = arith.constant 0 : i32
        %dma_start3A_428 = tpu.memref_slice %arg9[%select_n3A_77, %dma_start3A_426, %dma_start3A_427] : memref<2x16x125xi32, #tpu.memory_space<vmem>> -> memref<1x1x125xi32, #tpu.memory_space<vmem>>
        %dma_start3A_429 = tpu.memref_squeeze %dma_start3A_428 : memref<1x1x125xi32, #tpu.memory_space<vmem>> -> memref<125xi32, #tpu.memory_space<vmem>>
        %dma_start3A_430 = arith.constant 0 : i32
        %dma_start3A_431 = arith.constant 0 : i32
        %dma_start3A_432 = tpu.memref_slice %arg2[%dma_start3A_430, %dma_start3A_431] : memref<10240x128xf32, #tpu.memory_space<hbm>> -> memref<10240x128xf32, #tpu.memory_space<hbm>>
        tpu.enqueue_indirect_dma source(%dma_start3A_432 : memref<10240x128xf32, #tpu.memory_space<hbm>>) target(%arg11 : memref<125x128xf32, #tpu.memory_space<vmem>>) offsets(%dma_start3A_429 : memref<125xi32, #tpu.memory_space<vmem>>) semaphore(%arg14 : memref<!tpu.dma_semaphore, #tpu.memory_space<semaphore_mem>>)
        %dma_wait3A_433 = arith.constant 9 : i32
        %dma_wait3A_434 = arith.constant 0 : i32
        %dma_wait3A_435 = tpu.memref_slice %arg9[%select_n3A_77, %dma_wait3A_433, %dma_wait3A_434] : memref<2x16x125xi32, #tpu.memory_space<vmem>> -> memref<1x1x125xi32, #tpu.memory_space<vmem>>
        %dma_wait3A_436 = tpu.memref_squeeze %dma_wait3A_435 : memref<1x1x125xi32, #tpu.memory_space<vmem>> -> memref<125xi32, #tpu.memory_space<vmem>>
        %dma_wait3A_437 = arith.constant 0 : i32
        %dma_wait3A_438 = arith.constant 0 : i32
        %dma_wait3A_439 = tpu.memref_slice %arg2[%dma_wait3A_437, %dma_wait3A_438] : memref<10240x128xf32, #tpu.memory_space<hbm>> -> memref<10240x128xf32, #tpu.memory_space<hbm>>
        tpu.wait_indirect_dma semaphore(%arg15 : memref<!tpu.dma_semaphore, #tpu.memory_space<semaphore_mem>>) src(%dma_wait3A_439 : memref<10240x128xf32, #tpu.memory_space<hbm>>) dst(%arg12 : memref<125x128xf32, #tpu.memory_space<vmem>>)
        %dma_start3A_440 = arith.constant 9 : i32
        %dma_start3A_441 = arith.constant 0 : i32
        %dma_start3A_442 = tpu.memref_slice %arg10[%select_n3A_93, %dma_start3A_440, %dma_start3A_441] : memref<3x16x125xi32, #tpu.memory_space<vmem>> -> memref<1x1x125xi32, #tpu.memory_space<vmem>>
        %dma_start3A_443 = tpu.memref_squeeze %dma_start3A_442 : memref<1x1x125xi32, #tpu.memory_space<vmem>> -> memref<125xi32, #tpu.memory_space<vmem>>
        %dma_start3A_444 = arith.constant 0 : i32
        %dma_start3A_445 = arith.constant 0 : i32
        %dma_start3A_446 = tpu.memref_slice %arg13[%dma_start3A_444, %dma_start3A_445] : memref<10240x128xf32, #tpu.memory_space<vmem_shared>> -> memref<10240x128xf32, #tpu.memory_space<vmem_shared>>
        tpu.enqueue_indirect_dma source(%arg12 : memref<125x128xf32, #tpu.memory_space<vmem>>) target(%dma_start3A_446 : memref<10240x128xf32, #tpu.memory_space<vmem_shared>>) offsets(%dma_start3A_443 : memref<125xi32, #tpu.memory_space<vmem>>) semaphore(%arg17 : memref<!tpu.dma_semaphore, #tpu.memory_space<semaphore_mem>>) {add = true}
        %dma_wait3A_447 = arith.constant 9 : i32
        %dma_wait3A_448 = arith.constant 0 : i32
        %dma_wait3A_449 = tpu.memref_slice %arg10[%select_n3A_93, %dma_wait3A_447, %dma_wait3A_448] : memref<3x16x125xi32, #tpu.memory_space<vmem>> -> memref<1x1x125xi32, #tpu.memory_space<vmem>>
        %dma_wait3A_450 = tpu.memref_squeeze %dma_wait3A_449 : memref<1x1x125xi32, #tpu.memory_space<vmem>> -> memref<125xi32, #tpu.memory_space<vmem>>
        %dma_wait3A_451 = arith.constant 0 : i32
        %dma_wait3A_452 = arith.constant 0 : i32
        %dma_wait3A_453 = tpu.memref_slice %arg13[%dma_wait3A_451, %dma_wait3A_452] : memref<10240x128xf32, #tpu.memory_space<vmem_shared>> -> memref<10240x128xf32, #tpu.memory_space<vmem_shared>>
        tpu.wait_indirect_dma semaphore(%arg17 : memref<!tpu.dma_semaphore, #tpu.memory_space<semaphore_mem>>) src(%arg12 : memref<125x128xf32, #tpu.memory_space<vmem>>) dst(%dma_wait3A_453 : memref<10240x128xf32, #tpu.memory_space<vmem_shared>>)
        %dma_start3A_454 = arith.constant 11 : i32
        %dma_start3A_455 = arith.constant 0 : i32
        %dma_start3A_456 = tpu.memref_slice %arg9[%select_n3A_77, %dma_start3A_454, %dma_start3A_455] : memref<2x16x125xi32, #tpu.memory_space<vmem>> -> memref<1x1x125xi32, #tpu.memory_space<vmem>>
        %dma_start3A_457 = tpu.memref_squeeze %dma_start3A_456 : memref<1x1x125xi32, #tpu.memory_space<vmem>> -> memref<125xi32, #tpu.memory_space<vmem>>
        %dma_start3A_458 = arith.constant 0 : i32
        %dma_start3A_459 = arith.constant 0 : i32
        %dma_start3A_460 = tpu.memref_slice %arg2[%dma_start3A_458, %dma_start3A_459] : memref<10240x128xf32, #tpu.memory_space<hbm>> -> memref<10240x128xf32, #tpu.memory_space<hbm>>
        tpu.enqueue_indirect_dma source(%dma_start3A_460 : memref<10240x128xf32, #tpu.memory_space<hbm>>) target(%arg12 : memref<125x128xf32, #tpu.memory_space<vmem>>) offsets(%dma_start3A_457 : memref<125xi32, #tpu.memory_space<vmem>>) semaphore(%arg15 : memref<!tpu.dma_semaphore, #tpu.memory_space<semaphore_mem>>)
        %dma_wait3A_461 = arith.constant 10 : i32
        %dma_wait3A_462 = arith.constant 0 : i32
        %dma_wait3A_463 = tpu.memref_slice %arg9[%select_n3A_77, %dma_wait3A_461, %dma_wait3A_462] : memref<2x16x125xi32, #tpu.memory_space<vmem>> -> memref<1x1x125xi32, #tpu.memory_space<vmem>>
        %dma_wait3A_464 = tpu.memref_squeeze %dma_wait3A_463 : memref<1x1x125xi32, #tpu.memory_space<vmem>> -> memref<125xi32, #tpu.memory_space<vmem>>
        %dma_wait3A_465 = arith.constant 0 : i32
        %dma_wait3A_466 = arith.constant 0 : i32
        %dma_wait3A_467 = tpu.memref_slice %arg2[%dma_wait3A_465, %dma_wait3A_466] : memref<10240x128xf32, #tpu.memory_space<hbm>> -> memref<10240x128xf32, #tpu.memory_space<hbm>>
        tpu.wait_indirect_dma semaphore(%arg14 : memref<!tpu.dma_semaphore, #tpu.memory_space<semaphore_mem>>) src(%dma_wait3A_467 : memref<10240x128xf32, #tpu.memory_space<hbm>>) dst(%arg11 : memref<125x128xf32, #tpu.memory_space<vmem>>)
        %dma_start3A_468 = arith.constant 10 : i32
        %dma_start3A_469 = arith.constant 0 : i32
        %dma_start3A_470 = tpu.memref_slice %arg10[%select_n3A_93, %dma_start3A_468, %dma_start3A_469] : memref<3x16x125xi32, #tpu.memory_space<vmem>> -> memref<1x1x125xi32, #tpu.memory_space<vmem>>
        %dma_start3A_471 = tpu.memref_squeeze %dma_start3A_470 : memref<1x1x125xi32, #tpu.memory_space<vmem>> -> memref<125xi32, #tpu.memory_space<vmem>>
        %dma_start3A_472 = arith.constant 0 : i32
        %dma_start3A_473 = arith.constant 0 : i32
        %dma_start3A_474 = tpu.memref_slice %arg13[%dma_start3A_472, %dma_start3A_473] : memref<10240x128xf32, #tpu.memory_space<vmem_shared>> -> memref<10240x128xf32, #tpu.memory_space<vmem_shared>>
        tpu.enqueue_indirect_dma source(%arg11 : memref<125x128xf32, #tpu.memory_space<vmem>>) target(%dma_start3A_474 : memref<10240x128xf32, #tpu.memory_space<vmem_shared>>) offsets(%dma_start3A_471 : memref<125xi32, #tpu.memory_space<vmem>>) semaphore(%arg16 : memref<!tpu.dma_semaphore, #tpu.memory_space<semaphore_mem>>) {add = true}
        %dma_wait3A_475 = arith.constant 10 : i32
        %dma_wait3A_476 = arith.constant 0 : i32
        %dma_wait3A_477 = tpu.memref_slice %arg10[%select_n3A_93, %dma_wait3A_475, %dma_wait3A_476] : memref<3x16x125xi32, #tpu.memory_space<vmem>> -> memref<1x1x125xi32, #tpu.memory_space<vmem>>
        %dma_wait3A_478 = tpu.memref_squeeze %dma_wait3A_477 : memref<1x1x125xi32, #tpu.memory_space<vmem>> -> memref<125xi32, #tpu.memory_space<vmem>>
        %dma_wait3A_479 = arith.constant 0 : i32
        %dma_wait3A_480 = arith.constant 0 : i32
        %dma_wait3A_481 = tpu.memref_slice %arg13[%dma_wait3A_479, %dma_wait3A_480] : memref<10240x128xf32, #tpu.memory_space<vmem_shared>> -> memref<10240x128xf32, #tpu.memory_space<vmem_shared>>
        tpu.wait_indirect_dma semaphore(%arg16 : memref<!tpu.dma_semaphore, #tpu.memory_space<semaphore_mem>>) src(%arg11 : memref<125x128xf32, #tpu.memory_space<vmem>>) dst(%dma_wait3A_481 : memref<10240x128xf32, #tpu.memory_space<vmem_shared>>)
        %dma_start3A_482 = arith.constant 12 : i32
        %dma_start3A_483 = arith.constant 0 : i32
        %dma_start3A_484 = tpu.memref_slice %arg9[%select_n3A_77, %dma_start3A_482, %dma_start3A_483] : memref<2x16x125xi32, #tpu.memory_space<vmem>> -> memref<1x1x125xi32, #tpu.memory_space<vmem>>
        %dma_start3A_485 = tpu.memref_squeeze %dma_start3A_484 : memref<1x1x125xi32, #tpu.memory_space<vmem>> -> memref<125xi32, #tpu.memory_space<vmem>>
        %dma_start3A_486 = arith.constant 0 : i32
        %dma_start3A_487 = arith.constant 0 : i32
        %dma_start3A_488 = tpu.memref_slice %arg2[%dma_start3A_486, %dma_start3A_487] : memref<10240x128xf32, #tpu.memory_space<hbm>> -> memref<10240x128xf32, #tpu.memory_space<hbm>>
        tpu.enqueue_indirect_dma source(%dma_start3A_488 : memref<10240x128xf32, #tpu.memory_space<hbm>>) target(%arg11 : memref<125x128xf32, #tpu.memory_space<vmem>>) offsets(%dma_start3A_485 : memref<125xi32, #tpu.memory_space<vmem>>) semaphore(%arg14 : memref<!tpu.dma_semaphore, #tpu.memory_space<semaphore_mem>>)
        %dma_wait3A_489 = arith.constant 11 : i32
        %dma_wait3A_490 = arith.constant 0 : i32
        %dma_wait3A_491 = tpu.memref_slice %arg9[%select_n3A_77, %dma_wait3A_489, %dma_wait3A_490] : memref<2x16x125xi32, #tpu.memory_space<vmem>> -> memref<1x1x125xi32, #tpu.memory_space<vmem>>
        %dma_wait3A_492 = tpu.memref_squeeze %dma_wait3A_491 : memref<1x1x125xi32, #tpu.memory_space<vmem>> -> memref<125xi32, #tpu.memory_space<vmem>>
        %dma_wait3A_493 = arith.constant 0 : i32
        %dma_wait3A_494 = arith.constant 0 : i32
        %dma_wait3A_495 = tpu.memref_slice %arg2[%dma_wait3A_493, %dma_wait3A_494] : memref<10240x128xf32, #tpu.memory_space<hbm>> -> memref<10240x128xf32, #tpu.memory_space<hbm>>
        tpu.wait_indirect_dma semaphore(%arg15 : memref<!tpu.dma_semaphore, #tpu.memory_space<semaphore_mem>>) src(%dma_wait3A_495 : memref<10240x128xf32, #tpu.memory_space<hbm>>) dst(%arg12 : memref<125x128xf32, #tpu.memory_space<vmem>>)
        %dma_start3A_496 = arith.constant 11 : i32
        %dma_start3A_497 = arith.constant 0 : i32
        %dma_start3A_498 = tpu.memref_slice %arg10[%select_n3A_93, %dma_start3A_496, %dma_start3A_497] : memref<3x16x125xi32, #tpu.memory_space<vmem>> -> memref<1x1x125xi32, #tpu.memory_space<vmem>>
        %dma_start3A_499 = tpu.memref_squeeze %dma_start3A_498 : memref<1x1x125xi32, #tpu.memory_space<vmem>> -> memref<125xi32, #tpu.memory_space<vmem>>
        %dma_start3A_500 = arith.constant 0 : i32
        %dma_start3A_501 = arith.constant 0 : i32
        %dma_start3A_502 = tpu.memref_slice %arg13[%dma_start3A_500, %dma_start3A_501] : memref<10240x128xf32, #tpu.memory_space<vmem_shared>> -> memref<10240x128xf32, #tpu.memory_space<vmem_shared>>
        tpu.enqueue_indirect_dma source(%arg12 : memref<125x128xf32, #tpu.memory_space<vmem>>) target(%dma_start3A_502 : memref<10240x128xf32, #tpu.memory_space<vmem_shared>>) offsets(%dma_start3A_499 : memref<125xi32, #tpu.memory_space<vmem>>) semaphore(%arg17 : memref<!tpu.dma_semaphore, #tpu.memory_space<semaphore_mem>>) {add = true}
        %dma_wait3A_503 = arith.constant 11 : i32
        %dma_wait3A_504 = arith.constant 0 : i32
        %dma_wait3A_505 = tpu.memref_slice %arg10[%select_n3A_93, %dma_wait3A_503, %dma_wait3A_504] : memref<3x16x125xi32, #tpu.memory_space<vmem>> -> memref<1x1x125xi32, #tpu.memory_space<vmem>>
        %dma_wait3A_506 = tpu.memref_squeeze %dma_wait3A_505 : memref<1x1x125xi32, #tpu.memory_space<vmem>> -> memref<125xi32, #tpu.memory_space<vmem>>
        %dma_wait3A_507 = arith.constant 0 : i32
        %dma_wait3A_508 = arith.constant 0 : i32
        %dma_wait3A_509 = tpu.memref_slice %arg13[%dma_wait3A_507, %dma_wait3A_508] : memref<10240x128xf32, #tpu.memory_space<vmem_shared>> -> memref<10240x128xf32, #tpu.memory_space<vmem_shared>>
        tpu.wait_indirect_dma semaphore(%arg17 : memref<!tpu.dma_semaphore, #tpu.memory_space<semaphore_mem>>) src(%arg12 : memref<125x128xf32, #tpu.memory_space<vmem>>) dst(%dma_wait3A_509 : memref<10240x128xf32, #tpu.memory_space<vmem_shared>>)
        %dma_start3A_510 = arith.constant 13 : i32
        %dma_start3A_511 = arith.constant 0 : i32
        %dma_start3A_512 = tpu.memref_slice %arg9[%select_n3A_77, %dma_start3A_510, %dma_start3A_511] : memref<2x16x125xi32, #tpu.memory_space<vmem>> -> memref<1x1x125xi32, #tpu.memory_space<vmem>>
        %dma_start3A_513 = tpu.memref_squeeze %dma_start3A_512 : memref<1x1x125xi32, #tpu.memory_space<vmem>> -> memref<125xi32, #tpu.memory_space<vmem>>
        %dma_start3A_514 = arith.constant 0 : i32
        %dma_start3A_515 = arith.constant 0 : i32
        %dma_start3A_516 = tpu.memref_slice %arg2[%dma_start3A_514, %dma_start3A_515] : memref<10240x128xf32, #tpu.memory_space<hbm>> -> memref<10240x128xf32, #tpu.memory_space<hbm>>
        tpu.enqueue_indirect_dma source(%dma_start3A_516 : memref<10240x128xf32, #tpu.memory_space<hbm>>) target(%arg12 : memref<125x128xf32, #tpu.memory_space<vmem>>) offsets(%dma_start3A_513 : memref<125xi32, #tpu.memory_space<vmem>>) semaphore(%arg15 : memref<!tpu.dma_semaphore, #tpu.memory_space<semaphore_mem>>)
        %dma_wait3A_517 = arith.constant 12 : i32
        %dma_wait3A_518 = arith.constant 0 : i32
        %dma_wait3A_519 = tpu.memref_slice %arg9[%select_n3A_77, %dma_wait3A_517, %dma_wait3A_518] : memref<2x16x125xi32, #tpu.memory_space<vmem>> -> memref<1x1x125xi32, #tpu.memory_space<vmem>>
        %dma_wait3A_520 = tpu.memref_squeeze %dma_wait3A_519 : memref<1x1x125xi32, #tpu.memory_space<vmem>> -> memref<125xi32, #tpu.memory_space<vmem>>
        %dma_wait3A_521 = arith.constant 0 : i32
        %dma_wait3A_522 = arith.constant 0 : i32
        %dma_wait3A_523 = tpu.memref_slice %arg2[%dma_wait3A_521, %dma_wait3A_522] : memref<10240x128xf32, #tpu.memory_space<hbm>> -> memref<10240x128xf32, #tpu.memory_space<hbm>>
        tpu.wait_indirect_dma semaphore(%arg14 : memref<!tpu.dma_semaphore, #tpu.memory_space<semaphore_mem>>) src(%dma_wait3A_523 : memref<10240x128xf32, #tpu.memory_space<hbm>>) dst(%arg11 : memref<125x128xf32, #tpu.memory_space<vmem>>)
        %dma_start3A_524 = arith.constant 12 : i32
        %dma_start3A_525 = arith.constant 0 : i32
        %dma_start3A_526 = tpu.memref_slice %arg10[%select_n3A_93, %dma_start3A_524, %dma_start3A_525] : memref<3x16x125xi32, #tpu.memory_space<vmem>> -> memref<1x1x125xi32, #tpu.memory_space<vmem>>
        %dma_start3A_527 = tpu.memref_squeeze %dma_start3A_526 : memref<1x1x125xi32, #tpu.memory_space<vmem>> -> memref<125xi32, #tpu.memory_space<vmem>>
        %dma_start3A_528 = arith.constant 0 : i32
        %dma_start3A_529 = arith.constant 0 : i32
        %dma_start3A_530 = tpu.memref_slice %arg13[%dma_start3A_528, %dma_start3A_529] : memref<10240x128xf32, #tpu.memory_space<vmem_shared>> -> memref<10240x128xf32, #tpu.memory_space<vmem_shared>>
        tpu.enqueue_indirect_dma source(%arg11 : memref<125x128xf32, #tpu.memory_space<vmem>>) target(%dma_start3A_530 : memref<10240x128xf32, #tpu.memory_space<vmem_shared>>) offsets(%dma_start3A_527 : memref<125xi32, #tpu.memory_space<vmem>>) semaphore(%arg16 : memref<!tpu.dma_semaphore, #tpu.memory_space<semaphore_mem>>) {add = true}
        %dma_wait3A_531 = arith.constant 12 : i32
        %dma_wait3A_532 = arith.constant 0 : i32
        %dma_wait3A_533 = tpu.memref_slice %arg10[%select_n3A_93, %dma_wait3A_531, %dma_wait3A_532] : memref<3x16x125xi32, #tpu.memory_space<vmem>> -> memref<1x1x125xi32, #tpu.memory_space<vmem>>
        %dma_wait3A_534 = tpu.memref_squeeze %dma_wait3A_533 : memref<1x1x125xi32, #tpu.memory_space<vmem>> -> memref<125xi32, #tpu.memory_space<vmem>>
        %dma_wait3A_535 = arith.constant 0 : i32
        %dma_wait3A_536 = arith.constant 0 : i32
        %dma_wait3A_537 = tpu.memref_slice %arg13[%dma_wait3A_535, %dma_wait3A_536] : memref<10240x128xf32, #tpu.memory_space<vmem_shared>> -> memref<10240x128xf32, #tpu.memory_space<vmem_shared>>
        tpu.wait_indirect_dma semaphore(%arg16 : memref<!tpu.dma_semaphore, #tpu.memory_space<semaphore_mem>>) src(%arg11 : memref<125x128xf32, #tpu.memory_space<vmem>>) dst(%dma_wait3A_537 : memref<10240x128xf32, #tpu.memory_space<vmem_shared>>)
        %dma_start3A_538 = arith.constant 14 : i32
        %dma_start3A_539 = arith.constant 0 : i32
        %dma_start3A_540 = tpu.memref_slice %arg9[%select_n3A_77, %dma_start3A_538, %dma_start3A_539] : memref<2x16x125xi32, #tpu.memory_space<vmem>> -> memref<1x1x125xi32, #tpu.memory_space<vmem>>
        %dma_start3A_541 = tpu.memref_squeeze %dma_start3A_540 : memref<1x1x125xi32, #tpu.memory_space<vmem>> -> memref<125xi32, #tpu.memory_space<vmem>>
        %dma_start3A_542 = arith.constant 0 : i32
        %dma_start3A_543 = arith.constant 0 : i32
        %dma_start3A_544 = tpu.memref_slice %arg2[%dma_start3A_542, %dma_start3A_543] : memref<10240x128xf32, #tpu.memory_space<hbm>> -> memref<10240x128xf32, #tpu.memory_space<hbm>>
        tpu.enqueue_indirect_dma source(%dma_start3A_544 : memref<10240x128xf32, #tpu.memory_space<hbm>>) target(%arg11 : memref<125x128xf32, #tpu.memory_space<vmem>>) offsets(%dma_start3A_541 : memref<125xi32, #tpu.memory_space<vmem>>) semaphore(%arg14 : memref<!tpu.dma_semaphore, #tpu.memory_space<semaphore_mem>>)
        %dma_wait3A_545 = arith.constant 13 : i32
        %dma_wait3A_546 = arith.constant 0 : i32
        %dma_wait3A_547 = tpu.memref_slice %arg9[%select_n3A_77, %dma_wait3A_545, %dma_wait3A_546] : memref<2x16x125xi32, #tpu.memory_space<vmem>> -> memref<1x1x125xi32, #tpu.memory_space<vmem>>
        %dma_wait3A_548 = tpu.memref_squeeze %dma_wait3A_547 : memref<1x1x125xi32, #tpu.memory_space<vmem>> -> memref<125xi32, #tpu.memory_space<vmem>>
        %dma_wait3A_549 = arith.constant 0 : i32
        %dma_wait3A_550 = arith.constant 0 : i32
        %dma_wait3A_551 = tpu.memref_slice %arg2[%dma_wait3A_549, %dma_wait3A_550] : memref<10240x128xf32, #tpu.memory_space<hbm>> -> memref<10240x128xf32, #tpu.memory_space<hbm>>
        tpu.wait_indirect_dma semaphore(%arg15 : memref<!tpu.dma_semaphore, #tpu.memory_space<semaphore_mem>>) src(%dma_wait3A_551 : memref<10240x128xf32, #tpu.memory_space<hbm>>) dst(%arg12 : memref<125x128xf32, #tpu.memory_space<vmem>>)
        %dma_start3A_552 = arith.constant 13 : i32
        %dma_start3A_553 = arith.constant 0 : i32
        %dma_start3A_554 = tpu.memref_slice %arg10[%select_n3A_93, %dma_start3A_552, %dma_start3A_553] : memref<3x16x125xi32, #tpu.memory_space<vmem>> -> memref<1x1x125xi32, #tpu.memory_space<vmem>>
        %dma_start3A_555 = tpu.memref_squeeze %dma_start3A_554 : memref<1x1x125xi32, #tpu.memory_space<vmem>> -> memref<125xi32, #tpu.memory_space<vmem>>
        %dma_start3A_556 = arith.constant 0 : i32
        %dma_start3A_557 = arith.constant 0 : i32
        %dma_start3A_558 = tpu.memref_slice %arg13[%dma_start3A_556, %dma_start3A_557] : memref<10240x128xf32, #tpu.memory_space<vmem_shared>> -> memref<10240x128xf32, #tpu.memory_space<vmem_shared>>
        tpu.enqueue_indirect_dma source(%arg12 : memref<125x128xf32, #tpu.memory_space<vmem>>) target(%dma_start3A_558 : memref<10240x128xf32, #tpu.memory_space<vmem_shared>>) offsets(%dma_start3A_555 : memref<125xi32, #tpu.memory_space<vmem>>) semaphore(%arg17 : memref<!tpu.dma_semaphore, #tpu.memory_space<semaphore_mem>>) {add = true}
        %dma_wait3A_559 = arith.constant 13 : i32
        %dma_wait3A_560 = arith.constant 0 : i32
        %dma_wait3A_561 = tpu.memref_slice %arg10[%select_n3A_93, %dma_wait3A_559, %dma_wait3A_560] : memref<3x16x125xi32, #tpu.memory_space<vmem>> -> memref<1x1x125xi32, #tpu.memory_space<vmem>>
        %dma_wait3A_562 = tpu.memref_squeeze %dma_wait3A_561 : memref<1x1x125xi32, #tpu.memory_space<vmem>> -> memref<125xi32, #tpu.memory_space<vmem>>
        %dma_wait3A_563 = arith.constant 0 : i32
        %dma_wait3A_564 = arith.constant 0 : i32
        %dma_wait3A_565 = tpu.memref_slice %arg13[%dma_wait3A_563, %dma_wait3A_564] : memref<10240x128xf32, #tpu.memory_space<vmem_shared>> -> memref<10240x128xf32, #tpu.memory_space<vmem_shared>>
        tpu.wait_indirect_dma semaphore(%arg17 : memref<!tpu.dma_semaphore, #tpu.memory_space<semaphore_mem>>) src(%arg12 : memref<125x128xf32, #tpu.memory_space<vmem>>) dst(%dma_wait3A_565 : memref<10240x128xf32, #tpu.memory_space<vmem_shared>>)
        %dma_start3A_566 = arith.constant 15 : i32
        %dma_start3A_567 = arith.constant 0 : i32
        %dma_start3A_568 = tpu.memref_slice %arg9[%select_n3A_77, %dma_start3A_566, %dma_start3A_567] : memref<2x16x125xi32, #tpu.memory_space<vmem>> -> memref<1x1x125xi32, #tpu.memory_space<vmem>>
        %dma_start3A_569 = tpu.memref_squeeze %dma_start3A_568 : memref<1x1x125xi32, #tpu.memory_space<vmem>> -> memref<125xi32, #tpu.memory_space<vmem>>
        %dma_start3A_570 = arith.constant 0 : i32
        %dma_start3A_571 = arith.constant 0 : i32
        %dma_start3A_572 = tpu.memref_slice %arg2[%dma_start3A_570, %dma_start3A_571] : memref<10240x128xf32, #tpu.memory_space<hbm>> -> memref<10240x128xf32, #tpu.memory_space<hbm>>
        tpu.enqueue_indirect_dma source(%dma_start3A_572 : memref<10240x128xf32, #tpu.memory_space<hbm>>) target(%arg12 : memref<125x128xf32, #tpu.memory_space<vmem>>) offsets(%dma_start3A_569 : memref<125xi32, #tpu.memory_space<vmem>>) semaphore(%arg15 : memref<!tpu.dma_semaphore, #tpu.memory_space<semaphore_mem>>)
        %dma_wait3A_573 = arith.constant 14 : i32
        %dma_wait3A_574 = arith.constant 0 : i32
        %dma_wait3A_575 = tpu.memref_slice %arg9[%select_n3A_77, %dma_wait3A_573, %dma_wait3A_574] : memref<2x16x125xi32, #tpu.memory_space<vmem>> -> memref<1x1x125xi32, #tpu.memory_space<vmem>>
        %dma_wait3A_576 = tpu.memref_squeeze %dma_wait3A_575 : memref<1x1x125xi32, #tpu.memory_space<vmem>> -> memref<125xi32, #tpu.memory_space<vmem>>
        %dma_wait3A_577 = arith.constant 0 : i32
        %dma_wait3A_578 = arith.constant 0 : i32
        %dma_wait3A_579 = tpu.memref_slice %arg2[%dma_wait3A_577, %dma_wait3A_578] : memref<10240x128xf32, #tpu.memory_space<hbm>> -> memref<10240x128xf32, #tpu.memory_space<hbm>>
        tpu.wait_indirect_dma semaphore(%arg14 : memref<!tpu.dma_semaphore, #tpu.memory_space<semaphore_mem>>) src(%dma_wait3A_579 : memref<10240x128xf32, #tpu.memory_space<hbm>>) dst(%arg11 : memref<125x128xf32, #tpu.memory_space<vmem>>)
        %dma_start3A_580 = arith.constant 14 : i32
        %dma_start3A_581 = arith.constant 0 : i32
        %dma_start3A_582 = tpu.memref_slice %arg10[%select_n3A_93, %dma_start3A_580, %dma_start3A_581] : memref<3x16x125xi32, #tpu.memory_space<vmem>> -> memref<1x1x125xi32, #tpu.memory_space<vmem>>
        %dma_start3A_583 = tpu.memref_squeeze %dma_start3A_582 : memref<1x1x125xi32, #tpu.memory_space<vmem>> -> memref<125xi32, #tpu.memory_space<vmem>>
        %dma_start3A_584 = arith.constant 0 : i32
        %dma_start3A_585 = arith.constant 0 : i32
        %dma_start3A_586 = tpu.memref_slice %arg13[%dma_start3A_584, %dma_start3A_585] : memref<10240x128xf32, #tpu.memory_space<vmem_shared>> -> memref<10240x128xf32, #tpu.memory_space<vmem_shared>>
        tpu.enqueue_indirect_dma source(%arg11 : memref<125x128xf32, #tpu.memory_space<vmem>>) target(%dma_start3A_586 : memref<10240x128xf32, #tpu.memory_space<vmem_shared>>) offsets(%dma_start3A_583 : memref<125xi32, #tpu.memory_space<vmem>>) semaphore(%arg16 : memref<!tpu.dma_semaphore, #tpu.memory_space<semaphore_mem>>) {add = true}
        %dma_wait3A_587 = arith.constant 15 : i32
        %dma_wait3A_588 = arith.constant 0 : i32
        %dma_wait3A_589 = tpu.memref_slice %arg9[%select_n3A_77, %dma_wait3A_587, %dma_wait3A_588] : memref<2x16x125xi32, #tpu.memory_space<vmem>> -> memref<1x1x125xi32, #tpu.memory_space<vmem>>
        %dma_wait3A_590 = tpu.memref_squeeze %dma_wait3A_589 : memref<1x1x125xi32, #tpu.memory_space<vmem>> -> memref<125xi32, #tpu.memory_space<vmem>>
        %dma_wait3A_591 = arith.constant 0 : i32
        %dma_wait3A_592 = arith.constant 0 : i32
        %dma_wait3A_593 = tpu.memref_slice %arg2[%dma_wait3A_591, %dma_wait3A_592] : memref<10240x128xf32, #tpu.memory_space<hbm>> -> memref<10240x128xf32, #tpu.memory_space<hbm>>
        tpu.wait_indirect_dma semaphore(%arg15 : memref<!tpu.dma_semaphore, #tpu.memory_space<semaphore_mem>>) src(%dma_wait3A_593 : memref<10240x128xf32, #tpu.memory_space<hbm>>) dst(%arg12 : memref<125x128xf32, #tpu.memory_space<vmem>>)
        %dma_start3A_594 = arith.constant 15 : i32
        %dma_start3A_595 = arith.constant 0 : i32
        %dma_start3A_596 = tpu.memref_slice %arg10[%select_n3A_93, %dma_start3A_594, %dma_start3A_595] : memref<3x16x125xi32, #tpu.memory_space<vmem>> -> memref<1x1x125xi32, #tpu.memory_space<vmem>>
        %dma_start3A_597 = tpu.memref_squeeze %dma_start3A_596 : memref<1x1x125xi32, #tpu.memory_space<vmem>> -> memref<125xi32, #tpu.memory_space<vmem>>
        %dma_start3A_598 = arith.constant 0 : i32
        %dma_start3A_599 = arith.constant 0 : i32
        %dma_start3A_600 = tpu.memref_slice %arg13[%dma_start3A_598, %dma_start3A_599] : memref<10240x128xf32, #tpu.memory_space<vmem_shared>> -> memref<10240x128xf32, #tpu.memory_space<vmem_shared>>
        tpu.enqueue_indirect_dma source(%arg12 : memref<125x128xf32, #tpu.memory_space<vmem>>) target(%dma_start3A_600 : memref<10240x128xf32, #tpu.memory_space<vmem_shared>>) offsets(%dma_start3A_597 : memref<125xi32, #tpu.memory_space<vmem>>) semaphore(%arg17 : memref<!tpu.dma_semaphore, #tpu.memory_space<semaphore_mem>>) {add = true}
      }
      %scan3A_51 = arith.constant 10 : i32
      %dma_wait3A = arith.constant 0 : i32
      %dma_wait3A_52 = arith.constant 14 : i32
      %dma_wait3A_53 = arith.constant 0 : i32
      %dma_wait3A_54 = tpu.memref_slice %arg10[%dma_wait3A, %dma_wait3A_52, %dma_wait3A_53] : memref<3x16x125xi32, #tpu.memory_space<vmem>> -> memref<1x1x125xi32, #tpu.memory_space<vmem>>
      %dma_wait3A_55 = tpu.memref_squeeze %dma_wait3A_54 : memref<1x1x125xi32, #tpu.memory_space<vmem>> -> memref<125xi32, #tpu.memory_space<vmem>>
      %dma_wait3A_56 = arith.constant 0 : i32
      %dma_wait3A_57 = arith.constant 0 : i32
      %dma_wait3A_58 = tpu.memref_slice %arg13[%dma_wait3A_56, %dma_wait3A_57] : memref<10240x128xf32, #tpu.memory_space<vmem_shared>> -> memref<10240x128xf32, #tpu.memory_space<vmem_shared>>
      tpu.wait_indirect_dma semaphore(%arg16 : memref<!tpu.dma_semaphore, #tpu.memory_space<semaphore_mem>>) src(%arg11 : memref<125x128xf32, #tpu.memory_space<vmem>>) dst(%dma_wait3A_58 : memref<10240x128xf32, #tpu.memory_space<vmem_shared>>)
      %dma_wait3A_59 = arith.constant 0 : i32
      %dma_wait3A_60 = arith.constant 15 : i32
      %dma_wait3A_61 = arith.constant 0 : i32
      %dma_wait3A_62 = tpu.memref_slice %arg10[%dma_wait3A_59, %dma_wait3A_60, %dma_wait3A_61] : memref<3x16x125xi32, #tpu.memory_space<vmem>> -> memref<1x1x125xi32, #tpu.memory_space<vmem>>
      %dma_wait3A_63 = tpu.memref_squeeze %dma_wait3A_62 : memref<1x1x125xi32, #tpu.memory_space<vmem>> -> memref<125xi32, #tpu.memory_space<vmem>>
      %dma_wait3A_64 = arith.constant 0 : i32
      %dma_wait3A_65 = arith.constant 0 : i32
      %dma_wait3A_66 = tpu.memref_slice %arg13[%dma_wait3A_64, %dma_wait3A_65] : memref<10240x128xf32, #tpu.memory_space<vmem_shared>> -> memref<10240x128xf32, #tpu.memory_space<vmem_shared>>
      tpu.wait_indirect_dma semaphore(%arg17 : memref<!tpu.dma_semaphore, #tpu.memory_space<semaphore_mem>>) src(%arg12 : memref<125x128xf32, #tpu.memory_space<vmem>>) dst(%dma_wait3A_66 : memref<10240x128xf32, #tpu.memory_space<vmem_shared>>)
    } else {
    }
    %eq3A_5 = arith.constant 1 : i32
    %eq3A_6 = arith.cmpi eq, %arg0, %eq3A_5 : i32
    %convert_element_type3A_7 = arith.extui %eq3A_6 : i1 to i32
    %cond3A_8 = arith.constant 0 : i32
    %cond3A_9 = arith.cmpi ne, %convert_element_type3A_7, %cond3A_8 : i32
    scf.if %cond3A_9 {
      %add3A = arith.constant 0 : i32
      %add3A_21 = arith.addi %mul3A_2, %add3A : i32
      %dma_start3A = arith.constant 0 : i32
      %dma_start3A_22 = arith.constant 0 : i32
      %dma_start3A_23 = arith.constant 0 : i32
      %dma_start3A_24 = tpu.memref_slice %arg9[%dma_start3A, %dma_start3A_22, %dma_start3A_23] : memref<2x16x125xi32, #tpu.memory_space<vmem>> -> memref<1x16x125xi32, #tpu.memory_space<vmem>>
      %dma_start3A_25 = tpu.memref_squeeze %dma_start3A_24 : memref<1x16x125xi32, #tpu.memory_space<vmem>> -> memref<16x125xi32, #tpu.memory_space<vmem>>
      %dma_start3A_26 = arith.constant 0 : i32
      %dma_start3A_27 = tpu.memref_slice %arg4[%add3A_21, %dma_start3A_26] : memref<2560x125xi32, #tpu.memory_space<hbm>> -> memref<16x125xi32, #tpu.memory_space<hbm>>
      %dma_start3A_28 = arith.constant 0 : i32
      %dma_start3A_29 = arith.constant 0 : i32
      %dma_start3A_30 = tpu.memref_slice %arg9[%dma_start3A, %dma_start3A_28, %dma_start3A_29] : memref<2x16x125xi32, #tpu.memory_space<vmem>> -> memref<1x16x125xi32, #tpu.memory_space<vmem>>
      %dma_start3A_31 = tpu.memref_squeeze %dma_start3A_30 : memref<1x16x125xi32, #tpu.memory_space<vmem>> -> memref<16x125xi32, #tpu.memory_space<vmem>>
      %dma_start3A_32 = arith.constant 0 : i32
      %dma_start3A_33 = tpu.memref_slice %arg4[%add3A_21, %dma_start3A_32] : memref<2560x125xi32, #tpu.memory_space<hbm>> -> memref<16x125xi32, #tpu.memory_space<hbm>>
      tpu.enqueue_dma source(%dma_start3A_33 : memref<16x125xi32, #tpu.memory_space<hbm>>) target(%dma_start3A_31 : memref<16x125xi32, #tpu.memory_space<vmem>>) target_semaphore(%arg18 : memref<!tpu.dma_semaphore, #tpu.memory_space<semaphore_mem>>)
      %dma_start3A_34 = arith.constant 0 : i32
      %dma_start3A_35 = arith.constant 0 : i32
      %dma_start3A_36 = arith.constant 0 : i32
      %dma_start3A_37 = tpu.memref_slice %arg10[%dma_start3A_34, %dma_start3A_35, %dma_start3A_36] : memref<3x16x125xi32, #tpu.memory_space<vmem>> -> memref<1x16x125xi32, #tpu.memory_space<vmem>>
      %dma_start3A_38 = tpu.memref_squeeze %dma_start3A_37 : memref<1x16x125xi32, #tpu.memory_space<vmem>> -> memref<16x125xi32, #tpu.memory_space<vmem>>
      %dma_start3A_39 = arith.constant 0 : i32
      %dma_start3A_40 = tpu.memref_slice %arg5[%add3A_21, %dma_start3A_39] : memref<2560x125xi32, #tpu.memory_space<hbm>> -> memref<16x125xi32, #tpu.memory_space<hbm>>
      %dma_start3A_41 = arith.constant 0 : i32
      %dma_start3A_42 = arith.constant 0 : i32
      %dma_start3A_43 = tpu.memref_slice %arg10[%dma_start3A_34, %dma_start3A_41, %dma_start3A_42] : memref<3x16x125xi32, #tpu.memory_space<vmem>> -> memref<1x16x125xi32, #tpu.memory_space<vmem>>
      %dma_start3A_44 = tpu.memref_squeeze %dma_start3A_43 : memref<1x16x125xi32, #tpu.memory_space<vmem>> -> memref<16x125xi32, #tpu.memory_space<vmem>>
      %dma_start3A_45 = arith.constant 0 : i32
      %dma_start3A_46 = tpu.memref_slice %arg5[%add3A_21, %dma_start3A_45] : memref<2560x125xi32, #tpu.memory_space<hbm>> -> memref<16x125xi32, #tpu.memory_space<hbm>>
      tpu.enqueue_dma source(%dma_start3A_46 : memref<16x125xi32, #tpu.memory_space<hbm>>) target(%dma_start3A_44 : memref<16x125xi32, #tpu.memory_space<vmem>>) target_semaphore(%arg19 : memref<!tpu.dma_semaphore, #tpu.memory_space<semaphore_mem>>)
      %scan3A = arith.constant 0 : i32
      %scan3A_47 = arith.constant 0 : i32
      %scan3A_48 = arith.constant 10 : i32
      %scan3A_49 = arith.addi %scan3A_47, %scan3A_48 : i32
      %scan3A_50 = arith.constant 1 : i32
      scf.for %scan3A_67 = %scan3A_47 to %scan3A_49 step %scan3A_50  : i32 {
        %jit3A = arith.constant 2 : i32
        %eq3A_68 = arith.constant 0 : i32
        %eq3A_69 = arith.cmpi eq, %jit3A, %eq3A_68 : i32
        %jit3A_70 = arith.constant 1 : i32
        %select_n3A = arith.select %eq3A_69, %jit3A_70, %jit3A : i32
        %rem3A = arith.remsi %scan3A_67, %select_n3A : i32
        %ne3A = arith.constant 0 : i32
        %ne3A_71 = arith.cmpi ne, %rem3A, %ne3A : i32
        %lt3A = arith.constant 0 : i32
        %lt3A_72 = arith.cmpi slt, %rem3A, %lt3A : i32
        %lt3A_73 = arith.constant 0 : i32
        %lt3A_74 = arith.cmpi slt, %select_n3A, %lt3A_73 : i32
        %ne3A_75 = arith.xori %lt3A_72, %lt3A_74 : i1
        %and3A = arith.andi %ne3A_75, %ne3A_71 : i1
        %add3A_76 = arith.addi %rem3A, %select_n3A : i32
        %select_n3A_77 = arith.select %and3A, %add3A_76, %rem3A : i32
        %jit3A_78 = arith.constant 3 : i32
        %eq3A_79 = arith.constant 0 : i32
        %eq3A_80 = arith.cmpi eq, %jit3A_78, %eq3A_79 : i32
        %jit3A_81 = arith.constant 1 : i32
        %select_n3A_82 = arith.select %eq3A_80, %jit3A_81, %jit3A_78 : i32
        %rem3A_83 = arith.remsi %scan3A_67, %select_n3A_82 : i32
        %ne3A_84 = arith.constant 0 : i32
        %ne3A_85 = arith.cmpi ne, %rem3A_83, %ne3A_84 : i32
        %lt3A_86 = arith.constant 0 : i32
        %lt3A_87 = arith.cmpi slt, %rem3A_83, %lt3A_86 : i32
        %lt3A_88 = arith.constant 0 : i32
        %lt3A_89 = arith.cmpi slt, %select_n3A_82, %lt3A_88 : i32
        %ne3A_90 = arith.xori %lt3A_87, %lt3A_89 : i1
        %and3A_91 = arith.andi %ne3A_90, %ne3A_85 : i1
        %add3A_92 = arith.addi %rem3A_83, %select_n3A_82 : i32
        %select_n3A_93 = arith.select %and3A_91, %add3A_92, %rem3A_83 : i32
        %mul3A_94 = arith.constant 16 : i32
        %mul3A_95 = arith.muli %scan3A_67, %mul3A_94 : i32
        %add3A_96 = arith.addi %mul3A_2, %mul3A_95 : i32
        %jit3A_97 = arith.constant 2 : i32
        %eq3A_98 = arith.constant 0 : i32
        %eq3A_99 = arith.cmpi eq, %jit3A_97, %eq3A_98 : i32
        %jit3A_100 = arith.constant 1 : i32
        %select_n3A_101 = arith.select %eq3A_99, %jit3A_100, %jit3A_97 : i32
        %rem3A_102 = arith.remsi %scan3A_67, %select_n3A_101 : i32
        %ne3A_103 = arith.constant 0 : i32
        %ne3A_104 = arith.cmpi ne, %rem3A_102, %ne3A_103 : i32
        %lt3A_105 = arith.constant 0 : i32
        %lt3A_106 = arith.cmpi slt, %rem3A_102, %lt3A_105 : i32
        %lt3A_107 = arith.constant 0 : i32
        %lt3A_108 = arith.cmpi slt, %select_n3A_101, %lt3A_107 : i32
        %ne3A_109 = arith.xori %lt3A_106, %lt3A_108 : i1
        %and3A_110 = arith.andi %ne3A_109, %ne3A_104 : i1
        %add3A_111 = arith.addi %rem3A_102, %select_n3A_101 : i32
        %select_n3A_112 = arith.select %and3A_110, %add3A_111, %rem3A_102 : i32
        %dma_wait3A_113 = arith.constant 0 : i32
        %dma_wait3A_114 = arith.constant 0 : i32
        %dma_wait3A_115 = tpu.memref_slice %arg9[%select_n3A_112, %dma_wait3A_113, %dma_wait3A_114] : memref<2x16x125xi32, #tpu.memory_space<vmem>> -> memref<1x16x125xi32, #tpu.memory_space<vmem>>
        %dma_wait3A_116 = tpu.memref_squeeze %dma_wait3A_115 : memref<1x16x125xi32, #tpu.memory_space<vmem>> -> memref<16x125xi32, #tpu.memory_space<vmem>>
        %dma_wait3A_117 = arith.constant 0 : i32
        %dma_wait3A_118 = tpu.memref_slice %arg4[%add3A_96, %dma_wait3A_117] : memref<2560x125xi32, #tpu.memory_space<hbm>> -> memref<16x125xi32, #tpu.memory_space<hbm>>
        %dma_wait3A_119 = arith.constant 0 : i32
        %dma_wait3A_120 = arith.constant 0 : i32
        %dma_wait3A_121 = tpu.memref_slice %arg9[%select_n3A_112, %dma_wait3A_119, %dma_wait3A_120] : memref<2x16x125xi32, #tpu.memory_space<vmem>> -> memref<1x16x125xi32, #tpu.memory_space<vmem>>
        %dma_wait3A_122 = tpu.memref_squeeze %dma_wait3A_121 : memref<1x16x125xi32, #tpu.memory_space<vmem>> -> memref<16x125xi32, #tpu.memory_space<vmem>>
        %dma_wait3A_123 = arith.constant 0 : i32
        %dma_wait3A_124 = tpu.memref_slice %arg4[%add3A_96, %dma_wait3A_123] : memref<2560x125xi32, #tpu.memory_space<hbm>> -> memref<16x125xi32, #tpu.memory_space<hbm>>
        tpu.wait_dma2 semaphore(%arg18 : memref<!tpu.dma_semaphore, #tpu.memory_space<semaphore_mem>>) src(%dma_wait3A_124 : memref<16x125xi32, #tpu.memory_space<hbm>>) dst(%dma_wait3A_122 : memref<16x125xi32, #tpu.memory_space<vmem>>)
        %jit3A_125 = arith.constant 3 : i32
        %eq3A_126 = arith.constant 0 : i32
        %eq3A_127 = arith.cmpi eq, %jit3A_125, %eq3A_126 : i32
        %jit3A_128 = arith.constant 1 : i32
        %select_n3A_129 = arith.select %eq3A_127, %jit3A_128, %jit3A_125 : i32
        %rem3A_130 = arith.remsi %scan3A_67, %select_n3A_129 : i32
        %ne3A_131 = arith.constant 0 : i32
        %ne3A_132 = arith.cmpi ne, %rem3A_130, %ne3A_131 : i32
        %lt3A_133 = arith.constant 0 : i32
        %lt3A_134 = arith.cmpi slt, %rem3A_130, %lt3A_133 : i32
        %lt3A_135 = arith.constant 0 : i32
        %lt3A_136 = arith.cmpi slt, %select_n3A_129, %lt3A_135 : i32
        %ne3A_137 = arith.xori %lt3A_134, %lt3A_136 : i1
        %and3A_138 = arith.andi %ne3A_137, %ne3A_132 : i1
        %add3A_139 = arith.addi %rem3A_130, %select_n3A_129 : i32
        %select_n3A_140 = arith.select %and3A_138, %add3A_139, %rem3A_130 : i32
        %dma_wait3A_141 = arith.constant 0 : i32
        %dma_wait3A_142 = arith.constant 0 : i32
        %dma_wait3A_143 = tpu.memref_slice %arg10[%select_n3A_140, %dma_wait3A_141, %dma_wait3A_142] : memref<3x16x125xi32, #tpu.memory_space<vmem>> -> memref<1x16x125xi32, #tpu.memory_space<vmem>>
        %dma_wait3A_144 = tpu.memref_squeeze %dma_wait3A_143 : memref<1x16x125xi32, #tpu.memory_space<vmem>> -> memref<16x125xi32, #tpu.memory_space<vmem>>
        %dma_wait3A_145 = arith.constant 0 : i32
        %dma_wait3A_146 = tpu.memref_slice %arg5[%add3A_96, %dma_wait3A_145] : memref<2560x125xi32, #tpu.memory_space<hbm>> -> memref<16x125xi32, #tpu.memory_space<hbm>>
        %dma_wait3A_147 = arith.constant 0 : i32
        %dma_wait3A_148 = arith.constant 0 : i32
        %dma_wait3A_149 = tpu.memref_slice %arg10[%select_n3A_140, %dma_wait3A_147, %dma_wait3A_148] : memref<3x16x125xi32, #tpu.memory_space<vmem>> -> memref<1x16x125xi32, #tpu.memory_space<vmem>>
        %dma_wait3A_150 = tpu.memref_squeeze %dma_wait3A_149 : memref<1x16x125xi32, #tpu.memory_space<vmem>> -> memref<16x125xi32, #tpu.memory_space<vmem>>
        %dma_wait3A_151 = arith.constant 0 : i32
        %dma_wait3A_152 = tpu.memref_slice %arg5[%add3A_96, %dma_wait3A_151] : memref<2560x125xi32, #tpu.memory_space<hbm>> -> memref<16x125xi32, #tpu.memory_space<hbm>>
        tpu.wait_dma2 semaphore(%arg19 : memref<!tpu.dma_semaphore, #tpu.memory_space<semaphore_mem>>) src(%dma_wait3A_152 : memref<16x125xi32, #tpu.memory_space<hbm>>) dst(%dma_wait3A_150 : memref<16x125xi32, #tpu.memory_space<vmem>>)
        %lt3A_153 = arith.constant 9 : i32
        %lt3A_154 = arith.cmpi slt, %scan3A_67, %lt3A_153 : i32
        %convert_element_type3A_155 = arith.extui %lt3A_154 : i1 to i32
        %cond3A_156 = arith.constant 0 : i32
        %cond3A_157 = arith.cmpi ne, %convert_element_type3A_155, %cond3A_156 : i32
        scf.if %cond3A_157 {
          %add3A_601 = arith.constant 1 : i32
          %add3A_602 = arith.addi %scan3A_67, %add3A_601 : i32
          %mul3A_603 = arith.constant 16 : i32
          %mul3A_604 = arith.muli %add3A_602, %mul3A_603 : i32
          %add3A_605 = arith.addi %mul3A_2, %mul3A_604 : i32
          %jit3A_606 = arith.constant 2 : i32
          %eq3A_607 = arith.constant 0 : i32
          %eq3A_608 = arith.cmpi eq, %jit3A_606, %eq3A_607 : i32
          %jit3A_609 = arith.constant 1 : i32
          %select_n3A_610 = arith.select %eq3A_608, %jit3A_609, %jit3A_606 : i32
          %rem3A_611 = arith.remsi %add3A_602, %select_n3A_610 : i32
          %ne3A_612 = arith.constant 0 : i32
          %ne3A_613 = arith.cmpi ne, %rem3A_611, %ne3A_612 : i32
          %lt3A_614 = arith.constant 0 : i32
          %lt3A_615 = arith.cmpi slt, %rem3A_611, %lt3A_614 : i32
          %lt3A_616 = arith.constant 0 : i32
          %lt3A_617 = arith.cmpi slt, %select_n3A_610, %lt3A_616 : i32
          %ne3A_618 = arith.xori %lt3A_615, %lt3A_617 : i1
          %and3A_619 = arith.andi %ne3A_618, %ne3A_613 : i1
          %add3A_620 = arith.addi %rem3A_611, %select_n3A_610 : i32
          %select_n3A_621 = arith.select %and3A_619, %add3A_620, %rem3A_611 : i32
          %dma_start3A_622 = arith.constant 0 : i32
          %dma_start3A_623 = arith.constant 0 : i32
          %dma_start3A_624 = tpu.memref_slice %arg9[%select_n3A_621, %dma_start3A_622, %dma_start3A_623] : memref<2x16x125xi32, #tpu.memory_space<vmem>> -> memref<1x16x125xi32, #tpu.memory_space<vmem>>
          %dma_start3A_625 = tpu.memref_squeeze %dma_start3A_624 : memref<1x16x125xi32, #tpu.memory_space<vmem>> -> memref<16x125xi32, #tpu.memory_space<vmem>>
          %dma_start3A_626 = arith.constant 0 : i32
          %dma_start3A_627 = tpu.memref_slice %arg4[%add3A_605, %dma_start3A_626] : memref<2560x125xi32, #tpu.memory_space<hbm>> -> memref<16x125xi32, #tpu.memory_space<hbm>>
          %dma_start3A_628 = arith.constant 0 : i32
          %dma_start3A_629 = arith.constant 0 : i32
          %dma_start3A_630 = tpu.memref_slice %arg9[%select_n3A_621, %dma_start3A_628, %dma_start3A_629] : memref<2x16x125xi32, #tpu.memory_space<vmem>> -> memref<1x16x125xi32, #tpu.memory_space<vmem>>
          %dma_start3A_631 = tpu.memref_squeeze %dma_start3A_630 : memref<1x16x125xi32, #tpu.memory_space<vmem>> -> memref<16x125xi32, #tpu.memory_space<vmem>>
          %dma_start3A_632 = arith.constant 0 : i32
          %dma_start3A_633 = tpu.memref_slice %arg4[%add3A_605, %dma_start3A_632] : memref<2560x125xi32, #tpu.memory_space<hbm>> -> memref<16x125xi32, #tpu.memory_space<hbm>>
          tpu.enqueue_dma source(%dma_start3A_633 : memref<16x125xi32, #tpu.memory_space<hbm>>) target(%dma_start3A_631 : memref<16x125xi32, #tpu.memory_space<vmem>>) target_semaphore(%arg18 : memref<!tpu.dma_semaphore, #tpu.memory_space<semaphore_mem>>)
          %jit3A_634 = arith.constant 3 : i32
          %eq3A_635 = arith.constant 0 : i32
          %eq3A_636 = arith.cmpi eq, %jit3A_634, %eq3A_635 : i32
          %jit3A_637 = arith.constant 1 : i32
          %select_n3A_638 = arith.select %eq3A_636, %jit3A_637, %jit3A_634 : i32
          %rem3A_639 = arith.remsi %add3A_602, %select_n3A_638 : i32
          %ne3A_640 = arith.constant 0 : i32
          %ne3A_641 = arith.cmpi ne, %rem3A_639, %ne3A_640 : i32
          %lt3A_642 = arith.constant 0 : i32
          %lt3A_643 = arith.cmpi slt, %rem3A_639, %lt3A_642 : i32
          %lt3A_644 = arith.constant 0 : i32
          %lt3A_645 = arith.cmpi slt, %select_n3A_638, %lt3A_644 : i32
          %ne3A_646 = arith.xori %lt3A_643, %lt3A_645 : i1
          %and3A_647 = arith.andi %ne3A_646, %ne3A_641 : i1
          %add3A_648 = arith.addi %rem3A_639, %select_n3A_638 : i32
          %select_n3A_649 = arith.select %and3A_647, %add3A_648, %rem3A_639 : i32
          %dma_start3A_650 = arith.constant 0 : i32
          %dma_start3A_651 = arith.constant 0 : i32
          %dma_start3A_652 = tpu.memref_slice %arg10[%select_n3A_649, %dma_start3A_650, %dma_start3A_651] : memref<3x16x125xi32, #tpu.memory_space<vmem>> -> memref<1x16x125xi32, #tpu.memory_space<vmem>>
          %dma_start3A_653 = tpu.memref_squeeze %dma_start3A_652 : memref<1x16x125xi32, #tpu.memory_space<vmem>> -> memref<16x125xi32, #tpu.memory_space<vmem>>
          %dma_start3A_654 = arith.constant 0 : i32
          %dma_start3A_655 = tpu.memref_slice %arg5[%add3A_605, %dma_start3A_654] : memref<2560x125xi32, #tpu.memory_space<hbm>> -> memref<16x125xi32, #tpu.memory_space<hbm>>
          %dma_start3A_656 = arith.constant 0 : i32
          %dma_start3A_657 = arith.constant 0 : i32
          %dma_start3A_658 = tpu.memref_slice %arg10[%select_n3A_649, %dma_start3A_656, %dma_start3A_657] : memref<3x16x125xi32, #tpu.memory_space<vmem>> -> memref<1x16x125xi32, #tpu.memory_space<vmem>>
          %dma_start3A_659 = tpu.memref_squeeze %dma_start3A_658 : memref<1x16x125xi32, #tpu.memory_space<vmem>> -> memref<16x125xi32, #tpu.memory_space<vmem>>
          %dma_start3A_660 = arith.constant 0 : i32
          %dma_start3A_661 = tpu.memref_slice %arg5[%add3A_605, %dma_start3A_660] : memref<2560x125xi32, #tpu.memory_space<hbm>> -> memref<16x125xi32, #tpu.memory_space<hbm>>
          tpu.enqueue_dma source(%dma_start3A_661 : memref<16x125xi32, #tpu.memory_space<hbm>>) target(%dma_start3A_659 : memref<16x125xi32, #tpu.memory_space<vmem>>) target_semaphore(%arg19 : memref<!tpu.dma_semaphore, #tpu.memory_space<semaphore_mem>>)
        } else {
        }
        %gt3A = arith.constant 0 : i32
        %gt3A_158 = arith.cmpi sgt, %scan3A_67, %gt3A : i32
        %convert_element_type3A_159 = arith.extui %gt3A_158 : i1 to i32
        %cond3A_160 = arith.constant 0 : i32
        %cond3A_161 = arith.cmpi ne, %convert_element_type3A_159, %cond3A_160 : i32
        scf.if %cond3A_161 {
          %add3A_601 = arith.constant 2 : i32
          %add3A_602 = arith.addi %scan3A_67, %add3A_601 : i32
          %jit3A_603 = arith.constant 3 : i32
          %eq3A_604 = arith.constant 0 : i32
          %eq3A_605 = arith.cmpi eq, %jit3A_603, %eq3A_604 : i32
          %jit3A_606 = arith.constant 1 : i32
          %select_n3A_607 = arith.select %eq3A_605, %jit3A_606, %jit3A_603 : i32
          %rem3A_608 = arith.remsi %add3A_602, %select_n3A_607 : i32
          %ne3A_609 = arith.constant 0 : i32
          %ne3A_610 = arith.cmpi ne, %rem3A_608, %ne3A_609 : i32
          %lt3A_611 = arith.constant 0 : i32
          %lt3A_612 = arith.cmpi slt, %rem3A_608, %lt3A_611 : i32
          %lt3A_613 = arith.constant 0 : i32
          %lt3A_614 = arith.cmpi slt, %select_n3A_607, %lt3A_613 : i32
          %ne3A_615 = arith.xori %lt3A_612, %lt3A_614 : i1
          %and3A_616 = arith.andi %ne3A_615, %ne3A_610 : i1
          %add3A_617 = arith.addi %rem3A_608, %select_n3A_607 : i32
          %select_n3A_618 = arith.select %and3A_616, %add3A_617, %rem3A_608 : i32
          %dma_wait3A_619 = arith.constant 14 : i32
          %dma_wait3A_620 = arith.constant 0 : i32
          %dma_wait3A_621 = tpu.memref_slice %arg10[%select_n3A_618, %dma_wait3A_619, %dma_wait3A_620] : memref<3x16x125xi32, #tpu.memory_space<vmem>> -> memref<1x1x125xi32, #tpu.memory_space<vmem>>
          %dma_wait3A_622 = tpu.memref_squeeze %dma_wait3A_621 : memref<1x1x125xi32, #tpu.memory_space<vmem>> -> memref<125xi32, #tpu.memory_space<vmem>>
          %dma_wait3A_623 = arith.constant 0 : i32
          %dma_wait3A_624 = arith.constant 0 : i32
          %dma_wait3A_625 = tpu.memref_slice %arg13[%dma_wait3A_623, %dma_wait3A_624] : memref<10240x128xf32, #tpu.memory_space<vmem_shared>> -> memref<10240x128xf32, #tpu.memory_space<vmem_shared>>
          tpu.wait_indirect_dma semaphore(%arg16 : memref<!tpu.dma_semaphore, #tpu.memory_space<semaphore_mem>>) src(%arg11 : memref<125x128xf32, #tpu.memory_space<vmem>>) dst(%dma_wait3A_625 : memref<10240x128xf32, #tpu.memory_space<vmem_shared>>)
        } else {
        }
        %dma_start3A_162 = arith.constant 0 : i32
        %dma_start3A_163 = arith.constant 0 : i32
        %dma_start3A_164 = tpu.memref_slice %arg9[%select_n3A_77, %dma_start3A_162, %dma_start3A_163] : memref<2x16x125xi32, #tpu.memory_space<vmem>> -> memref<1x1x125xi32, #tpu.memory_space<vmem>>
        %dma_start3A_165 = tpu.memref_squeeze %dma_start3A_164 : memref<1x1x125xi32, #tpu.memory_space<vmem>> -> memref<125xi32, #tpu.memory_space<vmem>>
        %dma_start3A_166 = arith.constant 0 : i32
        %dma_start3A_167 = arith.constant 0 : i32
        %dma_start3A_168 = tpu.memref_slice %arg3[%dma_start3A_166, %dma_start3A_167] : memref<10240x128xf32, #tpu.memory_space<hbm>> -> memref<10240x128xf32, #tpu.memory_space<hbm>>
        tpu.enqueue_indirect_dma source(%dma_start3A_168 : memref<10240x128xf32, #tpu.memory_space<hbm>>) target(%arg11 : memref<125x128xf32, #tpu.memory_space<vmem>>) offsets(%dma_start3A_165 : memref<125xi32, #tpu.memory_space<vmem>>) semaphore(%arg14 : memref<!tpu.dma_semaphore, #tpu.memory_space<semaphore_mem>>)
        %gt3A_169 = arith.constant 0 : i32
        %gt3A_170 = arith.cmpi sgt, %scan3A_67, %gt3A_169 : i32
        %convert_element_type3A_171 = arith.extui %gt3A_170 : i1 to i32
        %cond3A_172 = arith.constant 0 : i32
        %cond3A_173 = arith.cmpi ne, %convert_element_type3A_171, %cond3A_172 : i32
        scf.if %cond3A_173 {
          %add3A_601 = arith.constant 2 : i32
          %add3A_602 = arith.addi %scan3A_67, %add3A_601 : i32
          %jit3A_603 = arith.constant 3 : i32
          %eq3A_604 = arith.constant 0 : i32
          %eq3A_605 = arith.cmpi eq, %jit3A_603, %eq3A_604 : i32
          %jit3A_606 = arith.constant 1 : i32
          %select_n3A_607 = arith.select %eq3A_605, %jit3A_606, %jit3A_603 : i32
          %rem3A_608 = arith.remsi %add3A_602, %select_n3A_607 : i32
          %ne3A_609 = arith.constant 0 : i32
          %ne3A_610 = arith.cmpi ne, %rem3A_608, %ne3A_609 : i32
          %lt3A_611 = arith.constant 0 : i32
          %lt3A_612 = arith.cmpi slt, %rem3A_608, %lt3A_611 : i32
          %lt3A_613 = arith.constant 0 : i32
          %lt3A_614 = arith.cmpi slt, %select_n3A_607, %lt3A_613 : i32
          %ne3A_615 = arith.xori %lt3A_612, %lt3A_614 : i1
          %and3A_616 = arith.andi %ne3A_615, %ne3A_610 : i1
          %add3A_617 = arith.addi %rem3A_608, %select_n3A_607 : i32
          %select_n3A_618 = arith.select %and3A_616, %add3A_617, %rem3A_608 : i32
          %dma_wait3A_619 = arith.constant 15 : i32
          %dma_wait3A_620 = arith.constant 0 : i32
          %dma_wait3A_621 = tpu.memref_slice %arg10[%select_n3A_618, %dma_wait3A_619, %dma_wait3A_620] : memref<3x16x125xi32, #tpu.memory_space<vmem>> -> memref<1x1x125xi32, #tpu.memory_space<vmem>>
          %dma_wait3A_622 = tpu.memref_squeeze %dma_wait3A_621 : memref<1x1x125xi32, #tpu.memory_space<vmem>> -> memref<125xi32, #tpu.memory_space<vmem>>
          %dma_wait3A_623 = arith.constant 0 : i32
          %dma_wait3A_624 = arith.constant 0 : i32
          %dma_wait3A_625 = tpu.memref_slice %arg13[%dma_wait3A_623, %dma_wait3A_624] : memref<10240x128xf32, #tpu.memory_space<vmem_shared>> -> memref<10240x128xf32, #tpu.memory_space<vmem_shared>>
          tpu.wait_indirect_dma semaphore(%arg17 : memref<!tpu.dma_semaphore, #tpu.memory_space<semaphore_mem>>) src(%arg12 : memref<125x128xf32, #tpu.memory_space<vmem>>) dst(%dma_wait3A_625 : memref<10240x128xf32, #tpu.memory_space<vmem_shared>>)
        } else {
        }
        %dma_start3A_174 = arith.constant 1 : i32
        %dma_start3A_175 = arith.constant 0 : i32
        %dma_start3A_176 = tpu.memref_slice %arg9[%select_n3A_77, %dma_start3A_174, %dma_start3A_175] : memref<2x16x125xi32, #tpu.memory_space<vmem>> -> memref<1x1x125xi32, #tpu.memory_space<vmem>>
        %dma_start3A_177 = tpu.memref_squeeze %dma_start3A_176 : memref<1x1x125xi32, #tpu.memory_space<vmem>> -> memref<125xi32, #tpu.memory_space<vmem>>
        %dma_start3A_178 = arith.constant 0 : i32
        %dma_start3A_179 = arith.constant 0 : i32
        %dma_start3A_180 = tpu.memref_slice %arg3[%dma_start3A_178, %dma_start3A_179] : memref<10240x128xf32, #tpu.memory_space<hbm>> -> memref<10240x128xf32, #tpu.memory_space<hbm>>
        tpu.enqueue_indirect_dma source(%dma_start3A_180 : memref<10240x128xf32, #tpu.memory_space<hbm>>) target(%arg12 : memref<125x128xf32, #tpu.memory_space<vmem>>) offsets(%dma_start3A_177 : memref<125xi32, #tpu.memory_space<vmem>>) semaphore(%arg15 : memref<!tpu.dma_semaphore, #tpu.memory_space<semaphore_mem>>)
        %dma_wait3A_181 = arith.constant 0 : i32
        %dma_wait3A_182 = arith.constant 0 : i32
        %dma_wait3A_183 = tpu.memref_slice %arg9[%select_n3A_77, %dma_wait3A_181, %dma_wait3A_182] : memref<2x16x125xi32, #tpu.memory_space<vmem>> -> memref<1x1x125xi32, #tpu.memory_space<vmem>>
        %dma_wait3A_184 = tpu.memref_squeeze %dma_wait3A_183 : memref<1x1x125xi32, #tpu.memory_space<vmem>> -> memref<125xi32, #tpu.memory_space<vmem>>
        %dma_wait3A_185 = arith.constant 0 : i32
        %dma_wait3A_186 = arith.constant 0 : i32
        %dma_wait3A_187 = tpu.memref_slice %arg3[%dma_wait3A_185, %dma_wait3A_186] : memref<10240x128xf32, #tpu.memory_space<hbm>> -> memref<10240x128xf32, #tpu.memory_space<hbm>>
        tpu.wait_indirect_dma semaphore(%arg14 : memref<!tpu.dma_semaphore, #tpu.memory_space<semaphore_mem>>) src(%dma_wait3A_187 : memref<10240x128xf32, #tpu.memory_space<hbm>>) dst(%arg11 : memref<125x128xf32, #tpu.memory_space<vmem>>)
        %dma_start3A_188 = arith.constant 0 : i32
        %dma_start3A_189 = arith.constant 0 : i32
        %dma_start3A_190 = tpu.memref_slice %arg10[%select_n3A_93, %dma_start3A_188, %dma_start3A_189] : memref<3x16x125xi32, #tpu.memory_space<vmem>> -> memref<1x1x125xi32, #tpu.memory_space<vmem>>
        %dma_start3A_191 = tpu.memref_squeeze %dma_start3A_190 : memref<1x1x125xi32, #tpu.memory_space<vmem>> -> memref<125xi32, #tpu.memory_space<vmem>>
        %dma_start3A_192 = arith.constant 0 : i32
        %dma_start3A_193 = arith.constant 0 : i32
        %dma_start3A_194 = tpu.memref_slice %arg13[%dma_start3A_192, %dma_start3A_193] : memref<10240x128xf32, #tpu.memory_space<vmem_shared>> -> memref<10240x128xf32, #tpu.memory_space<vmem_shared>>
        tpu.enqueue_indirect_dma source(%arg11 : memref<125x128xf32, #tpu.memory_space<vmem>>) target(%dma_start3A_194 : memref<10240x128xf32, #tpu.memory_space<vmem_shared>>) offsets(%dma_start3A_191 : memref<125xi32, #tpu.memory_space<vmem>>) semaphore(%arg16 : memref<!tpu.dma_semaphore, #tpu.memory_space<semaphore_mem>>) {add = true}
        %dma_wait3A_195 = arith.constant 0 : i32
        %dma_wait3A_196 = arith.constant 0 : i32
        %dma_wait3A_197 = tpu.memref_slice %arg10[%select_n3A_93, %dma_wait3A_195, %dma_wait3A_196] : memref<3x16x125xi32, #tpu.memory_space<vmem>> -> memref<1x1x125xi32, #tpu.memory_space<vmem>>
        %dma_wait3A_198 = tpu.memref_squeeze %dma_wait3A_197 : memref<1x1x125xi32, #tpu.memory_space<vmem>> -> memref<125xi32, #tpu.memory_space<vmem>>
        %dma_wait3A_199 = arith.constant 0 : i32
        %dma_wait3A_200 = arith.constant 0 : i32
        %dma_wait3A_201 = tpu.memref_slice %arg13[%dma_wait3A_199, %dma_wait3A_200] : memref<10240x128xf32, #tpu.memory_space<vmem_shared>> -> memref<10240x128xf32, #tpu.memory_space<vmem_shared>>
        tpu.wait_indirect_dma semaphore(%arg16 : memref<!tpu.dma_semaphore, #tpu.memory_space<semaphore_mem>>) src(%arg11 : memref<125x128xf32, #tpu.memory_space<vmem>>) dst(%dma_wait3A_201 : memref<10240x128xf32, #tpu.memory_space<vmem_shared>>)
        %dma_start3A_202 = arith.constant 2 : i32
        %dma_start3A_203 = arith.constant 0 : i32
        %dma_start3A_204 = tpu.memref_slice %arg9[%select_n3A_77, %dma_start3A_202, %dma_start3A_203] : memref<2x16x125xi32, #tpu.memory_space<vmem>> -> memref<1x1x125xi32, #tpu.memory_space<vmem>>
        %dma_start3A_205 = tpu.memref_squeeze %dma_start3A_204 : memref<1x1x125xi32, #tpu.memory_space<vmem>> -> memref<125xi32, #tpu.memory_space<vmem>>
        %dma_start3A_206 = arith.constant 0 : i32
        %dma_start3A_207 = arith.constant 0 : i32
        %dma_start3A_208 = tpu.memref_slice %arg3[%dma_start3A_206, %dma_start3A_207] : memref<10240x128xf32, #tpu.memory_space<hbm>> -> memref<10240x128xf32, #tpu.memory_space<hbm>>
        tpu.enqueue_indirect_dma source(%dma_start3A_208 : memref<10240x128xf32, #tpu.memory_space<hbm>>) target(%arg11 : memref<125x128xf32, #tpu.memory_space<vmem>>) offsets(%dma_start3A_205 : memref<125xi32, #tpu.memory_space<vmem>>) semaphore(%arg14 : memref<!tpu.dma_semaphore, #tpu.memory_space<semaphore_mem>>)
        %dma_wait3A_209 = arith.constant 1 : i32
        %dma_wait3A_210 = arith.constant 0 : i32
        %dma_wait3A_211 = tpu.memref_slice %arg9[%select_n3A_77, %dma_wait3A_209, %dma_wait3A_210] : memref<2x16x125xi32, #tpu.memory_space<vmem>> -> memref<1x1x125xi32, #tpu.memory_space<vmem>>
        %dma_wait3A_212 = tpu.memref_squeeze %dma_wait3A_211 : memref<1x1x125xi32, #tpu.memory_space<vmem>> -> memref<125xi32, #tpu.memory_space<vmem>>
        %dma_wait3A_213 = arith.constant 0 : i32
        %dma_wait3A_214 = arith.constant 0 : i32
        %dma_wait3A_215 = tpu.memref_slice %arg3[%dma_wait3A_213, %dma_wait3A_214] : memref<10240x128xf32, #tpu.memory_space<hbm>> -> memref<10240x128xf32, #tpu.memory_space<hbm>>
        tpu.wait_indirect_dma semaphore(%arg15 : memref<!tpu.dma_semaphore, #tpu.memory_space<semaphore_mem>>) src(%dma_wait3A_215 : memref<10240x128xf32, #tpu.memory_space<hbm>>) dst(%arg12 : memref<125x128xf32, #tpu.memory_space<vmem>>)
        %dma_start3A_216 = arith.constant 1 : i32
        %dma_start3A_217 = arith.constant 0 : i32
        %dma_start3A_218 = tpu.memref_slice %arg10[%select_n3A_93, %dma_start3A_216, %dma_start3A_217] : memref<3x16x125xi32, #tpu.memory_space<vmem>> -> memref<1x1x125xi32, #tpu.memory_space<vmem>>
        %dma_start3A_219 = tpu.memref_squeeze %dma_start3A_218 : memref<1x1x125xi32, #tpu.memory_space<vmem>> -> memref<125xi32, #tpu.memory_space<vmem>>
        %dma_start3A_220 = arith.constant 0 : i32
        %dma_start3A_221 = arith.constant 0 : i32
        %dma_start3A_222 = tpu.memref_slice %arg13[%dma_start3A_220, %dma_start3A_221] : memref<10240x128xf32, #tpu.memory_space<vmem_shared>> -> memref<10240x128xf32, #tpu.memory_space<vmem_shared>>
        tpu.enqueue_indirect_dma source(%arg12 : memref<125x128xf32, #tpu.memory_space<vmem>>) target(%dma_start3A_222 : memref<10240x128xf32, #tpu.memory_space<vmem_shared>>) offsets(%dma_start3A_219 : memref<125xi32, #tpu.memory_space<vmem>>) semaphore(%arg17 : memref<!tpu.dma_semaphore, #tpu.memory_space<semaphore_mem>>) {add = true}
        %dma_wait3A_223 = arith.constant 1 : i32
        %dma_wait3A_224 = arith.constant 0 : i32
        %dma_wait3A_225 = tpu.memref_slice %arg10[%select_n3A_93, %dma_wait3A_223, %dma_wait3A_224] : memref<3x16x125xi32, #tpu.memory_space<vmem>> -> memref<1x1x125xi32, #tpu.memory_space<vmem>>
        %dma_wait3A_226 = tpu.memref_squeeze %dma_wait3A_225 : memref<1x1x125xi32, #tpu.memory_space<vmem>> -> memref<125xi32, #tpu.memory_space<vmem>>
        %dma_wait3A_227 = arith.constant 0 : i32
        %dma_wait3A_228 = arith.constant 0 : i32
        %dma_wait3A_229 = tpu.memref_slice %arg13[%dma_wait3A_227, %dma_wait3A_228] : memref<10240x128xf32, #tpu.memory_space<vmem_shared>> -> memref<10240x128xf32, #tpu.memory_space<vmem_shared>>
        tpu.wait_indirect_dma semaphore(%arg17 : memref<!tpu.dma_semaphore, #tpu.memory_space<semaphore_mem>>) src(%arg12 : memref<125x128xf32, #tpu.memory_space<vmem>>) dst(%dma_wait3A_229 : memref<10240x128xf32, #tpu.memory_space<vmem_shared>>)
        %dma_start3A_230 = arith.constant 3 : i32
        %dma_start3A_231 = arith.constant 0 : i32
        %dma_start3A_232 = tpu.memref_slice %arg9[%select_n3A_77, %dma_start3A_230, %dma_start3A_231] : memref<2x16x125xi32, #tpu.memory_space<vmem>> -> memref<1x1x125xi32, #tpu.memory_space<vmem>>
        %dma_start3A_233 = tpu.memref_squeeze %dma_start3A_232 : memref<1x1x125xi32, #tpu.memory_space<vmem>> -> memref<125xi32, #tpu.memory_space<vmem>>
        %dma_start3A_234 = arith.constant 0 : i32
        %dma_start3A_235 = arith.constant 0 : i32
        %dma_start3A_236 = tpu.memref_slice %arg3[%dma_start3A_234, %dma_start3A_235] : memref<10240x128xf32, #tpu.memory_space<hbm>> -> memref<10240x128xf32, #tpu.memory_space<hbm>>
        tpu.enqueue_indirect_dma source(%dma_start3A_236 : memref<10240x128xf32, #tpu.memory_space<hbm>>) target(%arg12 : memref<125x128xf32, #tpu.memory_space<vmem>>) offsets(%dma_start3A_233 : memref<125xi32, #tpu.memory_space<vmem>>) semaphore(%arg15 : memref<!tpu.dma_semaphore, #tpu.memory_space<semaphore_mem>>)
        %dma_wait3A_237 = arith.constant 2 : i32
        %dma_wait3A_238 = arith.constant 0 : i32
        %dma_wait3A_239 = tpu.memref_slice %arg9[%select_n3A_77, %dma_wait3A_237, %dma_wait3A_238] : memref<2x16x125xi32, #tpu.memory_space<vmem>> -> memref<1x1x125xi32, #tpu.memory_space<vmem>>
        %dma_wait3A_240 = tpu.memref_squeeze %dma_wait3A_239 : memref<1x1x125xi32, #tpu.memory_space<vmem>> -> memref<125xi32, #tpu.memory_space<vmem>>
        %dma_wait3A_241 = arith.constant 0 : i32
        %dma_wait3A_242 = arith.constant 0 : i32
        %dma_wait3A_243 = tpu.memref_slice %arg3[%dma_wait3A_241, %dma_wait3A_242] : memref<10240x128xf32, #tpu.memory_space<hbm>> -> memref<10240x128xf32, #tpu.memory_space<hbm>>
        tpu.wait_indirect_dma semaphore(%arg14 : memref<!tpu.dma_semaphore, #tpu.memory_space<semaphore_mem>>) src(%dma_wait3A_243 : memref<10240x128xf32, #tpu.memory_space<hbm>>) dst(%arg11 : memref<125x128xf32, #tpu.memory_space<vmem>>)
        %dma_start3A_244 = arith.constant 2 : i32
        %dma_start3A_245 = arith.constant 0 : i32
        %dma_start3A_246 = tpu.memref_slice %arg10[%select_n3A_93, %dma_start3A_244, %dma_start3A_245] : memref<3x16x125xi32, #tpu.memory_space<vmem>> -> memref<1x1x125xi32, #tpu.memory_space<vmem>>
        %dma_start3A_247 = tpu.memref_squeeze %dma_start3A_246 : memref<1x1x125xi32, #tpu.memory_space<vmem>> -> memref<125xi32, #tpu.memory_space<vmem>>
        %dma_start3A_248 = arith.constant 0 : i32
        %dma_start3A_249 = arith.constant 0 : i32
        %dma_start3A_250 = tpu.memref_slice %arg13[%dma_start3A_248, %dma_start3A_249] : memref<10240x128xf32, #tpu.memory_space<vmem_shared>> -> memref<10240x128xf32, #tpu.memory_space<vmem_shared>>
        tpu.enqueue_indirect_dma source(%arg11 : memref<125x128xf32, #tpu.memory_space<vmem>>) target(%dma_start3A_250 : memref<10240x128xf32, #tpu.memory_space<vmem_shared>>) offsets(%dma_start3A_247 : memref<125xi32, #tpu.memory_space<vmem>>) semaphore(%arg16 : memref<!tpu.dma_semaphore, #tpu.memory_space<semaphore_mem>>) {add = true}
        %dma_wait3A_251 = arith.constant 2 : i32
        %dma_wait3A_252 = arith.constant 0 : i32
        %dma_wait3A_253 = tpu.memref_slice %arg10[%select_n3A_93, %dma_wait3A_251, %dma_wait3A_252] : memref<3x16x125xi32, #tpu.memory_space<vmem>> -> memref<1x1x125xi32, #tpu.memory_space<vmem>>
        %dma_wait3A_254 = tpu.memref_squeeze %dma_wait3A_253 : memref<1x1x125xi32, #tpu.memory_space<vmem>> -> memref<125xi32, #tpu.memory_space<vmem>>
        %dma_wait3A_255 = arith.constant 0 : i32
        %dma_wait3A_256 = arith.constant 0 : i32
        %dma_wait3A_257 = tpu.memref_slice %arg13[%dma_wait3A_255, %dma_wait3A_256] : memref<10240x128xf32, #tpu.memory_space<vmem_shared>> -> memref<10240x128xf32, #tpu.memory_space<vmem_shared>>
        tpu.wait_indirect_dma semaphore(%arg16 : memref<!tpu.dma_semaphore, #tpu.memory_space<semaphore_mem>>) src(%arg11 : memref<125x128xf32, #tpu.memory_space<vmem>>) dst(%dma_wait3A_257 : memref<10240x128xf32, #tpu.memory_space<vmem_shared>>)
        %dma_start3A_258 = arith.constant 4 : i32
        %dma_start3A_259 = arith.constant 0 : i32
        %dma_start3A_260 = tpu.memref_slice %arg9[%select_n3A_77, %dma_start3A_258, %dma_start3A_259] : memref<2x16x125xi32, #tpu.memory_space<vmem>> -> memref<1x1x125xi32, #tpu.memory_space<vmem>>
        %dma_start3A_261 = tpu.memref_squeeze %dma_start3A_260 : memref<1x1x125xi32, #tpu.memory_space<vmem>> -> memref<125xi32, #tpu.memory_space<vmem>>
        %dma_start3A_262 = arith.constant 0 : i32
        %dma_start3A_263 = arith.constant 0 : i32
        %dma_start3A_264 = tpu.memref_slice %arg3[%dma_start3A_262, %dma_start3A_263] : memref<10240x128xf32, #tpu.memory_space<hbm>> -> memref<10240x128xf32, #tpu.memory_space<hbm>>
        tpu.enqueue_indirect_dma source(%dma_start3A_264 : memref<10240x128xf32, #tpu.memory_space<hbm>>) target(%arg11 : memref<125x128xf32, #tpu.memory_space<vmem>>) offsets(%dma_start3A_261 : memref<125xi32, #tpu.memory_space<vmem>>) semaphore(%arg14 : memref<!tpu.dma_semaphore, #tpu.memory_space<semaphore_mem>>)
        %dma_wait3A_265 = arith.constant 3 : i32
        %dma_wait3A_266 = arith.constant 0 : i32
        %dma_wait3A_267 = tpu.memref_slice %arg9[%select_n3A_77, %dma_wait3A_265, %dma_wait3A_266] : memref<2x16x125xi32, #tpu.memory_space<vmem>> -> memref<1x1x125xi32, #tpu.memory_space<vmem>>
        %dma_wait3A_268 = tpu.memref_squeeze %dma_wait3A_267 : memref<1x1x125xi32, #tpu.memory_space<vmem>> -> memref<125xi32, #tpu.memory_space<vmem>>
        %dma_wait3A_269 = arith.constant 0 : i32
        %dma_wait3A_270 = arith.constant 0 : i32
        %dma_wait3A_271 = tpu.memref_slice %arg3[%dma_wait3A_269, %dma_wait3A_270] : memref<10240x128xf32, #tpu.memory_space<hbm>> -> memref<10240x128xf32, #tpu.memory_space<hbm>>
        tpu.wait_indirect_dma semaphore(%arg15 : memref<!tpu.dma_semaphore, #tpu.memory_space<semaphore_mem>>) src(%dma_wait3A_271 : memref<10240x128xf32, #tpu.memory_space<hbm>>) dst(%arg12 : memref<125x128xf32, #tpu.memory_space<vmem>>)
        %dma_start3A_272 = arith.constant 3 : i32
        %dma_start3A_273 = arith.constant 0 : i32
        %dma_start3A_274 = tpu.memref_slice %arg10[%select_n3A_93, %dma_start3A_272, %dma_start3A_273] : memref<3x16x125xi32, #tpu.memory_space<vmem>> -> memref<1x1x125xi32, #tpu.memory_space<vmem>>
        %dma_start3A_275 = tpu.memref_squeeze %dma_start3A_274 : memref<1x1x125xi32, #tpu.memory_space<vmem>> -> memref<125xi32, #tpu.memory_space<vmem>>
        %dma_start3A_276 = arith.constant 0 : i32
        %dma_start3A_277 = arith.constant 0 : i32
        %dma_start3A_278 = tpu.memref_slice %arg13[%dma_start3A_276, %dma_start3A_277] : memref<10240x128xf32, #tpu.memory_space<vmem_shared>> -> memref<10240x128xf32, #tpu.memory_space<vmem_shared>>
        tpu.enqueue_indirect_dma source(%arg12 : memref<125x128xf32, #tpu.memory_space<vmem>>) target(%dma_start3A_278 : memref<10240x128xf32, #tpu.memory_space<vmem_shared>>) offsets(%dma_start3A_275 : memref<125xi32, #tpu.memory_space<vmem>>) semaphore(%arg17 : memref<!tpu.dma_semaphore, #tpu.memory_space<semaphore_mem>>) {add = true}
        %dma_wait3A_279 = arith.constant 3 : i32
        %dma_wait3A_280 = arith.constant 0 : i32
        %dma_wait3A_281 = tpu.memref_slice %arg10[%select_n3A_93, %dma_wait3A_279, %dma_wait3A_280] : memref<3x16x125xi32, #tpu.memory_space<vmem>> -> memref<1x1x125xi32, #tpu.memory_space<vmem>>
        %dma_wait3A_282 = tpu.memref_squeeze %dma_wait3A_281 : memref<1x1x125xi32, #tpu.memory_space<vmem>> -> memref<125xi32, #tpu.memory_space<vmem>>
        %dma_wait3A_283 = arith.constant 0 : i32
        %dma_wait3A_284 = arith.constant 0 : i32
        %dma_wait3A_285 = tpu.memref_slice %arg13[%dma_wait3A_283, %dma_wait3A_284] : memref<10240x128xf32, #tpu.memory_space<vmem_shared>> -> memref<10240x128xf32, #tpu.memory_space<vmem_shared>>
        tpu.wait_indirect_dma semaphore(%arg17 : memref<!tpu.dma_semaphore, #tpu.memory_space<semaphore_mem>>) src(%arg12 : memref<125x128xf32, #tpu.memory_space<vmem>>) dst(%dma_wait3A_285 : memref<10240x128xf32, #tpu.memory_space<vmem_shared>>)
        %dma_start3A_286 = arith.constant 5 : i32
        %dma_start3A_287 = arith.constant 0 : i32
        %dma_start3A_288 = tpu.memref_slice %arg9[%select_n3A_77, %dma_start3A_286, %dma_start3A_287] : memref<2x16x125xi32, #tpu.memory_space<vmem>> -> memref<1x1x125xi32, #tpu.memory_space<vmem>>
        %dma_start3A_289 = tpu.memref_squeeze %dma_start3A_288 : memref<1x1x125xi32, #tpu.memory_space<vmem>> -> memref<125xi32, #tpu.memory_space<vmem>>
        %dma_start3A_290 = arith.constant 0 : i32
        %dma_start3A_291 = arith.constant 0 : i32
        %dma_start3A_292 = tpu.memref_slice %arg3[%dma_start3A_290, %dma_start3A_291] : memref<10240x128xf32, #tpu.memory_space<hbm>> -> memref<10240x128xf32, #tpu.memory_space<hbm>>
        tpu.enqueue_indirect_dma source(%dma_start3A_292 : memref<10240x128xf32, #tpu.memory_space<hbm>>) target(%arg12 : memref<125x128xf32, #tpu.memory_space<vmem>>) offsets(%dma_start3A_289 : memref<125xi32, #tpu.memory_space<vmem>>) semaphore(%arg15 : memref<!tpu.dma_semaphore, #tpu.memory_space<semaphore_mem>>)
        %dma_wait3A_293 = arith.constant 4 : i32
        %dma_wait3A_294 = arith.constant 0 : i32
        %dma_wait3A_295 = tpu.memref_slice %arg9[%select_n3A_77, %dma_wait3A_293, %dma_wait3A_294] : memref<2x16x125xi32, #tpu.memory_space<vmem>> -> memref<1x1x125xi32, #tpu.memory_space<vmem>>
        %dma_wait3A_296 = tpu.memref_squeeze %dma_wait3A_295 : memref<1x1x125xi32, #tpu.memory_space<vmem>> -> memref<125xi32, #tpu.memory_space<vmem>>
        %dma_wait3A_297 = arith.constant 0 : i32
        %dma_wait3A_298 = arith.constant 0 : i32
        %dma_wait3A_299 = tpu.memref_slice %arg3[%dma_wait3A_297, %dma_wait3A_298] : memref<10240x128xf32, #tpu.memory_space<hbm>> -> memref<10240x128xf32, #tpu.memory_space<hbm>>
        tpu.wait_indirect_dma semaphore(%arg14 : memref<!tpu.dma_semaphore, #tpu.memory_space<semaphore_mem>>) src(%dma_wait3A_299 : memref<10240x128xf32, #tpu.memory_space<hbm>>) dst(%arg11 : memref<125x128xf32, #tpu.memory_space<vmem>>)
        %dma_start3A_300 = arith.constant 4 : i32
        %dma_start3A_301 = arith.constant 0 : i32
        %dma_start3A_302 = tpu.memref_slice %arg10[%select_n3A_93, %dma_start3A_300, %dma_start3A_301] : memref<3x16x125xi32, #tpu.memory_space<vmem>> -> memref<1x1x125xi32, #tpu.memory_space<vmem>>
        %dma_start3A_303 = tpu.memref_squeeze %dma_start3A_302 : memref<1x1x125xi32, #tpu.memory_space<vmem>> -> memref<125xi32, #tpu.memory_space<vmem>>
        %dma_start3A_304 = arith.constant 0 : i32
        %dma_start3A_305 = arith.constant 0 : i32
        %dma_start3A_306 = tpu.memref_slice %arg13[%dma_start3A_304, %dma_start3A_305] : memref<10240x128xf32, #tpu.memory_space<vmem_shared>> -> memref<10240x128xf32, #tpu.memory_space<vmem_shared>>
        tpu.enqueue_indirect_dma source(%arg11 : memref<125x128xf32, #tpu.memory_space<vmem>>) target(%dma_start3A_306 : memref<10240x128xf32, #tpu.memory_space<vmem_shared>>) offsets(%dma_start3A_303 : memref<125xi32, #tpu.memory_space<vmem>>) semaphore(%arg16 : memref<!tpu.dma_semaphore, #tpu.memory_space<semaphore_mem>>) {add = true}
        %dma_wait3A_307 = arith.constant 4 : i32
        %dma_wait3A_308 = arith.constant 0 : i32
        %dma_wait3A_309 = tpu.memref_slice %arg10[%select_n3A_93, %dma_wait3A_307, %dma_wait3A_308] : memref<3x16x125xi32, #tpu.memory_space<vmem>> -> memref<1x1x125xi32, #tpu.memory_space<vmem>>
        %dma_wait3A_310 = tpu.memref_squeeze %dma_wait3A_309 : memref<1x1x125xi32, #tpu.memory_space<vmem>> -> memref<125xi32, #tpu.memory_space<vmem>>
        %dma_wait3A_311 = arith.constant 0 : i32
        %dma_wait3A_312 = arith.constant 0 : i32
        %dma_wait3A_313 = tpu.memref_slice %arg13[%dma_wait3A_311, %dma_wait3A_312] : memref<10240x128xf32, #tpu.memory_space<vmem_shared>> -> memref<10240x128xf32, #tpu.memory_space<vmem_shared>>
        tpu.wait_indirect_dma semaphore(%arg16 : memref<!tpu.dma_semaphore, #tpu.memory_space<semaphore_mem>>) src(%arg11 : memref<125x128xf32, #tpu.memory_space<vmem>>) dst(%dma_wait3A_313 : memref<10240x128xf32, #tpu.memory_space<vmem_shared>>)
        %dma_start3A_314 = arith.constant 6 : i32
        %dma_start3A_315 = arith.constant 0 : i32
        %dma_start3A_316 = tpu.memref_slice %arg9[%select_n3A_77, %dma_start3A_314, %dma_start3A_315] : memref<2x16x125xi32, #tpu.memory_space<vmem>> -> memref<1x1x125xi32, #tpu.memory_space<vmem>>
        %dma_start3A_317 = tpu.memref_squeeze %dma_start3A_316 : memref<1x1x125xi32, #tpu.memory_space<vmem>> -> memref<125xi32, #tpu.memory_space<vmem>>
        %dma_start3A_318 = arith.constant 0 : i32
        %dma_start3A_319 = arith.constant 0 : i32
        %dma_start3A_320 = tpu.memref_slice %arg3[%dma_start3A_318, %dma_start3A_319] : memref<10240x128xf32, #tpu.memory_space<hbm>> -> memref<10240x128xf32, #tpu.memory_space<hbm>>
        tpu.enqueue_indirect_dma source(%dma_start3A_320 : memref<10240x128xf32, #tpu.memory_space<hbm>>) target(%arg11 : memref<125x128xf32, #tpu.memory_space<vmem>>) offsets(%dma_start3A_317 : memref<125xi32, #tpu.memory_space<vmem>>) semaphore(%arg14 : memref<!tpu.dma_semaphore, #tpu.memory_space<semaphore_mem>>)
        %dma_wait3A_321 = arith.constant 5 : i32
        %dma_wait3A_322 = arith.constant 0 : i32
        %dma_wait3A_323 = tpu.memref_slice %arg9[%select_n3A_77, %dma_wait3A_321, %dma_wait3A_322] : memref<2x16x125xi32, #tpu.memory_space<vmem>> -> memref<1x1x125xi32, #tpu.memory_space<vmem>>
        %dma_wait3A_324 = tpu.memref_squeeze %dma_wait3A_323 : memref<1x1x125xi32, #tpu.memory_space<vmem>> -> memref<125xi32, #tpu.memory_space<vmem>>
        %dma_wait3A_325 = arith.constant 0 : i32
        %dma_wait3A_326 = arith.constant 0 : i32
        %dma_wait3A_327 = tpu.memref_slice %arg3[%dma_wait3A_325, %dma_wait3A_326] : memref<10240x128xf32, #tpu.memory_space<hbm>> -> memref<10240x128xf32, #tpu.memory_space<hbm>>
        tpu.wait_indirect_dma semaphore(%arg15 : memref<!tpu.dma_semaphore, #tpu.memory_space<semaphore_mem>>) src(%dma_wait3A_327 : memref<10240x128xf32, #tpu.memory_space<hbm>>) dst(%arg12 : memref<125x128xf32, #tpu.memory_space<vmem>>)
        %dma_start3A_328 = arith.constant 5 : i32
        %dma_start3A_329 = arith.constant 0 : i32
        %dma_start3A_330 = tpu.memref_slice %arg10[%select_n3A_93, %dma_start3A_328, %dma_start3A_329] : memref<3x16x125xi32, #tpu.memory_space<vmem>> -> memref<1x1x125xi32, #tpu.memory_space<vmem>>
        %dma_start3A_331 = tpu.memref_squeeze %dma_start3A_330 : memref<1x1x125xi32, #tpu.memory_space<vmem>> -> memref<125xi32, #tpu.memory_space<vmem>>
        %dma_start3A_332 = arith.constant 0 : i32
        %dma_start3A_333 = arith.constant 0 : i32
        %dma_start3A_334 = tpu.memref_slice %arg13[%dma_start3A_332, %dma_start3A_333] : memref<10240x128xf32, #tpu.memory_space<vmem_shared>> -> memref<10240x128xf32, #tpu.memory_space<vmem_shared>>
        tpu.enqueue_indirect_dma source(%arg12 : memref<125x128xf32, #tpu.memory_space<vmem>>) target(%dma_start3A_334 : memref<10240x128xf32, #tpu.memory_space<vmem_shared>>) offsets(%dma_start3A_331 : memref<125xi32, #tpu.memory_space<vmem>>) semaphore(%arg17 : memref<!tpu.dma_semaphore, #tpu.memory_space<semaphore_mem>>) {add = true}
        %dma_wait3A_335 = arith.constant 5 : i32
        %dma_wait3A_336 = arith.constant 0 : i32
        %dma_wait3A_337 = tpu.memref_slice %arg10[%select_n3A_93, %dma_wait3A_335, %dma_wait3A_336] : memref<3x16x125xi32, #tpu.memory_space<vmem>> -> memref<1x1x125xi32, #tpu.memory_space<vmem>>
        %dma_wait3A_338 = tpu.memref_squeeze %dma_wait3A_337 : memref<1x1x125xi32, #tpu.memory_space<vmem>> -> memref<125xi32, #tpu.memory_space<vmem>>
        %dma_wait3A_339 = arith.constant 0 : i32
        %dma_wait3A_340 = arith.constant 0 : i32
        %dma_wait3A_341 = tpu.memref_slice %arg13[%dma_wait3A_339, %dma_wait3A_340] : memref<10240x128xf32, #tpu.memory_space<vmem_shared>> -> memref<10240x128xf32, #tpu.memory_space<vmem_shared>>
        tpu.wait_indirect_dma semaphore(%arg17 : memref<!tpu.dma_semaphore, #tpu.memory_space<semaphore_mem>>) src(%arg12 : memref<125x128xf32, #tpu.memory_space<vmem>>) dst(%dma_wait3A_341 : memref<10240x128xf32, #tpu.memory_space<vmem_shared>>)
        %dma_start3A_342 = arith.constant 7 : i32
        %dma_start3A_343 = arith.constant 0 : i32
        %dma_start3A_344 = tpu.memref_slice %arg9[%select_n3A_77, %dma_start3A_342, %dma_start3A_343] : memref<2x16x125xi32, #tpu.memory_space<vmem>> -> memref<1x1x125xi32, #tpu.memory_space<vmem>>
        %dma_start3A_345 = tpu.memref_squeeze %dma_start3A_344 : memref<1x1x125xi32, #tpu.memory_space<vmem>> -> memref<125xi32, #tpu.memory_space<vmem>>
        %dma_start3A_346 = arith.constant 0 : i32
        %dma_start3A_347 = arith.constant 0 : i32
        %dma_start3A_348 = tpu.memref_slice %arg3[%dma_start3A_346, %dma_start3A_347] : memref<10240x128xf32, #tpu.memory_space<hbm>> -> memref<10240x128xf32, #tpu.memory_space<hbm>>
        tpu.enqueue_indirect_dma source(%dma_start3A_348 : memref<10240x128xf32, #tpu.memory_space<hbm>>) target(%arg12 : memref<125x128xf32, #tpu.memory_space<vmem>>) offsets(%dma_start3A_345 : memref<125xi32, #tpu.memory_space<vmem>>) semaphore(%arg15 : memref<!tpu.dma_semaphore, #tpu.memory_space<semaphore_mem>>)
        %dma_wait3A_349 = arith.constant 6 : i32
        %dma_wait3A_350 = arith.constant 0 : i32
        %dma_wait3A_351 = tpu.memref_slice %arg9[%select_n3A_77, %dma_wait3A_349, %dma_wait3A_350] : memref<2x16x125xi32, #tpu.memory_space<vmem>> -> memref<1x1x125xi32, #tpu.memory_space<vmem>>
        %dma_wait3A_352 = tpu.memref_squeeze %dma_wait3A_351 : memref<1x1x125xi32, #tpu.memory_space<vmem>> -> memref<125xi32, #tpu.memory_space<vmem>>
        %dma_wait3A_353 = arith.constant 0 : i32
        %dma_wait3A_354 = arith.constant 0 : i32
        %dma_wait3A_355 = tpu.memref_slice %arg3[%dma_wait3A_353, %dma_wait3A_354] : memref<10240x128xf32, #tpu.memory_space<hbm>> -> memref<10240x128xf32, #tpu.memory_space<hbm>>
        tpu.wait_indirect_dma semaphore(%arg14 : memref<!tpu.dma_semaphore, #tpu.memory_space<semaphore_mem>>) src(%dma_wait3A_355 : memref<10240x128xf32, #tpu.memory_space<hbm>>) dst(%arg11 : memref<125x128xf32, #tpu.memory_space<vmem>>)
        %dma_start3A_356 = arith.constant 6 : i32
        %dma_start3A_357 = arith.constant 0 : i32
        %dma_start3A_358 = tpu.memref_slice %arg10[%select_n3A_93, %dma_start3A_356, %dma_start3A_357] : memref<3x16x125xi32, #tpu.memory_space<vmem>> -> memref<1x1x125xi32, #tpu.memory_space<vmem>>
        %dma_start3A_359 = tpu.memref_squeeze %dma_start3A_358 : memref<1x1x125xi32, #tpu.memory_space<vmem>> -> memref<125xi32, #tpu.memory_space<vmem>>
        %dma_start3A_360 = arith.constant 0 : i32
        %dma_start3A_361 = arith.constant 0 : i32
        %dma_start3A_362 = tpu.memref_slice %arg13[%dma_start3A_360, %dma_start3A_361] : memref<10240x128xf32, #tpu.memory_space<vmem_shared>> -> memref<10240x128xf32, #tpu.memory_space<vmem_shared>>
        tpu.enqueue_indirect_dma source(%arg11 : memref<125x128xf32, #tpu.memory_space<vmem>>) target(%dma_start3A_362 : memref<10240x128xf32, #tpu.memory_space<vmem_shared>>) offsets(%dma_start3A_359 : memref<125xi32, #tpu.memory_space<vmem>>) semaphore(%arg16 : memref<!tpu.dma_semaphore, #tpu.memory_space<semaphore_mem>>) {add = true}
        %dma_wait3A_363 = arith.constant 6 : i32
        %dma_wait3A_364 = arith.constant 0 : i32
        %dma_wait3A_365 = tpu.memref_slice %arg10[%select_n3A_93, %dma_wait3A_363, %dma_wait3A_364] : memref<3x16x125xi32, #tpu.memory_space<vmem>> -> memref<1x1x125xi32, #tpu.memory_space<vmem>>
        %dma_wait3A_366 = tpu.memref_squeeze %dma_wait3A_365 : memref<1x1x125xi32, #tpu.memory_space<vmem>> -> memref<125xi32, #tpu.memory_space<vmem>>
        %dma_wait3A_367 = arith.constant 0 : i32
        %dma_wait3A_368 = arith.constant 0 : i32
        %dma_wait3A_369 = tpu.memref_slice %arg13[%dma_wait3A_367, %dma_wait3A_368] : memref<10240x128xf32, #tpu.memory_space<vmem_shared>> -> memref<10240x128xf32, #tpu.memory_space<vmem_shared>>
        tpu.wait_indirect_dma semaphore(%arg16 : memref<!tpu.dma_semaphore, #tpu.memory_space<semaphore_mem>>) src(%arg11 : memref<125x128xf32, #tpu.memory_space<vmem>>) dst(%dma_wait3A_369 : memref<10240x128xf32, #tpu.memory_space<vmem_shared>>)
        %dma_start3A_370 = arith.constant 8 : i32
        %dma_start3A_371 = arith.constant 0 : i32
        %dma_start3A_372 = tpu.memref_slice %arg9[%select_n3A_77, %dma_start3A_370, %dma_start3A_371] : memref<2x16x125xi32, #tpu.memory_space<vmem>> -> memref<1x1x125xi32, #tpu.memory_space<vmem>>
        %dma_start3A_373 = tpu.memref_squeeze %dma_start3A_372 : memref<1x1x125xi32, #tpu.memory_space<vmem>> -> memref<125xi32, #tpu.memory_space<vmem>>
        %dma_start3A_374 = arith.constant 0 : i32
        %dma_start3A_375 = arith.constant 0 : i32
        %dma_start3A_376 = tpu.memref_slice %arg3[%dma_start3A_374, %dma_start3A_375] : memref<10240x128xf32, #tpu.memory_space<hbm>> -> memref<10240x128xf32, #tpu.memory_space<hbm>>
        tpu.enqueue_indirect_dma source(%dma_start3A_376 : memref<10240x128xf32, #tpu.memory_space<hbm>>) target(%arg11 : memref<125x128xf32, #tpu.memory_space<vmem>>) offsets(%dma_start3A_373 : memref<125xi32, #tpu.memory_space<vmem>>) semaphore(%arg14 : memref<!tpu.dma_semaphore, #tpu.memory_space<semaphore_mem>>)
        %dma_wait3A_377 = arith.constant 7 : i32
        %dma_wait3A_378 = arith.constant 0 : i32
        %dma_wait3A_379 = tpu.memref_slice %arg9[%select_n3A_77, %dma_wait3A_377, %dma_wait3A_378] : memref<2x16x125xi32, #tpu.memory_space<vmem>> -> memref<1x1x125xi32, #tpu.memory_space<vmem>>
        %dma_wait3A_380 = tpu.memref_squeeze %dma_wait3A_379 : memref<1x1x125xi32, #tpu.memory_space<vmem>> -> memref<125xi32, #tpu.memory_space<vmem>>
        %dma_wait3A_381 = arith.constant 0 : i32
        %dma_wait3A_382 = arith.constant 0 : i32
        %dma_wait3A_383 = tpu.memref_slice %arg3[%dma_wait3A_381, %dma_wait3A_382] : memref<10240x128xf32, #tpu.memory_space<hbm>> -> memref<10240x128xf32, #tpu.memory_space<hbm>>
        tpu.wait_indirect_dma semaphore(%arg15 : memref<!tpu.dma_semaphore, #tpu.memory_space<semaphore_mem>>) src(%dma_wait3A_383 : memref<10240x128xf32, #tpu.memory_space<hbm>>) dst(%arg12 : memref<125x128xf32, #tpu.memory_space<vmem>>)
        %dma_start3A_384 = arith.constant 7 : i32
        %dma_start3A_385 = arith.constant 0 : i32
        %dma_start3A_386 = tpu.memref_slice %arg10[%select_n3A_93, %dma_start3A_384, %dma_start3A_385] : memref<3x16x125xi32, #tpu.memory_space<vmem>> -> memref<1x1x125xi32, #tpu.memory_space<vmem>>
        %dma_start3A_387 = tpu.memref_squeeze %dma_start3A_386 : memref<1x1x125xi32, #tpu.memory_space<vmem>> -> memref<125xi32, #tpu.memory_space<vmem>>
        %dma_start3A_388 = arith.constant 0 : i32
        %dma_start3A_389 = arith.constant 0 : i32
        %dma_start3A_390 = tpu.memref_slice %arg13[%dma_start3A_388, %dma_start3A_389] : memref<10240x128xf32, #tpu.memory_space<vmem_shared>> -> memref<10240x128xf32, #tpu.memory_space<vmem_shared>>
        tpu.enqueue_indirect_dma source(%arg12 : memref<125x128xf32, #tpu.memory_space<vmem>>) target(%dma_start3A_390 : memref<10240x128xf32, #tpu.memory_space<vmem_shared>>) offsets(%dma_start3A_387 : memref<125xi32, #tpu.memory_space<vmem>>) semaphore(%arg17 : memref<!tpu.dma_semaphore, #tpu.memory_space<semaphore_mem>>) {add = true}
        %dma_wait3A_391 = arith.constant 7 : i32
        %dma_wait3A_392 = arith.constant 0 : i32
        %dma_wait3A_393 = tpu.memref_slice %arg10[%select_n3A_93, %dma_wait3A_391, %dma_wait3A_392] : memref<3x16x125xi32, #tpu.memory_space<vmem>> -> memref<1x1x125xi32, #tpu.memory_space<vmem>>
        %dma_wait3A_394 = tpu.memref_squeeze %dma_wait3A_393 : memref<1x1x125xi32, #tpu.memory_space<vmem>> -> memref<125xi32, #tpu.memory_space<vmem>>
        %dma_wait3A_395 = arith.constant 0 : i32
        %dma_wait3A_396 = arith.constant 0 : i32
        %dma_wait3A_397 = tpu.memref_slice %arg13[%dma_wait3A_395, %dma_wait3A_396] : memref<10240x128xf32, #tpu.memory_space<vmem_shared>> -> memref<10240x128xf32, #tpu.memory_space<vmem_shared>>
        tpu.wait_indirect_dma semaphore(%arg17 : memref<!tpu.dma_semaphore, #tpu.memory_space<semaphore_mem>>) src(%arg12 : memref<125x128xf32, #tpu.memory_space<vmem>>) dst(%dma_wait3A_397 : memref<10240x128xf32, #tpu.memory_space<vmem_shared>>)
        %dma_start3A_398 = arith.constant 9 : i32
        %dma_start3A_399 = arith.constant 0 : i32
        %dma_start3A_400 = tpu.memref_slice %arg9[%select_n3A_77, %dma_start3A_398, %dma_start3A_399] : memref<2x16x125xi32, #tpu.memory_space<vmem>> -> memref<1x1x125xi32, #tpu.memory_space<vmem>>
        %dma_start3A_401 = tpu.memref_squeeze %dma_start3A_400 : memref<1x1x125xi32, #tpu.memory_space<vmem>> -> memref<125xi32, #tpu.memory_space<vmem>>
        %dma_start3A_402 = arith.constant 0 : i32
        %dma_start3A_403 = arith.constant 0 : i32
        %dma_start3A_404 = tpu.memref_slice %arg3[%dma_start3A_402, %dma_start3A_403] : memref<10240x128xf32, #tpu.memory_space<hbm>> -> memref<10240x128xf32, #tpu.memory_space<hbm>>
        tpu.enqueue_indirect_dma source(%dma_start3A_404 : memref<10240x128xf32, #tpu.memory_space<hbm>>) target(%arg12 : memref<125x128xf32, #tpu.memory_space<vmem>>) offsets(%dma_start3A_401 : memref<125xi32, #tpu.memory_space<vmem>>) semaphore(%arg15 : memref<!tpu.dma_semaphore, #tpu.memory_space<semaphore_mem>>)
        %dma_wait3A_405 = arith.constant 8 : i32
        %dma_wait3A_406 = arith.constant 0 : i32
        %dma_wait3A_407 = tpu.memref_slice %arg9[%select_n3A_77, %dma_wait3A_405, %dma_wait3A_406] : memref<2x16x125xi32, #tpu.memory_space<vmem>> -> memref<1x1x125xi32, #tpu.memory_space<vmem>>
        %dma_wait3A_408 = tpu.memref_squeeze %dma_wait3A_407 : memref<1x1x125xi32, #tpu.memory_space<vmem>> -> memref<125xi32, #tpu.memory_space<vmem>>
        %dma_wait3A_409 = arith.constant 0 : i32
        %dma_wait3A_410 = arith.constant 0 : i32
        %dma_wait3A_411 = tpu.memref_slice %arg3[%dma_wait3A_409, %dma_wait3A_410] : memref<10240x128xf32, #tpu.memory_space<hbm>> -> memref<10240x128xf32, #tpu.memory_space<hbm>>
        tpu.wait_indirect_dma semaphore(%arg14 : memref<!tpu.dma_semaphore, #tpu.memory_space<semaphore_mem>>) src(%dma_wait3A_411 : memref<10240x128xf32, #tpu.memory_space<hbm>>) dst(%arg11 : memref<125x128xf32, #tpu.memory_space<vmem>>)
        %dma_start3A_412 = arith.constant 8 : i32
        %dma_start3A_413 = arith.constant 0 : i32
        %dma_start3A_414 = tpu.memref_slice %arg10[%select_n3A_93, %dma_start3A_412, %dma_start3A_413] : memref<3x16x125xi32, #tpu.memory_space<vmem>> -> memref<1x1x125xi32, #tpu.memory_space<vmem>>
        %dma_start3A_415 = tpu.memref_squeeze %dma_start3A_414 : memref<1x1x125xi32, #tpu.memory_space<vmem>> -> memref<125xi32, #tpu.memory_space<vmem>>
        %dma_start3A_416 = arith.constant 0 : i32
        %dma_start3A_417 = arith.constant 0 : i32
        %dma_start3A_418 = tpu.memref_slice %arg13[%dma_start3A_416, %dma_start3A_417] : memref<10240x128xf32, #tpu.memory_space<vmem_shared>> -> memref<10240x128xf32, #tpu.memory_space<vmem_shared>>
        tpu.enqueue_indirect_dma source(%arg11 : memref<125x128xf32, #tpu.memory_space<vmem>>) target(%dma_start3A_418 : memref<10240x128xf32, #tpu.memory_space<vmem_shared>>) offsets(%dma_start3A_415 : memref<125xi32, #tpu.memory_space<vmem>>) semaphore(%arg16 : memref<!tpu.dma_semaphore, #tpu.memory_space<semaphore_mem>>) {add = true}
        %dma_wait3A_419 = arith.constant 8 : i32
        %dma_wait3A_420 = arith.constant 0 : i32
        %dma_wait3A_421 = tpu.memref_slice %arg10[%select_n3A_93, %dma_wait3A_419, %dma_wait3A_420] : memref<3x16x125xi32, #tpu.memory_space<vmem>> -> memref<1x1x125xi32, #tpu.memory_space<vmem>>
        %dma_wait3A_422 = tpu.memref_squeeze %dma_wait3A_421 : memref<1x1x125xi32, #tpu.memory_space<vmem>> -> memref<125xi32, #tpu.memory_space<vmem>>
        %dma_wait3A_423 = arith.constant 0 : i32
        %dma_wait3A_424 = arith.constant 0 : i32
        %dma_wait3A_425 = tpu.memref_slice %arg13[%dma_wait3A_423, %dma_wait3A_424] : memref<10240x128xf32, #tpu.memory_space<vmem_shared>> -> memref<10240x128xf32, #tpu.memory_space<vmem_shared>>
        tpu.wait_indirect_dma semaphore(%arg16 : memref<!tpu.dma_semaphore, #tpu.memory_space<semaphore_mem>>) src(%arg11 : memref<125x128xf32, #tpu.memory_space<vmem>>) dst(%dma_wait3A_425 : memref<10240x128xf32, #tpu.memory_space<vmem_shared>>)
        %dma_start3A_426 = arith.constant 10 : i32
        %dma_start3A_427 = arith.constant 0 : i32
        %dma_start3A_428 = tpu.memref_slice %arg9[%select_n3A_77, %dma_start3A_426, %dma_start3A_427] : memref<2x16x125xi32, #tpu.memory_space<vmem>> -> memref<1x1x125xi32, #tpu.memory_space<vmem>>
        %dma_start3A_429 = tpu.memref_squeeze %dma_start3A_428 : memref<1x1x125xi32, #tpu.memory_space<vmem>> -> memref<125xi32, #tpu.memory_space<vmem>>
        %dma_start3A_430 = arith.constant 0 : i32
        %dma_start3A_431 = arith.constant 0 : i32
        %dma_start3A_432 = tpu.memref_slice %arg3[%dma_start3A_430, %dma_start3A_431] : memref<10240x128xf32, #tpu.memory_space<hbm>> -> memref<10240x128xf32, #tpu.memory_space<hbm>>
        tpu.enqueue_indirect_dma source(%dma_start3A_432 : memref<10240x128xf32, #tpu.memory_space<hbm>>) target(%arg11 : memref<125x128xf32, #tpu.memory_space<vmem>>) offsets(%dma_start3A_429 : memref<125xi32, #tpu.memory_space<vmem>>) semaphore(%arg14 : memref<!tpu.dma_semaphore, #tpu.memory_space<semaphore_mem>>)
        %dma_wait3A_433 = arith.constant 9 : i32
        %dma_wait3A_434 = arith.constant 0 : i32
        %dma_wait3A_435 = tpu.memref_slice %arg9[%select_n3A_77, %dma_wait3A_433, %dma_wait3A_434] : memref<2x16x125xi32, #tpu.memory_space<vmem>> -> memref<1x1x125xi32, #tpu.memory_space<vmem>>
        %dma_wait3A_436 = tpu.memref_squeeze %dma_wait3A_435 : memref<1x1x125xi32, #tpu.memory_space<vmem>> -> memref<125xi32, #tpu.memory_space<vmem>>
        %dma_wait3A_437 = arith.constant 0 : i32
        %dma_wait3A_438 = arith.constant 0 : i32
        %dma_wait3A_439 = tpu.memref_slice %arg3[%dma_wait3A_437, %dma_wait3A_438] : memref<10240x128xf32, #tpu.memory_space<hbm>> -> memref<10240x128xf32, #tpu.memory_space<hbm>>
        tpu.wait_indirect_dma semaphore(%arg15 : memref<!tpu.dma_semaphore, #tpu.memory_space<semaphore_mem>>) src(%dma_wait3A_439 : memref<10240x128xf32, #tpu.memory_space<hbm>>) dst(%arg12 : memref<125x128xf32, #tpu.memory_space<vmem>>)
        %dma_start3A_440 = arith.constant 9 : i32
        %dma_start3A_441 = arith.constant 0 : i32
        %dma_start3A_442 = tpu.memref_slice %arg10[%select_n3A_93, %dma_start3A_440, %dma_start3A_441] : memref<3x16x125xi32, #tpu.memory_space<vmem>> -> memref<1x1x125xi32, #tpu.memory_space<vmem>>
        %dma_start3A_443 = tpu.memref_squeeze %dma_start3A_442 : memref<1x1x125xi32, #tpu.memory_space<vmem>> -> memref<125xi32, #tpu.memory_space<vmem>>
        %dma_start3A_444 = arith.constant 0 : i32
        %dma_start3A_445 = arith.constant 0 : i32
        %dma_start3A_446 = tpu.memref_slice %arg13[%dma_start3A_444, %dma_start3A_445] : memref<10240x128xf32, #tpu.memory_space<vmem_shared>> -> memref<10240x128xf32, #tpu.memory_space<vmem_shared>>
        tpu.enqueue_indirect_dma source(%arg12 : memref<125x128xf32, #tpu.memory_space<vmem>>) target(%dma_start3A_446 : memref<10240x128xf32, #tpu.memory_space<vmem_shared>>) offsets(%dma_start3A_443 : memref<125xi32, #tpu.memory_space<vmem>>) semaphore(%arg17 : memref<!tpu.dma_semaphore, #tpu.memory_space<semaphore_mem>>) {add = true}
        %dma_wait3A_447 = arith.constant 9 : i32
        %dma_wait3A_448 = arith.constant 0 : i32
        %dma_wait3A_449 = tpu.memref_slice %arg10[%select_n3A_93, %dma_wait3A_447, %dma_wait3A_448] : memref<3x16x125xi32, #tpu.memory_space<vmem>> -> memref<1x1x125xi32, #tpu.memory_space<vmem>>
        %dma_wait3A_450 = tpu.memref_squeeze %dma_wait3A_449 : memref<1x1x125xi32, #tpu.memory_space<vmem>> -> memref<125xi32, #tpu.memory_space<vmem>>
        %dma_wait3A_451 = arith.constant 0 : i32
        %dma_wait3A_452 = arith.constant 0 : i32
        %dma_wait3A_453 = tpu.memref_slice %arg13[%dma_wait3A_451, %dma_wait3A_452] : memref<10240x128xf32, #tpu.memory_space<vmem_shared>> -> memref<10240x128xf32, #tpu.memory_space<vmem_shared>>
        tpu.wait_indirect_dma semaphore(%arg17 : memref<!tpu.dma_semaphore, #tpu.memory_space<semaphore_mem>>) src(%arg12 : memref<125x128xf32, #tpu.memory_space<vmem>>) dst(%dma_wait3A_453 : memref<10240x128xf32, #tpu.memory_space<vmem_shared>>)
        %dma_start3A_454 = arith.constant 11 : i32
        %dma_start3A_455 = arith.constant 0 : i32
        %dma_start3A_456 = tpu.memref_slice %arg9[%select_n3A_77, %dma_start3A_454, %dma_start3A_455] : memref<2x16x125xi32, #tpu.memory_space<vmem>> -> memref<1x1x125xi32, #tpu.memory_space<vmem>>
        %dma_start3A_457 = tpu.memref_squeeze %dma_start3A_456 : memref<1x1x125xi32, #tpu.memory_space<vmem>> -> memref<125xi32, #tpu.memory_space<vmem>>
        %dma_start3A_458 = arith.constant 0 : i32
        %dma_start3A_459 = arith.constant 0 : i32
        %dma_start3A_460 = tpu.memref_slice %arg3[%dma_start3A_458, %dma_start3A_459] : memref<10240x128xf32, #tpu.memory_space<hbm>> -> memref<10240x128xf32, #tpu.memory_space<hbm>>
        tpu.enqueue_indirect_dma source(%dma_start3A_460 : memref<10240x128xf32, #tpu.memory_space<hbm>>) target(%arg12 : memref<125x128xf32, #tpu.memory_space<vmem>>) offsets(%dma_start3A_457 : memref<125xi32, #tpu.memory_space<vmem>>) semaphore(%arg15 : memref<!tpu.dma_semaphore, #tpu.memory_space<semaphore_mem>>)
        %dma_wait3A_461 = arith.constant 10 : i32
        %dma_wait3A_462 = arith.constant 0 : i32
        %dma_wait3A_463 = tpu.memref_slice %arg9[%select_n3A_77, %dma_wait3A_461, %dma_wait3A_462] : memref<2x16x125xi32, #tpu.memory_space<vmem>> -> memref<1x1x125xi32, #tpu.memory_space<vmem>>
        %dma_wait3A_464 = tpu.memref_squeeze %dma_wait3A_463 : memref<1x1x125xi32, #tpu.memory_space<vmem>> -> memref<125xi32, #tpu.memory_space<vmem>>
        %dma_wait3A_465 = arith.constant 0 : i32
        %dma_wait3A_466 = arith.constant 0 : i32
        %dma_wait3A_467 = tpu.memref_slice %arg3[%dma_wait3A_465, %dma_wait3A_466] : memref<10240x128xf32, #tpu.memory_space<hbm>> -> memref<10240x128xf32, #tpu.memory_space<hbm>>
        tpu.wait_indirect_dma semaphore(%arg14 : memref<!tpu.dma_semaphore, #tpu.memory_space<semaphore_mem>>) src(%dma_wait3A_467 : memref<10240x128xf32, #tpu.memory_space<hbm>>) dst(%arg11 : memref<125x128xf32, #tpu.memory_space<vmem>>)
        %dma_start3A_468 = arith.constant 10 : i32
        %dma_start3A_469 = arith.constant 0 : i32
        %dma_start3A_470 = tpu.memref_slice %arg10[%select_n3A_93, %dma_start3A_468, %dma_start3A_469] : memref<3x16x125xi32, #tpu.memory_space<vmem>> -> memref<1x1x125xi32, #tpu.memory_space<vmem>>
        %dma_start3A_471 = tpu.memref_squeeze %dma_start3A_470 : memref<1x1x125xi32, #tpu.memory_space<vmem>> -> memref<125xi32, #tpu.memory_space<vmem>>
        %dma_start3A_472 = arith.constant 0 : i32
        %dma_start3A_473 = arith.constant 0 : i32
        %dma_start3A_474 = tpu.memref_slice %arg13[%dma_start3A_472, %dma_start3A_473] : memref<10240x128xf32, #tpu.memory_space<vmem_shared>> -> memref<10240x128xf32, #tpu.memory_space<vmem_shared>>
        tpu.enqueue_indirect_dma source(%arg11 : memref<125x128xf32, #tpu.memory_space<vmem>>) target(%dma_start3A_474 : memref<10240x128xf32, #tpu.memory_space<vmem_shared>>) offsets(%dma_start3A_471 : memref<125xi32, #tpu.memory_space<vmem>>) semaphore(%arg16 : memref<!tpu.dma_semaphore, #tpu.memory_space<semaphore_mem>>) {add = true}
        %dma_wait3A_475 = arith.constant 10 : i32
        %dma_wait3A_476 = arith.constant 0 : i32
        %dma_wait3A_477 = tpu.memref_slice %arg10[%select_n3A_93, %dma_wait3A_475, %dma_wait3A_476] : memref<3x16x125xi32, #tpu.memory_space<vmem>> -> memref<1x1x125xi32, #tpu.memory_space<vmem>>
        %dma_wait3A_478 = tpu.memref_squeeze %dma_wait3A_477 : memref<1x1x125xi32, #tpu.memory_space<vmem>> -> memref<125xi32, #tpu.memory_space<vmem>>
        %dma_wait3A_479 = arith.constant 0 : i32
        %dma_wait3A_480 = arith.constant 0 : i32
        %dma_wait3A_481 = tpu.memref_slice %arg13[%dma_wait3A_479, %dma_wait3A_480] : memref<10240x128xf32, #tpu.memory_space<vmem_shared>> -> memref<10240x128xf32, #tpu.memory_space<vmem_shared>>
        tpu.wait_indirect_dma semaphore(%arg16 : memref<!tpu.dma_semaphore, #tpu.memory_space<semaphore_mem>>) src(%arg11 : memref<125x128xf32, #tpu.memory_space<vmem>>) dst(%dma_wait3A_481 : memref<10240x128xf32, #tpu.memory_space<vmem_shared>>)
        %dma_start3A_482 = arith.constant 12 : i32
        %dma_start3A_483 = arith.constant 0 : i32
        %dma_start3A_484 = tpu.memref_slice %arg9[%select_n3A_77, %dma_start3A_482, %dma_start3A_483] : memref<2x16x125xi32, #tpu.memory_space<vmem>> -> memref<1x1x125xi32, #tpu.memory_space<vmem>>
        %dma_start3A_485 = tpu.memref_squeeze %dma_start3A_484 : memref<1x1x125xi32, #tpu.memory_space<vmem>> -> memref<125xi32, #tpu.memory_space<vmem>>
        %dma_start3A_486 = arith.constant 0 : i32
        %dma_start3A_487 = arith.constant 0 : i32
        %dma_start3A_488 = tpu.memref_slice %arg3[%dma_start3A_486, %dma_start3A_487] : memref<10240x128xf32, #tpu.memory_space<hbm>> -> memref<10240x128xf32, #tpu.memory_space<hbm>>
        tpu.enqueue_indirect_dma source(%dma_start3A_488 : memref<10240x128xf32, #tpu.memory_space<hbm>>) target(%arg11 : memref<125x128xf32, #tpu.memory_space<vmem>>) offsets(%dma_start3A_485 : memref<125xi32, #tpu.memory_space<vmem>>) semaphore(%arg14 : memref<!tpu.dma_semaphore, #tpu.memory_space<semaphore_mem>>)
        %dma_wait3A_489 = arith.constant 11 : i32
        %dma_wait3A_490 = arith.constant 0 : i32
        %dma_wait3A_491 = tpu.memref_slice %arg9[%select_n3A_77, %dma_wait3A_489, %dma_wait3A_490] : memref<2x16x125xi32, #tpu.memory_space<vmem>> -> memref<1x1x125xi32, #tpu.memory_space<vmem>>
        %dma_wait3A_492 = tpu.memref_squeeze %dma_wait3A_491 : memref<1x1x125xi32, #tpu.memory_space<vmem>> -> memref<125xi32, #tpu.memory_space<vmem>>
        %dma_wait3A_493 = arith.constant 0 : i32
        %dma_wait3A_494 = arith.constant 0 : i32
        %dma_wait3A_495 = tpu.memref_slice %arg3[%dma_wait3A_493, %dma_wait3A_494] : memref<10240x128xf32, #tpu.memory_space<hbm>> -> memref<10240x128xf32, #tpu.memory_space<hbm>>
        tpu.wait_indirect_dma semaphore(%arg15 : memref<!tpu.dma_semaphore, #tpu.memory_space<semaphore_mem>>) src(%dma_wait3A_495 : memref<10240x128xf32, #tpu.memory_space<hbm>>) dst(%arg12 : memref<125x128xf32, #tpu.memory_space<vmem>>)
        %dma_start3A_496 = arith.constant 11 : i32
        %dma_start3A_497 = arith.constant 0 : i32
        %dma_start3A_498 = tpu.memref_slice %arg10[%select_n3A_93, %dma_start3A_496, %dma_start3A_497] : memref<3x16x125xi32, #tpu.memory_space<vmem>> -> memref<1x1x125xi32, #tpu.memory_space<vmem>>
        %dma_start3A_499 = tpu.memref_squeeze %dma_start3A_498 : memref<1x1x125xi32, #tpu.memory_space<vmem>> -> memref<125xi32, #tpu.memory_space<vmem>>
        %dma_start3A_500 = arith.constant 0 : i32
        %dma_start3A_501 = arith.constant 0 : i32
        %dma_start3A_502 = tpu.memref_slice %arg13[%dma_start3A_500, %dma_start3A_501] : memref<10240x128xf32, #tpu.memory_space<vmem_shared>> -> memref<10240x128xf32, #tpu.memory_space<vmem_shared>>
        tpu.enqueue_indirect_dma source(%arg12 : memref<125x128xf32, #tpu.memory_space<vmem>>) target(%dma_start3A_502 : memref<10240x128xf32, #tpu.memory_space<vmem_shared>>) offsets(%dma_start3A_499 : memref<125xi32, #tpu.memory_space<vmem>>) semaphore(%arg17 : memref<!tpu.dma_semaphore, #tpu.memory_space<semaphore_mem>>) {add = true}
        %dma_wait3A_503 = arith.constant 11 : i32
        %dma_wait3A_504 = arith.constant 0 : i32
        %dma_wait3A_505 = tpu.memref_slice %arg10[%select_n3A_93, %dma_wait3A_503, %dma_wait3A_504] : memref<3x16x125xi32, #tpu.memory_space<vmem>> -> memref<1x1x125xi32, #tpu.memory_space<vmem>>
        %dma_wait3A_506 = tpu.memref_squeeze %dma_wait3A_505 : memref<1x1x125xi32, #tpu.memory_space<vmem>> -> memref<125xi32, #tpu.memory_space<vmem>>
        %dma_wait3A_507 = arith.constant 0 : i32
        %dma_wait3A_508 = arith.constant 0 : i32
        %dma_wait3A_509 = tpu.memref_slice %arg13[%dma_wait3A_507, %dma_wait3A_508] : memref<10240x128xf32, #tpu.memory_space<vmem_shared>> -> memref<10240x128xf32, #tpu.memory_space<vmem_shared>>
        tpu.wait_indirect_dma semaphore(%arg17 : memref<!tpu.dma_semaphore, #tpu.memory_space<semaphore_mem>>) src(%arg12 : memref<125x128xf32, #tpu.memory_space<vmem>>) dst(%dma_wait3A_509 : memref<10240x128xf32, #tpu.memory_space<vmem_shared>>)
        %dma_start3A_510 = arith.constant 13 : i32
        %dma_start3A_511 = arith.constant 0 : i32
        %dma_start3A_512 = tpu.memref_slice %arg9[%select_n3A_77, %dma_start3A_510, %dma_start3A_511] : memref<2x16x125xi32, #tpu.memory_space<vmem>> -> memref<1x1x125xi32, #tpu.memory_space<vmem>>
        %dma_start3A_513 = tpu.memref_squeeze %dma_start3A_512 : memref<1x1x125xi32, #tpu.memory_space<vmem>> -> memref<125xi32, #tpu.memory_space<vmem>>
        %dma_start3A_514 = arith.constant 0 : i32
        %dma_start3A_515 = arith.constant 0 : i32
        %dma_start3A_516 = tpu.memref_slice %arg3[%dma_start3A_514, %dma_start3A_515] : memref<10240x128xf32, #tpu.memory_space<hbm>> -> memref<10240x128xf32, #tpu.memory_space<hbm>>
        tpu.enqueue_indirect_dma source(%dma_start3A_516 : memref<10240x128xf32, #tpu.memory_space<hbm>>) target(%arg12 : memref<125x128xf32, #tpu.memory_space<vmem>>) offsets(%dma_start3A_513 : memref<125xi32, #tpu.memory_space<vmem>>) semaphore(%arg15 : memref<!tpu.dma_semaphore, #tpu.memory_space<semaphore_mem>>)
        %dma_wait3A_517 = arith.constant 12 : i32
        %dma_wait3A_518 = arith.constant 0 : i32
        %dma_wait3A_519 = tpu.memref_slice %arg9[%select_n3A_77, %dma_wait3A_517, %dma_wait3A_518] : memref<2x16x125xi32, #tpu.memory_space<vmem>> -> memref<1x1x125xi32, #tpu.memory_space<vmem>>
        %dma_wait3A_520 = tpu.memref_squeeze %dma_wait3A_519 : memref<1x1x125xi32, #tpu.memory_space<vmem>> -> memref<125xi32, #tpu.memory_space<vmem>>
        %dma_wait3A_521 = arith.constant 0 : i32
        %dma_wait3A_522 = arith.constant 0 : i32
        %dma_wait3A_523 = tpu.memref_slice %arg3[%dma_wait3A_521, %dma_wait3A_522] : memref<10240x128xf32, #tpu.memory_space<hbm>> -> memref<10240x128xf32, #tpu.memory_space<hbm>>
        tpu.wait_indirect_dma semaphore(%arg14 : memref<!tpu.dma_semaphore, #tpu.memory_space<semaphore_mem>>) src(%dma_wait3A_523 : memref<10240x128xf32, #tpu.memory_space<hbm>>) dst(%arg11 : memref<125x128xf32, #tpu.memory_space<vmem>>)
        %dma_start3A_524 = arith.constant 12 : i32
        %dma_start3A_525 = arith.constant 0 : i32
        %dma_start3A_526 = tpu.memref_slice %arg10[%select_n3A_93, %dma_start3A_524, %dma_start3A_525] : memref<3x16x125xi32, #tpu.memory_space<vmem>> -> memref<1x1x125xi32, #tpu.memory_space<vmem>>
        %dma_start3A_527 = tpu.memref_squeeze %dma_start3A_526 : memref<1x1x125xi32, #tpu.memory_space<vmem>> -> memref<125xi32, #tpu.memory_space<vmem>>
        %dma_start3A_528 = arith.constant 0 : i32
        %dma_start3A_529 = arith.constant 0 : i32
        %dma_start3A_530 = tpu.memref_slice %arg13[%dma_start3A_528, %dma_start3A_529] : memref<10240x128xf32, #tpu.memory_space<vmem_shared>> -> memref<10240x128xf32, #tpu.memory_space<vmem_shared>>
        tpu.enqueue_indirect_dma source(%arg11 : memref<125x128xf32, #tpu.memory_space<vmem>>) target(%dma_start3A_530 : memref<10240x128xf32, #tpu.memory_space<vmem_shared>>) offsets(%dma_start3A_527 : memref<125xi32, #tpu.memory_space<vmem>>) semaphore(%arg16 : memref<!tpu.dma_semaphore, #tpu.memory_space<semaphore_mem>>) {add = true}
        %dma_wait3A_531 = arith.constant 12 : i32
        %dma_wait3A_532 = arith.constant 0 : i32
        %dma_wait3A_533 = tpu.memref_slice %arg10[%select_n3A_93, %dma_wait3A_531, %dma_wait3A_532] : memref<3x16x125xi32, #tpu.memory_space<vmem>> -> memref<1x1x125xi32, #tpu.memory_space<vmem>>
        %dma_wait3A_534 = tpu.memref_squeeze %dma_wait3A_533 : memref<1x1x125xi32, #tpu.memory_space<vmem>> -> memref<125xi32, #tpu.memory_space<vmem>>
        %dma_wait3A_535 = arith.constant 0 : i32
        %dma_wait3A_536 = arith.constant 0 : i32
        %dma_wait3A_537 = tpu.memref_slice %arg13[%dma_wait3A_535, %dma_wait3A_536] : memref<10240x128xf32, #tpu.memory_space<vmem_shared>> -> memref<10240x128xf32, #tpu.memory_space<vmem_shared>>
        tpu.wait_indirect_dma semaphore(%arg16 : memref<!tpu.dma_semaphore, #tpu.memory_space<semaphore_mem>>) src(%arg11 : memref<125x128xf32, #tpu.memory_space<vmem>>) dst(%dma_wait3A_537 : memref<10240x128xf32, #tpu.memory_space<vmem_shared>>)
        %dma_start3A_538 = arith.constant 14 : i32
        %dma_start3A_539 = arith.constant 0 : i32
        %dma_start3A_540 = tpu.memref_slice %arg9[%select_n3A_77, %dma_start3A_538, %dma_start3A_539] : memref<2x16x125xi32, #tpu.memory_space<vmem>> -> memref<1x1x125xi32, #tpu.memory_space<vmem>>
        %dma_start3A_541 = tpu.memref_squeeze %dma_start3A_540 : memref<1x1x125xi32, #tpu.memory_space<vmem>> -> memref<125xi32, #tpu.memory_space<vmem>>
        %dma_start3A_542 = arith.constant 0 : i32
        %dma_start3A_543 = arith.constant 0 : i32
        %dma_start3A_544 = tpu.memref_slice %arg3[%dma_start3A_542, %dma_start3A_543] : memref<10240x128xf32, #tpu.memory_space<hbm>> -> memref<10240x128xf32, #tpu.memory_space<hbm>>
        tpu.enqueue_indirect_dma source(%dma_start3A_544 : memref<10240x128xf32, #tpu.memory_space<hbm>>) target(%arg11 : memref<125x128xf32, #tpu.memory_space<vmem>>) offsets(%dma_start3A_541 : memref<125xi32, #tpu.memory_space<vmem>>) semaphore(%arg14 : memref<!tpu.dma_semaphore, #tpu.memory_space<semaphore_mem>>)
        %dma_wait3A_545 = arith.constant 13 : i32
        %dma_wait3A_546 = arith.constant 0 : i32
        %dma_wait3A_547 = tpu.memref_slice %arg9[%select_n3A_77, %dma_wait3A_545, %dma_wait3A_546] : memref<2x16x125xi32, #tpu.memory_space<vmem>> -> memref<1x1x125xi32, #tpu.memory_space<vmem>>
        %dma_wait3A_548 = tpu.memref_squeeze %dma_wait3A_547 : memref<1x1x125xi32, #tpu.memory_space<vmem>> -> memref<125xi32, #tpu.memory_space<vmem>>
        %dma_wait3A_549 = arith.constant 0 : i32
        %dma_wait3A_550 = arith.constant 0 : i32
        %dma_wait3A_551 = tpu.memref_slice %arg3[%dma_wait3A_549, %dma_wait3A_550] : memref<10240x128xf32, #tpu.memory_space<hbm>> -> memref<10240x128xf32, #tpu.memory_space<hbm>>
        tpu.wait_indirect_dma semaphore(%arg15 : memref<!tpu.dma_semaphore, #tpu.memory_space<semaphore_mem>>) src(%dma_wait3A_551 : memref<10240x128xf32, #tpu.memory_space<hbm>>) dst(%arg12 : memref<125x128xf32, #tpu.memory_space<vmem>>)
        %dma_start3A_552 = arith.constant 13 : i32
        %dma_start3A_553 = arith.constant 0 : i32
        %dma_start3A_554 = tpu.memref_slice %arg10[%select_n3A_93, %dma_start3A_552, %dma_start3A_553] : memref<3x16x125xi32, #tpu.memory_space<vmem>> -> memref<1x1x125xi32, #tpu.memory_space<vmem>>
        %dma_start3A_555 = tpu.memref_squeeze %dma_start3A_554 : memref<1x1x125xi32, #tpu.memory_space<vmem>> -> memref<125xi32, #tpu.memory_space<vmem>>
        %dma_start3A_556 = arith.constant 0 : i32
        %dma_start3A_557 = arith.constant 0 : i32
        %dma_start3A_558 = tpu.memref_slice %arg13[%dma_start3A_556, %dma_start3A_557] : memref<10240x128xf32, #tpu.memory_space<vmem_shared>> -> memref<10240x128xf32, #tpu.memory_space<vmem_shared>>
        tpu.enqueue_indirect_dma source(%arg12 : memref<125x128xf32, #tpu.memory_space<vmem>>) target(%dma_start3A_558 : memref<10240x128xf32, #tpu.memory_space<vmem_shared>>) offsets(%dma_start3A_555 : memref<125xi32, #tpu.memory_space<vmem>>) semaphore(%arg17 : memref<!tpu.dma_semaphore, #tpu.memory_space<semaphore_mem>>) {add = true}
        %dma_wait3A_559 = arith.constant 13 : i32
        %dma_wait3A_560 = arith.constant 0 : i32
        %dma_wait3A_561 = tpu.memref_slice %arg10[%select_n3A_93, %dma_wait3A_559, %dma_wait3A_560] : memref<3x16x125xi32, #tpu.memory_space<vmem>> -> memref<1x1x125xi32, #tpu.memory_space<vmem>>
        %dma_wait3A_562 = tpu.memref_squeeze %dma_wait3A_561 : memref<1x1x125xi32, #tpu.memory_space<vmem>> -> memref<125xi32, #tpu.memory_space<vmem>>
        %dma_wait3A_563 = arith.constant 0 : i32
        %dma_wait3A_564 = arith.constant 0 : i32
        %dma_wait3A_565 = tpu.memref_slice %arg13[%dma_wait3A_563, %dma_wait3A_564] : memref<10240x128xf32, #tpu.memory_space<vmem_shared>> -> memref<10240x128xf32, #tpu.memory_space<vmem_shared>>
        tpu.wait_indirect_dma semaphore(%arg17 : memref<!tpu.dma_semaphore, #tpu.memory_space<semaphore_mem>>) src(%arg12 : memref<125x128xf32, #tpu.memory_space<vmem>>) dst(%dma_wait3A_565 : memref<10240x128xf32, #tpu.memory_space<vmem_shared>>)
        %dma_start3A_566 = arith.constant 15 : i32
        %dma_start3A_567 = arith.constant 0 : i32
        %dma_start3A_568 = tpu.memref_slice %arg9[%select_n3A_77, %dma_start3A_566, %dma_start3A_567] : memref<2x16x125xi32, #tpu.memory_space<vmem>> -> memref<1x1x125xi32, #tpu.memory_space<vmem>>
        %dma_start3A_569 = tpu.memref_squeeze %dma_start3A_568 : memref<1x1x125xi32, #tpu.memory_space<vmem>> -> memref<125xi32, #tpu.memory_space<vmem>>
        %dma_start3A_570 = arith.constant 0 : i32
        %dma_start3A_571 = arith.constant 0 : i32
        %dma_start3A_572 = tpu.memref_slice %arg3[%dma_start3A_570, %dma_start3A_571] : memref<10240x128xf32, #tpu.memory_space<hbm>> -> memref<10240x128xf32, #tpu.memory_space<hbm>>
        tpu.enqueue_indirect_dma source(%dma_start3A_572 : memref<10240x128xf32, #tpu.memory_space<hbm>>) target(%arg12 : memref<125x128xf32, #tpu.memory_space<vmem>>) offsets(%dma_start3A_569 : memref<125xi32, #tpu.memory_space<vmem>>) semaphore(%arg15 : memref<!tpu.dma_semaphore, #tpu.memory_space<semaphore_mem>>)
        %dma_wait3A_573 = arith.constant 14 : i32
        %dma_wait3A_574 = arith.constant 0 : i32
        %dma_wait3A_575 = tpu.memref_slice %arg9[%select_n3A_77, %dma_wait3A_573, %dma_wait3A_574] : memref<2x16x125xi32, #tpu.memory_space<vmem>> -> memref<1x1x125xi32, #tpu.memory_space<vmem>>
        %dma_wait3A_576 = tpu.memref_squeeze %dma_wait3A_575 : memref<1x1x125xi32, #tpu.memory_space<vmem>> -> memref<125xi32, #tpu.memory_space<vmem>>
        %dma_wait3A_577 = arith.constant 0 : i32
        %dma_wait3A_578 = arith.constant 0 : i32
        %dma_wait3A_579 = tpu.memref_slice %arg3[%dma_wait3A_577, %dma_wait3A_578] : memref<10240x128xf32, #tpu.memory_space<hbm>> -> memref<10240x128xf32, #tpu.memory_space<hbm>>
        tpu.wait_indirect_dma semaphore(%arg14 : memref<!tpu.dma_semaphore, #tpu.memory_space<semaphore_mem>>) src(%dma_wait3A_579 : memref<10240x128xf32, #tpu.memory_space<hbm>>) dst(%arg11 : memref<125x128xf32, #tpu.memory_space<vmem>>)
        %dma_start3A_580 = arith.constant 14 : i32
        %dma_start3A_581 = arith.constant 0 : i32
        %dma_start3A_582 = tpu.memref_slice %arg10[%select_n3A_93, %dma_start3A_580, %dma_start3A_581] : memref<3x16x125xi32, #tpu.memory_space<vmem>> -> memref<1x1x125xi32, #tpu.memory_space<vmem>>
        %dma_start3A_583 = tpu.memref_squeeze %dma_start3A_582 : memref<1x1x125xi32, #tpu.memory_space<vmem>> -> memref<125xi32, #tpu.memory_space<vmem>>
        %dma_start3A_584 = arith.constant 0 : i32
        %dma_start3A_585 = arith.constant 0 : i32
        %dma_start3A_586 = tpu.memref_slice %arg13[%dma_start3A_584, %dma_start3A_585] : memref<10240x128xf32, #tpu.memory_space<vmem_shared>> -> memref<10240x128xf32, #tpu.memory_space<vmem_shared>>
        tpu.enqueue_indirect_dma source(%arg11 : memref<125x128xf32, #tpu.memory_space<vmem>>) target(%dma_start3A_586 : memref<10240x128xf32, #tpu.memory_space<vmem_shared>>) offsets(%dma_start3A_583 : memref<125xi32, #tpu.memory_space<vmem>>) semaphore(%arg16 : memref<!tpu.dma_semaphore, #tpu.memory_space<semaphore_mem>>) {add = true}
        %dma_wait3A_587 = arith.constant 15 : i32
        %dma_wait3A_588 = arith.constant 0 : i32
        %dma_wait3A_589 = tpu.memref_slice %arg9[%select_n3A_77, %dma_wait3A_587, %dma_wait3A_588] : memref<2x16x125xi32, #tpu.memory_space<vmem>> -> memref<1x1x125xi32, #tpu.memory_space<vmem>>
        %dma_wait3A_590 = tpu.memref_squeeze %dma_wait3A_589 : memref<1x1x125xi32, #tpu.memory_space<vmem>> -> memref<125xi32, #tpu.memory_space<vmem>>
        %dma_wait3A_591 = arith.constant 0 : i32
        %dma_wait3A_592 = arith.constant 0 : i32
        %dma_wait3A_593 = tpu.memref_slice %arg3[%dma_wait3A_591, %dma_wait3A_592] : memref<10240x128xf32, #tpu.memory_space<hbm>> -> memref<10240x128xf32, #tpu.memory_space<hbm>>
        tpu.wait_indirect_dma semaphore(%arg15 : memref<!tpu.dma_semaphore, #tpu.memory_space<semaphore_mem>>) src(%dma_wait3A_593 : memref<10240x128xf32, #tpu.memory_space<hbm>>) dst(%arg12 : memref<125x128xf32, #tpu.memory_space<vmem>>)
        %dma_start3A_594 = arith.constant 15 : i32
        %dma_start3A_595 = arith.constant 0 : i32
        %dma_start3A_596 = tpu.memref_slice %arg10[%select_n3A_93, %dma_start3A_594, %dma_start3A_595] : memref<3x16x125xi32, #tpu.memory_space<vmem>> -> memref<1x1x125xi32, #tpu.memory_space<vmem>>
        %dma_start3A_597 = tpu.memref_squeeze %dma_start3A_596 : memref<1x1x125xi32, #tpu.memory_space<vmem>> -> memref<125xi32, #tpu.memory_space<vmem>>
        %dma_start3A_598 = arith.constant 0 : i32
        %dma_start3A_599 = arith.constant 0 : i32
        %dma_start3A_600 = tpu.memref_slice %arg13[%dma_start3A_598, %dma_start3A_599] : memref<10240x128xf32, #tpu.memory_space<vmem_shared>> -> memref<10240x128xf32, #tpu.memory_space<vmem_shared>>
        tpu.enqueue_indirect_dma source(%arg12 : memref<125x128xf32, #tpu.memory_space<vmem>>) target(%dma_start3A_600 : memref<10240x128xf32, #tpu.memory_space<vmem_shared>>) offsets(%dma_start3A_597 : memref<125xi32, #tpu.memory_space<vmem>>) semaphore(%arg17 : memref<!tpu.dma_semaphore, #tpu.memory_space<semaphore_mem>>) {add = true}
      }
      %scan3A_51 = arith.constant 10 : i32
      %dma_wait3A = arith.constant 0 : i32
      %dma_wait3A_52 = arith.constant 14 : i32
      %dma_wait3A_53 = arith.constant 0 : i32
      %dma_wait3A_54 = tpu.memref_slice %arg10[%dma_wait3A, %dma_wait3A_52, %dma_wait3A_53] : memref<3x16x125xi32, #tpu.memory_space<vmem>> -> memref<1x1x125xi32, #tpu.memory_space<vmem>>
      %dma_wait3A_55 = tpu.memref_squeeze %dma_wait3A_54 : memref<1x1x125xi32, #tpu.memory_space<vmem>> -> memref<125xi32, #tpu.memory_space<vmem>>
      %dma_wait3A_56 = arith.constant 0 : i32
      %dma_wait3A_57 = arith.constant 0 : i32
      %dma_wait3A_58 = tpu.memref_slice %arg13[%dma_wait3A_56, %dma_wait3A_57] : memref<10240x128xf32, #tpu.memory_space<vmem_shared>> -> memref<10240x128xf32, #tpu.memory_space<vmem_shared>>
      tpu.wait_indirect_dma semaphore(%arg16 : memref<!tpu.dma_semaphore, #tpu.memory_space<semaphore_mem>>) src(%arg11 : memref<125x128xf32, #tpu.memory_space<vmem>>) dst(%dma_wait3A_58 : memref<10240x128xf32, #tpu.memory_space<vmem_shared>>)
      %dma_wait3A_59 = arith.constant 0 : i32
      %dma_wait3A_60 = arith.constant 15 : i32
      %dma_wait3A_61 = arith.constant 0 : i32
      %dma_wait3A_62 = tpu.memref_slice %arg10[%dma_wait3A_59, %dma_wait3A_60, %dma_wait3A_61] : memref<3x16x125xi32, #tpu.memory_space<vmem>> -> memref<1x1x125xi32, #tpu.memory_space<vmem>>
      %dma_wait3A_63 = tpu.memref_squeeze %dma_wait3A_62 : memref<1x1x125xi32, #tpu.memory_space<vmem>> -> memref<125xi32, #tpu.memory_space<vmem>>
      %dma_wait3A_64 = arith.constant 0 : i32
      %dma_wait3A_65 = arith.constant 0 : i32
      %dma_wait3A_66 = tpu.memref_slice %arg13[%dma_wait3A_64, %dma_wait3A_65] : memref<10240x128xf32, #tpu.memory_space<vmem_shared>> -> memref<10240x128xf32, #tpu.memory_space<vmem_shared>>
      tpu.wait_indirect_dma semaphore(%arg17 : memref<!tpu.dma_semaphore, #tpu.memory_space<semaphore_mem>>) src(%arg12 : memref<125x128xf32, #tpu.memory_space<vmem>>) dst(%dma_wait3A_66 : memref<10240x128xf32, #tpu.memory_space<vmem_shared>>)
    } else {
    }
    %barrier3A_10 = arith.constant 0 : index
    tpu.barrier barrier_id(%barrier3A_10)
    %eq3A_11 = arith.constant 0 : i32
    %eq3A_12 = arith.cmpi eq, %arg0, %eq3A_11 : i32
    %convert_element_type3A_13 = arith.extui %eq3A_12 : i1 to i32
    %cond3A_14 = arith.constant 0 : i32
    %cond3A_15 = arith.cmpi ne, %convert_element_type3A_13, %cond3A_14 : i32
    scf.if %cond3A_15 {
      "tpu.region"() ({
        %run_scoped3A = tpu.sem_alloc : memref<!tpu.dma_semaphore, #tpu.memory_space<semaphore_mem>>
        %dma_start3A = arith.constant 0 : i32
        %dma_start3A_21 = tpu.memref_slice %arg7[%mul3A_0, %dma_start3A] : memref<10240x128xf32, #tpu.memory_space<hbm>> -> memref<640x128xf32, #tpu.memory_space<hbm>>
        %dma_start3A_22 = arith.constant 0 : i32
        %dma_start3A_23 = tpu.memref_slice %arg13[%mul3A_0, %dma_start3A_22] : memref<10240x128xf32, #tpu.memory_space<vmem_shared>> -> memref<640x128xf32, #tpu.memory_space<vmem_shared>>
        tpu.enqueue_dma source(%dma_start3A_23 : memref<640x128xf32, #tpu.memory_space<vmem_shared>>) target(%dma_start3A_21 : memref<640x128xf32, #tpu.memory_space<hbm>>) target_semaphore(%run_scoped3A : memref<!tpu.dma_semaphore, #tpu.memory_space<semaphore_mem>>)
        %dma_wait3A = arith.constant 0 : i32
        %dma_wait3A_24 = tpu.memref_slice %arg7[%mul3A_0, %dma_wait3A] : memref<10240x128xf32, #tpu.memory_space<hbm>> -> memref<640x128xf32, #tpu.memory_space<hbm>>
        %dma_wait3A_25 = arith.constant 0 : i32
        %dma_wait3A_26 = tpu.memref_slice %arg13[%mul3A_0, %dma_wait3A_25] : memref<10240x128xf32, #tpu.memory_space<vmem_shared>> -> memref<640x128xf32, #tpu.memory_space<vmem_shared>>
        tpu.wait_dma2 semaphore(%run_scoped3A : memref<!tpu.dma_semaphore, #tpu.memory_space<semaphore_mem>>) src(%dma_wait3A_26 : memref<640x128xf32, #tpu.memory_space<vmem_shared>>) dst(%dma_wait3A_24 : memref<640x128xf32, #tpu.memory_space<hbm>>)
        tpu.yield
      }) : () -> ()
    } else {
    }
    %eq3A_16 = arith.constant 1 : i32
    %eq3A_17 = arith.cmpi eq, %arg0, %eq3A_16 : i32
    %convert_element_type3A_18 = arith.extui %eq3A_17 : i1 to i32
    %cond3A_19 = arith.constant 0 : i32
    %cond3A_20 = arith.cmpi ne, %convert_element_type3A_18, %cond3A_19 : i32
    scf.if %cond3A_20 {
      "tpu.region"() ({
        %run_scoped3A = tpu.sem_alloc : memref<!tpu.dma_semaphore, #tpu.memory_space<semaphore_mem>>
        %dma_start3A = arith.constant 0 : i32
        %dma_start3A_21 = tpu.memref_slice %arg8[%mul3A_0, %dma_start3A] : memref<10240x128xf32, #tpu.memory_space<hbm>> -> memref<640x128xf32, #tpu.memory_space<hbm>>
        %dma_start3A_22 = arith.constant 0 : i32
        %dma_start3A_23 = tpu.memref_slice %arg13[%mul3A_0, %dma_start3A_22] : memref<10240x128xf32, #tpu.memory_space<vmem_shared>> -> memref<640x128xf32, #tpu.memory_space<vmem_shared>>
        tpu.enqueue_dma source(%dma_start3A_23 : memref<640x128xf32, #tpu.memory_space<vmem_shared>>) target(%dma_start3A_21 : memref<640x128xf32, #tpu.memory_space<hbm>>) target_semaphore(%run_scoped3A : memref<!tpu.dma_semaphore, #tpu.memory_space<semaphore_mem>>)
        %dma_wait3A = arith.constant 0 : i32
        %dma_wait3A_24 = tpu.memref_slice %arg8[%mul3A_0, %dma_wait3A] : memref<10240x128xf32, #tpu.memory_space<hbm>> -> memref<640x128xf32, #tpu.memory_space<hbm>>
        %dma_wait3A_25 = arith.constant 0 : i32
        %dma_wait3A_26 = tpu.memref_slice %arg13[%mul3A_0, %dma_wait3A_25] : memref<10240x128xf32, #tpu.memory_space<vmem_shared>> -> memref<640x128xf32, #tpu.memory_space<vmem_shared>>
        tpu.wait_dma2 semaphore(%run_scoped3A : memref<!tpu.dma_semaphore, #tpu.memory_space<semaphore_mem>>) src(%dma_wait3A_26 : memref<640x128xf32, #tpu.memory_space<vmem_shared>>) dst(%dma_wait3A_24 : memref<640x128xf32, #tpu.memory_space<hbm>>)
        tpu.yield
      }) : () -> ()
    } else {
    }
    return
  }
}

module attributes {stable_mosaic.version = 14 : i64} {
  func.func @_l1_body(%arg0: i32, %arg1: memref<2048x128xf32, #tpu.memory_space<vmem>>, %arg2: memref<4x8x10240xf32, #tpu.memory_space<vmem>>, %arg3: memref<128x256xf32, #tpu.memory_space<vmem>>, %arg4: memref<2048x128xf32, #tpu.memory_space<vmem>>, %arg5: memref<2048x128xf32, #tpu.memory_space<vmem>>) attributes {dimension_semantics = [#tpu.dimension_semantics<arbitrary>], iteration_bounds = array<i64: 5>, scalar_prefetch = 0 : i64, scratch_operands = 0 : i64, tpu.core_type = #tpu.core_type<tc>, window_params = [{transform_indices = @transform_0, window_bounds = array<i64: 2048, 128>}, {pipeline_mode = #tpu.pipeline_mode<synchronous>, transform_indices = @transform_1, window_bounds = array<i64: 4, 8, 10240>}, {pipeline_mode = #tpu.pipeline_mode<synchronous>, transform_indices = @transform_2, window_bounds = array<i64: 128, 256>}, {transform_indices = @transform_3, window_bounds = array<i64: 2048, 128>}, {transform_indices = @transform_4, window_bounds = array<i64: 2048, 128>}]} {
    %mul3A = arith.constant 2048 : i32
    %mul3A_0 = arith.muli %arg0, %mul3A : i32
    %get3A = arith.constant 0 : index
    %get3A_1 = arith.constant 0 : index
    %get3A_2 = arith.index_cast %mul3A_0 : i32 to index
    %get3A_3 = vector.load %arg2[%get3A, %get3A_1, %get3A_2] : memref<4x8x10240xf32, #tpu.memory_space<vmem>>, vector<4x8x2048xf32>
    %reduce_sum3A = arith.constant dense<0.000000e+00> : vector<4x2048xf32>
    %reduce_sum3A_4 = vector.multi_reduction <add>, %get3A_3, %reduce_sum3A [1] : vector<4x8x2048xf32> to vector<4x2048xf32>
    %max3A = arith.constant 1.000000e+00 : f32
    %max3A_5 = vector.broadcast %max3A : f32 to vector<4x2048xf32>
    %max3A_6 = arith.maximumf %reduce_sum3A_4, %max3A_5 : vector<4x2048xf32>
    %rsqrt3A = math.rsqrt %max3A_6 : vector<4x2048xf32>
    %slice3A = vector.extract_strided_slice %rsqrt3A {offsets = [0, 0], sizes = [1, 2048], strides = [1, 1]} : vector<4x2048xf32> to vector<1x2048xf32>
    %squeeze3A = vector.shape_cast %slice3A : vector<1x2048xf32> to vector<2048xf32>
    %broadcast_in_dim3A = vector.shape_cast %squeeze3A : vector<2048xf32> to vector<2048x1xf32>
    %get3A_7 = arith.constant 0 : index
    %get3A_8 = arith.constant 0 : index
    %get3A_9 = vector.load %arg1[%get3A_7, %get3A_8] : memref<2048x128xf32, #tpu.memory_space<vmem>>, vector<2048x128xf32>
    %mul3A_10 = vector.broadcast %broadcast_in_dim3A : vector<2048x1xf32> to vector<2048x128xf32>
    %mul3A_11 = arith.mulf %get3A_9, %mul3A_10 : vector<2048x128xf32>
    %get3A_12 = arith.constant 0 : index
    %get3A_13 = arith.constant 0 : index
    %get3A_14 = vector.load %arg3[%get3A_12, %get3A_13] : memref<128x256xf32, #tpu.memory_space<vmem>>, vector<128x256xf32>
    %dot_general3A = arith.constant dense<0.000000e+00> : vector<2048x256xf32>
    %dot_general3A_15 = tpu.matmul %mul3A_11, %get3A_14, %dot_general3A {dimension_numbers = #tpu.dot_dimension_numbers<[1], [0], [0], [1], [0, 0, 1, 1], [], []>, transpose_lhs_hint = false} : vector<2048x128xf32>, vector<128x256xf32>, vector<2048x256xf32> -> vector<2048x256xf32>
    %slice3A_16 = vector.extract_strided_slice %dot_general3A_15 {offsets = [0, 0], sizes = [2048, 128], strides = [1, 1]} : vector<2048x256xf32> to vector<2048x128xf32>
    %swap3A = arith.constant 0 : index
    %swap3A_17 = arith.constant 0 : index
    %swap3A_18 = vector.load %arg4[%swap3A, %swap3A_17] : memref<2048x128xf32, #tpu.memory_space<vmem>>, vector<2048x128xf32>
    tpu.vector_store %arg4[%swap3A, %swap3A_17], %slice3A_16 {strides = array<i32>} : memref<2048x128xf32, #tpu.memory_space<vmem>>, vector<2048x128xf32>,
    %slice3A_19 = vector.extract_strided_slice %dot_general3A_15 {offsets = [0, 128], sizes = [2048, 128], strides = [1, 1]} : vector<2048x256xf32> to vector<2048x128xf32>
    %swap3A_20 = arith.constant 0 : index
    %swap3A_21 = arith.constant 0 : index
    %swap3A_22 = vector.load %arg5[%swap3A_20, %swap3A_21] : memref<2048x128xf32, #tpu.memory_space<vmem>>, vector<2048x128xf32>
    tpu.vector_store %arg5[%swap3A_20, %swap3A_21], %slice3A_19 {strides = array<i32>} : memref<2048x128xf32, #tpu.memory_space<vmem>>, vector<2048x128xf32>,
    return
  }
  func.func @transform_0(%arg0: i32) -> (i32, i32) {
    %c0_i32 = arith.constant 0 : i32
    %c0_i32_0 = arith.constant 0 : i32
    return %arg0, %c0_i32 : i32, i32
  }
  func.func @transform_1(%arg0: i32) -> (i32, i32, i32) {
    %c0_i32 = arith.constant 0 : i32
    %c0_i32_0 = arith.constant 0 : i32
    %c0_i32_1 = arith.constant 0 : i32
    %c0_i32_2 = arith.constant 0 : i32
    return %c0_i32, %c0_i32_0, %c0_i32_1 : i32, i32, i32
  }
  func.func @transform_2(%arg0: i32) -> (i32, i32) {
    %c0_i32 = arith.constant 0 : i32
    %c0_i32_0 = arith.constant 0 : i32
    %c0_i32_1 = arith.constant 0 : i32
    return %c0_i32, %c0_i32_0 : i32, i32
  }
  func.func @transform_3(%arg0: i32) -> (i32, i32) {
    %c0_i32 = arith.constant 0 : i32
    %c0_i32_0 = arith.constant 0 : i32
    return %arg0, %c0_i32 : i32, i32
  }
  func.func @transform_4(%arg0: i32) -> (i32, i32) {
    %c0_i32 = arith.constant 0 : i32
    %c0_i32_0 = arith.constant 0 : i32
    return %arg0, %c0_i32 : i32, i32
  }
}

module attributes {stable_mosaic.version = 14 : i64} {
  func.func @_l2_body(%arg0: i32, %arg1: memref<2048x128xf32, #tpu.memory_space<vmem>>, %arg2: memref<2048x128xf32, #tpu.memory_space<vmem>>, %arg3: memref<4x8x10240xf32, #tpu.memory_space<vmem>>, %arg4: memref<256x128xf32, #tpu.memory_space<vmem>>, %arg5: memref<1x256xf32, #tpu.memory_space<vmem>>, %arg6: memref<2048x128xf32, #tpu.memory_space<vmem>>) attributes {dimension_semantics = [#tpu.dimension_semantics<arbitrary>], iteration_bounds = array<i64: 5>, scalar_prefetch = 0 : i64, scratch_operands = 0 : i64, tpu.core_type = #tpu.core_type<tc>, window_params = [{transform_indices = @transform_0, window_bounds = array<i64: 2048, 128>}, {transform_indices = @transform_1, window_bounds = array<i64: 2048, 128>}, {pipeline_mode = #tpu.pipeline_mode<synchronous>, transform_indices = @transform_2, window_bounds = array<i64: 4, 8, 10240>}, {pipeline_mode = #tpu.pipeline_mode<synchronous>, transform_indices = @transform_3, window_bounds = array<i64: 256, 128>}, {pipeline_mode = #tpu.pipeline_mode<synchronous>, transform_indices = @transform_4, window_bounds = array<i64: 1, 256>}, {transform_indices = @transform_5, window_bounds = array<i64: 2048, 128>}]} {
    %mul3A = arith.constant 2048 : i32
    %mul3A_0 = arith.muli %arg0, %mul3A : i32
    %get3A = arith.constant 0 : index
    %get3A_1 = arith.constant 0 : index
    %get3A_2 = arith.index_cast %mul3A_0 : i32 to index
    %get3A_3 = vector.load %arg3[%get3A, %get3A_1, %get3A_2] : memref<4x8x10240xf32, #tpu.memory_space<vmem>>, vector<4x8x2048xf32>
    %reduce_sum3A = arith.constant dense<0.000000e+00> : vector<4x2048xf32>
    %reduce_sum3A_4 = vector.multi_reduction <add>, %get3A_3, %reduce_sum3A [1] : vector<4x8x2048xf32> to vector<4x2048xf32>
    %max3A = arith.constant 1.000000e+00 : f32
    %max3A_5 = vector.broadcast %max3A : f32 to vector<4x2048xf32>
    %max3A_6 = arith.maximumf %reduce_sum3A_4, %max3A_5 : vector<4x2048xf32>
    %rsqrt3A = math.rsqrt %max3A_6 : vector<4x2048xf32>
    %slice3A = vector.extract_strided_slice %rsqrt3A {offsets = [1, 0], sizes = [1, 2048], strides = [1, 1]} : vector<4x2048xf32> to vector<1x2048xf32>
    %squeeze3A = vector.shape_cast %slice3A : vector<1x2048xf32> to vector<2048xf32>
    %broadcast_in_dim3A = vector.shape_cast %squeeze3A : vector<2048xf32> to vector<2048x1xf32>
    %slice3A_7 = vector.extract_strided_slice %rsqrt3A {offsets = [2, 0], sizes = [1, 2048], strides = [1, 1]} : vector<4x2048xf32> to vector<1x2048xf32>
    %squeeze3A_8 = vector.shape_cast %slice3A_7 : vector<1x2048xf32> to vector<2048xf32>
    %broadcast_in_dim3A_9 = vector.shape_cast %squeeze3A_8 : vector<2048xf32> to vector<2048x1xf32>
    %get3A_10 = arith.constant 0 : index
    %get3A_11 = arith.constant 0 : index
    %get3A_12 = vector.load %arg1[%get3A_10, %get3A_11] : memref<2048x128xf32, #tpu.memory_space<vmem>>, vector<2048x128xf32>
    %mul3A_13 = vector.broadcast %broadcast_in_dim3A : vector<2048x1xf32> to vector<2048x128xf32>
    %mul3A_14 = arith.mulf %get3A_12, %mul3A_13 : vector<2048x128xf32>
    %get3A_15 = arith.constant 0 : index
    %get3A_16 = arith.constant 0 : index
    %get3A_17 = vector.load %arg5[%get3A_15, %get3A_16] : memref<1x256xf32, #tpu.memory_space<vmem>>, vector<1x128xf32>
    %get3A_18 = vector.shape_cast %get3A_17 : vector<1x128xf32> to vector<128xf32>
    %broadcast_in_dim3A_19 = vector.shape_cast %get3A_18 : vector<128xf32> to vector<1x128xf32>
    %add3A = vector.broadcast %broadcast_in_dim3A_19 : vector<1x128xf32> to vector<2048x128xf32>
    %add3A_20 = arith.addf %mul3A_14, %add3A : vector<2048x128xf32>
    %max3A_21 = arith.constant 0.000000e+00 : f32
    %max3A_22 = vector.broadcast %max3A_21 : f32 to vector<2048x128xf32>
    %max3A_23 = arith.maximumf %add3A_20, %max3A_22 : vector<2048x128xf32>
    %mul3A_24 = vector.broadcast %broadcast_in_dim3A_9 : vector<2048x1xf32> to vector<2048x128xf32>
    %mul3A_25 = arith.mulf %max3A_23, %mul3A_24 : vector<2048x128xf32>
    %get3A_26 = arith.constant 0 : index
    %get3A_27 = arith.constant 0 : index
    %get3A_28 = vector.load %arg2[%get3A_26, %get3A_27] : memref<2048x128xf32, #tpu.memory_space<vmem>>, vector<2048x128xf32>
    %mul3A_29 = vector.broadcast %broadcast_in_dim3A : vector<2048x1xf32> to vector<2048x128xf32>
    %mul3A_30 = arith.mulf %get3A_28, %mul3A_29 : vector<2048x128xf32>
    %get3A_31 = arith.constant 0 : index
    %get3A_32 = arith.constant 128 : index
    %get3A_33 = vector.load %arg5[%get3A_31, %get3A_32] : memref<1x256xf32, #tpu.memory_space<vmem>>, vector<1x128xf32>
    %get3A_34 = vector.shape_cast %get3A_33 : vector<1x128xf32> to vector<128xf32>
    %broadcast_in_dim3A_35 = vector.shape_cast %get3A_34 : vector<128xf32> to vector<1x128xf32>
    %add3A_36 = vector.broadcast %broadcast_in_dim3A_35 : vector<1x128xf32> to vector<2048x128xf32>
    %add3A_37 = arith.addf %mul3A_30, %add3A_36 : vector<2048x128xf32>
    %max3A_38 = arith.constant 0.000000e+00 : f32
    %max3A_39 = vector.broadcast %max3A_38 : f32 to vector<2048x128xf32>
    %max3A_40 = arith.maximumf %add3A_37, %max3A_39 : vector<2048x128xf32>
    %mul3A_41 = vector.broadcast %broadcast_in_dim3A_9 : vector<2048x1xf32> to vector<2048x128xf32>
    %mul3A_42 = arith.mulf %max3A_40, %mul3A_41 : vector<2048x128xf32>
    %get3A_43 = arith.constant 0 : index
    %get3A_44 = arith.constant 0 : index
    %get3A_45 = vector.load %arg4[%get3A_43, %get3A_44] : memref<256x128xf32, #tpu.memory_space<vmem>>, vector<256x128xf32>
    %slice3A_46 = vector.extract_strided_slice %get3A_45 {offsets = [0, 0], sizes = [128, 128], strides = [1, 1]} : vector<256x128xf32> to vector<128x128xf32>
    %dot_general3A = arith.constant dense<0.000000e+00> : vector<2048x128xf32>
    %dot_general3A_47 = tpu.matmul %mul3A_25, %slice3A_46, %dot_general3A {dimension_numbers = #tpu.dot_dimension_numbers<[1], [0], [0], [1], [0, 0, 1, 1], [], []>, transpose_lhs_hint = false} : vector<2048x128xf32>, vector<128x128xf32>, vector<2048x128xf32> -> vector<2048x128xf32>
    %slice3A_48 = vector.extract_strided_slice %get3A_45 {offsets = [128, 0], sizes = [128, 128], strides = [1, 1]} : vector<256x128xf32> to vector<128x128xf32>
    %dot_general3A_49 = arith.constant dense<0.000000e+00> : vector<2048x128xf32>
    %dot_general3A_50 = tpu.matmul %mul3A_42, %slice3A_48, %dot_general3A_49 {dimension_numbers = #tpu.dot_dimension_numbers<[1], [0], [0], [1], [0, 0, 1, 1], [], []>, transpose_lhs_hint = false} : vector<2048x128xf32>, vector<128x128xf32>, vector<2048x128xf32> -> vector<2048x128xf32>
    %add3A_51 = arith.addf %dot_general3A_47, %dot_general3A_50 : vector<2048x128xf32>
    %swap3A = arith.constant 0 : index
    %swap3A_52 = arith.constant 0 : index
    %swap3A_53 = vector.load %arg6[%swap3A, %swap3A_52] : memref<2048x128xf32, #tpu.memory_space<vmem>>, vector<2048x128xf32>
    tpu.vector_store %arg6[%swap3A, %swap3A_52], %add3A_51 {strides = array<i32>} : memref<2048x128xf32, #tpu.memory_space<vmem>>, vector<2048x128xf32>,
    return
  }
  func.func @transform_0(%arg0: i32) -> (i32, i32) {
    %c0_i32 = arith.constant 0 : i32
    %c0_i32_0 = arith.constant 0 : i32
    return %arg0, %c0_i32 : i32, i32
  }
  func.func @transform_1(%arg0: i32) -> (i32, i32) {
    %c0_i32 = arith.constant 0 : i32
    %c0_i32_0 = arith.constant 0 : i32
    return %arg0, %c0_i32 : i32, i32
  }
  func.func @transform_2(%arg0: i32) -> (i32, i32, i32) {
    %c0_i32 = arith.constant 0 : i32
    %c0_i32_0 = arith.constant 0 : i32
    %c0_i32_1 = arith.constant 0 : i32
    %c0_i32_2 = arith.constant 0 : i32
    return %c0_i32, %c0_i32_0, %c0_i32_1 : i32, i32, i32
  }
  func.func @transform_3(%arg0: i32) -> (i32, i32) {
    %c0_i32 = arith.constant 0 : i32
    %c0_i32_0 = arith.constant 0 : i32
    %c0_i32_1 = arith.constant 0 : i32
    return %c0_i32, %c0_i32_0 : i32, i32
  }
  func.func @transform_4(%arg0: i32) -> (i32, i32) {
    %c0_i32 = arith.constant 0 : i32
    %c0_i32_0 = arith.constant 0 : i32
    %c0_i32_1 = arith.constant 0 : i32
    return %c0_i32, %c0_i32_0 : i32, i32
  }
  func.func @transform_5(%arg0: i32) -> (i32, i32) {
    %c0_i32 = arith.constant 0 : i32
    %c0_i32_0 = arith.constant 0 : i32
    return %arg0, %c0_i32 : i32, i32
  }
}

module attributes {stable_mosaic.version = 14 : i64} {
  func.func @_l3_body(%arg0: i32, %arg1: memref<2048x128xf32, #tpu.memory_space<vmem>>, %arg2: memref<2048x128xf32, #tpu.memory_space<vmem>>, %arg3: memref<4x8x10240xf32, #tpu.memory_space<vmem>>, %arg4: memref<1x128xf32, #tpu.memory_space<vmem>>, %arg5: memref<2048x128xf32, #tpu.memory_space<vmem>>) attributes {dimension_semantics = [#tpu.dimension_semantics<arbitrary>], iteration_bounds = array<i64: 5>, scalar_prefetch = 0 : i64, scratch_operands = 0 : i64, tpu.core_type = #tpu.core_type<tc>, window_params = [{transform_indices = @transform_0, window_bounds = array<i64: 2048, 128>}, {transform_indices = @transform_1, window_bounds = array<i64: 2048, 128>}, {pipeline_mode = #tpu.pipeline_mode<synchronous>, transform_indices = @transform_2, window_bounds = array<i64: 4, 8, 10240>}, {pipeline_mode = #tpu.pipeline_mode<synchronous>, transform_indices = @transform_3, window_bounds = array<i64: 1, 128>}, {transform_indices = @transform_4, window_bounds = array<i64: 2048, 128>}]} {
    %mul3A = arith.constant 2048 : i32
    %mul3A_0 = arith.muli %arg0, %mul3A : i32
    %get3A = arith.constant 0 : index
    %get3A_1 = arith.constant 0 : index
    %get3A_2 = arith.index_cast %mul3A_0 : i32 to index
    %get3A_3 = vector.load %arg3[%get3A, %get3A_1, %get3A_2] : memref<4x8x10240xf32, #tpu.memory_space<vmem>>, vector<4x8x2048xf32>
    %reduce_sum3A = arith.constant dense<0.000000e+00> : vector<4x2048xf32>
    %reduce_sum3A_4 = vector.multi_reduction <add>, %get3A_3, %reduce_sum3A [1] : vector<4x8x2048xf32> to vector<4x2048xf32>
    %max3A = arith.constant 1.000000e+00 : f32
    %max3A_5 = vector.broadcast %max3A : f32 to vector<4x2048xf32>
    %max3A_6 = arith.maximumf %reduce_sum3A_4, %max3A_5 : vector<4x2048xf32>
    %rsqrt3A = math.rsqrt %max3A_6 : vector<4x2048xf32>
    %slice3A = vector.extract_strided_slice %rsqrt3A {offsets = [3, 0], sizes = [1, 2048], strides = [1, 1]} : vector<4x2048xf32> to vector<1x2048xf32>
    %squeeze3A = vector.shape_cast %slice3A : vector<1x2048xf32> to vector<2048xf32>
    %broadcast_in_dim3A = vector.shape_cast %squeeze3A : vector<2048xf32> to vector<2048x1xf32>
    %get3A_7 = arith.constant 0 : index
    %get3A_8 = arith.constant 0 : index
    %get3A_9 = vector.load %arg1[%get3A_7, %get3A_8] : memref<2048x128xf32, #tpu.memory_space<vmem>>, vector<2048x128xf32>
    %get3A_10 = arith.constant 0 : index
    %get3A_11 = arith.constant 0 : index
    %get3A_12 = vector.load %arg2[%get3A_10, %get3A_11] : memref<2048x128xf32, #tpu.memory_space<vmem>>, vector<2048x128xf32>
    %add3A = arith.addf %get3A_9, %get3A_12 : vector<2048x128xf32>
    %mul3A_13 = vector.broadcast %broadcast_in_dim3A : vector<2048x1xf32> to vector<2048x128xf32>
    %mul3A_14 = arith.mulf %add3A, %mul3A_13 : vector<2048x128xf32>
    %get3A_15 = arith.constant 0 : index
    %get3A_16 = arith.constant 0 : index
    %get3A_17 = vector.load %arg4[%get3A_15, %get3A_16] : memref<1x128xf32, #tpu.memory_space<vmem>>, vector<1x128xf32>
    %get3A_18 = vector.shape_cast %get3A_17 : vector<1x128xf32> to vector<128xf32>
    %broadcast_in_dim3A_19 = vector.shape_cast %get3A_18 : vector<128xf32> to vector<1x128xf32>
    %add3A_20 = vector.broadcast %broadcast_in_dim3A_19 : vector<1x128xf32> to vector<2048x128xf32>
    %add3A_21 = arith.addf %mul3A_14, %add3A_20 : vector<2048x128xf32>
    %max3A_22 = arith.constant 0.000000e+00 : f32
    %max3A_23 = vector.broadcast %max3A_22 : f32 to vector<2048x128xf32>
    %max3A_24 = arith.maximumf %add3A_21, %max3A_23 : vector<2048x128xf32>
    %swap3A = arith.constant 0 : index
    %swap3A_25 = arith.constant 0 : index
    %swap3A_26 = vector.load %arg5[%swap3A, %swap3A_25] : memref<2048x128xf32, #tpu.memory_space<vmem>>, vector<2048x128xf32>
    tpu.vector_store %arg5[%swap3A, %swap3A_25], %max3A_24 {strides = array<i32>} : memref<2048x128xf32, #tpu.memory_space<vmem>>, vector<2048x128xf32>,
    return
  }
  func.func @transform_0(%arg0: i32) -> (i32, i32) {
    %c0_i32 = arith.constant 0 : i32
    %c0_i32_0 = arith.constant 0 : i32
    return %arg0, %c0_i32 : i32, i32
  }
  func.func @transform_1(%arg0: i32) -> (i32, i32) {
    %c0_i32 = arith.constant 0 : i32
    %c0_i32_0 = arith.constant 0 : i32
    return %arg0, %c0_i32 : i32, i32
  }
  func.func @transform_2(%arg0: i32) -> (i32, i32, i32) {
    %c0_i32 = arith.constant 0 : i32
    %c0_i32_0 = arith.constant 0 : i32
    %c0_i32_1 = arith.constant 0 : i32
    %c0_i32_2 = arith.constant 0 : i32
    return %c0_i32, %c0_i32_0, %c0_i32_1 : i32, i32, i32
  }
  func.func @transform_3(%arg0: i32) -> (i32, i32) {
    %c0_i32 = arith.constant 0 : i32
    %c0_i32_0 = arith.constant 0 : i32
    %c0_i32_1 = arith.constant 0 : i32
    return %c0_i32, %c0_i32_0 : i32, i32
  }
  func.func @transform_4(%arg0: i32) -> (i32, i32) {
    %c0_i32 = arith.constant 0 : i32
    %c0_i32_0 = arith.constant 0 : i32
    return %arg0, %c0_i32 : i32, i32
  }
}

</mosaic_0001>

<sc_bundles>
// kernel: kernel.11.cloned.1.call-start
scs
__scs_entry_jumppad:
0x0: {  	(pc) =	sbr.rel $0x88, $3  }
0x1: {  	(tag) =	ssettag $0x0;
	lr =	simm.s32 $0x1  }
0x2: {  	[smem:$0x3F9A] =	sst lr;
	_ =	strace $0xD0000000  }
0x3: {  	_ = 	snop  }
0x4: {  	_ = 	snop  }
0x5: {  	_ = 	snop  }
0x6: {  	_ = 	snop  }
0x7: {  	_ = 	snop  }
__scs_overlays_trampoline_lowered:
0x8: {  	[smem:$0x3FA9] =	sst s0  }
0x9: {  	[smem:$0x3FAA] =	sst s1  }
0xa: {  	[smem:$0x3FAB] =	sst s2  }
0xb: {  	[smem:$0x3FAC] =	sst s3  }
0xc: {  	[smem:$0x3FAD] =	sst s4  }
0xd: {  	[smem:$0x3FAE] =	sst s5  }
0xe: {  	[smem:$0x3FAF] =	sst s6  }
0xf: {  	[smem:$0x3FB0] =	sst s7  }
0x10: {  	[smem:$0x3FB1] =	sst s8  }
0x11: {  	[smem:$0x3FB2] =	sst s9;
	s0 =	simm.s32 @!p0 $0x0  }
0x12: {  	s1 =	sld [smem:$0x3F98];
	s0 =	simm.s32 @p0 $0x1  }
0x13: {  	[smem:$0x3FB3] =	sst s0;
	s0 =	simm.s32 @!p1 $0x0  }
0x14: {  	s2 =	sld [smem:$0x3F97];
	s0 =	simm.s32 @p1 $0x1  }
0x15: {  	[smem:$0x3FB4] =	sst s0;
	s0 =	simm.s32 @!p2 $0x0  }
0x16: {  	s3 =	sld [smem:$0x3FDB];
	s0 =	simm.s32 @p2 $0x1  }
0x17: {  	s4 =	simm.s32 $0x1BF5;
	[smem:$0x3FB6] =	sst s0  }
0x18: {  	s0 =	sld [smem:$0x3F99];
	_ =	swait.ge [sflag:s4], $0x0  }
0x19: {  	s7 =	sld [smem:$0x3F9A]  }
0x1a: {  	s8 =	sadd.s32 $0xFFFFE003, lr  }
0x1b: {  	s9 =	sadd.s32 $0xFFFFFEF7, lr;
	s5 =	simm.s32 $0xFFFFFFFF;
	p2 =	slt.u32 s8, $0xFFFFF086  }
0x1c: {  	p1 =	slt.u32 s9, $0xF7A;
	s5 =	simm.s32 @!p2 $0x0  }
0x1d: {  	s5 =	simm.s32 @p1 $0x1;
	p0 =	seq.s32 s7, s2  }
0x1e: {  	s7 =	smul.u32 @!p0 $0xF7A, s2;
	p2 =	seq.s32 @!p0 s5, $0x0  }
0x1f: {  	s9 =	smul.u32 $0xF7A, s1;
	s8 =	simm.s32 @!p0 $0x1BF5;
	p2 =	por !p2, p0  }
0x20: {  	[sflag:s8] =	ssyncset.s32 @!p0 $0xFFFFF086;
	s6 =	sadd.s32 @!p0 s3, s7;
	s7 =	simm.s32 @!p0 $0x108  }
0x21: {  	s3 =	sadd.s32 s3, s9;
	s6 =	sadd.s32 @!p0 $0x88, s6;
	s7 =	simm.s32 @p2 $0x1082  }
0x22: {  	[simem:s7], [sflag:s8] =	dma.local @!p0 [hbm:s6], $0xF7A  }
0x23: {  	s9 =	sor.u32 $0xD0000000, s2;
	s6 =	simm.s32 $0x108;
	_ =	swait.ge @!p0 [sflag:s8], $0x0  }
0x24: {  	s3 =	sadd.s32 $0x88, s3;
	s6 =	simm.s32 @!p1 $0x1082;
	[sflag:s4] =	ssyncset.s32 $0xFFFFF086  }
0x25: {  	[simem:s6], [sflag:s4] =	dma.local [hbm:s3], $0xF7A  }
0x26: {  	[smem:$0x3F9A] =	sst s1;
	(tag) =	ssettag s2;
	_ =	strace s9  }
0x27: {  	s1 =	sld [smem:$0x3FAA]  }
0x28: {  	s2 =	sld [smem:$0x3FAB]  }
0x29: {  	s4 =	sld [smem:$0x3FAD]  }
0x2a: {  	p0 =	seq.s32 s5, $0x0;
	s5 =	sld [smem:$0x3FAE]  }
0x2b: {  	s6 =	sld [smem:$0x3FAF]  }
0x2c: {  	s7 =	sld [smem:$0x3FB0]  }
0x2d: {  	s3 =	simm.s32 $0x108;
	s8 =	sld [smem:$0x3FB1]  }
0x2e: {  	s3 =	simm.s32 @!p0 $0x1082;
	s9 =	sld [smem:$0x3FB2]  }
0x2f: {  	lr =	sadd.s32 s0, s3;
	s0 =	sld [smem:$0x3FA9]  }
0x30: {  	s3 =	sld [smem:$0x3FAC]  }
0x31: {  	[smem:$0x3FB5] =	sst s10  }
0x32: {  	s10 =	sld [smem:$0x3FB3];
	_ =	sdelay $0x3  }
0x33: {  	p0 =	seq.s32 s10, $0x1;
	s10 =	sld [smem:$0x3FB5];
	_ =	sdelay $0x3  }
0x34: {  	[smem:$0x3FB5] =	sst s10  }
0x35: {  	s10 =	sld [smem:$0x3FB4];
	_ =	sdelay $0x3  }
0x36: {  	p1 =	seq.s32 s10, $0x1;
	s10 =	sld [smem:$0x3FB5];
	_ =	sdelay $0x3  }
0x37: {  	[smem:$0x3FB5] =	sst s10  }
0x38: {  	s10 =	sld [smem:$0x3FB6]  }
0x39: {  	_ = 	snop;
	(pc) =	sbr.ind lr, $3  }
0x3a: {  	_ = 	snop  }
0x3b: {  	_ = 	snop  }
0x3c: {  	p2 =	seq.s32 s10, $0x1;
	s10 =	sld [smem:$0x3FB5]  }
0x3d: {  	_ =	shalt  }
0x3e: {  	_ =	shalt  }
0x3f: {  	_ =	shalt  }
0x40: {  	_ =	shalt  }
0x41: {  	_ =	shalt  }
0x42: {  	_ =	shalt  }
0x43: {  	_ =	shalt  }
0x44: {  	_ =	shalt  }
0x45: {  	_ =	shalt  }
0x46: {  	_ =	shalt  }
0x47: {  	_ =	shalt  }
0x48: {  	_ =	shalt  }
0x49: {  	_ =	shalt  }
0x4a: {  	_ =	shalt  }
0x4b: {  	_ =	shalt  }
0x4c: {  	_ =	shalt  }
0x4d: {  	_ =	shalt  }
0x4e: {  	_ =	shalt  }
0x4f: {  	_ =	shalt  }
0x50: {  	_ =	shalt  }
0x51: {  	_ =	shalt  }
0x52: {  	_ =	shalt  }
0x53: {  	_ =	shalt  }
0x54: {  	_ =	shalt  }
0x55: {  	_ =	shalt  }
0x56: {  	_ =	shalt  }
0x57: {  	_ =	shalt  }
0x58: {  	_ =	shalt  }
0x59: {  	_ =	shalt  }
0x5a: {  	_ =	shalt  }
0x5b: {  	_ =	shalt  }
0x5c: {  	_ =	shalt  }
0x5d: {  	_ =	shalt  }
0x5e: {  	_ =	shalt  }
0x5f: {  	_ =	shalt  }
0x60: {  	_ =	shalt  }
0x61: {  	_ =	shalt  }
0x62: {  	_ =	shalt  }
0x63: {  	_ =	shalt  }
0x64: {  	_ =	shalt  }
0x65: {  	_ =	shalt  }
0x66: {  	_ =	shalt  }
0x67: {  	_ =	shalt  }
0x68: {  	_ =	shalt  }
0x69: {  	_ =	shalt  }
0x6a: {  	_ =	shalt  }
0x6b: {  	_ =	shalt  }
0x6c: {  	_ =	shalt  }
0x6d: {  	_ =	shalt  }
0x6e: {  	_ =	shalt  }
0x6f: {  	_ =	shalt  }
0x70: {  	_ =	shalt  }
0x71: {  	_ =	shalt  }
0x72: {  	_ =	shalt  }
0x73: {  	_ =	shalt  }
0x74: {  	_ =	shalt  }
0x75: {  	_ =	shalt  }
0x76: {  	_ =	shalt  }
0x77: {  	_ =	shalt  }
0x78: {  	_ =	shalt  }
0x79: {  	_ =	shalt  }
0x7a: {  	_ =	shalt  }
0x7b: {  	_ =	shalt  }
0x7c: {  	_ =	shalt  }
0x7d: {  	_ =	shalt  }
0x7e: {  	_ =	shalt  }
0x7f: {  	_ =	shalt  }
0x80: {  	_ =	shalt  }
0x81: {  	_ =	shalt  }
0x82: {  	_ =	shalt  }
0x83: {  	_ =	shalt  }
0x84: {  	_ =	shalt  }
0x85: {  	_ =	shalt  }
0x86: {  	_ =	shalt  }
0x87: {  	_ =	shalt  }
.Lfunc_end0:
.L_simem_size_0:
called_computation.1_lowered:
.L_overlay_start_0:
0x88: {  	s2 =	sld [smem:$0x3FD9]  }
0x89: {  	s3 =	sld [smem:$0x3FFE];
	_ =	sdelay $0x1  }
0x8a: {  	s1 =	srdreg.scid  }
0x8b: {  	s0 =	sand.u32 $0x1, s1  }
0x8c: {  	s16 =	sshll.u32 s0, $0xA;
	s2 =	sadd.s32 s3, s2  }
0x8d: {  	s2 =	sadd.s32 s2, s16  }
0x8e: {  	[smem:$0x3FC1] =	sst s2  }
0x8f: {  	_ = 	snop  }
0x90: {  	(tm) =	ssettm $0x1  }
0x91: {  	s17 =	sld [smem:$0x3FFB];
	_ =	sdelay $0x3  }
0x92: {  	_ =	strace s17  }
0x93: {  	s2 =	sld [smem:$0x3FFC];
	_ =	sdelay $0x3  }
0x94: {  	_ =	strace s2  }
0x95: {  	s2 =	sld [smem:$0x3FFD];
	_ =	sdelay $0x3  }
0x96: {  	_ =	strace s2  }
0x97: {  	_ =	strace $0x8FFFFFFF  }
0x98: {  	s18 =	sld [smem:$0x3FDB];
	_ =	sdelay $0x1  }
0x99: {  	s19 =	simm.s32 $_scs_section_size  }
0x9a: {  	s4 =	simm.s32 $_size__tile_overlayer_lowered;
	s5 =	simm.s32 $_tile_overlayer_lowered  }
0x9b: {  	s22 =	simm.s32 $0x1BFF;
	s21 =	sshll.u32 s5, $0x1;
	s2 =	sadd.s32 s19, s18  }
0x9c: {  	s6 =	simm.s32 $0x0;
	s20 =	sshll.u32 s4, $0x1;
	s4 =	sadd.s32 s21, s2  }
0x9d: {  	[timem:s6], [sflag:s22] =	dma.local [hbm:s4], s20  }
0x9e: {  	_ =	swait.ge [sflag:s22], s20  }
0x9f: {  	s3 =	ssub.s32 $0x0, s20;
	[sflag:s22] =	ssyncset.done $0x0  }
0xa0: {  	[sflag:s22] =	ssyncadd.s32 s3;
	_ =	sdelay $0x1  }
0xa1: {  	s23 =	simm.s32 $0x1B8B  }
0xa2: {  	_ =	swait.ge [sflag:s23], $0x1  }
0xa3: {  	[sflag:s23] =	ssyncset.done $0x0  }
0xa4: {  	s25 =	simm.s32 $0x1B8E;
	s24 =	sld [smem:$0x3FFE];
	[sflag:s23] =	ssyncadd.s32 $0xFFFFFFFF  }
0xa5: {  	s26 =	simm.s32 $execute0_lowered;
	[smem:$0x3FD2] =	sst s25  }
0xa6: {  	s4 =	sshll.u32 s26, $0x1;
	_ =	strace $0x80000049;
	[dreg:$0x1] =	wrdreg $0xFFFFFFFF  }
0xa7: {  	s28 =	simm.s32 $_size_execute0_lowered;
	s2 =	sadd.s32 s2, s4;
	[dreg:$0x0] =	wrdreg $0x0  }
0xa8: {  	s4 =	sshll.u32 s28, $0x1;
	[dreg:$0x2] =	wrdreg s2  }
0xa9: {  	[dreg:$0x3] =	wrdreg s4  }
0xaa: {  	[dreg:$0x4] =	wrdreg $0xC0  }
0xab: {  	_ =	task [dreg:s6], $0x5FFFF  }
0xac: {  	[dreg:$0x1] =	wrdreg $0xFFFFFFFF  }
0xad: {  	[dreg:$0x0] =	wrdreg $0x60  }
0xae: {  	[dreg:$0x2] =	wrdreg s24  }
0xaf: {  	[dreg:$0x3] =	wrdreg $0xA8000  }
0xb0: {  	[dreg:$0x4] =	wrdreg $0x9  }
0xb1: {  	_ =	task.clear_ibuf [dreg:s6], $0x5FFFF;
	_ =	strace $0x90000049  }
0xb2: {  	s29 =	simm.s32 $0x9;
	_ =	strace $0x8000004B  }
0xb3: {  	_ =	swait.ge [sflag:s29], $0x1  }
0xb4: {  	[sflag:s29] =	ssyncadd.s32 $0xFFFFFFFF  }
0xb5: {  	_ =	strace $0x9000004B  }
0xb6: {  	_ =	sfence  }
0xb7: {  	s30 =	sld [smem:$0x0];
	_ =	sdelay $0x2  }
0xb8: {  	s31 =	sshll.u32 s1, $0xD;
	s1 =	sshrl.u32 s1, $0x2  }
0xb9: {  	s3 =	sand.u32 $0x4000, s31;
	s1 =	sadd.s32 s1, s30  }
0xba: {  	s0 =	sor.u32 s3, s0;
	s1 =	sshll.u32 s1, $0x11  }
0xbb: {  	s0 =	sor.u32 s1, s0  }
0xbc: {  	s0 =	sadd.s32 $0x8F2B, s0  }
0xbd: {  	[sflag:s0] =	ssyncadd.remote.s32 $0x1  }
0xbe: {  	_ =	sfence.sel $0xFFFF  }
0xbf: {  	[dreg:$0x0] =	wrdreg $0xFFFFFFFF;
	(pc) =	sbr.abs _section_cstart, $3  }
0xc0: {  	[dreg:$0x1] =	wrdreg $0xFFFFFFFF  }
0xc1: {  	_ =	task.clear_ibuf [dreg:s6], $0x2FFFF;
	_ =	strace $0x9FFFFFFF  }
0xc2: {  	(tm) =	ssettm $0x7FFFFFFF  }
0xc3: {  	_ =	shalt  }
tec
execute0_lowered:
.L_overlay_start_1:
0x0: {  	(tag) =	ssettag $0x1  }
0x1: {  	s0 =	rddreg [dreg:$0x0]  }
0x2: {  	s1 =	rddreg [dreg:$0x1];
	s2 =	simm.s32 $0x0;
	s3 =	stileid.u32  }
0x3: {  	s23 =	srdreg.scid;
	s18 =	simm.s32 $0x7;
	s20 =	simm.s32 $0x5  }
0x4: {  	s21 =	simm.s32 $0x6;
	s22 =	simm.s32 $0x7D;
	s28 =	simm.s32 $0x2  }
0x5: {  	s29 =	simm.s32 $0x4;
	s30 =	simm.s32 $0x0;
	[smem:$0x7FF] =	sst s2  }
0x6: {  	s4 =	sadd.s32 $0x48600, s0;
	s5 =	sadd.s32 $0x20600, s0;
	s6 =	smul.u32 $0x2800, s3  }
0x7: {  	s2 =	sand.u32 $0x1, s23;
	s7 =	sadd.s32 $0xC600, s0;
	s14 =	smul.u32 $0x50000, s3  }
0x8: {  	s8 =	sadd.s32 $0x16600, s0;
	s9 =	sadd.s32 $0x98600, s0;
	s31 =	smul.u32 $0xA00, s3  }
0x9: {  	s26 =	sshll.u32 s3, $0x6;
	s15 =	smul.u32 $0x5000, s3;
	s23 =	simm.s32 $0x2800  }
0xa: {  	_ =	strace $0x8000004A;
	s11 =	ssub.s32 $0x2, s2;
	[dreg:$0x3] =	wrdreg s9  }
0xb: {  	p0 =	sne.s32 s2, $0x0;
	s12 =	sadd.s32 s6, s0;
	s13 =	sshrl.u32 s11, $0x1  }
.Ltmp0:
0xc: {  	s0 =	sadd.s32 $0xC0600, s0;
	s25 =	sshrl.u32 s14, $0x2;
	(pc) =	sbr.rel .LBB2_1-.Ltmp0, $4  }
0xd: {  	s14 =	sadd.s32 s8, s31;
	[dreg:$0x4] =	wrdreg s0;
	s24 =	ssub.s32 s11, s13  }
0xe: {  	s17 =	sadd.s32 s25, s1;
	s11 =	sadd.s32 $0x70600, s12;
	s12 =	sor.u32 $0x1C07, s26  }
0xf: {  	s13 =	sadd.s32 s7, s31;
	s25 =	simm.s32 $0x1;
	s26 =	simm.s32 $0x3  }
0x10: {  	s16 =	smax.u32 s24, $0x1;
	s17 =	sshrl.u32 s17, $0x3;
	s24 =	simm.s32 $0x6800  }
.LBB2_11:
0x11: {  	s0 =	rddreg [dreg:$0x4]  }
.LBB2_12:
0x12: {  	_ =	swait.ge [sflag:s26], $0x3E80  }
0x13: {  	[sflag:s26] =	ssyncset.done $0x0  }
0x14: {  	[sflag:s26] =	ssyncadd.s32 $0xFFFFC180  }
0x15: {  	_ =	swait.ge [sflag:s29], $0x3E80  }
0x16: {  	s30 =	sadd.s32 $0x1, s30;
	[sflag:s29] =	ssyncset.done $0x0  }
0x17: {  	p1 =	sne.s32 s30, s16;
	[sflag:s29] =	ssyncadd.s32 $0xFFFFC180  }
.Ltmp1:
0x18: {  	s0 =	sadd.s32 s0, s6;
	[bflag:$0x0] =	sbarrier.arrive $0xFFFF;
	(pc) =	sbr.rel @!p1 .LBB2_13-.Ltmp1, $4  }
0x19: {  	[hbm:s0], [sflag:s12] =	dma.local [spmem:s17], $0x2800  }
0x1a: {  	_ =	swait.ge [sflag:s18], $0x2800  }
0x1b: {  	[sflag:s18] =	ssyncset.done $0x0  }
0x1c: {  	[sflag:s18] =	ssyncadd.s32 $0xFFFFD800  }
.LBB2_1:
0x1d: {  	[spmem:s17], [sflag:s12] =	dma.local [hbm:s11], $0x2800  }
0x1e: {  	_ =	swait.ge [sflag:s18], $0x2800  }
0x1f: {  	[sflag:s18] =	ssyncset.done $0x0  }
0x20: {  	[sflag:s18] =	ssyncadd.s32 $0xFFFFD800  }
0x21: {  	s0 =	simm.s32 $0x0;
	[bflag:$0x0] =	sbarrier.arrive $0xFFFF  }
0x22: {  	[tilespmem:s0], [sflag:$0x5] =	stream.linear.gather [hbm4b:s13+s0], $0x800, $0x38;
	[tilespmem:$0x1E800] =	vst v63  }
.Ltmp2:
0x23: {  	_ = 	snop;
	(pc) =	sbr.rel @p0 .LBB2_7-.Ltmp2, $4  }
.Ltmp3:
0x24: {  	_ = 	snop;
	(pc) =	sbr.rel @!p0 .LBB2_2-.Ltmp3, $4  }
0x25: {  	s2 =	simm.s32 $0x1000  }
0x26: {  	[tilespmem:s2], [sflag:$0x6] =	stream.linear.gather [hbm4b:s14+s0], $0x800, $0x38;
	[tilespmem:$0x1E800] =	vst v63  }
0x27: {  	s31 =	simm.s32 $0x0;
	s2 =	simm.s32 $0x0  }
0x28: {  	_ = 	snop  }
.LBB2_4:
0x29: {  	_ =	swait.ge [sflag:s26], $0x3E80  }
0x2a: {  	s0 =	sshll.u32 s2, $0xB;
	[sflag:s26] =	ssyncset.done $0x0  }
0x2b: {  	s0 =	sand.u32 $0x800, s0;
	[sflag:s26] =	ssyncadd.s32 $0xFFFFC180  }
0x2c: {  	[tilespmem:s23], [sflag:$0x1] =	stream.indirect.gather [hbm4b:s4+s22], $0x80, s0, s22, $0xb8;
	[tilespmem:$0x1E800] =	vst v63  }
0x2d: {  	_ =	swait.ge [sflag:s29], $0x3E80  }
0x2e: {  	[sflag:s29] =	ssyncset.done $0x0  }
0x2f: {  	s31 =	simm.s32 @p1 $0xA;
	[sflag:s29] =	ssyncadd.s32 $0xFFFFC180  }
.LBB2_5:
0x30: {  	s3 =	smul.u32 $0xAB, s2;
	_ =	sdelay $0x1  }
0x31: {  	s3 =	sshrl.u32 s3, $0x9  }
0x32: {  	s3 =	sand.u32 $0x7F, s3  }
0x33: {  	s19 =	sadd.s32 $0x80, s0;
	s3 =	smul.u32 $0x3, s3  }
0x34: {  	[tilespmem:s24], [sflag:$0x2] =	stream.indirect.gather [hbm4b:s4+s22], $0x80, s19, s22, $0xb8;
	[tilespmem:$0x1E800] =	vst v63  }
0x35: {  	s10 =	ssub.s32 s2, s3  }
0x36: {  	_ =	swait.ge [sflag:s25], $0x3E80;
	s2 =	sand.u32 $0xFF, s10  }
0x37: {  	[sflag:s25] =	ssyncset.done $0x0;
	s2 =	sshll.u32 s2, $0xB  }
0x38: {  	[sflag:s25] =	ssyncadd.s32 $0xFFFFC180;
	s9 =	sadd.s32 $0x1000, s2  }
0x39: {  	[spmem:s1] =	stream.indirect.scatter.add.f32 [tilespmem:s23], [sflag:$0x3], $0x80, s9, s22, $0xb8;
	[tilespmem:$0x1E800] =	vst v63  }
0x3a: {  	_ =	swait.ge [sflag:s26], $0x3E80  }
0x3b: {  	[sflag:s26] =	ssyncset.done $0x0  }
0x3c: {  	s10 =	sadd.s32 $0x100, s0;
	[sflag:s26] =	ssyncadd.s32 $0xFFFFC180  }
0x3d: {  	[tilespmem:s23], [sflag:$0x1] =	stream.indirect.gather [hbm4b:s4+s22], $0x80, s10, s22, $0xb8;
	[tilespmem:$0x1E800] =	vst v63  }
0x3e: {  	_ =	swait.ge [sflag:s28], $0x3E80  }
0x3f: {  	[sflag:s28] =	ssyncset.done $0x0  }
0x40: {  	s19 =	sadd.s32 $0x1080, s2;
	[sflag:s28] =	ssyncadd.s32 $0xFFFFC180  }
0x41: {  	[spmem:s1] =	stream.indirect.scatter.add.f32 [tilespmem:s24], [sflag:$0x4], $0x80, s19, s22, $0xb8;
	[tilespmem:$0x1E800] =	vst v63  }
0x42: {  	_ =	swait.ge [sflag:s29], $0x3E80  }
0x43: {  	[sflag:s29] =	ssyncset.done $0x0  }
0x44: {  	s9 =	sadd.s32 $0x180, s0;
	[sflag:s29] =	ssyncadd.s32 $0xFFFFC180  }
0x45: {  	[tilespmem:s24], [sflag:$0x2] =	stream.indirect.gather [hbm4b:s4+s22], $0x80, s9, s22, $0xb8;
	[tilespmem:$0x1E800] =	vst v63  }
0x46: {  	_ =	swait.ge [sflag:s25], $0x3E80  }
0x47: {  	[sflag:s25] =	ssyncset.done $0x0  }
0x48: {  	s10 =	sadd.s32 $0x1100, s2;
	[sflag:s25] =	ssyncadd.s32 $0xFFFFC180  }
0x49: {  	[spmem:s1] =	stream.indirect.scatter.add.f32 [tilespmem:s23], [sflag:$0x3], $0x80, s10, s22, $0xb8;
	[tilespmem:$0x1E800] =	vst v63  }
0x4a: {  	_ =	swait.ge [sflag:s26], $0x3E80  }
0x4b: {  	[sflag:s26] =	ssyncset.done $0x0  }
0x4c: {  	s19 =	sadd.s32 $0x200, s0;
	[sflag:s26] =	ssyncadd.s32 $0xFFFFC180  }
0x4d: {  	[tilespmem:s23], [sflag:$0x1] =	stream.indirect.gather [hbm4b:s4+s22], $0x80, s19, s22, $0xb8;
	[tilespmem:$0x1E800] =	vst v63  }
0x4e: {  	_ =	swait.ge [sflag:s28], $0x3E80  }
0x4f: {  	[sflag:s28] =	ssyncset.done $0x0  }
0x50: {  	s9 =	sadd.s32 $0x1180, s2;
	[sflag:s28] =	ssyncadd.s32 $0xFFFFC180  }
0x51: {  	[spmem:s1] =	stream.indirect.scatter.add.f32 [tilespmem:s24], [sflag:$0x4], $0x80, s9, s22, $0xb8;
	[tilespmem:$0x1E800] =	vst v63  }
0x52: {  	_ =	swait.ge [sflag:s29], $0x3E80  }
0x53: {  	[sflag:s29] =	ssyncset.done $0x0  }
0x54: {  	s10 =	sadd.s32 $0x280, s0;
	[sflag:s29] =	ssyncadd.s32 $0xFFFFC180  }
0x55: {  	[tilespmem:s24], [sflag:$0x2] =	stream.indirect.gather [hbm4b:s4+s22], $0x80, s10, s22, $0xb8;
	[tilespmem:$0x1E800] =	vst v63  }
0x56: {  	_ =	swait.ge [sflag:s25], $0x3E80  }
0x57: {  	[sflag:s25] =	ssyncset.done $0x0  }
0x58: {  	s19 =	sadd.s32 $0x1200, s2;
	[sflag:s25] =	ssyncadd.s32 $0xFFFFC180  }
0x59: {  	[spmem:s1] =	stream.indirect.scatter.add.f32 [tilespmem:s23], [sflag:$0x3], $0x80, s19, s22, $0xb8;
	[tilespmem:$0x1E800] =	vst v63  }
0x5a: {  	_ =	swait.ge [sflag:s26], $0x3E80  }
0x5b: {  	[sflag:s26] =	ssyncset.done $0x0  }
0x5c: {  	s9 =	sadd.s32 $0x300, s0;
	[sflag:s26] =	ssyncadd.s32 $0xFFFFC180  }
0x5d: {  	[tilespmem:s23], [sflag:$0x1] =	stream.indirect.gather [hbm4b:s4+s22], $0x80, s9, s22, $0xb8;
	[tilespmem:$0x1E800] =	vst v63  }
0x5e: {  	_ =	swait.ge [sflag:s28], $0x3E80  }
0x5f: {  	[sflag:s28] =	ssyncset.done $0x0  }
0x60: {  	s10 =	sadd.s32 $0x1280, s2;
	[sflag:s28] =	ssyncadd.s32 $0xFFFFC180  }
0x61: {  	[spmem:s1] =	stream.indirect.scatter.add.f32 [tilespmem:s24], [sflag:$0x4], $0x80, s10, s22, $0xb8;
	[tilespmem:$0x1E800] =	vst v63  }
0x62: {  	_ =	swait.ge [sflag:s29], $0x3E80  }
0x63: {  	[sflag:s29] =	ssyncset.done $0x0  }
0x64: {  	s19 =	sadd.s32 $0x380, s0;
	[sflag:s29] =	ssyncadd.s32 $0xFFFFC180  }
0x65: {  	[tilespmem:s24], [sflag:$0x2] =	stream.indirect.gather [hbm4b:s4+s22], $0x80, s19, s22, $0xb8;
	[tilespmem:$0x1E800] =	vst v63  }
0x66: {  	_ =	swait.ge [sflag:s25], $0x3E80  }
0x67: {  	[sflag:s25] =	ssyncset.done $0x0  }
0x68: {  	s9 =	sadd.s32 $0x1300, s2;
	[sflag:s25] =	ssyncadd.s32 $0xFFFFC180  }
0x69: {  	[spmem:s1] =	stream.indirect.scatter.add.f32 [tilespmem:s23], [sflag:$0x3], $0x80, s9, s22, $0xb8;
	[tilespmem:$0x1E800] =	vst v63  }
0x6a: {  	_ =	swait.ge [sflag:s26], $0x3E80  }
0x6b: {  	[sflag:s26] =	ssyncset.done $0x0  }
0x6c: {  	s10 =	sadd.s32 $0x400, s0;
	[sflag:s26] =	ssyncadd.s32 $0xFFFFC180  }
0x6d: {  	[tilespmem:s23], [sflag:$0x1] =	stream.indirect.gather [hbm4b:s4+s22], $0x80, s10, s22, $0xb8;
	[tilespmem:$0x1E800] =	vst v63  }
0x6e: {  	_ =	swait.ge [sflag:s28], $0x3E80  }
0x6f: {  	[sflag:s28] =	ssyncset.done $0x0  }
0x70: {  	s19 =	sadd.s32 $0x1380, s2;
	[sflag:s28] =	ssyncadd.s32 $0xFFFFC180  }
0x71: {  	[spmem:s1] =	stream.indirect.scatter.add.f32 [tilespmem:s24], [sflag:$0x4], $0x80, s19, s22, $0xb8;
	[tilespmem:$0x1E800] =	vst v63  }
0x72: {  	_ =	swait.ge [sflag:s29], $0x3E80  }
0x73: {  	[sflag:s29] =	ssyncset.done $0x0  }
0x74: {  	s9 =	sadd.s32 $0x480, s0;
	[sflag:s29] =	ssyncadd.s32 $0xFFFFC180  }
0x75: {  	[tilespmem:s24], [sflag:$0x2] =	stream.indirect.gather [hbm4b:s4+s22], $0x80, s9, s22, $0xb8;
	[tilespmem:$0x1E800] =	vst v63  }
0x76: {  	_ =	swait.ge [sflag:s25], $0x3E80  }
0x77: {  	[sflag:s25] =	ssyncset.done $0x0  }
0x78: {  	s10 =	sadd.s32 $0x1400, s2;
	[sflag:s25] =	ssyncadd.s32 $0xFFFFC180  }
0x79: {  	[spmem:s1] =	stream.indirect.scatter.add.f32 [tilespmem:s23], [sflag:$0x3], $0x80, s10, s22, $0xb8;
	[tilespmem:$0x1E800] =	vst v63  }
0x7a: {  	_ =	swait.ge [sflag:s26], $0x3E80  }
0x7b: {  	[sflag:s26] =	ssyncset.done $0x0  }
0x7c: {  	s19 =	sadd.s32 $0x500, s0;
	[sflag:s26] =	ssyncadd.s32 $0xFFFFC180  }
0x7d: {  	[tilespmem:s23], [sflag:$0x1] =	stream.indirect.gather [hbm4b:s4+s22], $0x80, s19, s22, $0xb8;
	[tilespmem:$0x1E800] =	vst v63  }
0x7e: {  	_ =	swait.ge [sflag:s28], $0x3E80  }
0x7f: {  	[sflag:s28] =	ssyncset.done $0x0  }
0x80: {  	s9 =	sadd.s32 $0x1480, s2;
	[sflag:s28] =	ssyncadd.s32 $0xFFFFC180  }
0x81: {  	[spmem:s1] =	stream.indirect.scatter.add.f32 [tilespmem:s24], [sflag:$0x4], $0x80, s9, s22, $0xb8;
	[tilespmem:$0x1E800] =	vst v63  }
0x82: {  	_ =	swait.ge [sflag:s29], $0x3E80  }
0x83: {  	[sflag:s29] =	ssyncset.done $0x0  }
0x84: {  	s10 =	sadd.s32 $0x580, s0;
	[sflag:s29] =	ssyncadd.s32 $0xFFFFC180  }
0x85: {  	[tilespmem:s24], [sflag:$0x2] =	stream.indirect.gather [hbm4b:s4+s22], $0x80, s10, s22, $0xb8;
	[tilespmem:$0x1E800] =	vst v63  }
0x86: {  	_ =	swait.ge [sflag:s25], $0x3E80  }
0x87: {  	[sflag:s25] =	ssyncset.done $0x0  }
0x88: {  	s19 =	sadd.s32 $0x1500, s2;
	[sflag:s25] =	ssyncadd.s32 $0xFFFFC180  }
0x89: {  	[spmem:s1] =	stream.indirect.scatter.add.f32 [tilespmem:s23], [sflag:$0x3], $0x80, s19, s22, $0xb8;
	[tilespmem:$0x1E800] =	vst v63  }
0x8a: {  	_ =	swait.ge [sflag:s26], $0x3E80  }
0x8b: {  	[sflag:s26] =	ssyncset.done $0x0  }
0x8c: {  	s9 =	sadd.s32 $0x600, s0;
	[sflag:s26] =	ssyncadd.s32 $0xFFFFC180  }
0x8d: {  	[tilespmem:s23], [sflag:$0x1] =	stream.indirect.gather [hbm4b:s4+s22], $0x80, s9, s22, $0xb8;
	[tilespmem:$0x1E800] =	vst v63  }
0x8e: {  	_ =	swait.ge [sflag:s28], $0x3E80  }
0x8f: {  	[sflag:s28] =	ssyncset.done $0x0  }
0x90: {  	s10 =	sadd.s32 $0x1580, s2;
	[sflag:s28] =	ssyncadd.s32 $0xFFFFC180  }
0x91: {  	[spmem:s1] =	stream.indirect.scatter.add.f32 [tilespmem:s24], [sflag:$0x4], $0x80, s10, s22, $0xb8;
	[tilespmem:$0x1E800] =	vst v63  }
0x92: {  	_ =	swait.ge [sflag:s29], $0x3E80  }
0x93: {  	[sflag:s29] =	ssyncset.done $0x0  }
0x94: {  	s19 =	sadd.s32 $0x680, s0;
	[sflag:s29] =	ssyncadd.s32 $0xFFFFC180  }
0x95: {  	[tilespmem:s24], [sflag:$0x2] =	stream.indirect.gather [hbm4b:s4+s22], $0x80, s19, s22, $0xb8;
	[tilespmem:$0x1E800] =	vst v63  }
0x96: {  	_ =	swait.ge [sflag:s25], $0x3E80  }
0x97: {  	[sflag:s25] =	ssyncset.done $0x0  }
0x98: {  	s9 =	sadd.s32 $0x1600, s2;
	[sflag:s25] =	ssyncadd.s32 $0xFFFFC180  }
0x99: {  	[spmem:s1] =	stream.indirect.scatter.add.f32 [tilespmem:s23], [sflag:$0x3], $0x80, s9, s22, $0xb8;
	[tilespmem:$0x1E800] =	vst v63  }
0x9a: {  	_ =	swait.ge [sflag:s26], $0x3E80  }
0x9b: {  	[sflag:s26] =	ssyncset.done $0x0  }
0x9c: {  	s10 =	sadd.s32 $0x700, s0;
	[sflag:s26] =	ssyncadd.s32 $0xFFFFC180  }
0x9d: {  	[tilespmem:s23], [sflag:$0x1] =	stream.indirect.gather [hbm4b:s4+s22], $0x80, s10, s22, $0xb8;
	[tilespmem:$0x1E800] =	vst v63  }
0x9e: {  	_ =	swait.ge [sflag:s28], $0x3E80  }
0x9f: {  	[sflag:s28] =	ssyncset.done $0x0  }
0xa0: {  	s19 =	sadd.s32 $0x1680, s2;
	[sflag:s28] =	ssyncadd.s32 $0xFFFFC180  }
0xa1: {  	[spmem:s1] =	stream.indirect.scatter.add.f32 [tilespmem:s24], [sflag:$0x4], $0x80, s19, s22, $0xb8;
	[tilespmem:$0x1E800] =	vst v63  }
0xa2: {  	_ =	swait.ge [sflag:s29], $0x3E80  }
0xa3: {  	[sflag:s29] =	ssyncset.done $0x0  }
0xa4: {  	s9 =	sadd.s32 $0x780, s0;
	[sflag:s29] =	ssyncadd.s32 $0xFFFFC180  }
0xa5: {  	[tilespmem:s24], [sflag:$0x2] =	stream.indirect.gather [hbm4b:s4+s22], $0x80, s9, s22, $0xb8;
	[tilespmem:$0x1E800] =	vst v63  }
0xa6: {  	_ =	swait.ge [sflag:s25], $0x3E80  }
0xa7: {  	[sflag:s25] =	ssyncset.done $0x0  }
0xa8: {  	p1 =	seq.s32 s31, $0xA;
	s10 =	sadd.s32 $0x1700, s2;
	[sflag:s25] =	ssyncadd.s32 $0xFFFFC180  }
0xa9: {  	[spmem:s1] =	stream.indirect.scatter.add.f32 [tilespmem:s23], [sflag:$0x3], $0x80, s10, s22, $0xb8;
	[tilespmem:$0x1E800] =	vst v63  }
.Ltmp4:
0xaa: {  	_ = 	snop;
	(pc) =	sbr.rel @p1 .LBB2_6-.Ltmp4, $4  }
0xab: {  	_ =	swait.ge [sflag:s28], $0x3E80  }
0xac: {  	[sflag:s28] =	ssyncset.done $0x0  }
0xad: {  	s19 =	sadd.s32 $0x1780, s2;
	s2 =	smov.u32 s31;
	[sflag:s28] =	ssyncadd.s32 $0xFFFFC180  }
0xae: {  	[spmem:s1] =	stream.indirect.scatter.add.f32 [tilespmem:s24], [sflag:$0x4], $0x80, s19, s22, $0xb8;
	[tilespmem:$0x1E800] =	vst v63  }
.LBB2_2:
0xaf: {  	_ =	swait.ge [sflag:s20], $0x800;
	p1 =	seq.s32 s2, $0x9  }
0xb0: {  	[sflag:s20] =	ssyncset.done $0x0;
	s31 =	sadd.s32 @!p1 $0x1, s2;
	s3 =	simm.s32 @!p1 $0x0  }
0xb1: {  	p2 =	sne.s32 @!p1 s2, $0x0;
	[sflag:s20] =	ssyncadd.s32 $0xFFFFF800;
	s0 =	smul.u32 @!p1 $0xAB, s31  }
0xb2: {  	s19 =	sshll.u32 @!p1 s31, $0xB;
	p2 =	por p1, p2;
	_ =	swait.ge [sflag:s21], $0x800  }
0xb3: {  	s9 =	sadd.s32 @!p1 s15, s19;
	s19 =	sand.u32 @!p1 $0x800, s19;
	s0 =	sshrl.u32 @!p1 s0, $0x9  }
0xb4: {  	[sflag:s21] =	ssyncset.done $0x0;
	s9 =	sshrl.u32 @!p1 s9, $0x3;
	s0 =	sand.u32 @!p1 $0x7F, s0  }
0xb5: {  	[sflag:s21] =	ssyncadd.s32 $0xFFFFF800;
	s10 =	sadd.s32 @!p1 s7, s9;
	s0 =	smul.u32 @!p1 $0x3, s0  }
0xb6: {  	[tilespmem:s19], [sflag:$0x5] =	stream.linear.gather @!p1 [hbm4b:s10+s3], $0x800, $0x38;
	[tilespmem:$0x1E800] =	vst v63  }
.Ltmp5:
0xb7: {  	s0 =	ssub.s32 @!p1 s31, s0;
	(pc) =	sbr.rel @p2 .LBB2_4-.Ltmp5, $4  }
0xb8: {  	s0 =	sand.u32 @!p1 $0xFF, s0  }
0xb9: {  	s0 =	sshll.u32 @!p1 s0, $0xB  }
0xba: {  	s9 =	sadd.s32 @!p1 s8, s9;
	s0 =	sadd.s32 @!p1 $0x1000, s0  }
0xbb: {  	[tilespmem:s0], [sflag:$0x6] =	stream.linear.gather @!p1 [hbm4b:s9+s3], $0x800, $0x38;
	[tilespmem:$0x1E800] =	vst v63  }
.Ltmp6:
0xbc: {  	(pc) =	sbr.rel .LBB2_5-.Ltmp6, $3  }
0xbd: {  	_ =	sdelay $0x1  }
0xbe: {  	s0 =	simm.s32 $0x0;
	s31 =	simm.s32 $0x1  }
0xbf: {  	[tilespmem:s23], [sflag:$0x1] =	stream.indirect.gather [hbm4b:s4+s22], $0x80, s0, s22, $0xb8;
	[tilespmem:$0x1E800] =	vst v63  }
.LBB2_8:
0xc0: {  	s0 =	simm.s32 $0x0;
	s19 =	simm.s32 $0x1  }
0xc1: {  	[tilespmem:s23], [sflag:$0x1] =	stream.indirect.gather [hbm4b:s5+s22], $0x80, s0, s22, $0xb8;
	[tilespmem:$0x1E800] =	vst v63  }
.LBB2_10:
0xc2: {  	s2 =	smul.u32 $0xAB, s31;
	_ =	sdelay $0x1  }
0xc3: {  	s2 =	sshrl.u32 s2, $0x9  }
0xc4: {  	s2 =	sand.u32 $0x7F, s2  }
0xc5: {  	s3 =	sadd.s32 $0x80, s0;
	s2 =	smul.u32 $0x3, s2  }
0xc6: {  	[tilespmem:s24], [sflag:$0x2] =	stream.indirect.gather [hbm4b:s5+s22], $0x80, s3, s22, $0xb8;
	[tilespmem:$0x1E800] =	vst v63  }
0xc7: {  	s2 =	ssub.s32 s31, s2  }
0xc8: {  	_ =	swait.ge [sflag:s25], $0x3E80;
	s2 =	sand.u32 $0xFF, s2  }
0xc9: {  	[sflag:s25] =	ssyncset.done $0x0;
	s2 =	sshll.u32 s2, $0xB  }
0xca: {  	[sflag:s25] =	ssyncadd.s32 $0xFFFFC180;
	s10 =	sadd.s32 $0x1000, s2  }
0xcb: {  	[spmem:s1] =	stream.indirect.scatter.add.f32 [tilespmem:s23], [sflag:$0x3], $0x80, s10, s22, $0xb8;
	[tilespmem:$0x1E800] =	vst v63  }
0xcc: {  	_ =	swait.ge [sflag:s26], $0x3E80  }
0xcd: {  	[sflag:s26] =	ssyncset.done $0x0  }
0xce: {  	s9 =	sadd.s32 $0x100, s0;
	[sflag:s26] =	ssyncadd.s32 $0xFFFFC180  }
0xcf: {  	[tilespmem:s23], [sflag:$0x1] =	stream.indirect.gather [hbm4b:s5+s22], $0x80, s9, s22, $0xb8;
	[tilespmem:$0x1E800] =	vst v63  }
0xd0: {  	_ =	swait.ge [sflag:s28], $0x3E80  }
0xd1: {  	[sflag:s28] =	ssyncset.done $0x0  }
0xd2: {  	s10 =	sadd.s32 $0x1080, s2;
	[sflag:s28] =	ssyncadd.s32 $0xFFFFC180  }
0xd3: {  	[spmem:s1] =	stream.indirect.scatter.add.f32 [tilespmem:s24], [sflag:$0x4], $0x80, s10, s22, $0xb8;
	[tilespmem:$0x1E800] =	vst v63  }
0xd4: {  	_ =	swait.ge [sflag:s29], $0x3E80  }
0xd5: {  	[sflag:s29] =	ssyncset.done $0x0  }
0xd6: {  	s9 =	sadd.s32 $0x180, s0;
	[sflag:s29] =	ssyncadd.s32 $0xFFFFC180  }
0xd7: {  	[tilespmem:s24], [sflag:$0x2] =	stream.indirect.gather [hbm4b:s5+s22], $0x80, s9, s22, $0xb8;
	[tilespmem:$0x1E800] =	vst v63  }
0xd8: {  	_ =	swait.ge [sflag:s25], $0x3E80  }
0xd9: {  	[sflag:s25] =	ssyncset.done $0x0  }
0xda: {  	s10 =	sadd.s32 $0x1100, s2;
	[sflag:s25] =	ssyncadd.s32 $0xFFFFC180  }
0xdb: {  	[spmem:s1] =	stream.indirect.scatter.add.f32 [tilespmem:s23], [sflag:$0x3], $0x80, s10, s22, $0xb8;
	[tilespmem:$0x1E800] =	vst v63  }
0xdc: {  	_ =	swait.ge [sflag:s26], $0x3E80  }
0xdd: {  	[sflag:s26] =	ssyncset.done $0x0  }
0xde: {  	s9 =	sadd.s32 $0x200, s0;
	[sflag:s26] =	ssyncadd.s32 $0xFFFFC180  }
0xdf: {  	[tilespmem:s23], [sflag:$0x1] =	stream.indirect.gather [hbm4b:s5+s22], $0x80, s9, s22, $0xb8;
	[tilespmem:$0x1E800] =	vst v63  }
0xe0: {  	_ =	swait.ge [sflag:s28], $0x3E80  }
0xe1: {  	[sflag:s28] =	ssyncset.done $0x0  }
0xe2: {  	s10 =	sadd.s32 $0x1180, s2;
	[sflag:s28] =	ssyncadd.s32 $0xFFFFC180  }
0xe3: {  	[spmem:s1] =	stream.indirect.scatter.add.f32 [tilespmem:s24], [sflag:$0x4], $0x80, s10, s22, $0xb8;
	[tilespmem:$0x1E800] =	vst v63  }
0xe4: {  	_ =	swait.ge [sflag:s29], $0x3E80  }
0xe5: {  	[sflag:s29] =	ssyncset.done $0x0  }
0xe6: {  	s9 =	sadd.s32 $0x280, s0;
	[sflag:s29] =	ssyncadd.s32 $0xFFFFC180  }
0xe7: {  	[tilespmem:s24], [sflag:$0x2] =	stream.indirect.gather [hbm4b:s5+s22], $0x80, s9, s22, $0xb8;
	[tilespmem:$0x1E800] =	vst v63  }
0xe8: {  	_ =	swait.ge [sflag:s25], $0x3E80  }
0xe9: {  	[sflag:s25] =	ssyncset.done $0x0  }
0xea: {  	s10 =	sadd.s32 $0x1200, s2;
	[sflag:s25] =	ssyncadd.s32 $0xFFFFC180  }
0xeb: {  	[spmem:s1] =	stream.indirect.scatter.add.f32 [tilespmem:s23], [sflag:$0x3], $0x80, s10, s22, $0xb8;
	[tilespmem:$0x1E800] =	vst v63  }
0xec: {  	_ =	swait.ge [sflag:s26], $0x3E80  }
0xed: {  	[sflag:s26] =	ssyncset.done $0x0  }
0xee: {  	s9 =	sadd.s32 $0x300, s0;
	[sflag:s26] =	ssyncadd.s32 $0xFFFFC180  }
0xef: {  	[tilespmem:s23], [sflag:$0x1] =	stream.indirect.gather [hbm4b:s5+s22], $0x80, s9, s22, $0xb8;
	[tilespmem:$0x1E800] =	vst v63  }
0xf0: {  	_ =	swait.ge [sflag:s28], $0x3E80  }
0xf1: {  	[sflag:s28] =	ssyncset.done $0x0  }
0xf2: {  	s10 =	sadd.s32 $0x1280, s2;
	[sflag:s28] =	ssyncadd.s32 $0xFFFFC180  }
0xf3: {  	[spmem:s1] =	stream.indirect.scatter.add.f32 [tilespmem:s24], [sflag:$0x4], $0x80, s10, s22, $0xb8;
	[tilespmem:$0x1E800] =	vst v63  }
0xf4: {  	_ =	swait.ge [sflag:s29], $0x3E80  }
0xf5: {  	[sflag:s29] =	ssyncset.done $0x0  }
0xf6: {  	s9 =	sadd.s32 $0x380, s0;
	[sflag:s29] =	ssyncadd.s32 $0xFFFFC180  }
0xf7: {  	[tilespmem:s24], [sflag:$0x2] =	stream.indirect.gather [hbm4b:s5+s22], $0x80, s9, s22, $0xb8;
	[tilespmem:$0x1E800] =	vst v63  }
0xf8: {  	_ =	swait.ge [sflag:s25], $0x3E80  }
0xf9: {  	[sflag:s25] =	ssyncset.done $0x0  }
0xfa: {  	s10 =	sadd.s32 $0x1300, s2;
	[sflag:s25] =	ssyncadd.s32 $0xFFFFC180  }
0xfb: {  	[spmem:s1] =	stream.indirect.scatter.add.f32 [tilespmem:s23], [sflag:$0x3], $0x80, s10, s22, $0xb8;
	[tilespmem:$0x1E800] =	vst v63  }
0xfc: {  	_ =	swait.ge [sflag:s26], $0x3E80  }
0xfd: {  	[sflag:s26] =	ssyncset.done $0x0  }
0xfe: {  	s9 =	sadd.s32 $0x400, s0;
	[sflag:s26] =	ssyncadd.s32 $0xFFFFC180  }
0xff: {  	[tilespmem:s23], [sflag:$0x1] =	stream.indirect.gather [hbm4b:s5+s22], $0x80, s9, s22, $0xb8;
	[tilespmem:$0x1E800] =	vst v63  }
0x100: {  	_ =	swait.ge [sflag:s28], $0x3E80  }
0x101: {  	[sflag:s28] =	ssyncset.done $0x0  }
0x102: {  	s10 =	sadd.s32 $0x1380, s2;
	[sflag:s28] =	ssyncadd.s32 $0xFFFFC180  }
0x103: {  	[spmem:s1] =	stream.indirect.scatter.add.f32 [tilespmem:s24], [sflag:$0x4], $0x80, s10, s22, $0xb8;
	[tilespmem:$0x1E800] =	vst v63  }
0x104: {  	_ =	swait.ge [sflag:s29], $0x3E80  }
0x105: {  	[sflag:s29] =	ssyncset.done $0x0  }
0x106: {  	s9 =	sadd.s32 $0x480, s0;
	[sflag:s29] =	ssyncadd.s32 $0xFFFFC180  }
0x107: {  	[tilespmem:s24], [sflag:$0x2] =	stream.indirect.gather [hbm4b:s5+s22], $0x80, s9, s22, $0xb8;
	[tilespmem:$0x1E800] =	vst v63  }
0x108: {  	_ =	swait.ge [sflag:s25], $0x3E80  }
0x109: {  	[sflag:s25] =	ssyncset.done $0x0  }
0x10a: {  	s10 =	sadd.s32 $0x1400, s2;
	[sflag:s25] =	ssyncadd.s32 $0xFFFFC180  }
0x10b: {  	[spmem:s1] =	stream.indirect.scatter.add.f32 [tilespmem:s23], [sflag:$0x3], $0x80, s10, s22, $0xb8;
	[tilespmem:$0x1E800] =	vst v63  }
0x10c: {  	_ =	swait.ge [sflag:s26], $0x3E80  }
0x10d: {  	[sflag:s26] =	ssyncset.done $0x0  }
0x10e: {  	s9 =	sadd.s32 $0x500, s0;
	[sflag:s26] =	ssyncadd.s32 $0xFFFFC180  }
0x10f: {  	[tilespmem:s23], [sflag:$0x1] =	stream.indirect.gather [hbm4b:s5+s22], $0x80, s9, s22, $0xb8;
	[tilespmem:$0x1E800] =	vst v63  }
0x110: {  	_ =	swait.ge [sflag:s28], $0x3E80  }
0x111: {  	[sflag:s28] =	ssyncset.done $0x0  }
0x112: {  	s10 =	sadd.s32 $0x1480, s2;
	[sflag:s28] =	ssyncadd.s32 $0xFFFFC180  }
0x113: {  	[spmem:s1] =	stream.indirect.scatter.add.f32 [tilespmem:s24], [sflag:$0x4], $0x80, s10, s22, $0xb8;
	[tilespmem:$0x1E800] =	vst v63  }
0x114: {  	_ =	swait.ge [sflag:s29], $0x3E80  }
0x115: {  	[sflag:s29] =	ssyncset.done $0x0  }
0x116: {  	s9 =	sadd.s32 $0x580, s0;
	[sflag:s29] =	ssyncadd.s32 $0xFFFFC180  }
0x117: {  	[tilespmem:s24], [sflag:$0x2] =	stream.indirect.gather [hbm4b:s5+s22], $0x80, s9, s22, $0xb8;
	[tilespmem:$0x1E800] =	vst v63  }
0x118: {  	_ =	swait.ge [sflag:s25], $0x3E80  }
0x119: {  	[sflag:s25] =	ssyncset.done $0x0  }
0x11a: {  	s10 =	sadd.s32 $0x1500, s2;
	[sflag:s25] =	ssyncadd.s32 $0xFFFFC180  }
0x11b: {  	[spmem:s1] =	stream.indirect.scatter.add.f32 [tilespmem:s23], [sflag:$0x3], $0x80, s10, s22, $0xb8;
	[tilespmem:$0x1E800] =	vst v63  }
0x11c: {  	_ =	swait.ge [sflag:s26], $0x3E80  }
0x11d: {  	[sflag:s26] =	ssyncset.done $0x0  }
0x11e: {  	s9 =	sadd.s32 $0x600, s0;
	[sflag:s26] =	ssyncadd.s32 $0xFFFFC180  }
0x11f: {  	[tilespmem:s23], [sflag:$0x1] =	stream.indirect.gather [hbm4b:s5+s22], $0x80, s9, s22, $0xb8;
	[tilespmem:$0x1E800] =	vst v63  }
0x120: {  	_ =	swait.ge [sflag:s28], $0x3E80  }
0x121: {  	[sflag:s28] =	ssyncset.done $0x0  }
0x122: {  	s10 =	sadd.s32 $0x1580, s2;
	[sflag:s28] =	ssyncadd.s32 $0xFFFFC180  }
0x123: {  	[spmem:s1] =	stream.indirect.scatter.add.f32 [tilespmem:s24], [sflag:$0x4], $0x80, s10, s22, $0xb8;
	[tilespmem:$0x1E800] =	vst v63  }
0x124: {  	_ =	swait.ge [sflag:s29], $0x3E80  }
0x125: {  	[sflag:s29] =	ssyncset.done $0x0  }
0x126: {  	s9 =	sadd.s32 $0x680, s0;
	[sflag:s29] =	ssyncadd.s32 $0xFFFFC180  }
0x127: {  	[tilespmem:s24], [sflag:$0x2] =	stream.indirect.gather [hbm4b:s5+s22], $0x80, s9, s22, $0xb8;
	[tilespmem:$0x1E800] =	vst v63  }
0x128: {  	_ =	swait.ge [sflag:s25], $0x3E80  }
0x129: {  	[sflag:s25] =	ssyncset.done $0x0  }
0x12a: {  	s10 =	sadd.s32 $0x1600, s2;
	[sflag:s25] =	ssyncadd.s32 $0xFFFFC180  }
0x12b: {  	[spmem:s1] =	stream.indirect.scatter.add.f32 [tilespmem:s23], [sflag:$0x3], $0x80, s10, s22, $0xb8;
	[tilespmem:$0x1E800] =	vst v63  }
0x12c: {  	_ =	swait.ge [sflag:s26], $0x3E80  }
0x12d: {  	[sflag:s26] =	ssyncset.done $0x0  }
0x12e: {  	s9 =	sadd.s32 $0x700, s0;
	[sflag:s26] =	ssyncadd.s32 $0xFFFFC180  }
0x12f: {  	[tilespmem:s23], [sflag:$0x1] =	stream.indirect.gather [hbm4b:s5+s22], $0x80, s9, s22, $0xb8;
	[tilespmem:$0x1E800] =	vst v63  }
0x130: {  	_ =	swait.ge [sflag:s28], $0x3E80  }
0x131: {  	[sflag:s28] =	ssyncset.done $0x0  }
0x132: {  	s10 =	sadd.s32 $0x1680, s2;
	[sflag:s28] =	ssyncadd.s32 $0xFFFFC180  }
0x133: {  	[spmem:s1] =	stream.indirect.scatter.add.f32 [tilespmem:s24], [sflag:$0x4], $0x80, s10, s22, $0xb8;
	[tilespmem:$0x1E800] =	vst v63  }
0x134: {  	_ =	swait.ge [sflag:s29], $0x3E80  }
0x135: {  	[sflag:s29] =	ssyncset.done $0x0  }
0x136: {  	s3 =	sadd.s32 $0x780, s0;
	[sflag:s29] =	ssyncadd.s32 $0xFFFFC180  }
0x137: {  	[tilespmem:s24], [sflag:$0x2] =	stream.indirect.gather [hbm4b:s5+s22], $0x80, s3, s22, $0xb8;
	[tilespmem:$0x1E800] =	vst v63  }
0x138: {  	_ =	swait.ge [sflag:s25], $0x3E80  }
0x139: {  	[sflag:s25] =	ssyncset.done $0x0  }
0x13a: {  	p1 =	sne.s32 s19, $0xA;
	s9 =	sadd.s32 $0x1700, s2;
	[sflag:s25] =	ssyncadd.s32 $0xFFFFC180  }
0x13b: {  	[spmem:s1] =	stream.indirect.scatter.add.f32 [tilespmem:s23], [sflag:$0x3], $0x80, s9, s22, $0xb8;
	[tilespmem:$0x1E800] =	vst v63  }
.Ltmp7:
0x13c: {  	_ = 	snop;
	(pc) =	sbr.rel @!p1 .LBB2_11-.Ltmp7, $4  }
0x13d: {  	_ =	swait.ge [sflag:s28], $0x3E80  }
0x13e: {  	[sflag:s28] =	ssyncset.done $0x0  }
0x13f: {  	s31 =	smov.u32 s19;
	s10 =	sadd.s32 $0x1780, s2;
	[sflag:s28] =	ssyncadd.s32 $0xFFFFC180  }
0x140: {  	[spmem:s1] =	stream.indirect.scatter.add.f32 [tilespmem:s24], [sflag:$0x4], $0x80, s10, s22, $0xb8;
	[tilespmem:$0x1E800] =	vst v63  }
.LBB2_7:
0x141: {  	_ =	swait.ge [sflag:s20], $0x800;
	p1 =	seq.s32 s31, $0x9  }
0x142: {  	[sflag:s20] =	ssyncset.done $0x0;
	s19 =	sadd.s32 @!p1 $0x1, s31;
	s10 =	simm.s32 @!p1 $0x0  }
0x143: {  	p2 =	sne.s32 @!p1 s31, $0x0;
	[sflag:s20] =	ssyncadd.s32 $0xFFFFF800;
	s0 =	smul.u32 @!p1 $0xAB, s19  }
0x144: {  	s2 =	sshll.u32 @!p1 s19, $0xB;
	p2 =	por p1, p2;
	_ =	swait.ge [sflag:s21], $0x800  }
0x145: {  	s3 =	sadd.s32 @!p1 s15, s2;
	s2 =	sand.u32 @!p1 $0x800, s2;
	s0 =	sshrl.u32 @!p1 s0, $0x9  }
0x146: {  	[sflag:s21] =	ssyncset.done $0x0;
	s3 =	sshrl.u32 @!p1 s3, $0x3;
	s0 =	sand.u32 @!p1 $0x7F, s0  }
0x147: {  	[sflag:s21] =	ssyncadd.s32 $0xFFFFF800;
	s9 =	sadd.s32 @!p1 s7, s3;
	s0 =	smul.u32 @!p1 $0x3, s0  }
0x148: {  	[tilespmem:s2], [sflag:$0x5] =	stream.linear.gather @!p1 [hbm4b:s9+s10], $0x800, $0x38;
	[tilespmem:$0x1E800] =	vst v63  }
.Ltmp8:
0x149: {  	s0 =	ssub.s32 @!p1 s19, s0;
	(pc) =	sbr.rel @!p2 .LBB2_8-.Ltmp8, $4  }
0x14a: {  	s0 =	sand.u32 @!p1 $0xFF, s0  }
0x14b: {  	s0 =	sshll.u32 @!p1 s0, $0xB  }
0x14c: {  	s2 =	sadd.s32 @!p1 s8, s3;
	s0 =	sadd.s32 @!p1 $0x1000, s0  }
0x14d: {  	[tilespmem:s0], [sflag:$0x6] =	stream.linear.gather @!p1 [hbm4b:s2+s10], $0x800, $0x38;
	[tilespmem:$0x1E800] =	vst v63  }
0x14e: {  	_ =	swait.ge [sflag:s26], $0x3E80  }
0x14f: {  	s0 =	sshll.u32 s31, $0xB;
	[sflag:s26] =	ssyncset.done $0x0  }
.Ltmp9:
0x150: {  	s0 =	sand.u32 $0x800, s0;
	[sflag:s26] =	ssyncadd.s32 $0xFFFFC180;
	(pc) =	sbr.rel .LBB2_10-.Ltmp9, $4  }
0x151: {  	[tilespmem:s23], [sflag:$0x1] =	stream.indirect.gather [hbm4b:s5+s22], $0x80, s0, s22, $0xb8;
	[tilespmem:$0x1E800] =	vst v63  }
0x152: {  	_ =	swait.ge [sflag:s29], $0x3E80  }
0x153: {  	[sflag:s29] =	ssyncset.done $0x0  }
0x154: {  	s19 =	simm.s32 @p1 $0xA;
	[sflag:s29] =	ssyncadd.s32 $0xFFFFC180  }
.LBB2_6:
.Ltmp10:
0x155: {  	(pc) =	sbr.rel .LBB2_12-.Ltmp10, $2  }
0x156: {  	_ =	sdelay $0x2  }
0x157: {  	s0 =	rddreg [dreg:$0x3]  }
.LBB2_13:
0x158: {  	_ =	sfence.sel $0x180000  }
0x159: {  	[bflag:$0x0] =	sbarrier.arrive $0xFFFF  }
0x15a: {  	_ =	strace $0x9000004A  }
0x15b: {  	s0 =	stileid.u32;
	[bflag:$0x2] =	sbarrier.arrive $0xFFFF  }
0x15c: {  	p0 =	sne.s32 s0, $0x0;
	s0 =	rddreg [dreg:$0x2]  }
0x15d: {  	s0 =	sadd.s32 @!p0 $0x100000, s0  }
0x15e: {  	[sflag:s0] =	ssyncadd.tile.s32 @!p0 $0x1;
	_ =	shalt  }
.Lfunc_end2:
_tile_overlayer_lowered:
.L_overlay_start_2:
0x15f: {  	(tag) =	ssettag $0x2  }
0x160: {  	s0 =	rddreg [dreg:$0x0];
	s2 =	stileid.u32  }
0x161: {  	s1 =	rddreg [dreg:$0x1];
	p0 =	sne.s32 s2, $0x0  }
0x162: {  	s3 =	rddreg [dreg:$0x2];
	[bflag:$0x3] =	sbarrier.arrive $0xFFFF;
	s2 =	simm.s32 @!p0 $0x1C07  }
0x163: {  	[timem:s3], [sflag:s2] =	dma.local @!p0 [hbm:s0], s1  }
0x164: {  	s0 =	simm.s32 @!p0 $0x7  }
0x165: {  	_ =	swait.ge @!p0 [sflag:s0], s1  }
0x166: {  	s1 =	ssub.s32 @!p0 $0x0, s1;
	[sflag:s0] =	ssyncset.done @!p0 $0x0  }
0x167: {  	[sflag:s0] =	ssyncadd.s32 @!p0 s1  }
0x168: {  	[bflag:$0x3] =	sbarrier.arrive $0xFFFF  }
0x169: {  	_ =	shalt  }

// kernel: kernel.14.cloned.1.call-start
scs
__scs_entry_jumppad:
0x0: {  	(pc) =	sbr.rel $0x88, $3  }
0x1: {  	(tag) =	ssettag $0x0;
	lr =	simm.s32 $0x1  }
0x2: {  	[smem:$0x3F9A] =	sst lr;
	_ =	strace $0xD0000000  }
0x3: {  	_ = 	snop  }
0x4: {  	_ = 	snop  }
0x5: {  	_ = 	snop  }
0x6: {  	_ = 	snop  }
0x7: {  	_ = 	snop  }
__scs_overlays_trampoline_lowered:
0x8: {  	[smem:$0x3FA9] =	sst s0  }
0x9: {  	[smem:$0x3FAA] =	sst s1  }
0xa: {  	[smem:$0x3FAB] =	sst s2  }
0xb: {  	[smem:$0x3FAC] =	sst s3  }
0xc: {  	[smem:$0x3FAD] =	sst s4  }
0xd: {  	[smem:$0x3FAE] =	sst s5  }
0xe: {  	[smem:$0x3FAF] =	sst s6  }
0xf: {  	[smem:$0x3FB0] =	sst s7  }
0x10: {  	[smem:$0x3FB1] =	sst s8  }
0x11: {  	[smem:$0x3FB2] =	sst s9;
	s0 =	simm.s32 @!p0 $0x0  }
0x12: {  	s1 =	sld [smem:$0x3F98];
	s0 =	simm.s32 @p0 $0x1  }
0x13: {  	[smem:$0x3FB3] =	sst s0;
	s0 =	simm.s32 @!p1 $0x0  }
0x14: {  	s2 =	sld [smem:$0x3F97];
	s0 =	simm.s32 @p1 $0x1  }
0x15: {  	[smem:$0x3FB4] =	sst s0;
	s0 =	simm.s32 @!p2 $0x0  }
0x16: {  	s3 =	sld [smem:$0x3FDB];
	s0 =	simm.s32 @p2 $0x1  }
0x17: {  	s4 =	simm.s32 $0x1BF5;
	[smem:$0x3FB6] =	sst s0  }
0x18: {  	s0 =	sld [smem:$0x3F99];
	_ =	swait.ge [sflag:s4], $0x0  }
0x19: {  	s7 =	sld [smem:$0x3F9A]  }
0x1a: {  	s8 =	sadd.s32 $0xFFFFE003, lr  }
0x1b: {  	s9 =	sadd.s32 $0xFFFFFEF7, lr;
	s5 =	simm.s32 $0xFFFFFFFF;
	p2 =	slt.u32 s8, $0xFFFFF086  }
0x1c: {  	p1 =	slt.u32 s9, $0xF7A;
	s5 =	simm.s32 @!p2 $0x0  }
0x1d: {  	s5 =	simm.s32 @p1 $0x1;
	p0 =	seq.s32 s7, s2  }
0x1e: {  	s7 =	smul.u32 @!p0 $0xF7A, s2;
	p2 =	seq.s32 @!p0 s5, $0x0  }
0x1f: {  	s9 =	smul.u32 $0xF7A, s1;
	s8 =	simm.s32 @!p0 $0x1BF5;
	p2 =	por !p2, p0  }
0x20: {  	[sflag:s8] =	ssyncset.s32 @!p0 $0xFFFFF086;
	s6 =	sadd.s32 @!p0 s3, s7;
	s7 =	simm.s32 @!p0 $0x108  }
0x21: {  	s3 =	sadd.s32 s3, s9;
	s6 =	sadd.s32 @!p0 $0x88, s6;
	s7 =	simm.s32 @p2 $0x1082  }
0x22: {  	[simem:s7], [sflag:s8] =	dma.local @!p0 [hbm:s6], $0xF7A  }
0x23: {  	s9 =	sor.u32 $0xD0000000, s2;
	s6 =	simm.s32 $0x108;
	_ =	swait.ge @!p0 [sflag:s8], $0x0  }
0x24: {  	s3 =	sadd.s32 $0x88, s3;
	s6 =	simm.s32 @!p1 $0x1082;
	[sflag:s4] =	ssyncset.s32 $0xFFFFF086  }
0x25: {  	[simem:s6], [sflag:s4] =	dma.local [hbm:s3], $0xF7A  }
0x26: {  	[smem:$0x3F9A] =	sst s1;
	(tag) =	ssettag s2;
	_ =	strace s9  }
0x27: {  	s1 =	sld [smem:$0x3FAA]  }
0x28: {  	s2 =	sld [smem:$0x3FAB]  }
0x29: {  	s4 =	sld [smem:$0x3FAD]  }
0x2a: {  	p0 =	seq.s32 s5, $0x0;
	s5 =	sld [smem:$0x3FAE]  }
0x2b: {  	s6 =	sld [smem:$0x3FAF]  }
0x2c: {  	s7 =	sld [smem:$0x3FB0]  }
0x2d: {  	s3 =	simm.s32 $0x108;
	s8 =	sld [smem:$0x3FB1]  }
0x2e: {  	s3 =	simm.s32 @!p0 $0x1082;
	s9 =	sld [smem:$0x3FB2]  }
0x2f: {  	lr =	sadd.s32 s0, s3;
	s0 =	sld [smem:$0x3FA9]  }
0x30: {  	s3 =	sld [smem:$0x3FAC]  }
0x31: {  	[smem:$0x3FB5] =	sst s10  }
0x32: {  	s10 =	sld [smem:$0x3FB3];
	_ =	sdelay $0x3  }
0x33: {  	p0 =	seq.s32 s10, $0x1;
	s10 =	sld [smem:$0x3FB5];
	_ =	sdelay $0x3  }
0x34: {  	[smem:$0x3FB5] =	sst s10  }
0x35: {  	s10 =	sld [smem:$0x3FB4];
	_ =	sdelay $0x3  }
0x36: {  	p1 =	seq.s32 s10, $0x1;
	s10 =	sld [smem:$0x3FB5];
	_ =	sdelay $0x3  }
0x37: {  	[smem:$0x3FB5] =	sst s10  }
0x38: {  	s10 =	sld [smem:$0x3FB6]  }
0x39: {  	_ = 	snop;
	(pc) =	sbr.ind lr, $3  }
0x3a: {  	_ = 	snop  }
0x3b: {  	_ = 	snop  }
0x3c: {  	p2 =	seq.s32 s10, $0x1;
	s10 =	sld [smem:$0x3FB5]  }
0x3d: {  	_ =	shalt  }
0x3e: {  	_ =	shalt  }
0x3f: {  	_ =	shalt  }
0x40: {  	_ =	shalt  }
0x41: {  	_ =	shalt  }
0x42: {  	_ =	shalt  }
0x43: {  	_ =	shalt  }
0x44: {  	_ =	shalt  }
0x45: {  	_ =	shalt  }
0x46: {  	_ =	shalt  }
0x47: {  	_ =	shalt  }
0x48: {  	_ =	shalt  }
0x49: {  	_ =	shalt  }
0x4a: {  	_ =	shalt  }
0x4b: {  	_ =	shalt  }
0x4c: {  	_ =	shalt  }
0x4d: {  	_ =	shalt  }
0x4e: {  	_ =	shalt  }
0x4f: {  	_ =	shalt  }
0x50: {  	_ =	shalt  }
0x51: {  	_ =	shalt  }
0x52: {  	_ =	shalt  }
0x53: {  	_ =	shalt  }
0x54: {  	_ =	shalt  }
0x55: {  	_ =	shalt  }
0x56: {  	_ =	shalt  }
0x57: {  	_ =	shalt  }
0x58: {  	_ =	shalt  }
0x59: {  	_ =	shalt  }
0x5a: {  	_ =	shalt  }
0x5b: {  	_ =	shalt  }
0x5c: {  	_ =	shalt  }
0x5d: {  	_ =	shalt  }
0x5e: {  	_ =	shalt  }
0x5f: {  	_ =	shalt  }
0x60: {  	_ =	shalt  }
0x61: {  	_ =	shalt  }
0x62: {  	_ =	shalt  }
0x63: {  	_ =	shalt  }
0x64: {  	_ =	shalt  }
0x65: {  	_ =	shalt  }
0x66: {  	_ =	shalt  }
0x67: {  	_ =	shalt  }
0x68: {  	_ =	shalt  }
0x69: {  	_ =	shalt  }
0x6a: {  	_ =	shalt  }
0x6b: {  	_ =	shalt  }
0x6c: {  	_ =	shalt  }
0x6d: {  	_ =	shalt  }
0x6e: {  	_ =	shalt  }
0x6f: {  	_ =	shalt  }
0x70: {  	_ =	shalt  }
0x71: {  	_ =	shalt  }
0x72: {  	_ =	shalt  }
0x73: {  	_ =	shalt  }
0x74: {  	_ =	shalt  }
0x75: {  	_ =	shalt  }
0x76: {  	_ =	shalt  }
0x77: {  	_ =	shalt  }
0x78: {  	_ =	shalt  }
0x79: {  	_ =	shalt  }
0x7a: {  	_ =	shalt  }
0x7b: {  	_ =	shalt  }
0x7c: {  	_ =	shalt  }
0x7d: {  	_ =	shalt  }
0x7e: {  	_ =	shalt  }
0x7f: {  	_ =	shalt  }
0x80: {  	_ =	shalt  }
0x81: {  	_ =	shalt  }
0x82: {  	_ =	shalt  }
0x83: {  	_ =	shalt  }
0x84: {  	_ =	shalt  }
0x85: {  	_ =	shalt  }
0x86: {  	_ =	shalt  }
0x87: {  	_ =	shalt  }
.Lfunc_end0:
.L_simem_size_0:
called_computation.2_lowered:
.L_overlay_start_0:
0x88: {  	s2 =	sld [smem:$0x3FD9]  }
0x89: {  	s3 =	sld [smem:$0x3FFE];
	_ =	sdelay $0x1  }
0x8a: {  	s1 =	srdreg.scid  }
0x8b: {  	s0 =	sand.u32 $0x1, s1  }
0x8c: {  	s17 =	sshll.u32 s0, $0xA;
	s2 =	sadd.s32 s3, s2  }
0x8d: {  	s2 =	sadd.s32 s2, s17  }
0x8e: {  	[smem:$0x3FC1] =	sst s2  }
0x8f: {  	_ = 	snop  }
0x90: {  	s2 =	sld [smem:$0x3FD0];
	(tm) =	ssettm $0x1  }
0x91: {  	s18 =	sld [smem:$0x3FFB];
	_ =	sdelay $0x3  }
0x92: {  	_ =	strace s18  }
0x93: {  	s3 =	sld [smem:$0x3FFC];
	_ =	sdelay $0x3  }
0x94: {  	_ =	strace s3  }
0x95: {  	s3 =	sld [smem:$0x3FFD];
	_ =	sdelay $0x3  }
0x96: {  	_ =	strace s3  }
0x97: {  	_ =	strace $0x8FFFFFFF  }
0x98: {  	s19 =	sld [smem:$0x3FDB];
	_ =	sdelay $0x1  }
0x99: {  	s4 =	simm.s32 $_scs_section_size  }
0x9a: {  	s5 =	simm.s32 $_size__tile_overlayer_lowered;
	s6 =	simm.s32 $_tile_overlayer_lowered  }
0x9b: {  	s22 =	simm.s32 $0x1BFF;
	s21 =	sshll.u32 s6, $0x1;
	s3 =	sadd.s32 s4, s19  }
0x9c: {  	s7 =	simm.s32 $0x0;
	s20 =	sshll.u32 s5, $0x1;
	s5 =	sadd.s32 s21, s3  }
0x9d: {  	[timem:s7], [sflag:s22] =	dma.local [hbm:s5], s20  }
0x9e: {  	_ =	swait.ge [sflag:s22], s20  }
0x9f: {  	s4 =	ssub.s32 $0x0, s20;
	[sflag:s22] =	ssyncset.done $0x0  }
0xa0: {  	[sflag:s22] =	ssyncadd.s32 s4;
	_ =	sdelay $0x1  }
0xa1: {  	s23 =	simm.s32 $0x1B8B  }
0xa2: {  	_ =	swait.ge [sflag:s23], $0x1  }
0xa3: {  	[sflag:s23] =	ssyncset.done $0x0  }
0xa4: {  	s25 =	simm.s32 $0x1B8E;
	s24 =	sld [smem:$0x3FFE];
	[sflag:s23] =	ssyncadd.s32 $0xFFFFFFFF  }
0xa5: {  	s26 =	simm.s32 $execute0_lowered;
	[smem:$0x3FD2] =	sst s25  }
0xa6: {  	s5 =	sshll.u32 s26, $0x1;
	_ =	strace $0x8000004C;
	[dreg:$0x1] =	wrdreg $0xFFFFFFFF  }
0xa7: {  	s28 =	simm.s32 $_size_execute0_lowered;
	s3 =	sadd.s32 s3, s5;
	[dreg:$0x0] =	wrdreg $0x0  }
0xa8: {  	s5 =	sshll.u32 s28, $0x1;
	[dreg:$0x2] =	wrdreg s3  }
0xa9: {  	[dreg:$0x3] =	wrdreg s5  }
0xaa: {  	[dreg:$0x4] =	wrdreg $0xC0  }
0xab: {  	_ =	task [dreg:s7], $0x5FFFF  }
0xac: {  	[dreg:$0x1] =	wrdreg $0xFFFFFFFF  }
0xad: {  	[dreg:$0x0] =	wrdreg $0x60  }
0xae: {  	[dreg:$0x2] =	wrdreg s24  }
0xaf: {  	[dreg:$0x3] =	wrdreg s2  }
0xb0: {  	[dreg:$0x4] =	wrdreg $0xA8000  }
0xb1: {  	[dreg:$0x5] =	wrdreg $0x9  }
0xb2: {  	_ =	task.clear_ibuf [dreg:s7], $0x6FFFF;
	_ =	strace $0x9000004C  }
0xb3: {  	s29 =	simm.s32 $0x9;
	_ =	strace $0x8000004E  }
0xb4: {  	_ =	swait.ge [sflag:s29], $0x1  }
0xb5: {  	[sflag:s29] =	ssyncadd.s32 $0xFFFFFFFF  }
0xb6: {  	_ =	strace $0x9000004E  }
0xb7: {  	_ =	sfence  }
0xb8: {  	s30 =	sld [smem:$0x0];
	_ =	sdelay $0x2  }
0xb9: {  	s31 =	sshll.u32 s1, $0xD;
	s1 =	sshrl.u32 s1, $0x2  }
0xba: {  	s3 =	sand.u32 $0x4000, s31;
	s1 =	sadd.s32 s1, s30  }
0xbb: {  	s0 =	sor.u32 s3, s0;
	s1 =	sshll.u32 s1, $0x11  }
0xbc: {  	s0 =	sor.u32 s1, s0  }
0xbd: {  	s0 =	sadd.s32 $0x8F2B, s0  }
0xbe: {  	[sflag:s0] =	ssyncadd.remote.s32 $0x1  }
0xbf: {  	_ =	sfence.sel $0xFFFF  }
0xc0: {  	[dreg:$0x0] =	wrdreg $0xFFFFFFFF;
	(pc) =	sbr.abs _section_cstart, $3  }
0xc1: {  	[dreg:$0x1] =	wrdreg $0xFFFFFFFF  }
0xc2: {  	_ =	task.clear_ibuf [dreg:s7], $0x2FFFF;
	_ =	strace $0x9FFFFFFF  }
0xc3: {  	(tm) =	ssettm $0x7FFFFFFF  }
tec
execute0_lowered:
.L_overlay_start_1:
0x0: {  	(tag) =	ssettag $0x1  }
0x1: {  	s7 =	rddreg [dreg:$0x0]  }
0x2: {  	s1 =	rddreg [dreg:$0x1]  }
0x3: {  	s2 =	rddreg [dreg:$0x2];
	s3 =	simm.s32 $0x0;
	s6 =	srdreg.scid  }
0x4: {  	s0 =	stileid.u32;
	s17 =	simm.s32 $0x5;
	s18 =	simm.s32 $0x6  }
0x5: {  	s19 =	simm.s32 $0x7D;
	s20 =	simm.s32 $0x2800;
	s21 =	simm.s32 $0x6800  }
0x6: {  	s22 =	simm.s32 $0x1;
	s23 =	simm.s32 $0x3;
	s24 =	simm.s32 $0x2  }
0x7: {  	s25 =	simm.s32 $0x4;
	s26 =	simm.s32 $0x0;
	[smem:$0x7FF] =	sst s3  }
0x8: {  	s5 =	sadd.s32 $0xC000, s7;
	s10 =	sand.u32 $0x1, s6;
	s8 =	smul.u32 $0x2800, s0  }
0x9: {  	s6 =	sadd.s32 $0x2000, s7;
	s12 =	smul.u32 $0x50000, s0;
	s30 =	sshll.u32 s0, $0x6  }
0xa: {  	_ =	strace $0x8000004D;
	s9 =	ssub.s32 $0x2, s10;
	s13 =	sshll.u32 s10, $0x4  }
0xb: {  	p0 =	seq.s32 s10, $0x1;
	s11 =	sshrl.u32 s9, $0x1;
	s14 =	sadd.s32 s8, s7  }
0xc: {  	s28 =	sor.u32 s0, s13;
	s29 =	sshrl.u32 s12, $0x2;
	s8 =	sor.u32 $0x1C07, s30  }
.Ltmp0:
0xd: {  	s13 =	simm.s32 $0x98600;
	s15 =	ssub.s32 s9, s11;
	(pc) =	sbr.rel .LBB2_1-.Ltmp0, $4  }
0xe: {  	s31 =	smul.u32 $0x500, s28;
	s16 =	sadd.s32 s29, s2;
	s7 =	sadd.s32 $0x70600, s14  }
0xf: {  	s11 =	smul.u32 $0x2800, s28;
	s13 =	simm.s32 @!p0 $0x34000;
	s12 =	smax.u32 s15, $0x1  }
0x10: {  	s13 =	sadd.s32 s13, s14;
	s14 =	sshrl.u32 s16, $0x3;
	s15 =	simm.s32 $0x7  }
0x11: {  	s16 =	simm.s32 $0x1000;
	s9 =	sadd.s32 s1, s31;
	s10 =	sadd.s32 s6, s31  }
.LBB2_6:
0x12: {  	_ =	swait.ge [sflag:s23], $0x3E80  }
0x13: {  	[sflag:s23] =	ssyncset.done $0x0  }
0x14: {  	[sflag:s23] =	ssyncadd.s32 $0xFFFFC180  }
0x15: {  	_ =	swait.ge [sflag:s25], $0x3E80  }
0x16: {  	s26 =	sadd.s32 $0x1, s26;
	[sflag:s25] =	ssyncset.done $0x0  }
0x17: {  	p0 =	sne.s32 s26, s12;
	[sflag:s25] =	ssyncadd.s32 $0xFFFFC180  }
.Ltmp1:
0x18: {  	[bflag:$0x0] =	sbarrier.arrive $0xFFFF;
	(pc) =	sbr.rel @!p0 .LBB2_7-.Ltmp1, $4  }
0x19: {  	[hbm:s13], [sflag:s8] =	dma.local [spmem:s14], $0x2800  }
0x1a: {  	_ =	swait.ge [sflag:s15], $0x2800  }
0x1b: {  	[sflag:s15] =	ssyncset.done $0x0  }
0x1c: {  	[sflag:s15] =	ssyncadd.s32 $0xFFFFD800  }
.LBB2_1:
0x1d: {  	[spmem:s14], [sflag:s8] =	dma.local [hbm:s7], $0x2800  }
0x1e: {  	_ =	swait.ge [sflag:s15], $0x2800  }
0x1f: {  	[sflag:s15] =	ssyncset.done $0x0  }
.Ltmp2:
0x20: {  	[sflag:s15] =	ssyncadd.s32 $0xFFFFD800;
	(pc) =	sbr.rel .LBB2_2-.Ltmp2, $4  }
0x21: {  	[bflag:$0x0] =	sbarrier.arrive $0xFFFF  }
0x22: {  	[tilespmem:s3], [sflag:$0x5] =	stream.linear.gather [hbm4b:s9+s3], $0x800, $0x38;
	[tilespmem:$0x1E800] =	vst v63  }
0x23: {  	s30 =	simm.s32 $0x0  }
0x24: {  	[tilespmem:s16], [sflag:$0x6] =	stream.linear.gather [hbm4b:s10+s3], $0x800, $0x38;
	[tilespmem:$0x1E800] =	vst v63  }
.LBB2_4:
0x25: {  	_ =	swait.ge [sflag:s23], $0x3E80  }
0x26: {  	s31 =	sshll.u32 s30, $0xB;
	[sflag:s23] =	ssyncset.done $0x0  }
0x27: {  	s29 =	sand.u32 $0x800, s31;
	[sflag:s23] =	ssyncadd.s32 $0xFFFFC180  }
0x28: {  	[tilespmem:s20], [sflag:$0x1] =	stream.indirect.gather [hbm4b:s5+s19], $0x80, s29, s19, $0xb8;
	[tilespmem:$0x1E800] =	vst v63  }
0x29: {  	_ =	swait.ge [sflag:s25], $0x3E80  }
0x2a: {  	[sflag:s25] =	ssyncset.done $0x0  }
0x2b: {  	s28 =	simm.s32 @p0 $0x5;
	[sflag:s25] =	ssyncadd.s32 $0xFFFFC180  }
.LBB2_5:
0x2c: {  	s0 =	sadd.s32 $0x80, s29  }
0x2d: {  	[tilespmem:s21], [sflag:$0x2] =	stream.indirect.gather [hbm4b:s5+s19], $0x80, s0, s19, $0xb8;
	[tilespmem:$0x1E800] =	vst v63  }
0x2e: {  	p0 =	slt.u32 s30, $0x3;
	s30 =	sadd.s32 $0xFFFFE800, s31;
	_ =	swait.ge [sflag:s22], $0x3E80  }
0x2f: {  	s30 =	smov.u32 @p0 s31;
	[sflag:s22] =	ssyncset.done $0x0  }
0x30: {  	s31 =	sadd.s32 $0x1000, s30;
	[sflag:s22] =	ssyncadd.s32 $0xFFFFC180  }
0x31: {  	[spmem:s2] =	stream.indirect.scatter.add.f32 [tilespmem:s20], [sflag:$0x3], $0x80, s31, s19, $0xb8;
	[tilespmem:$0x1E800] =	vst v63  }
0x32: {  	_ =	swait.ge [sflag:s23], $0x3E80  }
0x33: {  	[sflag:s23] =	ssyncset.done $0x0  }
0x34: {  	s4 =	sadd.s32 $0x100, s29;
	[sflag:s23] =	ssyncadd.s32 $0xFFFFC180  }
0x35: {  	[tilespmem:s20], [sflag:$0x1] =	stream.indirect.gather [hbm4b:s5+s19], $0x80, s4, s19, $0xb8;
	[tilespmem:$0x1E800] =	vst v63  }
0x36: {  	_ =	swait.ge [sflag:s24], $0x3E80  }
0x37: {  	[sflag:s24] =	ssyncset.done $0x0  }
0x38: {  	s31 =	sadd.s32 $0x1080, s30;
	[sflag:s24] =	ssyncadd.s32 $0xFFFFC180  }
0x39: {  	[spmem:s2] =	stream.indirect.scatter.add.f32 [tilespmem:s21], [sflag:$0x4], $0x80, s31, s19, $0xb8;
	[tilespmem:$0x1E800] =	vst v63  }
0x3a: {  	_ =	swait.ge [sflag:s25], $0x3E80  }
0x3b: {  	[sflag:s25] =	ssyncset.done $0x0  }
0x3c: {  	s4 =	sadd.s32 $0x180, s29;
	[sflag:s25] =	ssyncadd.s32 $0xFFFFC180  }
0x3d: {  	[tilespmem:s21], [sflag:$0x2] =	stream.indirect.gather [hbm4b:s5+s19], $0x80, s4, s19, $0xb8;
	[tilespmem:$0x1E800] =	vst v63  }
0x3e: {  	_ =	swait.ge [sflag:s22], $0x3E80  }
0x3f: {  	[sflag:s22] =	ssyncset.done $0x0  }
0x40: {  	s31 =	sadd.s32 $0x1100, s30;
	[sflag:s22] =	ssyncadd.s32 $0xFFFFC180  }
0x41: {  	[spmem:s2] =	stream.indirect.scatter.add.f32 [tilespmem:s20], [sflag:$0x3], $0x80, s31, s19, $0xb8;
	[tilespmem:$0x1E800] =	vst v63  }
0x42: {  	_ =	swait.ge [sflag:s23], $0x3E80  }
0x43: {  	[sflag:s23] =	ssyncset.done $0x0  }
0x44: {  	s4 =	sadd.s32 $0x200, s29;
	[sflag:s23] =	ssyncadd.s32 $0xFFFFC180  }
0x45: {  	[tilespmem:s20], [sflag:$0x1] =	stream.indirect.gather [hbm4b:s5+s19], $0x80, s4, s19, $0xb8;
	[tilespmem:$0x1E800] =	vst v63  }
0x46: {  	_ =	swait.ge [sflag:s24], $0x3E80  }
0x47: {  	[sflag:s24] =	ssyncset.done $0x0  }
0x48: {  	s31 =	sadd.s32 $0x1180, s30;
	[sflag:s24] =	ssyncadd.s32 $0xFFFFC180  }
0x49: {  	[spmem:s2] =	stream.indirect.scatter.add.f32 [tilespmem:s21], [sflag:$0x4], $0x80, s31, s19, $0xb8;
	[tilespmem:$0x1E800] =	vst v63  }
0x4a: {  	_ =	swait.ge [sflag:s25], $0x3E80  }
0x4b: {  	[sflag:s25] =	ssyncset.done $0x0  }
0x4c: {  	s4 =	sadd.s32 $0x280, s29;
	[sflag:s25] =	ssyncadd.s32 $0xFFFFC180  }
0x4d: {  	[tilespmem:s21], [sflag:$0x2] =	stream.indirect.gather [hbm4b:s5+s19], $0x80, s4, s19, $0xb8;
	[tilespmem:$0x1E800] =	vst v63  }
0x4e: {  	_ =	swait.ge [sflag:s22], $0x3E80  }
0x4f: {  	[sflag:s22] =	ssyncset.done $0x0  }
0x50: {  	s31 =	sadd.s32 $0x1200, s30;
	[sflag:s22] =	ssyncadd.s32 $0xFFFFC180  }
0x51: {  	[spmem:s2] =	stream.indirect.scatter.add.f32 [tilespmem:s20], [sflag:$0x3], $0x80, s31, s19, $0xb8;
	[tilespmem:$0x1E800] =	vst v63  }
0x52: {  	_ =	swait.ge [sflag:s23], $0x3E80  }
0x53: {  	[sflag:s23] =	ssyncset.done $0x0  }
0x54: {  	s4 =	sadd.s32 $0x300, s29;
	[sflag:s23] =	ssyncadd.s32 $0xFFFFC180  }
0x55: {  	[tilespmem:s20], [sflag:$0x1] =	stream.indirect.gather [hbm4b:s5+s19], $0x80, s4, s19, $0xb8;
	[tilespmem:$0x1E800] =	vst v63  }
0x56: {  	_ =	swait.ge [sflag:s24], $0x3E80  }
0x57: {  	[sflag:s24] =	ssyncset.done $0x0  }
0x58: {  	s31 =	sadd.s32 $0x1280, s30;
	[sflag:s24] =	ssyncadd.s32 $0xFFFFC180  }
0x59: {  	[spmem:s2] =	stream.indirect.scatter.add.f32 [tilespmem:s21], [sflag:$0x4], $0x80, s31, s19, $0xb8;
	[tilespmem:$0x1E800] =	vst v63  }
0x5a: {  	_ =	swait.ge [sflag:s25], $0x3E80  }
0x5b: {  	[sflag:s25] =	ssyncset.done $0x0  }
0x5c: {  	s4 =	sadd.s32 $0x380, s29;
	[sflag:s25] =	ssyncadd.s32 $0xFFFFC180  }
0x5d: {  	[tilespmem:s21], [sflag:$0x2] =	stream.indirect.gather [hbm4b:s5+s19], $0x80, s4, s19, $0xb8;
	[tilespmem:$0x1E800] =	vst v63  }
0x5e: {  	_ =	swait.ge [sflag:s22], $0x3E80  }
0x5f: {  	[sflag:s22] =	ssyncset.done $0x0  }
0x60: {  	s31 =	sadd.s32 $0x1300, s30;
	[sflag:s22] =	ssyncadd.s32 $0xFFFFC180  }
0x61: {  	[spmem:s2] =	stream.indirect.scatter.add.f32 [tilespmem:s20], [sflag:$0x3], $0x80, s31, s19, $0xb8;
	[tilespmem:$0x1E800] =	vst v63  }
0x62: {  	_ =	swait.ge [sflag:s23], $0x3E80  }
0x63: {  	[sflag:s23] =	ssyncset.done $0x0  }
0x64: {  	s4 =	sadd.s32 $0x400, s29;
	[sflag:s23] =	ssyncadd.s32 $0xFFFFC180  }
0x65: {  	[tilespmem:s20], [sflag:$0x1] =	stream.indirect.gather [hbm4b:s5+s19], $0x80, s4, s19, $0xb8;
	[tilespmem:$0x1E800] =	vst v63  }
0x66: {  	_ =	swait.ge [sflag:s24], $0x3E80  }
0x67: {  	[sflag:s24] =	ssyncset.done $0x0  }
0x68: {  	s31 =	sadd.s32 $0x1380, s30;
	[sflag:s24] =	ssyncadd.s32 $0xFFFFC180  }
0x69: {  	[spmem:s2] =	stream.indirect.scatter.add.f32 [tilespmem:s21], [sflag:$0x4], $0x80, s31, s19, $0xb8;
	[tilespmem:$0x1E800] =	vst v63  }
0x6a: {  	_ =	swait.ge [sflag:s25], $0x3E80  }
0x6b: {  	[sflag:s25] =	ssyncset.done $0x0  }
0x6c: {  	s4 =	sadd.s32 $0x480, s29;
	[sflag:s25] =	ssyncadd.s32 $0xFFFFC180  }
0x6d: {  	[tilespmem:s21], [sflag:$0x2] =	stream.indirect.gather [hbm4b:s5+s19], $0x80, s4, s19, $0xb8;
	[tilespmem:$0x1E800] =	vst v63  }
0x6e: {  	_ =	swait.ge [sflag:s22], $0x3E80  }
0x6f: {  	[sflag:s22] =	ssyncset.done $0x0  }
0x70: {  	s31 =	sadd.s32 $0x1400, s30;
	[sflag:s22] =	ssyncadd.s32 $0xFFFFC180  }
0x71: {  	[spmem:s2] =	stream.indirect.scatter.add.f32 [tilespmem:s20], [sflag:$0x3], $0x80, s31, s19, $0xb8;
	[tilespmem:$0x1E800] =	vst v63  }
0x72: {  	_ =	swait.ge [sflag:s23], $0x3E80  }
0x73: {  	[sflag:s23] =	ssyncset.done $0x0  }
0x74: {  	s4 =	sadd.s32 $0x500, s29;
	[sflag:s23] =	ssyncadd.s32 $0xFFFFC180  }
0x75: {  	[tilespmem:s20], [sflag:$0x1] =	stream.indirect.gather [hbm4b:s5+s19], $0x80, s4, s19, $0xb8;
	[tilespmem:$0x1E800] =	vst v63  }
0x76: {  	_ =	swait.ge [sflag:s24], $0x3E80  }
0x77: {  	[sflag:s24] =	ssyncset.done $0x0  }
0x78: {  	s31 =	sadd.s32 $0x1480, s30;
	[sflag:s24] =	ssyncadd.s32 $0xFFFFC180  }
0x79: {  	[spmem:s2] =	stream.indirect.scatter.add.f32 [tilespmem:s21], [sflag:$0x4], $0x80, s31, s19, $0xb8;
	[tilespmem:$0x1E800] =	vst v63  }
0x7a: {  	_ =	swait.ge [sflag:s25], $0x3E80  }
0x7b: {  	[sflag:s25] =	ssyncset.done $0x0  }
0x7c: {  	s4 =	sadd.s32 $0x580, s29;
	[sflag:s25] =	ssyncadd.s32 $0xFFFFC180  }
0x7d: {  	[tilespmem:s21], [sflag:$0x2] =	stream.indirect.gather [hbm4b:s5+s19], $0x80, s4, s19, $0xb8;
	[tilespmem:$0x1E800] =	vst v63  }
0x7e: {  	_ =	swait.ge [sflag:s22], $0x3E80  }
0x7f: {  	[sflag:s22] =	ssyncset.done $0x0  }
0x80: {  	s31 =	sadd.s32 $0x1500, s30;
	[sflag:s22] =	ssyncadd.s32 $0xFFFFC180  }
0x81: {  	[spmem:s2] =	stream.indirect.scatter.add.f32 [tilespmem:s20], [sflag:$0x3], $0x80, s31, s19, $0xb8;
	[tilespmem:$0x1E800] =	vst v63  }
0x82: {  	_ =	swait.ge [sflag:s23], $0x3E80  }
0x83: {  	[sflag:s23] =	ssyncset.done $0x0  }
0x84: {  	s4 =	sadd.s32 $0x600, s29;
	[sflag:s23] =	ssyncadd.s32 $0xFFFFC180  }
0x85: {  	[tilespmem:s20], [sflag:$0x1] =	stream.indirect.gather [hbm4b:s5+s19], $0x80, s4, s19, $0xb8;
	[tilespmem:$0x1E800] =	vst v63  }
0x86: {  	_ =	swait.ge [sflag:s24], $0x3E80  }
0x87: {  	[sflag:s24] =	ssyncset.done $0x0  }
0x88: {  	s31 =	sadd.s32 $0x1580, s30;
	[sflag:s24] =	ssyncadd.s32 $0xFFFFC180  }
0x89: {  	[spmem:s2] =	stream.indirect.scatter.add.f32 [tilespmem:s21], [sflag:$0x4], $0x80, s31, s19, $0xb8;
	[tilespmem:$0x1E800] =	vst v63  }
0x8a: {  	_ =	swait.ge [sflag:s25], $0x3E80  }
0x8b: {  	[sflag:s25] =	ssyncset.done $0x0  }
0x8c: {  	s4 =	sadd.s32 $0x680, s29;
	[sflag:s25] =	ssyncadd.s32 $0xFFFFC180  }
0x8d: {  	[tilespmem:s21], [sflag:$0x2] =	stream.indirect.gather [hbm4b:s5+s19], $0x80, s4, s19, $0xb8;
	[tilespmem:$0x1E800] =	vst v63  }
0x8e: {  	_ =	swait.ge [sflag:s22], $0x3E80  }
0x8f: {  	[sflag:s22] =	ssyncset.done $0x0  }
0x90: {  	s31 =	sadd.s32 $0x1600, s30;
	[sflag:s22] =	ssyncadd.s32 $0xFFFFC180  }
0x91: {  	[spmem:s2] =	stream.indirect.scatter.add.f32 [tilespmem:s20], [sflag:$0x3], $0x80, s31, s19, $0xb8;
	[tilespmem:$0x1E800] =	vst v63  }
0x92: {  	_ =	swait.ge [sflag:s23], $0x3E80  }
0x93: {  	[sflag:s23] =	ssyncset.done $0x0  }
0x94: {  	s4 =	sadd.s32 $0x700, s29;
	[sflag:s23] =	ssyncadd.s32 $0xFFFFC180  }
0x95: {  	[tilespmem:s20], [sflag:$0x1] =	stream.indirect.gather [hbm4b:s5+s19], $0x80, s4, s19, $0xb8;
	[tilespmem:$0x1E800] =	vst v63  }
0x96: {  	_ =	swait.ge [sflag:s24], $0x3E80  }
0x97: {  	[sflag:s24] =	ssyncset.done $0x0  }
0x98: {  	s31 =	sadd.s32 $0x1680, s30;
	[sflag:s24] =	ssyncadd.s32 $0xFFFFC180  }
0x99: {  	[spmem:s2] =	stream.indirect.scatter.add.f32 [tilespmem:s21], [sflag:$0x4], $0x80, s31, s19, $0xb8;
	[tilespmem:$0x1E800] =	vst v63  }
0x9a: {  	_ =	swait.ge [sflag:s25], $0x3E80  }
0x9b: {  	[sflag:s25] =	ssyncset.done $0x0  }
0x9c: {  	s4 =	sadd.s32 $0x780, s29;
	[sflag:s25] =	ssyncadd.s32 $0xFFFFC180  }
0x9d: {  	[tilespmem:s21], [sflag:$0x2] =	stream.indirect.gather [hbm4b:s5+s19], $0x80, s4, s19, $0xb8;
	[tilespmem:$0x1E800] =	vst v63  }
0x9e: {  	_ =	swait.ge [sflag:s22], $0x3E80  }
0x9f: {  	[sflag:s22] =	ssyncset.done $0x0  }
0xa0: {  	p0 =	sne.s32 s28, $0x5;
	s29 =	sadd.s32 $0x1700, s30;
	[sflag:s22] =	ssyncadd.s32 $0xFFFFC180  }
0xa1: {  	[spmem:s2] =	stream.indirect.scatter.add.f32 [tilespmem:s20], [sflag:$0x3], $0x80, s29, s19, $0xb8;
	[tilespmem:$0x1E800] =	vst v63  }
.Ltmp3:
0xa2: {  	_ = 	snop;
	(pc) =	sbr.rel @!p0 .LBB2_6-.Ltmp3, $4  }
0xa3: {  	_ =	swait.ge [sflag:s24], $0x3E80  }
0xa4: {  	[sflag:s24] =	ssyncset.done $0x0  }
0xa5: {  	s31 =	sadd.s32 $0x1780, s30;
	s30 =	smov.u32 s28;
	[sflag:s24] =	ssyncadd.s32 $0xFFFFC180  }
0xa6: {  	[spmem:s2] =	stream.indirect.scatter.add.f32 [tilespmem:s21], [sflag:$0x4], $0x80, s31, s19, $0xb8;
	[tilespmem:$0x1E800] =	vst v63  }
.LBB2_2:
0xa7: {  	_ =	swait.ge [sflag:s17], $0x800;
	p0 =	seq.s32 s30, $0x4  }
0xa8: {  	[sflag:s17] =	ssyncset.done $0x0;
	s28 =	sadd.s32 @!p0 $0x1, s30  }
0xa9: {  	[sflag:s17] =	ssyncadd.s32 $0xFFFFF800;
	s29 =	sshll.u32 @!p0 s28, $0xB  }
0xaa: {  	s4 =	simm.s32 @!p0 $0x0;
	_ =	swait.ge [sflag:s18], $0x800;
	s31 =	sadd.s32 @!p0 s11, s29  }
0xab: {  	p1 =	slt.u32 @!p0 s30, $0x2;
	[sflag:s18] =	ssyncset.done $0x0;
	s31 =	sshrl.u32 @!p0 s31, $0x3  }
0xac: {  	s29 =	sand.u32 @!p0 $0x800, s29;
	[sflag:s18] =	ssyncadd.s32 $0xFFFFF800;
	s0 =	sadd.s32 @!p0 s1, s31  }
0xad: {  	[tilespmem:s29], [sflag:$0x5] =	stream.linear.gather @!p0 [hbm4b:s0+s4], $0x800, $0x38;
	[tilespmem:$0x1E800] =	vst v63  }
0xae: {  	p1 =	por !p1, p0;
	s0 =	sadd.s32 @!p0 $0xFFFFFFFE, s30;
	s29 =	smov.u32 s28  }
0xaf: {  	s29 =	smov.u32 @p1 s0;
	p1 =	sne.s32 @!p0 s30, $0x0  }
0xb0: {  	p1 =	por p0, p1  }
.Ltmp4:
0xb1: {  	_ = 	snop;
	(pc) =	sbr.rel @p1 .LBB2_4-.Ltmp4, $4  }
0xb2: {  	s0 =	sshll.u32 @!p0 s29, $0xB  }
0xb3: {  	s0 =	sand.u32 @!p0 $0x3FFFF800, s0  }
0xb4: {  	s29 =	sadd.s32 @!p0 s6, s31;
	s0 =	sadd.s32 @!p0 $0x1000, s0  }
0xb5: {  	[tilespmem:s0], [sflag:$0x6] =	stream.linear.gather @!p0 [hbm4b:s29+s4], $0x800, $0x38;
	[tilespmem:$0x1E800] =	vst v63  }
.Ltmp5:
0xb6: {  	(pc) =	sbr.rel .LBB2_5-.Ltmp5, $3  }
0xb7: {  	_ =	sdelay $0x1  }
0xb8: {  	s31 =	simm.s32 $0x0;
	s28 =	simm.s32 $0x1;
	s29 =	simm.s32 $0x0  }
0xb9: {  	[tilespmem:s20], [sflag:$0x1] =	stream.indirect.gather [hbm4b:s5+s19], $0x80, s31, s19, $0xb8;
	[tilespmem:$0x1E800] =	vst v63  }
.LBB2_7:
0xba: {  	_ =	sfence.sel $0x180000  }
0xbb: {  	[bflag:$0x0] =	sbarrier.arrive $0xFFFF  }
0xbc: {  	_ =	strace $0x9000004D  }
0xbd: {  	s0 =	stileid.u32;
	[bflag:$0x2] =	sbarrier.arrive $0xFFFF  }
0xbe: {  	p0 =	sne.s32 s0, $0x0;
	s0 =	rddreg [dreg:$0x3]  }
0xbf: {  	s0 =	sadd.s32 @!p0 $0x100000, s0  }
0xc0: {  	[sflag:s0] =	ssyncadd.tile.s32 @!p0 $0x1;
	_ =	shalt  }
.Lfunc_end2:
_tile_overlayer_lowered:
.L_overlay_start_2:
0xc1: {  	(tag) =	ssettag $0x2  }
0xc2: {  	s0 =	rddreg [dreg:$0x0];
	s2 =	stileid.u32  }
0xc3: {  	s1 =	rddreg [dreg:$0x1];
	p0 =	sne.s32 s2, $0x0  }
0xc4: {  	s3 =	rddreg [dreg:$0x2];
	[bflag:$0x3] =	sbarrier.arrive $0xFFFF;
	s2 =	simm.s32 @!p0 $0x1C07  }
0xc5: {  	[timem:s3], [sflag:s2] =	dma.local @!p0 [hbm:s0], s1  }
0xc6: {  	s0 =	simm.s32 @!p0 $0x7  }
0xc7: {  	_ =	swait.ge @!p0 [sflag:s0], s1  }
0xc8: {  	s1 =	ssub.s32 @!p0 $0x0, s1;
	[sflag:s0] =	ssyncset.done @!p0 $0x0  }
0xc9: {  	[sflag:s0] =	ssyncadd.s32 @!p0 s1  }
0xca: {  	[bflag:$0x3] =	sbarrier.arrive $0xFFFF  }
0xcb: {  	_ =	shalt  }

// kernel: kernel.8.cloned.1.call-start
scs
__scs_entry_jumppad:
0x0: {  	(pc) =	sbr.rel $0x88, $3  }
0x1: {  	(tag) =	ssettag $0x0;
	lr =	simm.s32 $0x1  }
0x2: {  	[smem:$0x3F9A] =	sst lr;
	_ =	strace $0xD0000000  }
0x3: {  	_ = 	snop  }
0x4: {  	_ = 	snop  }
0x5: {  	_ = 	snop  }
0x6: {  	_ = 	snop  }
0x7: {  	_ = 	snop  }
__scs_overlays_trampoline_lowered:
0x8: {  	[smem:$0x3FA9] =	sst s0  }
0x9: {  	[smem:$0x3FAA] =	sst s1  }
0xa: {  	[smem:$0x3FAB] =	sst s2  }
0xb: {  	[smem:$0x3FAC] =	sst s3  }
0xc: {  	[smem:$0x3FAD] =	sst s4  }
0xd: {  	[smem:$0x3FAE] =	sst s5  }
0xe: {  	[smem:$0x3FAF] =	sst s6  }
0xf: {  	[smem:$0x3FB0] =	sst s7  }
0x10: {  	[smem:$0x3FB1] =	sst s8  }
0x11: {  	[smem:$0x3FB2] =	sst s9;
	s0 =	simm.s32 @!p0 $0x0  }
0x12: {  	s1 =	sld [smem:$0x3F98];
	s0 =	simm.s32 @p0 $0x1  }
0x13: {  	[smem:$0x3FB3] =	sst s0;
	s0 =	simm.s32 @!p1 $0x0  }
0x14: {  	s2 =	sld [smem:$0x3F97];
	s0 =	simm.s32 @p1 $0x1  }
0x15: {  	[smem:$0x3FB4] =	sst s0;
	s0 =	simm.s32 @!p2 $0x0  }
0x16: {  	s3 =	sld [smem:$0x3FDB];
	s0 =	simm.s32 @p2 $0x1  }
0x17: {  	s4 =	simm.s32 $0x1BF5;
	[smem:$0x3FB6] =	sst s0  }
0x18: {  	s0 =	sld [smem:$0x3F99];
	_ =	swait.ge [sflag:s4], $0x0  }
0x19: {  	s7 =	sld [smem:$0x3F9A]  }
0x1a: {  	s8 =	sadd.s32 $0xFFFFE003, lr  }
0x1b: {  	s9 =	sadd.s32 $0xFFFFFEF7, lr;
	s5 =	simm.s32 $0xFFFFFFFF;
	p2 =	slt.u32 s8, $0xFFFFF086  }
0x1c: {  	p1 =	slt.u32 s9, $0xF7A;
	s5 =	simm.s32 @!p2 $0x0  }
0x1d: {  	s5 =	simm.s32 @p1 $0x1;
	p0 =	seq.s32 s7, s2  }
0x1e: {  	s7 =	smul.u32 @!p0 $0xF7A, s2;
	p2 =	seq.s32 @!p0 s5, $0x0  }
0x1f: {  	s9 =	smul.u32 $0xF7A, s1;
	s8 =	simm.s32 @!p0 $0x1BF5;
	p2 =	por !p2, p0  }
0x20: {  	[sflag:s8] =	ssyncset.s32 @!p0 $0xFFFFF086;
	s6 =	sadd.s32 @!p0 s3, s7;
	s7 =	simm.s32 @!p0 $0x108  }
0x21: {  	s3 =	sadd.s32 s3, s9;
	s6 =	sadd.s32 @!p0 $0x88, s6;
	s7 =	simm.s32 @p2 $0x1082  }
0x22: {  	[simem:s7], [sflag:s8] =	dma.local @!p0 [hbm:s6], $0xF7A  }
0x23: {  	s9 =	sor.u32 $0xD0000000, s2;
	s6 =	simm.s32 $0x108;
	_ =	swait.ge @!p0 [sflag:s8], $0x0  }
0x24: {  	s3 =	sadd.s32 $0x88, s3;
	s6 =	simm.s32 @!p1 $0x1082;
	[sflag:s4] =	ssyncset.s32 $0xFFFFF086  }
0x25: {  	[simem:s6], [sflag:s4] =	dma.local [hbm:s3], $0xF7A  }
0x26: {  	[smem:$0x3F9A] =	sst s1;
	(tag) =	ssettag s2;
	_ =	strace s9  }
0x27: {  	s1 =	sld [smem:$0x3FAA]  }
0x28: {  	s2 =	sld [smem:$0x3FAB]  }
0x29: {  	s4 =	sld [smem:$0x3FAD]  }
0x2a: {  	p0 =	seq.s32 s5, $0x0;
	s5 =	sld [smem:$0x3FAE]  }
0x2b: {  	s6 =	sld [smem:$0x3FAF]  }
0x2c: {  	s7 =	sld [smem:$0x3FB0]  }
0x2d: {  	s3 =	simm.s32 $0x108;
	s8 =	sld [smem:$0x3FB1]  }
0x2e: {  	s3 =	simm.s32 @!p0 $0x1082;
	s9 =	sld [smem:$0x3FB2]  }
0x2f: {  	lr =	sadd.s32 s0, s3;
	s0 =	sld [smem:$0x3FA9]  }
0x30: {  	s3 =	sld [smem:$0x3FAC]  }
0x31: {  	[smem:$0x3FB5] =	sst s10  }
0x32: {  	s10 =	sld [smem:$0x3FB3];
	_ =	sdelay $0x3  }
0x33: {  	p0 =	seq.s32 s10, $0x1;
	s10 =	sld [smem:$0x3FB5];
	_ =	sdelay $0x3  }
0x34: {  	[smem:$0x3FB5] =	sst s10  }
0x35: {  	s10 =	sld [smem:$0x3FB4];
	_ =	sdelay $0x3  }
0x36: {  	p1 =	seq.s32 s10, $0x1;
	s10 =	sld [smem:$0x3FB5];
	_ =	sdelay $0x3  }
0x37: {  	[smem:$0x3FB5] =	sst s10  }
0x38: {  	s10 =	sld [smem:$0x3FB6]  }
0x39: {  	_ = 	snop;
	(pc) =	sbr.ind lr, $3  }
0x3a: {  	_ = 	snop  }
0x3b: {  	_ = 	snop  }
0x3c: {  	p2 =	seq.s32 s10, $0x1;
	s10 =	sld [smem:$0x3FB5]  }
0x3d: {  	_ =	shalt  }
0x3e: {  	_ =	shalt  }
0x3f: {  	_ =	shalt  }
0x40: {  	_ =	shalt  }
0x41: {  	_ =	shalt  }
0x42: {  	_ =	shalt  }
0x43: {  	_ =	shalt  }
0x44: {  	_ =	shalt  }
0x45: {  	_ =	shalt  }
0x46: {  	_ =	shalt  }
0x47: {  	_ =	shalt  }
0x48: {  	_ =	shalt  }
0x49: {  	_ =	shalt  }
0x4a: {  	_ =	shalt  }
0x4b: {  	_ =	shalt  }
0x4c: {  	_ =	shalt  }
0x4d: {  	_ =	shalt  }
0x4e: {  	_ =	shalt  }
0x4f: {  	_ =	shalt  }
0x50: {  	_ =	shalt  }
0x51: {  	_ =	shalt  }
0x52: {  	_ =	shalt  }
0x53: {  	_ =	shalt  }
0x54: {  	_ =	shalt  }
0x55: {  	_ =	shalt  }
0x56: {  	_ =	shalt  }
0x57: {  	_ =	shalt  }
0x58: {  	_ =	shalt  }
0x59: {  	_ =	shalt  }
0x5a: {  	_ =	shalt  }
0x5b: {  	_ =	shalt  }
0x5c: {  	_ =	shalt  }
0x5d: {  	_ =	shalt  }
0x5e: {  	_ =	shalt  }
0x5f: {  	_ =	shalt  }
0x60: {  	_ =	shalt  }
0x61: {  	_ =	shalt  }
0x62: {  	_ =	shalt  }
0x63: {  	_ =	shalt  }
0x64: {  	_ =	shalt  }
0x65: {  	_ =	shalt  }
0x66: {  	_ =	shalt  }
0x67: {  	_ =	shalt  }
0x68: {  	_ =	shalt  }
0x69: {  	_ =	shalt  }
0x6a: {  	_ =	shalt  }
0x6b: {  	_ =	shalt  }
0x6c: {  	_ =	shalt  }
0x6d: {  	_ =	shalt  }
0x6e: {  	_ =	shalt  }
0x6f: {  	_ =	shalt  }
0x70: {  	_ =	shalt  }
0x71: {  	_ =	shalt  }
0x72: {  	_ =	shalt  }
0x73: {  	_ =	shalt  }
0x74: {  	_ =	shalt  }
0x75: {  	_ =	shalt  }
0x76: {  	_ =	shalt  }
0x77: {  	_ =	shalt  }
0x78: {  	_ =	shalt  }
0x79: {  	_ =	shalt  }
0x7a: {  	_ =	shalt  }
0x7b: {  	_ =	shalt  }
0x7c: {  	_ =	shalt  }
0x7d: {  	_ =	shalt  }
0x7e: {  	_ =	shalt  }
0x7f: {  	_ =	shalt  }
0x80: {  	_ =	shalt  }
0x81: {  	_ =	shalt  }
0x82: {  	_ =	shalt  }
0x83: {  	_ =	shalt  }
0x84: {  	_ =	shalt  }
0x85: {  	_ =	shalt  }
0x86: {  	_ =	shalt  }
0x87: {  	_ =	shalt  }
.Lfunc_end0:
.L_simem_size_0:
called_computation_lowered:
.L_overlay_start_0:
0x88: {  	s2 =	sld [smem:$0x3FD9]  }
0x89: {  	s3 =	sld [smem:$0x3FFE];
	_ =	sdelay $0x1  }
0x8a: {  	s1 =	srdreg.scid  }
0x8b: {  	s0 =	sand.u32 $0x1, s1  }
0x8c: {  	s17 =	sshll.u32 s0, $0xA;
	s2 =	sadd.s32 s3, s2  }
0x8d: {  	s2 =	sadd.s32 s2, s17  }
0x8e: {  	[smem:$0x3FC1] =	sst s2  }
0x8f: {  	_ = 	snop  }
0x90: {  	s2 =	sld [smem:$0x3FD0];
	(tm) =	ssettm $0x1  }
0x91: {  	s18 =	sld [smem:$0x3FFB];
	_ =	sdelay $0x3  }
0x92: {  	_ =	strace s18  }
0x93: {  	s3 =	sld [smem:$0x3FFC];
	_ =	sdelay $0x3  }
0x94: {  	_ =	strace s3  }
0x95: {  	s3 =	sld [smem:$0x3FFD];
	_ =	sdelay $0x3  }
0x96: {  	_ =	strace s3  }
0x97: {  	_ =	strace $0x8FFFFFFF  }
0x98: {  	s19 =	sld [smem:$0x3FDB];
	_ =	sdelay $0x1  }
0x99: {  	s4 =	simm.s32 $_scs_section_size  }
0x9a: {  	s5 =	simm.s32 $_size__tile_overlayer_lowered;
	s6 =	simm.s32 $_tile_overlayer_lowered  }
0x9b: {  	s22 =	simm.s32 $0x1BFF;
	s21 =	sshll.u32 s6, $0x1;
	s3 =	sadd.s32 s4, s19  }
0x9c: {  	s7 =	simm.s32 $0x0;
	s20 =	sshll.u32 s5, $0x1;
	s5 =	sadd.s32 s21, s3  }
0x9d: {  	[timem:s7], [sflag:s22] =	dma.local [hbm:s5], s20  }
0x9e: {  	_ =	swait.ge [sflag:s22], s20  }
0x9f: {  	s4 =	ssub.s32 $0x0, s20;
	[sflag:s22] =	ssyncset.done $0x0  }
0xa0: {  	[sflag:s22] =	ssyncadd.s32 s4;
	_ =	sdelay $0x1  }
0xa1: {  	s23 =	simm.s32 $0x1B8B  }
0xa2: {  	_ =	swait.ge [sflag:s23], $0x1  }
0xa3: {  	[sflag:s23] =	ssyncset.done $0x0  }
0xa4: {  	s25 =	simm.s32 $0x1B8E;
	s24 =	sld [smem:$0x3FFE];
	[sflag:s23] =	ssyncadd.s32 $0xFFFFFFFF  }
0xa5: {  	s26 =	simm.s32 $execute0_lowered;
	[smem:$0x3FD2] =	sst s25  }
0xa6: {  	s5 =	sshll.u32 s26, $0x1;
	_ =	strace $0x80000046;
	[dreg:$0x1] =	wrdreg $0xFFFFFFFF  }
0xa7: {  	s28 =	simm.s32 $_size_execute0_lowered;
	s3 =	sadd.s32 s3, s5;
	[dreg:$0x0] =	wrdreg $0x0  }
0xa8: {  	s5 =	sshll.u32 s28, $0x1;
	[dreg:$0x2] =	wrdreg s3  }
0xa9: {  	[dreg:$0x3] =	wrdreg s5  }
0xaa: {  	[dreg:$0x4] =	wrdreg $0xC0  }
0xab: {  	_ =	task [dreg:s7], $0x5FFFF  }
0xac: {  	[dreg:$0x1] =	wrdreg $0xFFFFFFFF  }
0xad: {  	[dreg:$0x0] =	wrdreg $0x60  }
0xae: {  	[dreg:$0x2] =	wrdreg s2  }
0xaf: {  	[dreg:$0x3] =	wrdreg s24  }
0xb0: {  	[dreg:$0x4] =	wrdreg $0x9  }
0xb1: {  	_ =	task.clear_ibuf [dreg:s7], $0x5FFFF;
	_ =	strace $0x90000046  }
0xb2: {  	s29 =	simm.s32 $0x9;
	_ =	strace $0x80000048  }
0xb3: {  	_ =	swait.ge [sflag:s29], $0x1  }
0xb4: {  	[sflag:s29] =	ssyncadd.s32 $0xFFFFFFFF  }
0xb5: {  	_ =	strace $0x90000048  }
0xb6: {  	_ =	sfence  }
0xb7: {  	s30 =	sld [smem:$0x0];
	_ =	sdelay $0x2  }
0xb8: {  	s31 =	sshll.u32 s1, $0xD;
	s1 =	sshrl.u32 s1, $0x2  }
0xb9: {  	s3 =	sand.u32 $0x4000, s31;
	s1 =	sadd.s32 s1, s30  }
0xba: {  	s0 =	sor.u32 s3, s0;
	s1 =	sshll.u32 s1, $0x11  }
0xbb: {  	s0 =	sor.u32 s1, s0  }
0xbc: {  	s0 =	sadd.s32 $0x8F2B, s0  }
0xbd: {  	[sflag:s0] =	ssyncadd.remote.s32 $0x1  }
0xbe: {  	_ =	sfence.sel $0xFFFF  }
0xbf: {  	[dreg:$0x0] =	wrdreg $0xFFFFFFFF;
	(pc) =	sbr.abs _section_cstart, $3  }
0xc0: {  	[dreg:$0x1] =	wrdreg $0xFFFFFFFF  }
0xc1: {  	_ =	task.clear_ibuf [dreg:s7], $0x2FFFF;
	_ =	strace $0x9FFFFFFF  }
0xc2: {  	(tm) =	ssettm $0x7FFFFFFF  }
0xc3: {  	_ =	shalt  }
tec
execute0_lowered:
.L_overlay_start_1:
0x0: {  	(tag) =	ssettag $0x1  }
0x1: {  	s1 =	srdreg.scid  }
0x2: {  	s0 =	stileid.u32;
	s8 =	rddreg [dreg:$0x1]  }
0x3: {  	s12 =	simm.s32 $0x380;
	s13 =	simm.s32 $0x1;
	s14 =	simm.s32 $0x2  }
0x4: {  	s15 =	simm.s32 $0x0;
	s5 =	sand.u32 $0x1, s1;
	s4 =	sshrl.u32 s0, $0x3  }
0x5: {  	s6 =	sand.u32 $0x7, s0;
	s1 =	sshll.u32 s5, $0x1;
	s10 =	smul.u32 $0x9C400, s5  }
0x6: {  	s11 =	smul.u32 $0x4E200, s4;
	s5 =	ssub.s32 $0x2, s5;
	s1 =	sor.u32 s4, s1  }
0x7: {  	s4 =	sadd.s32 $0x2000, s8;
	s29 =	sshrl.u32 s5, $0x1;
	s2 =	sshll.u32 s1, $0x3  }
0x8: {  	s9 =	smul.u32 $0x4E200, s1;
	s1 =	rddreg [dreg:$0x2];
	s28 =	sadd.s32 s11, s10  }
0x9: {  	s10 =	ssub.s32 s5, s29;
	s3 =	sor.u32 s6, s2;
	s6 =	smul.u32 $0x9C40, s6  }
0xa: {  	s2 =	rddreg [dreg:$0x0];
	s7 =	smul.u32 $0x500, s3;
	s3 =	simm.s32 $0x0  }
0xb: {  	s11 =	simm.s32 $0x3;
	[smem:$0x7FF] =	sst s3;
	s9 =	sadd.s32 s6, s9  }
0xc: {  	s7 =	sadd.s32 s7, s8;
	s8 =	sadd.s32 s6, s28;
	s30 =	sshrl.u32 s9, $0x3  }
0xd: {  	_ =	strace $0x80000047;
	s31 =	sadd.s32 $0x320, s8;
	s5 =	sadd.s32 s2, s30  }
0xe: {  	s6 =	sadd.s32 $0x2600, s7;
	s7 =	smax.u32 s10, $0x1;
	s9 =	sshrl.u32 s31, $0x3  }
0xf: {  	v0 =	vimm.f32 $1.000000000e+00;
	s8 =	sadd.s32 $0x640, s8;
	s10 =	simm.s32 $0x700;
	s9 =	sadd.s32 s9, s2  }
.LBB2_1:
0x10: {  	[tilespmem:s10], [sflag:$0x3] =	stream.linear.gather [hbm4b:s4+s3], $0x2800, $0x38;
	[tilespmem:$0x2F00] =	vst v63  }
0x11: {  	_ =	swait.ge [sflag:s11], $0x2800  }
0x12: {  	[sflag:s11] =	ssyncset.done $0x0  }
0x13: {  	s16 =	smov.u32 s8;
	s17 =	simm.s32 $0x0;
	[sflag:s11] =	ssyncadd.s32 $0xFFFFD800  }
0x14: {  	[tilespmem:s3], [sflag:$0x1] =	stream.linear.gather [hbm4b:s5+s3], $0x320, $0x38;
	[tilespmem:$0x2F00] =	vst v63  }
.LBB2_2:
0x15: {  	s18 =	sadd.s32 s17, s9  }
0x16: {  	[tilespmem:s12], [sflag:$0x2] =	stream.linear.gather [hbm4b:s18+s3], $0x320, $0x38;
	[tilespmem:$0x2F00] =	vst v63  }
0x17: {  	_ =	swait.ge [sflag:s13], $0x320  }
0x18: {  	[sflag:s13] =	ssyncset.done $0x0  }
0x19: {  	[sflag:s13] =	ssyncadd.s32 $0xFFFFFCE0  }
0x1a: {  	v1 =	vld [tilespmem:$0x0];
	_ =	sdelay $0x7  }
0x1b: {  	[tilespmem:v1+s10+$0x0] =	vst.idx.add.f32.msk $0xffff, v0  }
0x1c: {  	v1 =	vld [tilespmem:$0x10];
	_ =	sdelay $0x7  }
0x1d: {  	[tilespmem:v1+s10+$0x0] =	vst.idx.add.f32.msk $0xffff, v0  }
0x1e: {  	v1 =	vld [tilespmem:$0x20];
	_ =	sdelay $0x7  }
0x1f: {  	[tilespmem:v1+s10+$0x0] =	vst.idx.add.f32.msk $0xffff, v0  }
0x20: {  	v1 =	vld [tilespmem:$0x30];
	_ =	sdelay $0x7  }
0x21: {  	[tilespmem:v1+s10+$0x0] =	vst.idx.add.f32.msk $0xffff, v0  }
0x22: {  	v1 =	vld [tilespmem:$0x40];
	_ =	sdelay $0x7  }
0x23: {  	[tilespmem:v1+s10+$0x0] =	vst.idx.add.f32.msk $0xffff, v0  }
0x24: {  	v1 =	vld [tilespmem:$0x50];
	_ =	sdelay $0x7  }
0x25: {  	[tilespmem:v1+s10+$0x0] =	vst.idx.add.f32.msk $0xffff, v0  }
0x26: {  	v1 =	vld [tilespmem:$0x60];
	_ =	sdelay $0x7  }
0x27: {  	[tilespmem:v1+s10+$0x0] =	vst.idx.add.f32.msk $0xffff, v0  }
0x28: {  	v1 =	vld [tilespmem:$0x70];
	_ =	sdelay $0x7  }
0x29: {  	[tilespmem:v1+s10+$0x0] =	vst.idx.add.f32.msk $0xffff, v0  }
0x2a: {  	v1 =	vld [tilespmem:$0x80];
	_ =	sdelay $0x7  }
0x2b: {  	[tilespmem:v1+s10+$0x0] =	vst.idx.add.f32.msk $0xffff, v0  }
0x2c: {  	v1 =	vld [tilespmem:$0x90];
	_ =	sdelay $0x7  }
0x2d: {  	[tilespmem:v1+s10+$0x0] =	vst.idx.add.f32.msk $0xffff, v0  }
0x2e: {  	v1 =	vld [tilespmem:$0xA0];
	_ =	sdelay $0x7  }
0x2f: {  	[tilespmem:v1+s10+$0x0] =	vst.idx.add.f32.msk $0xffff, v0  }
0x30: {  	v1 =	vld [tilespmem:$0xB0];
	_ =	sdelay $0x7  }
0x31: {  	[tilespmem:v1+s10+$0x0] =	vst.idx.add.f32.msk $0xffff, v0  }
0x32: {  	v1 =	vld [tilespmem:$0xC0];
	_ =	sdelay $0x7  }
0x33: {  	[tilespmem:v1+s10+$0x0] =	vst.idx.add.f32.msk $0xffff, v0  }
0x34: {  	v1 =	vld [tilespmem:$0xD0];
	_ =	sdelay $0x7  }
0x35: {  	[tilespmem:v1+s10+$0x0] =	vst.idx.add.f32.msk $0xffff, v0  }
0x36: {  	v1 =	vld [tilespmem:$0xE0];
	_ =	sdelay $0x7  }
0x37: {  	[tilespmem:v1+s10+$0x0] =	vst.idx.add.f32.msk $0xffff, v0  }
0x38: {  	v1 =	vld [tilespmem:$0xF0];
	_ =	sdelay $0x7  }
0x39: {  	[tilespmem:v1+s10+$0x0] =	vst.idx.add.f32.msk $0xffff, v0  }
0x3a: {  	v1 =	vld [tilespmem:$0x100];
	_ =	sdelay $0x7  }
0x3b: {  	[tilespmem:v1+s10+$0x0] =	vst.idx.add.f32.msk $0xffff, v0  }
0x3c: {  	v1 =	vld [tilespmem:$0x110];
	_ =	sdelay $0x7  }
0x3d: {  	[tilespmem:v1+s10+$0x0] =	vst.idx.add.f32.msk $0xffff, v0  }
0x3e: {  	v1 =	vld [tilespmem:$0x120];
	_ =	sdelay $0x7  }
0x3f: {  	[tilespmem:v1+s10+$0x0] =	vst.idx.add.f32.msk $0xffff, v0  }
0x40: {  	v1 =	vld [tilespmem:$0x130];
	_ =	sdelay $0x7  }
0x41: {  	[tilespmem:v1+s10+$0x0] =	vst.idx.add.f32.msk $0xffff, v0  }
0x42: {  	v1 =	vld [tilespmem:$0x140];
	_ =	sdelay $0x7  }
0x43: {  	[tilespmem:v1+s10+$0x0] =	vst.idx.add.f32.msk $0xffff, v0  }
0x44: {  	v1 =	vld [tilespmem:$0x150];
	_ =	sdelay $0x7  }
0x45: {  	[tilespmem:v1+s10+$0x0] =	vst.idx.add.f32.msk $0xffff, v0  }
0x46: {  	v1 =	vld [tilespmem:$0x160];
	_ =	sdelay $0x7  }
0x47: {  	[tilespmem:v1+s10+$0x0] =	vst.idx.add.f32.msk $0xffff, v0  }
0x48: {  	v1 =	vld [tilespmem:$0x170];
	_ =	sdelay $0x7  }
0x49: {  	[tilespmem:v1+s10+$0x0] =	vst.idx.add.f32.msk $0xffff, v0  }
0x4a: {  	v1 =	vld [tilespmem:$0x180];
	_ =	sdelay $0x7  }
0x4b: {  	[tilespmem:v1+s10+$0x0] =	vst.idx.add.f32.msk $0xffff, v0  }
0x4c: {  	v1 =	vld [tilespmem:$0x190];
	_ =	sdelay $0x7  }
0x4d: {  	[tilespmem:v1+s10+$0x0] =	vst.idx.add.f32.msk $0xffff, v0  }
0x4e: {  	v1 =	vld [tilespmem:$0x1A0];
	_ =	sdelay $0x7  }
0x4f: {  	[tilespmem:v1+s10+$0x0] =	vst.idx.add.f32.msk $0xffff, v0  }
0x50: {  	v1 =	vld [tilespmem:$0x1B0];
	_ =	sdelay $0x7  }
0x51: {  	[tilespmem:v1+s10+$0x0] =	vst.idx.add.f32.msk $0xffff, v0  }
0x52: {  	v1 =	vld [tilespmem:$0x1C0];
	_ =	sdelay $0x7  }
0x53: {  	[tilespmem:v1+s10+$0x0] =	vst.idx.add.f32.msk $0xffff, v0  }
0x54: {  	v1 =	vld [tilespmem:$0x1D0];
	_ =	sdelay $0x7  }
0x55: {  	[tilespmem:v1+s10+$0x0] =	vst.idx.add.f32.msk $0xffff, v0  }
0x56: {  	v1 =	vld [tilespmem:$0x1E0];
	_ =	sdelay $0x7  }
0x57: {  	[tilespmem:v1+s10+$0x0] =	vst.idx.add.f32.msk $0xffff, v0  }
0x58: {  	v1 =	vld [tilespmem:$0x1F0];
	_ =	sdelay $0x7  }
0x59: {  	[tilespmem:v1+s10+$0x0] =	vst.idx.add.f32.msk $0xffff, v0  }
0x5a: {  	v1 =	vld [tilespmem:$0x200];
	_ =	sdelay $0x7  }
0x5b: {  	[tilespmem:v1+s10+$0x0] =	vst.idx.add.f32.msk $0xffff, v0  }
0x5c: {  	v1 =	vld [tilespmem:$0x210];
	_ =	sdelay $0x7  }
0x5d: {  	[tilespmem:v1+s10+$0x0] =	vst.idx.add.f32.msk $0xffff, v0  }
0x5e: {  	v1 =	vld [tilespmem:$0x220];
	_ =	sdelay $0x7  }
0x5f: {  	[tilespmem:v1+s10+$0x0] =	vst.idx.add.f32.msk $0xffff, v0  }
0x60: {  	v1 =	vld [tilespmem:$0x230];
	_ =	sdelay $0x7  }
0x61: {  	[tilespmem:v1+s10+$0x0] =	vst.idx.add.f32.msk $0xffff, v0  }
0x62: {  	v1 =	vld [tilespmem:$0x240];
	_ =	sdelay $0x7  }
0x63: {  	[tilespmem:v1+s10+$0x0] =	vst.idx.add.f32.msk $0xffff, v0  }
0x64: {  	v1 =	vld [tilespmem:$0x250];
	_ =	sdelay $0x7  }
0x65: {  	[tilespmem:v1+s10+$0x0] =	vst.idx.add.f32.msk $0xffff, v0  }
0x66: {  	v1 =	vld [tilespmem:$0x260];
	_ =	sdelay $0x7  }
0x67: {  	[tilespmem:v1+s10+$0x0] =	vst.idx.add.f32.msk $0xffff, v0  }
0x68: {  	v1 =	vld [tilespmem:$0x270];
	_ =	sdelay $0x7  }
0x69: {  	[tilespmem:v1+s10+$0x0] =	vst.idx.add.f32.msk $0xffff, v0  }
0x6a: {  	v1 =	vld [tilespmem:$0x280];
	_ =	sdelay $0x7  }
0x6b: {  	[tilespmem:v1+s10+$0x0] =	vst.idx.add.f32.msk $0xffff, v0  }
0x6c: {  	v1 =	vld [tilespmem:$0x290];
	_ =	sdelay $0x7  }
0x6d: {  	[tilespmem:v1+s10+$0x0] =	vst.idx.add.f32.msk $0xffff, v0  }
0x6e: {  	v1 =	vld [tilespmem:$0x2A0];
	_ =	sdelay $0x7  }
0x6f: {  	[tilespmem:v1+s10+$0x0] =	vst.idx.add.f32.msk $0xffff, v0  }
0x70: {  	v1 =	vld [tilespmem:$0x2B0];
	_ =	sdelay $0x7  }
0x71: {  	[tilespmem:v1+s10+$0x0] =	vst.idx.add.f32.msk $0xffff, v0  }
0x72: {  	v1 =	vld [tilespmem:$0x2C0];
	_ =	sdelay $0x7  }
0x73: {  	[tilespmem:v1+s10+$0x0] =	vst.idx.add.f32.msk $0xffff, v0  }
0x74: {  	v1 =	vld [tilespmem:$0x2D0];
	_ =	sdelay $0x7  }
0x75: {  	[tilespmem:v1+s10+$0x0] =	vst.idx.add.f32.msk $0xffff, v0  }
0x76: {  	v1 =	vld [tilespmem:$0x2E0];
	_ =	sdelay $0x7  }
0x77: {  	[tilespmem:v1+s10+$0x0] =	vst.idx.add.f32.msk $0xffff, v0  }
0x78: {  	v1 =	vld [tilespmem:$0x2F0];
	_ =	sdelay $0x7  }
0x79: {  	[tilespmem:v1+s10+$0x0] =	vst.idx.add.f32.msk $0xffff, v0  }
0x7a: {  	v1 =	vld [tilespmem:$0x300];
	_ =	sdelay $0x7  }
0x7b: {  	[tilespmem:v1+s10+$0x0] =	vst.idx.add.f32.msk $0xffff, v0  }
0x7c: {  	v1 =	vld [tilespmem:$0x310];
	_ =	sdelay $0x5  }
0x7d: {  	p0 =	seq.s32 s17, $0x12C0  }
0x7e: {  	s18 =	sshrl.u32 @!p0 s16, $0x3  }
0x7f: {  	s19 =	simm.s32 @!p0 $0x0;
	s18 =	sadd.s32 @!p0 s2, s18;
	[tilespmem:v1+s10+$0x0] =	vst.idx.add.f32.msk $0xffff, v0  }
0x80: {  	[tilespmem:s19], [sflag:$0x1] =	stream.linear.gather @!p0 [hbm4b:s18+s19], $0x320, $0x38;
	[tilespmem:$0x2F00] =	vst v63  }
0x81: {  	_ =	swait.ge [sflag:s14], $0x320  }
0x82: {  	[sflag:s14] =	ssyncset.done $0x0  }
0x83: {  	[sflag:s14] =	ssyncadd.s32 $0xFFFFFCE0  }
0x84: {  	v1 =	vld [tilespmem:$0x380];
	_ =	sdelay $0x7  }
0x85: {  	[tilespmem:v1+s10+$0x0] =	vst.idx.add.f32.msk $0xffff, v0  }
0x86: {  	v1 =	vld [tilespmem:$0x390];
	_ =	sdelay $0x7  }
0x87: {  	[tilespmem:v1+s10+$0x0] =	vst.idx.add.f32.msk $0xffff, v0  }
0x88: {  	v1 =	vld [tilespmem:$0x3A0];
	_ =	sdelay $0x7  }
0x89: {  	[tilespmem:v1+s10+$0x0] =	vst.idx.add.f32.msk $0xffff, v0  }
0x8a: {  	v1 =	vld [tilespmem:$0x3B0];
	_ =	sdelay $0x7  }
0x8b: {  	[tilespmem:v1+s10+$0x0] =	vst.idx.add.f32.msk $0xffff, v0  }
0x8c: {  	v1 =	vld [tilespmem:$0x3C0];
	_ =	sdelay $0x7  }
0x8d: {  	[tilespmem:v1+s10+$0x0] =	vst.idx.add.f32.msk $0xffff, v0  }
0x8e: {  	v1 =	vld [tilespmem:$0x3D0];
	_ =	sdelay $0x7  }
0x8f: {  	[tilespmem:v1+s10+$0x0] =	vst.idx.add.f32.msk $0xffff, v0  }
0x90: {  	v1 =	vld [tilespmem:$0x3E0];
	_ =	sdelay $0x7  }
0x91: {  	[tilespmem:v1+s10+$0x0] =	vst.idx.add.f32.msk $0xffff, v0  }
0x92: {  	v1 =	vld [tilespmem:$0x3F0];
	_ =	sdelay $0x7  }
0x93: {  	[tilespmem:v1+s10+$0x0] =	vst.idx.add.f32.msk $0xffff, v0  }
0x94: {  	v1 =	vld [tilespmem:$0x400];
	_ =	sdelay $0x7  }
0x95: {  	[tilespmem:v1+s10+$0x0] =	vst.idx.add.f32.msk $0xffff, v0  }
0x96: {  	v1 =	vld [tilespmem:$0x410];
	_ =	sdelay $0x7  }
0x97: {  	[tilespmem:v1+s10+$0x0] =	vst.idx.add.f32.msk $0xffff, v0  }
0x98: {  	v1 =	vld [tilespmem:$0x420];
	_ =	sdelay $0x7  }
0x99: {  	[tilespmem:v1+s10+$0x0] =	vst.idx.add.f32.msk $0xffff, v0  }
0x9a: {  	v1 =	vld [tilespmem:$0x430];
	_ =	sdelay $0x7  }
0x9b: {  	[tilespmem:v1+s10+$0x0] =	vst.idx.add.f32.msk $0xffff, v0  }
0x9c: {  	v1 =	vld [tilespmem:$0x440];
	_ =	sdelay $0x7  }
0x9d: {  	[tilespmem:v1+s10+$0x0] =	vst.idx.add.f32.msk $0xffff, v0  }
0x9e: {  	v1 =	vld [tilespmem:$0x450];
	_ =	sdelay $0x7  }
0x9f: {  	[tilespmem:v1+s10+$0x0] =	vst.idx.add.f32.msk $0xffff, v0  }
0xa0: {  	v1 =	vld [tilespmem:$0x460];
	_ =	sdelay $0x7  }
0xa1: {  	[tilespmem:v1+s10+$0x0] =	vst.idx.add.f32.msk $0xffff, v0  }
0xa2: {  	v1 =	vld [tilespmem:$0x470];
	_ =	sdelay $0x7  }
0xa3: {  	[tilespmem:v1+s10+$0x0] =	vst.idx.add.f32.msk $0xffff, v0  }
0xa4: {  	v1 =	vld [tilespmem:$0x480];
	_ =	sdelay $0x7  }
0xa5: {  	[tilespmem:v1+s10+$0x0] =	vst.idx.add.f32.msk $0xffff, v0  }
0xa6: {  	v1 =	vld [tilespmem:$0x490];
	_ =	sdelay $0x7  }
0xa7: {  	[tilespmem:v1+s10+$0x0] =	vst.idx.add.f32.msk $0xffff, v0  }
0xa8: {  	v1 =	vld [tilespmem:$0x4A0];
	_ =	sdelay $0x7  }
0xa9: {  	[tilespmem:v1+s10+$0x0] =	vst.idx.add.f32.msk $0xffff, v0  }
0xaa: {  	v1 =	vld [tilespmem:$0x4B0];
	_ =	sdelay $0x7  }
0xab: {  	[tilespmem:v1+s10+$0x0] =	vst.idx.add.f32.msk $0xffff, v0  }
0xac: {  	v1 =	vld [tilespmem:$0x4C0];
	_ =	sdelay $0x7  }
0xad: {  	[tilespmem:v1+s10+$0x0] =	vst.idx.add.f32.msk $0xffff, v0  }
0xae: {  	v1 =	vld [tilespmem:$0x4D0];
	_ =	sdelay $0x7  }
0xaf: {  	[tilespmem:v1+s10+$0x0] =	vst.idx.add.f32.msk $0xffff, v0  }
0xb0: {  	v1 =	vld [tilespmem:$0x4E0];
	_ =	sdelay $0x7  }
0xb1: {  	[tilespmem:v1+s10+$0x0] =	vst.idx.add.f32.msk $0xffff, v0  }
0xb2: {  	v1 =	vld [tilespmem:$0x4F0];
	_ =	sdelay $0x7  }
0xb3: {  	[tilespmem:v1+s10+$0x0] =	vst.idx.add.f32.msk $0xffff, v0  }
0xb4: {  	v1 =	vld [tilespmem:$0x500];
	_ =	sdelay $0x7  }
0xb5: {  	[tilespmem:v1+s10+$0x0] =	vst.idx.add.f32.msk $0xffff, v0  }
0xb6: {  	v1 =	vld [tilespmem:$0x510];
	_ =	sdelay $0x7  }
0xb7: {  	[tilespmem:v1+s10+$0x0] =	vst.idx.add.f32.msk $0xffff, v0  }
0xb8: {  	v1 =	vld [tilespmem:$0x520];
	_ =	sdelay $0x7  }
0xb9: {  	[tilespmem:v1+s10+$0x0] =	vst.idx.add.f32.msk $0xffff, v0  }
0xba: {  	v1 =	vld [tilespmem:$0x530];
	_ =	sdelay $0x7  }
0xbb: {  	[tilespmem:v1+s10+$0x0] =	vst.idx.add.f32.msk $0xffff, v0  }
0xbc: {  	v1 =	vld [tilespmem:$0x540];
	_ =	sdelay $0x7  }
0xbd: {  	[tilespmem:v1+s10+$0x0] =	vst.idx.add.f32.msk $0xffff, v0  }
0xbe: {  	v1 =	vld [tilespmem:$0x550];
	_ =	sdelay $0x7  }
0xbf: {  	[tilespmem:v1+s10+$0x0] =	vst.idx.add.f32.msk $0xffff, v0  }
0xc0: {  	v1 =	vld [tilespmem:$0x560];
	_ =	sdelay $0x7  }
0xc1: {  	[tilespmem:v1+s10+$0x0] =	vst.idx.add.f32.msk $0xffff, v0  }
0xc2: {  	v1 =	vld [tilespmem:$0x570];
	_ =	sdelay $0x7  }
0xc3: {  	[tilespmem:v1+s10+$0x0] =	vst.idx.add.f32.msk $0xffff, v0  }
0xc4: {  	v1 =	vld [tilespmem:$0x580];
	_ =	sdelay $0x7  }
0xc5: {  	[tilespmem:v1+s10+$0x0] =	vst.idx.add.f32.msk $0xffff, v0  }
0xc6: {  	v1 =	vld [tilespmem:$0x590];
	_ =	sdelay $0x7  }
0xc7: {  	[tilespmem:v1+s10+$0x0] =	vst.idx.add.f32.msk $0xffff, v0  }
0xc8: {  	v1 =	vld [tilespmem:$0x5A0];
	_ =	sdelay $0x7  }
0xc9: {  	[tilespmem:v1+s10+$0x0] =	vst.idx.add.f32.msk $0xffff, v0  }
0xca: {  	v1 =	vld [tilespmem:$0x5B0];
	_ =	sdelay $0x7  }
0xcb: {  	[tilespmem:v1+s10+$0x0] =	vst.idx.add.f32.msk $0xffff, v0  }
0xcc: {  	v1 =	vld [tilespmem:$0x5C0];
	_ =	sdelay $0x7  }
0xcd: {  	[tilespmem:v1+s10+$0x0] =	vst.idx.add.f32.msk $0xffff, v0  }
0xce: {  	v1 =	vld [tilespmem:$0x5D0];
	_ =	sdelay $0x7  }
0xcf: {  	[tilespmem:v1+s10+$0x0] =	vst.idx.add.f32.msk $0xffff, v0  }
0xd0: {  	v1 =	vld [tilespmem:$0x5E0];
	_ =	sdelay $0x7  }
0xd1: {  	[tilespmem:v1+s10+$0x0] =	vst.idx.add.f32.msk $0xffff, v0  }
0xd2: {  	v1 =	vld [tilespmem:$0x5F0];
	_ =	sdelay $0x7  }
0xd3: {  	[tilespmem:v1+s10+$0x0] =	vst.idx.add.f32.msk $0xffff, v0  }
0xd4: {  	v1 =	vld [tilespmem:$0x600];
	_ =	sdelay $0x7  }
0xd5: {  	[tilespmem:v1+s10+$0x0] =	vst.idx.add.f32.msk $0xffff, v0  }
0xd6: {  	v1 =	vld [tilespmem:$0x610];
	_ =	sdelay $0x7  }
0xd7: {  	[tilespmem:v1+s10+$0x0] =	vst.idx.add.f32.msk $0xffff, v0  }
0xd8: {  	v1 =	vld [tilespmem:$0x620];
	_ =	sdelay $0x7  }
0xd9: {  	[tilespmem:v1+s10+$0x0] =	vst.idx.add.f32.msk $0xffff, v0  }
0xda: {  	v1 =	vld [tilespmem:$0x630];
	_ =	sdelay $0x7  }
0xdb: {  	[tilespmem:v1+s10+$0x0] =	vst.idx.add.f32.msk $0xffff, v0  }
0xdc: {  	v1 =	vld [tilespmem:$0x640];
	_ =	sdelay $0x7  }
0xdd: {  	[tilespmem:v1+s10+$0x0] =	vst.idx.add.f32.msk $0xffff, v0  }
0xde: {  	v1 =	vld [tilespmem:$0x650];
	_ =	sdelay $0x7  }
0xdf: {  	[tilespmem:v1+s10+$0x0] =	vst.idx.add.f32.msk $0xffff, v0  }
0xe0: {  	v1 =	vld [tilespmem:$0x660];
	_ =	sdelay $0x7  }
0xe1: {  	[tilespmem:v1+s10+$0x0] =	vst.idx.add.f32.msk $0xffff, v0  }
0xe2: {  	v1 =	vld [tilespmem:$0x670];
	_ =	sdelay $0x7  }
0xe3: {  	[tilespmem:v1+s10+$0x0] =	vst.idx.add.f32.msk $0xffff, v0  }
0xe4: {  	v1 =	vld [tilespmem:$0x680];
	_ =	sdelay $0x7  }
0xe5: {  	[tilespmem:v1+s10+$0x0] =	vst.idx.add.f32.msk $0xffff, v0  }
0xe6: {  	v1 =	vld [tilespmem:$0x690];
	_ =	sdelay $0x1  }
0xe7: {  	s17 =	sadd.s32 $0xC8, s17  }
0xe8: {  	p0 =	sne.s32 s17, $0x1388  }
.Ltmp0:
0xe9: {  	_ = 	snop;
	(pc) =	sbr.rel @p0 .LBB2_2-.Ltmp0, $2  }
0xea: {  	_ =	sdelay $0x2  }
0xeb: {  	s16 =	sadd.s32 $0x640, s16;
	[tilespmem:v1+s10+$0x0] =	vst.idx.add.f32.msk $0xffff, v0  }
0xec: {  	s15 =	sadd.s32 $0x1, s15  }
0xed: {  	p0 =	sne.s32 s15, s7  }
.Ltmp1:
0xee: {  	_ = 	snop;
	(pc) =	sbr.rel @p0 .LBB2_1-.Ltmp1, $4  }
0xef: {  	[hbm4b:s6+s3] =	stream.linear.scatter [tilespmem:s10], [sflag:$0x3], $0x2800, $0x38;
	[tilespmem:$0x2F00] =	vst v63  }
0xf0: {  	_ =	swait.ge [sflag:s11], $0x2800  }
0xf1: {  	[sflag:s11] =	ssyncset.done $0x0  }
0xf2: {  	[sflag:s11] =	ssyncadd.s32 $0xFFFFD800  }
0xf3: {  	_ =	sfence.sel $0x180000  }
0xf4: {  	[bflag:$0x0] =	sbarrier.arrive $0xFFFF  }
0xf5: {  	p0 =	sne.s32 s0, $0x0;
	_ =	strace $0x90000047  }
0xf6: {  	s0 =	sadd.s32 @!p0 $0x100000, s1;
	[bflag:$0x2] =	sbarrier.arrive $0xFFFF  }
0xf7: {  	[sflag:s0] =	ssyncadd.tile.s32 @!p0 $0x1;
	_ =	shalt  }
.Lfunc_end2:
_tile_overlayer_lowered:
.L_overlay_start_2:
0xf8: {  	(tag) =	ssettag $0x2  }
0xf9: {  	s0 =	rddreg [dreg:$0x0];
	s2 =	stileid.u32  }
0xfa: {  	s1 =	rddreg [dreg:$0x1];
	p0 =	sne.s32 s2, $0x0  }
0xfb: {  	s3 =	rddreg [dreg:$0x2];
	[bflag:$0x3] =	sbarrier.arrive $0xFFFF;
	s2 =	simm.s32 @!p0 $0x1C03  }
0xfc: {  	[timem:s3], [sflag:s2] =	dma.local @!p0 [hbm:s0], s1  }
0xfd: {  	s0 =	simm.s32 @!p0 $0x3  }
0xfe: {  	_ =	swait.ge @!p0 [sflag:s0], s1  }
0xff: {  	s1 =	ssub.s32 @!p0 $0x0, s1;
	[sflag:s0] =	ssyncset.done @!p0 $0x0  }
0x100: {  	[sflag:s0] =	ssyncadd.s32 @!p0 s1  }
0x101: {  	[bflag:$0x3] =	sbarrier.arrive $0xFFFF  }
0x102: {  	_ =	shalt  }

</sc_bundles>
